<compile_context>
chip_gen: v7x
topology: tpu7x:2x2x1
jax: 0.10.2.dev20260603
libtpu: 0.0.44.dev20260713+nightly
codegen_flags: <defaults>
</compile_context>

<pallas_src>
import functools

import jax
import jax.numpy as jnp
from jax import lax
from jax.experimental import pallas as pl
from jax.experimental.pallas import tpu as pltpu
from jax.experimental.pallas import tpu_sc as plsc

_N = 10000
_E = 320000
_IN = 128
_OUT = 32
_H = 4
_TW = _H * _OUT + 16
_B = 80
_CHUNKS = _E // _B
_CLIM = _CHUNKS
_NC = 2
_NS = 16
_NW = _NC * _NS
_NP = 10112
_RPT = _NP // _NS
_NEG = -3.0e38


def _prep_body(x_ref, w_ref, al_ref, ar_ref, tab_ref, er_ref, elmax_ref):
    i = pl.program_id(0)
    x = x_ref[...]
    feats = []
    els = []
    ers = []
    for h in range(_H):
        f = jnp.dot(x, w_ref[h], preferred_element_type=jnp.float32)
        feats.append(f)
        els.append(jnp.sum(f * al_ref[h][None, :], axis=1, keepdims=True))
        ers.append(jnp.sum(f * ar_ref[h][None, :], axis=1, keepdims=True))
    rows = x.shape[0]
    pad12 = jnp.zeros((rows, 12), jnp.float32)
    tab_ref[...] = jnp.concatenate(feats + els + [pad12], axis=1)
    er_ref[...] = jnp.concatenate(ers + [pad12], axis=1)

    el4 = jnp.concatenate(els, axis=1)
    padded = jnp.concatenate(
        [el4, jnp.full((rows, 124), _NEG, jnp.float32)], axis=1)
    blockmax = jnp.max(padded, axis=0, keepdims=True)

    @pl.when(i == 0)
    def _():
        elmax_ref[...] = jnp.full((1, 128), _NEG, jnp.float32)

    elmax_ref[...] = jnp.maximum(elmax_ref[...], blockmax)


def _tc_prep(x, W, attn_l, attn_r):
    grid = 10
    blk = _N // grid
    return pl.pallas_call(
        _prep_body,
        grid=(grid,),
        in_specs=[
            pl.BlockSpec((blk, _IN), lambda i: (i, 0)),
            pl.BlockSpec((_H, _IN, _OUT), lambda i: (0, 0, 0)),
            pl.BlockSpec((_H, _OUT), lambda i: (0, 0)),
            pl.BlockSpec((_H, _OUT), lambda i: (0, 0)),
        ],
        out_specs=[
            pl.BlockSpec((blk, _TW), lambda i: (i, 0)),
            pl.BlockSpec((blk, 16), lambda i: (i, 0)),
            pl.BlockSpec((1, 128), lambda i: (0, 0)),
        ],
        out_shape=[
            jax.ShapeDtypeStruct((_N, _TW), jnp.float32),
            jax.ShapeDtypeStruct((_N, 16), jnp.float32),
            jax.ShapeDtypeStruct((1, 128), jnp.float32),
        ],
    )(x, W, attn_l, attn_r)


_NB = 3
_NQ = 6
_ITER = _NQ * ((_CHUNKS // _NW) // _NQ + 1)


def _edge_kernel(tab, ertab, ei3, elmax, out,
                 srcQ, dstQ, rows0, erb0, rows1, erb1, rows2, erb2, elv, acc,
                 sgr0, sge0, sgr1, sge1, sgr2, sge2, ssc0, ssc1, ssc2,
                 si0, si1, si2, si3, si4, si5):
    c = lax.axis_index("c")
    s = lax.axis_index("s")
    wid = c * _NS + s
    lanes = lax.iota(jnp.int32, 16)
    sidx = (si0, si1, si2, si3, si4, si5)
    rowsb = (rows0, rows1, rows2)
    erbb = (erb0, erb1, erb2)
    sgrb = (sgr0, sgr1, sgr2)
    sgeb = (sge0, sge1, sge2)
    sscb = (ssc0, ssc1, ssc2)

    pltpu.sync_copy(elmax.at[0, pl.ds(0, 16)], elv)

    def _fetch_idx(slot, chunk):
        pltpu.async_copy(ei3.at[0, chunk], srcQ.at[slot], sidx[slot])
        pltpu.async_copy(ei3.at[1, chunk], dstQ.at[slot], sidx[slot])

    def _wait_idx(slot, chunk):
        pltpu.make_async_copy(ei3.at[0, chunk], srcQ.at[slot],
                              sidx[slot]).wait()
        pltpu.make_async_copy(ei3.at[1, chunk], dstQ.at[slot],
                              sidx[slot]).wait()

    for k in range(3):
        _fetch_idx(k, wid + k * _NW)

    _wait_idx(0, wid)
    pltpu.async_copy(tab.at[srcQ.at[0]], rows0, sgr0)
    pltpu.async_copy(ertab.at[dstQ.at[0]], erb0, sge0)

    def _zrow(r, _):
        for k in range(_TW // 16):
            rows1[r, pl.ds(k * 16, 16)] = jnp.zeros((16,), jnp.float32)
        return 0

    lax.fori_loop(0, _B, _zrow, 0)
    n0 = s * _RPT
    for j in range(_RPT // _B):
        pltpu.sync_copy(rows1, acc.at[pl.ds(n0 + j * _B, _B)])
    rem = _RPT % _B
    if rem:
        pltpu.sync_copy(rows1.at[pl.ds(0, rem)],
                        acc.at[pl.ds(n0 + (_RPT // _B) * _B, rem)])
    plsc.subcore_barrier()

    elvec = elv[...]
    headmask = lanes < _H

    def _mk_edge(rows, erb):
        def _run():
            @plsc.parallel_loop(0, _B, 1, unroll=4)
            def _edge(b):
                ervec = erb[b, :]
                elrow = rows[b, pl.ds(_IN, 16)]
                e = elrow + ervec
                e = jnp.maximum(e, 0.2 * e)
                q = elvec + ervec
                m = jnp.maximum(q, 0.2 * q)
                w = jnp.where(headmask, jnp.exp(e - m), 0.0)
                rows[b, pl.ds(_IN, 16)] = w
                for k in range(_IN // 16):
                    wk = w[k * 16 // _OUT]
                    seg = rows[b, pl.ds(k * 16, 16)]
                    rows[b, pl.ds(k * 16, 16)] = seg * wk

        return _run

    edge_fns = tuple(_mk_edge(rowsb[q], erbb[q]) for q in range(_NB))

    def _outer(j, _):
        for p in range(_NQ):
            i = _NQ * j + p
            q = p % _NB
            qn = (p + 1) % _NB
            chunk = wid + i * _NW
            nxt = chunk + _NW

            if p < 2:
                can_drain = jnp.logical_and(j > 0, nxt < _CLIM)
            else:
                can_drain = nxt < _CLIM

            @pl.when(can_drain)
            def _():
                pltpu.make_async_copy(rowsb[qn], acc.at[dstQ.at[0]],
                                      sscb[qn]).wait()

            @pl.when(nxt < _CLIM)
            def _():
                _wait_idx((p + 1) % _NQ, nxt)
                pltpu.async_copy(tab.at[srcQ.at[(p + 1) % _NQ]],
                                 rowsb[qn], sgrb[qn])
                pltpu.async_copy(ertab.at[dstQ.at[(p + 1) % _NQ]],
                                 erbb[qn], sgeb[qn])

            @pl.when(chunk + 3 * _NW < _CLIM)
            def _():
                _fetch_idx((p + 3) % _NQ, chunk + 3 * _NW)

            @pl.when(chunk < _CLIM)
            def _():
                pltpu.make_async_copy(tab.at[srcQ.at[p]], rowsb[q],
                                      sgrb[q]).wait()
                pltpu.make_async_copy(ertab.at[dstQ.at[p]], erbb[q],
                                      sgeb[q]).wait()
                edge_fns[q]()
                pltpu.async_copy(rowsb[q], acc.at[dstQ.at[p]], sscb[q],
                                 add=True)

        return 0

    lax.fori_loop(0, _ITER // _NQ, _outer, 0)

    for q in range(_NB):
        pltpu.make_async_copy(rowsb[q], acc.at[dstQ.at[0]], sscb[q]).wait()

    plsc.subcore_barrier()
    for j in range(_RPT // 128):
        pltpu.sync_copy(acc.at[pl.ds(n0 + j * 128, 128)],
                        out.at[c, pl.ds(n0 + j * 128, 128)])
    remf = _RPT % 128
    if remf:
        pltpu.sync_copy(acc.at[pl.ds(n0 + (_RPT // 128) * 128, remf)],
                        out.at[c, pl.ds(n0 + (_RPT // 128) * 128, remf)])


def _sc_edges(tab, ertab, ei3, elmax):
    mesh = plsc.VectorSubcoreMesh(core_axis_name="c", subcore_axis_name="s")
    run = functools.partial(
        pl.kernel,
        mesh=mesh,
        compiler_params=pltpu.CompilerParams(use_tc_tiling_on_sc=False),
        out_type=jax.ShapeDtypeStruct((_NC, _NP, _TW), jnp.float32),
        scratch_types=[
            pltpu.VMEM((_NQ, _B), jnp.int32),
            pltpu.VMEM((_NQ, _B), jnp.int32),
            pltpu.VMEM((_B, _TW), jnp.float32),
            pltpu.VMEM((_B, 16), jnp.float32),
            pltpu.VMEM((_B, _TW), jnp.float32),
            pltpu.VMEM((_B, 16), jnp.float32),
            pltpu.VMEM((_B, _TW), jnp.float32),
            pltpu.VMEM((_B, 16), jnp.float32),
            pltpu.VMEM((16,), jnp.float32),
            pltpu.VMEM_SHARED((_NP, _TW), jnp.float32),
        ] + [pltpu.SemaphoreType.DMA] * 15,
    )(_edge_kernel)
    return run(tab, ertab, ei3, elmax)


def _merge_body(p_ref, o_ref):
    a = p_ref[0]
    b = p_ref[1]
    s = a + b
    feat = s[:, :_IN]
    den = s[:, _IN:_IN + _H] + 1e-9
    den128 = jnp.concatenate(
        [jnp.broadcast_to(den[:, h:h + 1], (a.shape[0], _OUT))
         for h in range(_H)], axis=1)
    o_ref[...] = feat / den128


def _tc_merge(partials):
    grid = 10
    blk = _N // grid
    return pl.pallas_call(
        _merge_body,
        grid=(grid,),
        in_specs=[
            pl.BlockSpec((2, blk, _TW), lambda i: (0, i, 0)),
        ],
        out_specs=pl.BlockSpec((blk, _IN), lambda i: (i, 0)),
        out_shape=jax.ShapeDtypeStruct((_N, _IN), jnp.float32),
    )(partials)


@jax.jit
def kernel(x, edge_index, W, attn_l, attn_r):
    tab, ertab, elmax = _tc_prep(x, W, attn_l, attn_r)
    ei3 = edge_index.reshape(2, _CHUNKS, _B)
    partials = _sc_edges(tab, ertab, ei3, elmax)
    return _tc_merge(partials)

# --- scband reference (transcript-rebuilt; emitter-appended) ---
"""Pipeline reference for scband-multi-head-gatconv-11639361372436 (READ-ONLY COPY).

The authoritative reference and input builder live on the scoring server;
editing this copy changes nothing except your own understanding.
"""

import jax, jax.numpy as jnp
import numpy as np

N = 10000
E = 320000
IN_FEAT = 128
OUT_FEAT = 32
NUM_HEAD = 4


def setup_inputs(seed: int = 0) -> dict:
    key = jax.random.key(seed)
    k1, k2, k3, k4, k5 = jax.random.split(key, 5)
    x = jax.random.normal(k1, (N, IN_FEAT), dtype=jnp.float32)
    edge_index = jax.random.randint(k2, (2, E), 0, N, dtype=jnp.int32)
    W = jax.random.normal(k3, (NUM_HEAD, IN_FEAT, OUT_FEAT), dtype=jnp.float32) * 0.1
    attn_l = jax.random.normal(k4, (NUM_HEAD, OUT_FEAT), dtype=jnp.float32) * 0.1
    attn_r = jax.random.normal(k5, (NUM_HEAD, OUT_FEAT), dtype=jnp.float32) * 0.1
    return {"x": x, "edge_index": edge_index, "W": W, "attn_l": attn_l, "attn_r": attn_r}


def reference(x, edge_index, W, attn_l, attn_r):
    # MultiHeadGATConv with merge='cat', activation=None.
    # Each head is a standard GATConv: feat = x @ W_h; e_ij = LeakyReLU(a_l.Wh_src + a_r.Wh_dst);
    # alpha = softmax over incoming edges of dst; out = sum_j alpha_ij * Wh_src.
    src = edge_index[0]
    dst = edge_index[1]
    outs = []
    for hidx in range(NUM_HEAD):
        feat = x @ W[hidx]                     # [N, OUT_FEAT]
        el = feat @ attn_l[hidx]               # [N]
        er = feat @ attn_r[hidx]               # [N]
        e = el[src] + er[dst]                  # [E]
        e = jnp.where(e > 0, e, 0.2 * e)       # LeakyReLU(0.2)
        m = jax.ops.segment_max(e, dst, num_segments=N)
        m = jnp.where(jnp.isfinite(m), m, 0.0)
        ex = jnp.exp(e - m[dst])
        denom = jax.ops.segment_sum(ex, dst, num_segments=N)
        alpha = ex / (denom[dst] + 1e-9)
        out_h = jax.ops.segment_sum(alpha[:, None] * feat[src], dst, num_segments=N)
        outs.append(out_h)
    return jnp.concatenate(outs, axis=1)       # [N, NUM_HEAD*OUT_FEAT]

if __name__ == "__main__":
    import jax
    _d = setup_inputs()
    print(jax.jit(kernel)(*tuple(_d.values())))

</pallas_src>

<mosaic_0001>
#map = affine_map<(d0, d1) -> (0, 0)>
#map1 = affine_map<(d0, d1) -> (0, 0, 0)>
module attributes {stable_mosaic.version = 14 : i64} {
  func.func @_edge_kernel(%arg0: i32, %arg1: i32, %arg2: memref<10000x144xf32, #tpu.memory_space<hbm>>, %arg3: memref<10000x16xf32, #tpu.memory_space<hbm>>, %arg4: memref<2x4000x80xi32, #tpu.memory_space<hbm>>, %arg5: memref<1x128xf32, #tpu.memory_space<hbm>>, %arg6: memref<2x10112x144xf32, #tpu.memory_space<hbm>>, %arg7: memref<6x80xi32, #tpu.memory_space<vmem>>, %arg8: memref<6x80xi32, #tpu.memory_space<vmem>>, %arg9: memref<80x144xf32, #tpu.memory_space<vmem>>, %arg10: memref<80x16xf32, #tpu.memory_space<vmem>>, %arg11: memref<80x144xf32, #tpu.memory_space<vmem>>, %arg12: memref<80x16xf32, #tpu.memory_space<vmem>>, %arg13: memref<80x144xf32, #tpu.memory_space<vmem>>, %arg14: memref<80x16xf32, #tpu.memory_space<vmem>>, %arg15: memref<16xf32, #tpu.memory_space<vmem>>, %arg16: memref<10112x144xf32, #tpu.memory_space<vmem_shared>>, %arg17: memref<!tpu.dma_semaphore, #tpu.memory_space<semaphore_mem>>, %arg18: memref<!tpu.dma_semaphore, #tpu.memory_space<semaphore_mem>>, %arg19: memref<!tpu.dma_semaphore, #tpu.memory_space<semaphore_mem>>, %arg20: memref<!tpu.dma_semaphore, #tpu.memory_space<semaphore_mem>>, %arg21: memref<!tpu.dma_semaphore, #tpu.memory_space<semaphore_mem>>, %arg22: memref<!tpu.dma_semaphore, #tpu.memory_space<semaphore_mem>>, %arg23: memref<!tpu.dma_semaphore, #tpu.memory_space<semaphore_mem>>, %arg24: memref<!tpu.dma_semaphore, #tpu.memory_space<semaphore_mem>>, %arg25: memref<!tpu.dma_semaphore, #tpu.memory_space<semaphore_mem>>, %arg26: memref<!tpu.dma_semaphore, #tpu.memory_space<semaphore_mem>>, %arg27: memref<!tpu.dma_semaphore, #tpu.memory_space<semaphore_mem>>, %arg28: memref<!tpu.dma_semaphore, #tpu.memory_space<semaphore_mem>>, %arg29: memref<!tpu.dma_semaphore, #tpu.memory_space<semaphore_mem>>, %arg30: memref<!tpu.dma_semaphore, #tpu.memory_space<semaphore_mem>>, %arg31: memref<!tpu.dma_semaphore, #tpu.memory_space<semaphore_mem>>) attributes {dimension_semantics = [#tpu.dimension_semantics<core_parallel>, #tpu.dimension_semantics<subcore_parallel>], iteration_bounds = array<i64: 2, 16>, scalar_prefetch = 0 : i64, scratch_operands = 25 : i64, tpu.core_type = #tpu.core_type<sc_vector_subcore>, window_params = [{transform_indices = #map}, {transform_indices = #map}, {transform_indices = #map1}, {transform_indices = #map}, {transform_indices = #map1}]} {
    %mul3A = arith.constant 16 : i32
    %mul3A_0 = arith.muli %arg0, %mul3A : i32
    %add3A = arith.addi %mul3A_0, %arg1 : i32
    %iota3A = tpu.iota {dimensions = array<i32: 0>} : vector<16xi32>
    %run_scoped3A = arith.constant 0 : i32
    "tpu.region"() ({
      %run_scoped3A_208 = tpu.sem_alloc : memref<!tpu.dma_semaphore, #tpu.memory_space<semaphore_mem>>
      %dma_start3A_209 = arith.constant 0 : i32
      %dma_start3A_210 = tpu.memref_slice %arg5[%run_scoped3A, %dma_start3A_209] : memref<1x128xf32, #tpu.memory_space<hbm>> -> memref<1x16xf32, #tpu.memory_space<hbm>>
      %dma_start3A_211 = tpu.memref_squeeze %dma_start3A_210 : memref<1x16xf32, #tpu.memory_space<hbm>> -> memref<16xf32, #tpu.memory_space<hbm>>
      %dma_start3A_212 = arith.constant 0 : i32
      %dma_start3A_213 = tpu.memref_slice %arg5[%run_scoped3A, %dma_start3A_212] : memref<1x128xf32, #tpu.memory_space<hbm>> -> memref<1x16xf32, #tpu.memory_space<hbm>>
      %dma_start3A_214 = tpu.memref_squeeze %dma_start3A_213 : memref<1x16xf32, #tpu.memory_space<hbm>> -> memref<16xf32, #tpu.memory_space<hbm>>
      tpu.enqueue_dma source(%dma_start3A_214 : memref<16xf32, #tpu.memory_space<hbm>>) target(%arg15 : memref<16xf32, #tpu.memory_space<vmem>>) target_semaphore(%run_scoped3A_208 : memref<!tpu.dma_semaphore, #tpu.memory_space<semaphore_mem>>)
      %dma_wait3A_215 = arith.constant 0 : i32
      %dma_wait3A_216 = tpu.memref_slice %arg5[%run_scoped3A, %dma_wait3A_215] : memref<1x128xf32, #tpu.memory_space<hbm>> -> memref<1x16xf32, #tpu.memory_space<hbm>>
      %dma_wait3A_217 = tpu.memref_squeeze %dma_wait3A_216 : memref<1x16xf32, #tpu.memory_space<hbm>> -> memref<16xf32, #tpu.memory_space<hbm>>
      %dma_wait3A_218 = arith.constant 0 : i32
      %dma_wait3A_219 = tpu.memref_slice %arg5[%run_scoped3A, %dma_wait3A_218] : memref<1x128xf32, #tpu.memory_space<hbm>> -> memref<1x16xf32, #tpu.memory_space<hbm>>
      %dma_wait3A_220 = tpu.memref_squeeze %dma_wait3A_219 : memref<1x16xf32, #tpu.memory_space<hbm>> -> memref<16xf32, #tpu.memory_space<hbm>>
      tpu.wait_dma2 semaphore(%run_scoped3A_208 : memref<!tpu.dma_semaphore, #tpu.memory_space<semaphore_mem>>) src(%dma_wait3A_220 : memref<16xf32, #tpu.memory_space<hbm>>) dst(%arg15 : memref<16xf32, #tpu.memory_space<vmem>>)
      tpu.yield
    }) : () -> ()
    %add3A_1 = arith.constant 0 : i32
    %add3A_2 = arith.addi %add3A, %add3A_1 : i32
    %dma_start3A = arith.constant 0 : i32
    %dma_start3A_3 = arith.constant 0 : i32
    %dma_start3A_4 = arith.constant 0 : i32
    %dma_start3A_5 = tpu.memref_slice %arg7[%dma_start3A_3, %dma_start3A_4] : memref<6x80xi32, #tpu.memory_space<vmem>> -> memref<1x80xi32, #tpu.memory_space<vmem>>
    %dma_start3A_6 = tpu.memref_squeeze %dma_start3A_5 : memref<1x80xi32, #tpu.memory_space<vmem>> -> memref<80xi32, #tpu.memory_space<vmem>>
    %dma_start3A_7 = arith.constant 0 : i32
    %dma_start3A_8 = tpu.memref_slice %arg4[%dma_start3A, %add3A_2, %dma_start3A_7] : memref<2x4000x80xi32, #tpu.memory_space<hbm>> -> memref<1x1x80xi32, #tpu.memory_space<hbm>>
    %dma_start3A_9 = tpu.memref_squeeze %dma_start3A_8 : memref<1x1x80xi32, #tpu.memory_space<hbm>> -> memref<80xi32, #tpu.memory_space<hbm>>
    %dma_start3A_10 = arith.constant 0 : i32
    %dma_start3A_11 = tpu.memref_slice %arg7[%dma_start3A_3, %dma_start3A_10] : memref<6x80xi32, #tpu.memory_space<vmem>> -> memref<1x80xi32, #tpu.memory_space<vmem>>
    %dma_start3A_12 = tpu.memref_squeeze %dma_start3A_11 : memref<1x80xi32, #tpu.memory_space<vmem>> -> memref<80xi32, #tpu.memory_space<vmem>>
    %dma_start3A_13 = arith.constant 0 : i32
    %dma_start3A_14 = tpu.memref_slice %arg4[%dma_start3A, %add3A_2, %dma_start3A_13] : memref<2x4000x80xi32, #tpu.memory_space<hbm>> -> memref<1x1x80xi32, #tpu.memory_space<hbm>>
    %dma_start3A_15 = tpu.memref_squeeze %dma_start3A_14 : memref<1x1x80xi32, #tpu.memory_space<hbm>> -> memref<80xi32, #tpu.memory_space<hbm>>
    tpu.enqueue_dma source(%dma_start3A_15 : memref<80xi32, #tpu.memory_space<hbm>>) target(%dma_start3A_12 : memref<80xi32, #tpu.memory_space<vmem>>) target_semaphore(%arg26 : memref<!tpu.dma_semaphore, #tpu.memory_space<semaphore_mem>>)
    %dma_start3A_16 = arith.constant 1 : i32
    %dma_start3A_17 = arith.constant 0 : i32
    %dma_start3A_18 = arith.constant 0 : i32
    %dma_start3A_19 = tpu.memref_slice %arg8[%dma_start3A_17, %dma_start3A_18] : memref<6x80xi32, #tpu.memory_space<vmem>> -> memref<1x80xi32, #tpu.memory_space<vmem>>
    %dma_start3A_20 = tpu.memref_squeeze %dma_start3A_19 : memref<1x80xi32, #tpu.memory_space<vmem>> -> memref<80xi32, #tpu.memory_space<vmem>>
    %dma_start3A_21 = arith.constant 0 : i32
    %dma_start3A_22 = tpu.memref_slice %arg4[%dma_start3A_16, %add3A_2, %dma_start3A_21] : memref<2x4000x80xi32, #tpu.memory_space<hbm>> -> memref<1x1x80xi32, #tpu.memory_space<hbm>>
    %dma_start3A_23 = tpu.memref_squeeze %dma_start3A_22 : memref<1x1x80xi32, #tpu.memory_space<hbm>> -> memref<80xi32, #tpu.memory_space<hbm>>
    %dma_start3A_24 = arith.constant 0 : i32
    %dma_start3A_25 = tpu.memref_slice %arg8[%dma_start3A_17, %dma_start3A_24] : memref<6x80xi32, #tpu.memory_space<vmem>> -> memref<1x80xi32, #tpu.memory_space<vmem>>
    %dma_start3A_26 = tpu.memref_squeeze %dma_start3A_25 : memref<1x80xi32, #tpu.memory_space<vmem>> -> memref<80xi32, #tpu.memory_space<vmem>>
    %dma_start3A_27 = arith.constant 0 : i32
    %dma_start3A_28 = tpu.memref_slice %arg4[%dma_start3A_16, %add3A_2, %dma_start3A_27] : memref<2x4000x80xi32, #tpu.memory_space<hbm>> -> memref<1x1x80xi32, #tpu.memory_space<hbm>>
    %dma_start3A_29 = tpu.memref_squeeze %dma_start3A_28 : memref<1x1x80xi32, #tpu.memory_space<hbm>> -> memref<80xi32, #tpu.memory_space<hbm>>
    tpu.enqueue_dma source(%dma_start3A_29 : memref<80xi32, #tpu.memory_space<hbm>>) target(%dma_start3A_26 : memref<80xi32, #tpu.memory_space<vmem>>) target_semaphore(%arg26 : memref<!tpu.dma_semaphore, #tpu.memory_space<semaphore_mem>>)
    %add3A_30 = arith.constant 32 : i32
    %add3A_31 = arith.addi %add3A, %add3A_30 : i32
    %dma_start3A_32 = arith.constant 0 : i32
    %dma_start3A_33 = arith.constant 1 : i32
    %dma_start3A_34 = arith.constant 0 : i32
    %dma_start3A_35 = tpu.memref_slice %arg7[%dma_start3A_33, %dma_start3A_34] : memref<6x80xi32, #tpu.memory_space<vmem>> -> memref<1x80xi32, #tpu.memory_space<vmem>>
    %dma_start3A_36 = tpu.memref_squeeze %dma_start3A_35 : memref<1x80xi32, #tpu.memory_space<vmem>> -> memref<80xi32, #tpu.memory_space<vmem>>
    %dma_start3A_37 = arith.constant 0 : i32
    %dma_start3A_38 = tpu.memref_slice %arg4[%dma_start3A_32, %add3A_31, %dma_start3A_37] : memref<2x4000x80xi32, #tpu.memory_space<hbm>> -> memref<1x1x80xi32, #tpu.memory_space<hbm>>
    %dma_start3A_39 = tpu.memref_squeeze %dma_start3A_38 : memref<1x1x80xi32, #tpu.memory_space<hbm>> -> memref<80xi32, #tpu.memory_space<hbm>>
    %dma_start3A_40 = arith.constant 0 : i32
    %dma_start3A_41 = tpu.memref_slice %arg7[%dma_start3A_33, %dma_start3A_40] : memref<6x80xi32, #tpu.memory_space<vmem>> -> memref<1x80xi32, #tpu.memory_space<vmem>>
    %dma_start3A_42 = tpu.memref_squeeze %dma_start3A_41 : memref<1x80xi32, #tpu.memory_space<vmem>> -> memref<80xi32, #tpu.memory_space<vmem>>
    %dma_start3A_43 = arith.constant 0 : i32
    %dma_start3A_44 = tpu.memref_slice %arg4[%dma_start3A_32, %add3A_31, %dma_start3A_43] : memref<2x4000x80xi32, #tpu.memory_space<hbm>> -> memref<1x1x80xi32, #tpu.memory_space<hbm>>
    %dma_start3A_45 = tpu.memref_squeeze %dma_start3A_44 : memref<1x1x80xi32, #tpu.memory_space<hbm>> -> memref<80xi32, #tpu.memory_space<hbm>>
    tpu.enqueue_dma source(%dma_start3A_45 : memref<80xi32, #tpu.memory_space<hbm>>) target(%dma_start3A_42 : memref<80xi32, #tpu.memory_space<vmem>>) target_semaphore(%arg27 : memref<!tpu.dma_semaphore, #tpu.memory_space<semaphore_mem>>)
    %dma_start3A_46 = arith.constant 1 : i32
    %dma_start3A_47 = arith.constant 1 : i32
    %dma_start3A_48 = arith.constant 0 : i32
    %dma_start3A_49 = tpu.memref_slice %arg8[%dma_start3A_47, %dma_start3A_48] : memref<6x80xi32, #tpu.memory_space<vmem>> -> memref<1x80xi32, #tpu.memory_space<vmem>>
    %dma_start3A_50 = tpu.memref_squeeze %dma_start3A_49 : memref<1x80xi32, #tpu.memory_space<vmem>> -> memref<80xi32, #tpu.memory_space<vmem>>
    %dma_start3A_51 = arith.constant 0 : i32
    %dma_start3A_52 = tpu.memref_slice %arg4[%dma_start3A_46, %add3A_31, %dma_start3A_51] : memref<2x4000x80xi32, #tpu.memory_space<hbm>> -> memref<1x1x80xi32, #tpu.memory_space<hbm>>
    %dma_start3A_53 = tpu.memref_squeeze %dma_start3A_52 : memref<1x1x80xi32, #tpu.memory_space<hbm>> -> memref<80xi32, #tpu.memory_space<hbm>>
    %dma_start3A_54 = arith.constant 0 : i32
    %dma_start3A_55 = tpu.memref_slice %arg8[%dma_start3A_47, %dma_start3A_54] : memref<6x80xi32, #tpu.memory_space<vmem>> -> memref<1x80xi32, #tpu.memory_space<vmem>>
    %dma_start3A_56 = tpu.memref_squeeze %dma_start3A_55 : memref<1x80xi32, #tpu.memory_space<vmem>> -> memref<80xi32, #tpu.memory_space<vmem>>
    %dma_start3A_57 = arith.constant 0 : i32
    %dma_start3A_58 = tpu.memref_slice %arg4[%dma_start3A_46, %add3A_31, %dma_start3A_57] : memref<2x4000x80xi32, #tpu.memory_space<hbm>> -> memref<1x1x80xi32, #tpu.memory_space<hbm>>
    %dma_start3A_59 = tpu.memref_squeeze %dma_start3A_58 : memref<1x1x80xi32, #tpu.memory_space<hbm>> -> memref<80xi32, #tpu.memory_space<hbm>>
    tpu.enqueue_dma source(%dma_start3A_59 : memref<80xi32, #tpu.memory_space<hbm>>) target(%dma_start3A_56 : memref<80xi32, #tpu.memory_space<vmem>>) target_semaphore(%arg27 : memref<!tpu.dma_semaphore, #tpu.memory_space<semaphore_mem>>)
    %add3A_60 = arith.constant 64 : i32
    %add3A_61 = arith.addi %add3A, %add3A_60 : i32
    %dma_start3A_62 = arith.constant 0 : i32
    %dma_start3A_63 = arith.constant 2 : i32
    %dma_start3A_64 = arith.constant 0 : i32
    %dma_start3A_65 = tpu.memref_slice %arg7[%dma_start3A_63, %dma_start3A_64] : memref<6x80xi32, #tpu.memory_space<vmem>> -> memref<1x80xi32, #tpu.memory_space<vmem>>
    %dma_start3A_66 = tpu.memref_squeeze %dma_start3A_65 : memref<1x80xi32, #tpu.memory_space<vmem>> -> memref<80xi32, #tpu.memory_space<vmem>>
    %dma_start3A_67 = arith.constant 0 : i32
    %dma_start3A_68 = tpu.memref_slice %arg4[%dma_start3A_62, %add3A_61, %dma_start3A_67] : memref<2x4000x80xi32, #tpu.memory_space<hbm>> -> memref<1x1x80xi32, #tpu.memory_space<hbm>>
    %dma_start3A_69 = tpu.memref_squeeze %dma_start3A_68 : memref<1x1x80xi32, #tpu.memory_space<hbm>> -> memref<80xi32, #tpu.memory_space<hbm>>
    %dma_start3A_70 = arith.constant 0 : i32
    %dma_start3A_71 = tpu.memref_slice %arg7[%dma_start3A_63, %dma_start3A_70] : memref<6x80xi32, #tpu.memory_space<vmem>> -> memref<1x80xi32, #tpu.memory_space<vmem>>
    %dma_start3A_72 = tpu.memref_squeeze %dma_start3A_71 : memref<1x80xi32, #tpu.memory_space<vmem>> -> memref<80xi32, #tpu.memory_space<vmem>>
    %dma_start3A_73 = arith.constant 0 : i32
    %dma_start3A_74 = tpu.memref_slice %arg4[%dma_start3A_62, %add3A_61, %dma_start3A_73] : memref<2x4000x80xi32, #tpu.memory_space<hbm>> -> memref<1x1x80xi32, #tpu.memory_space<hbm>>
    %dma_start3A_75 = tpu.memref_squeeze %dma_start3A_74 : memref<1x1x80xi32, #tpu.memory_space<hbm>> -> memref<80xi32, #tpu.memory_space<hbm>>
    tpu.enqueue_dma source(%dma_start3A_75 : memref<80xi32, #tpu.memory_space<hbm>>) target(%dma_start3A_72 : memref<80xi32, #tpu.memory_space<vmem>>) target_semaphore(%arg28 : memref<!tpu.dma_semaphore, #tpu.memory_space<semaphore_mem>>)
    %dma_start3A_76 = arith.constant 1 : i32
    %dma_start3A_77 = arith.constant 2 : i32
    %dma_start3A_78 = arith.constant 0 : i32
    %dma_start3A_79 = tpu.memref_slice %arg8[%dma_start3A_77, %dma_start3A_78] : memref<6x80xi32, #tpu.memory_space<vmem>> -> memref<1x80xi32, #tpu.memory_space<vmem>>
    %dma_start3A_80 = tpu.memref_squeeze %dma_start3A_79 : memref<1x80xi32, #tpu.memory_space<vmem>> -> memref<80xi32, #tpu.memory_space<vmem>>
    %dma_start3A_81 = arith.constant 0 : i32
    %dma_start3A_82 = tpu.memref_slice %arg4[%dma_start3A_76, %add3A_61, %dma_start3A_81] : memref<2x4000x80xi32, #tpu.memory_space<hbm>> -> memref<1x1x80xi32, #tpu.memory_space<hbm>>
    %dma_start3A_83 = tpu.memref_squeeze %dma_start3A_82 : memref<1x1x80xi32, #tpu.memory_space<hbm>> -> memref<80xi32, #tpu.memory_space<hbm>>
    %dma_start3A_84 = arith.constant 0 : i32
    %dma_start3A_85 = tpu.memref_slice %arg8[%dma_start3A_77, %dma_start3A_84] : memref<6x80xi32, #tpu.memory_space<vmem>> -> memref<1x80xi32, #tpu.memory_space<vmem>>
    %dma_start3A_86 = tpu.memref_squeeze %dma_start3A_85 : memref<1x80xi32, #tpu.memory_space<vmem>> -> memref<80xi32, #tpu.memory_space<vmem>>
    %dma_start3A_87 = arith.constant 0 : i32
    %dma_start3A_88 = tpu.memref_slice %arg4[%dma_start3A_76, %add3A_61, %dma_start3A_87] : memref<2x4000x80xi32, #tpu.memory_space<hbm>> -> memref<1x1x80xi32, #tpu.memory_space<hbm>>
    %dma_start3A_89 = tpu.memref_squeeze %dma_start3A_88 : memref<1x1x80xi32, #tpu.memory_space<hbm>> -> memref<80xi32, #tpu.memory_space<hbm>>
    tpu.enqueue_dma source(%dma_start3A_89 : memref<80xi32, #tpu.memory_space<hbm>>) target(%dma_start3A_86 : memref<80xi32, #tpu.memory_space<vmem>>) target_semaphore(%arg28 : memref<!tpu.dma_semaphore, #tpu.memory_space<semaphore_mem>>)
    %dma_wait3A = arith.constant 0 : i32
    %dma_wait3A_90 = arith.constant 0 : i32
    %dma_wait3A_91 = arith.constant 0 : i32
    %dma_wait3A_92 = tpu.memref_slice %arg7[%dma_wait3A_90, %dma_wait3A_91] : memref<6x80xi32, #tpu.memory_space<vmem>> -> memref<1x80xi32, #tpu.memory_space<vmem>>
    %dma_wait3A_93 = tpu.memref_squeeze %dma_wait3A_92 : memref<1x80xi32, #tpu.memory_space<vmem>> -> memref<80xi32, #tpu.memory_space<vmem>>
    %dma_wait3A_94 = arith.constant 0 : i32
    %dma_wait3A_95 = tpu.memref_slice %arg4[%dma_wait3A, %add3A, %dma_wait3A_94] : memref<2x4000x80xi32, #tpu.memory_space<hbm>> -> memref<1x1x80xi32, #tpu.memory_space<hbm>>
    %dma_wait3A_96 = tpu.memref_squeeze %dma_wait3A_95 : memref<1x1x80xi32, #tpu.memory_space<hbm>> -> memref<80xi32, #tpu.memory_space<hbm>>
    %dma_wait3A_97 = arith.constant 0 : i32
    %dma_wait3A_98 = tpu.memref_slice %arg7[%dma_wait3A_90, %dma_wait3A_97] : memref<6x80xi32, #tpu.memory_space<vmem>> -> memref<1x80xi32, #tpu.memory_space<vmem>>
    %dma_wait3A_99 = tpu.memref_squeeze %dma_wait3A_98 : memref<1x80xi32, #tpu.memory_space<vmem>> -> memref<80xi32, #tpu.memory_space<vmem>>
    %dma_wait3A_100 = arith.constant 0 : i32
    %dma_wait3A_101 = tpu.memref_slice %arg4[%dma_wait3A, %add3A, %dma_wait3A_100] : memref<2x4000x80xi32, #tpu.memory_space<hbm>> -> memref<1x1x80xi32, #tpu.memory_space<hbm>>
    %dma_wait3A_102 = tpu.memref_squeeze %dma_wait3A_101 : memref<1x1x80xi32, #tpu.memory_space<hbm>> -> memref<80xi32, #tpu.memory_space<hbm>>
    tpu.wait_dma2 semaphore(%arg26 : memref<!tpu.dma_semaphore, #tpu.memory_space<semaphore_mem>>) src(%dma_wait3A_102 : memref<80xi32, #tpu.memory_space<hbm>>) dst(%dma_wait3A_99 : memref<80xi32, #tpu.memory_space<vmem>>)
    %dma_wait3A_103 = arith.constant 1 : i32
    %dma_wait3A_104 = arith.constant 0 : i32
    %dma_wait3A_105 = arith.constant 0 : i32
    %dma_wait3A_106 = tpu.memref_slice %arg8[%dma_wait3A_104, %dma_wait3A_105] : memref<6x80xi32, #tpu.memory_space<vmem>> -> memref<1x80xi32, #tpu.memory_space<vmem>>
    %dma_wait3A_107 = tpu.memref_squeeze %dma_wait3A_106 : memref<1x80xi32, #tpu.memory_space<vmem>> -> memref<80xi32, #tpu.memory_space<vmem>>
    %dma_wait3A_108 = arith.constant 0 : i32
    %dma_wait3A_109 = tpu.memref_slice %arg4[%dma_wait3A_103, %add3A, %dma_wait3A_108] : memref<2x4000x80xi32, #tpu.memory_space<hbm>> -> memref<1x1x80xi32, #tpu.memory_space<hbm>>
    %dma_wait3A_110 = tpu.memref_squeeze %dma_wait3A_109 : memref<1x1x80xi32, #tpu.memory_space<hbm>> -> memref<80xi32, #tpu.memory_space<hbm>>
    %dma_wait3A_111 = arith.constant 0 : i32
    %dma_wait3A_112 = tpu.memref_slice %arg8[%dma_wait3A_104, %dma_wait3A_111] : memref<6x80xi32, #tpu.memory_space<vmem>> -> memref<1x80xi32, #tpu.memory_space<vmem>>
    %dma_wait3A_113 = tpu.memref_squeeze %dma_wait3A_112 : memref<1x80xi32, #tpu.memory_space<vmem>> -> memref<80xi32, #tpu.memory_space<vmem>>
    %dma_wait3A_114 = arith.constant 0 : i32
    %dma_wait3A_115 = tpu.memref_slice %arg4[%dma_wait3A_103, %add3A, %dma_wait3A_114] : memref<2x4000x80xi32, #tpu.memory_space<hbm>> -> memref<1x1x80xi32, #tpu.memory_space<hbm>>
    %dma_wait3A_116 = tpu.memref_squeeze %dma_wait3A_115 : memref<1x1x80xi32, #tpu.memory_space<hbm>> -> memref<80xi32, #tpu.memory_space<hbm>>
    tpu.wait_dma2 semaphore(%arg26 : memref<!tpu.dma_semaphore, #tpu.memory_space<semaphore_mem>>) src(%dma_wait3A_116 : memref<80xi32, #tpu.memory_space<hbm>>) dst(%dma_wait3A_113 : memref<80xi32, #tpu.memory_space<vmem>>)
    %dma_start3A_117 = arith.constant 0 : i32
    %dma_start3A_118 = arith.constant 0 : i32
    %dma_start3A_119 = tpu.memref_slice %arg7[%dma_start3A_117, %dma_start3A_118] : memref<6x80xi32, #tpu.memory_space<vmem>> -> memref<1x80xi32, #tpu.memory_space<vmem>>
    %dma_start3A_120 = tpu.memref_squeeze %dma_start3A_119 : memref<1x80xi32, #tpu.memory_space<vmem>> -> memref<80xi32, #tpu.memory_space<vmem>>
    %dma_start3A_121 = arith.constant 0 : i32
    %dma_start3A_122 = arith.constant 0 : i32
    %dma_start3A_123 = tpu.memref_slice %arg2[%dma_start3A_121, %dma_start3A_122] : memref<10000x144xf32, #tpu.memory_space<hbm>> -> memref<10000x144xf32, #tpu.memory_space<hbm>>
    tpu.enqueue_indirect_dma source(%dma_start3A_123 : memref<10000x144xf32, #tpu.memory_space<hbm>>) target(%arg9 : memref<80x144xf32, #tpu.memory_space<vmem>>) offsets(%dma_start3A_120 : memref<80xi32, #tpu.memory_space<vmem>>) semaphore(%arg17 : memref<!tpu.dma_semaphore, #tpu.memory_space<semaphore_mem>>)
    %dma_start3A_124 = arith.constant 0 : i32
    %dma_start3A_125 = arith.constant 0 : i32
    %dma_start3A_126 = tpu.memref_slice %arg8[%dma_start3A_124, %dma_start3A_125] : memref<6x80xi32, #tpu.memory_space<vmem>> -> memref<1x80xi32, #tpu.memory_space<vmem>>
    %dma_start3A_127 = tpu.memref_squeeze %dma_start3A_126 : memref<1x80xi32, #tpu.memory_space<vmem>> -> memref<80xi32, #tpu.memory_space<vmem>>
    %dma_start3A_128 = arith.constant 0 : i32
    %dma_start3A_129 = arith.constant 0 : i32
    %dma_start3A_130 = tpu.memref_slice %arg3[%dma_start3A_128, %dma_start3A_129] : memref<10000x16xf32, #tpu.memory_space<hbm>> -> memref<10000x16xf32, #tpu.memory_space<hbm>>
    tpu.enqueue_indirect_dma source(%dma_start3A_130 : memref<10000x16xf32, #tpu.memory_space<hbm>>) target(%arg10 : memref<80x16xf32, #tpu.memory_space<vmem>>) offsets(%dma_start3A_127 : memref<80xi32, #tpu.memory_space<vmem>>) semaphore(%arg18 : memref<!tpu.dma_semaphore, #tpu.memory_space<semaphore_mem>>)
    %scan3A = arith.constant 0 : i32
    %scan3A_131 = arith.constant 0 : i32
    %scan3A_132 = arith.constant 80 : i32
    %scan3A_133 = arith.addi %scan3A_131, %scan3A_132 : i32
    %scan3A_134 = arith.constant 1 : i32
    %scan3A_135 = scf.for %scan3A_208 = %scan3A_131 to %scan3A_133 step %scan3A_134 iter_args(%scan3A_209 = %scan3A) -> (i32)  : i32 {
      %broadcast_in_dim3A = arith.constant 0.000000e+00 : f32
      %broadcast_in_dim3A_210 = vector.broadcast %broadcast_in_dim3A : f32 to vector<16xf32>
      %swap3A = arith.index_cast %scan3A_208 : i32 to index
      %swap3A_211 = arith.constant 0 : index
      %swap3A_212 = tpu.vector_load %arg11[%swap3A, %swap3A_211] {strides = array<i32>} : memref<80x144xf32, #tpu.memory_space<vmem>>, vector<1x16xf32>,
      %swap3A_213 = vector.shape_cast %swap3A_212 : vector<1x16xf32> to vector<16xf32>
      %swap3A_214 = vector.shape_cast %broadcast_in_dim3A_210 : vector<16xf32> to vector<1x16xf32>
      tpu.vector_store %arg11[%swap3A, %swap3A_211], %swap3A_214 {strides = array<i32>} : memref<80x144xf32, #tpu.memory_space<vmem>>, vector<1x16xf32>,
      %broadcast_in_dim3A_215 = arith.constant 0.000000e+00 : f32
      %broadcast_in_dim3A_216 = vector.broadcast %broadcast_in_dim3A_215 : f32 to vector<16xf32>
      %swap3A_217 = arith.index_cast %scan3A_208 : i32 to index
      %swap3A_218 = arith.constant 16 : index
      %swap3A_219 = tpu.vector_load %arg11[%swap3A_217, %swap3A_218] {strides = array<i32>} : memref<80x144xf32, #tpu.memory_space<vmem>>, vector<1x16xf32>,
      %swap3A_220 = vector.shape_cast %swap3A_219 : vector<1x16xf32> to vector<16xf32>
      %swap3A_221 = vector.shape_cast %broadcast_in_dim3A_216 : vector<16xf32> to vector<1x16xf32>
      tpu.vector_store %arg11[%swap3A_217, %swap3A_218], %swap3A_221 {strides = array<i32>} : memref<80x144xf32, #tpu.memory_space<vmem>>, vector<1x16xf32>,
      %broadcast_in_dim3A_222 = arith.constant 0.000000e+00 : f32
      %broadcast_in_dim3A_223 = vector.broadcast %broadcast_in_dim3A_222 : f32 to vector<16xf32>
      %swap3A_224 = arith.index_cast %scan3A_208 : i32 to index
      %swap3A_225 = arith.constant 32 : index
      %swap3A_226 = tpu.vector_load %arg11[%swap3A_224, %swap3A_225] {strides = array<i32>} : memref<80x144xf32, #tpu.memory_space<vmem>>, vector<1x16xf32>,
      %swap3A_227 = vector.shape_cast %swap3A_226 : vector<1x16xf32> to vector<16xf32>
      %swap3A_228 = vector.shape_cast %broadcast_in_dim3A_223 : vector<16xf32> to vector<1x16xf32>
      tpu.vector_store %arg11[%swap3A_224, %swap3A_225], %swap3A_228 {strides = array<i32>} : memref<80x144xf32, #tpu.memory_space<vmem>>, vector<1x16xf32>,
      %broadcast_in_dim3A_229 = arith.constant 0.000000e+00 : f32
      %broadcast_in_dim3A_230 = vector.broadcast %broadcast_in_dim3A_229 : f32 to vector<16xf32>
      %swap3A_231 = arith.index_cast %scan3A_208 : i32 to index
      %swap3A_232 = arith.constant 48 : index
      %swap3A_233 = tpu.vector_load %arg11[%swap3A_231, %swap3A_232] {strides = array<i32>} : memref<80x144xf32, #tpu.memory_space<vmem>>, vector<1x16xf32>,
      %swap3A_234 = vector.shape_cast %swap3A_233 : vector<1x16xf32> to vector<16xf32>
      %swap3A_235 = vector.shape_cast %broadcast_in_dim3A_230 : vector<16xf32> to vector<1x16xf32>
      tpu.vector_store %arg11[%swap3A_231, %swap3A_232], %swap3A_235 {strides = array<i32>} : memref<80x144xf32, #tpu.memory_space<vmem>>, vector<1x16xf32>,
      %broadcast_in_dim3A_236 = arith.constant 0.000000e+00 : f32
      %broadcast_in_dim3A_237 = vector.broadcast %broadcast_in_dim3A_236 : f32 to vector<16xf32>
      %swap3A_238 = arith.index_cast %scan3A_208 : i32 to index
      %swap3A_239 = arith.constant 64 : index
      %swap3A_240 = tpu.vector_load %arg11[%swap3A_238, %swap3A_239] {strides = array<i32>} : memref<80x144xf32, #tpu.memory_space<vmem>>, vector<1x16xf32>,
      %swap3A_241 = vector.shape_cast %swap3A_240 : vector<1x16xf32> to vector<16xf32>
      %swap3A_242 = vector.shape_cast %broadcast_in_dim3A_237 : vector<16xf32> to vector<1x16xf32>
      tpu.vector_store %arg11[%swap3A_238, %swap3A_239], %swap3A_242 {strides = array<i32>} : memref<80x144xf32, #tpu.memory_space<vmem>>, vector<1x16xf32>,
      %broadcast_in_dim3A_243 = arith.constant 0.000000e+00 : f32
      %broadcast_in_dim3A_244 = vector.broadcast %broadcast_in_dim3A_243 : f32 to vector<16xf32>
      %swap3A_245 = arith.index_cast %scan3A_208 : i32 to index
      %swap3A_246 = arith.constant 80 : index
      %swap3A_247 = tpu.vector_load %arg11[%swap3A_245, %swap3A_246] {strides = array<i32>} : memref<80x144xf32, #tpu.memory_space<vmem>>, vector<1x16xf32>,
      %swap3A_248 = vector.shape_cast %swap3A_247 : vector<1x16xf32> to vector<16xf32>
      %swap3A_249 = vector.shape_cast %broadcast_in_dim3A_244 : vector<16xf32> to vector<1x16xf32>
      tpu.vector_store %arg11[%swap3A_245, %swap3A_246], %swap3A_249 {strides = array<i32>} : memref<80x144xf32, #tpu.memory_space<vmem>>, vector<1x16xf32>,
      %broadcast_in_dim3A_250 = arith.constant 0.000000e+00 : f32
      %broadcast_in_dim3A_251 = vector.broadcast %broadcast_in_dim3A_250 : f32 to vector<16xf32>
      %swap3A_252 = arith.index_cast %scan3A_208 : i32 to index
      %swap3A_253 = arith.constant 96 : index
      %swap3A_254 = tpu.vector_load %arg11[%swap3A_252, %swap3A_253] {strides = array<i32>} : memref<80x144xf32, #tpu.memory_space<vmem>>, vector<1x16xf32>,
      %swap3A_255 = vector.shape_cast %swap3A_254 : vector<1x16xf32> to vector<16xf32>
      %swap3A_256 = vector.shape_cast %broadcast_in_dim3A_251 : vector<16xf32> to vector<1x16xf32>
      tpu.vector_store %arg11[%swap3A_252, %swap3A_253], %swap3A_256 {strides = array<i32>} : memref<80x144xf32, #tpu.memory_space<vmem>>, vector<1x16xf32>,
      %broadcast_in_dim3A_257 = arith.constant 0.000000e+00 : f32
      %broadcast_in_dim3A_258 = vector.broadcast %broadcast_in_dim3A_257 : f32 to vector<16xf32>
      %swap3A_259 = arith.index_cast %scan3A_208 : i32 to index
      %swap3A_260 = arith.constant 112 : index
      %swap3A_261 = tpu.vector_load %arg11[%swap3A_259, %swap3A_260] {strides = array<i32>} : memref<80x144xf32, #tpu.memory_space<vmem>>, vector<1x16xf32>,
      %swap3A_262 = vector.shape_cast %swap3A_261 : vector<1x16xf32> to vector<16xf32>
      %swap3A_263 = vector.shape_cast %broadcast_in_dim3A_258 : vector<16xf32> to vector<1x16xf32>
      tpu.vector_store %arg11[%swap3A_259, %swap3A_260], %swap3A_263 {strides = array<i32>} : memref<80x144xf32, #tpu.memory_space<vmem>>, vector<1x16xf32>,
      %broadcast_in_dim3A_264 = arith.constant 0.000000e+00 : f32
      %broadcast_in_dim3A_265 = vector.broadcast %broadcast_in_dim3A_264 : f32 to vector<16xf32>
      %swap3A_266 = arith.index_cast %scan3A_208 : i32 to index
      %swap3A_267 = arith.constant 128 : index
      %swap3A_268 = tpu.vector_load %arg11[%swap3A_266, %swap3A_267] {strides = array<i32>} : memref<80x144xf32, #tpu.memory_space<vmem>>, vector<1x16xf32>,
      %swap3A_269 = vector.shape_cast %swap3A_268 : vector<1x16xf32> to vector<16xf32>
      %swap3A_270 = vector.shape_cast %broadcast_in_dim3A_265 : vector<16xf32> to vector<1x16xf32>
      tpu.vector_store %arg11[%swap3A_266, %swap3A_267], %swap3A_270 {strides = array<i32>} : memref<80x144xf32, #tpu.memory_space<vmem>>, vector<1x16xf32>,
      %scan3A_271 = arith.constant 0 : i32
      scf.yield %scan3A_271 : i32
    }
    %scan3A_136 = arith.constant 80 : i32
    %mul3A_137 = arith.constant 632 : i32
    %mul3A_138 = arith.muli %arg1, %mul3A_137 : i32
    %add3A_139 = arith.constant 0 : i32
    %add3A_140 = arith.addi %mul3A_138, %add3A_139 : i32
    "tpu.region"() ({
      %run_scoped3A_208 = tpu.sem_alloc : memref<!tpu.dma_semaphore, #tpu.memory_space<semaphore_mem>>
      %dma_start3A_209 = arith.constant 0 : i32
      %dma_start3A_210 = tpu.memref_slice %arg16[%add3A_140, %dma_start3A_209] : memref<10112x144xf32, #tpu.memory_space<vmem_shared>> -> memref<80x144xf32, #tpu.memory_space<vmem_shared>>
      %dma_start3A_211 = arith.constant 0 : i32
      %dma_start3A_212 = tpu.memref_slice %arg16[%add3A_140, %dma_start3A_211] : memref<10112x144xf32, #tpu.memory_space<vmem_shared>> -> memref<80x144xf32, #tpu.memory_space<vmem_shared>>
      tpu.enqueue_dma source(%arg11 : memref<80x144xf32, #tpu.memory_space<vmem>>) target(%dma_start3A_212 : memref<80x144xf32, #tpu.memory_space<vmem_shared>>) target_semaphore(%run_scoped3A_208 : memref<!tpu.dma_semaphore, #tpu.memory_space<semaphore_mem>>)
      %dma_wait3A_213 = arith.constant 0 : i32
      %dma_wait3A_214 = tpu.memref_slice %arg16[%add3A_140, %dma_wait3A_213] : memref<10112x144xf32, #tpu.memory_space<vmem_shared>> -> memref<80x144xf32, #tpu.memory_space<vmem_shared>>
      %dma_wait3A_215 = arith.constant 0 : i32
      %dma_wait3A_216 = tpu.memref_slice %arg16[%add3A_140, %dma_wait3A_215] : memref<10112x144xf32, #tpu.memory_space<vmem_shared>> -> memref<80x144xf32, #tpu.memory_space<vmem_shared>>
      tpu.wait_dma2 semaphore(%run_scoped3A_208 : memref<!tpu.dma_semaphore, #tpu.memory_space<semaphore_mem>>) src(%arg11 : memref<80x144xf32, #tpu.memory_space<vmem>>) dst(%dma_wait3A_216 : memref<80x144xf32, #tpu.memory_space<vmem_shared>>)
      tpu.yield
    }) : () -> ()
    %add3A_141 = arith.constant 80 : i32
    %add3A_142 = arith.addi %mul3A_138, %add3A_141 : i32
    "tpu.region"() ({
      %run_scoped3A_208 = tpu.sem_alloc : memref<!tpu.dma_semaphore, #tpu.memory_space<semaphore_mem>>
      %dma_start3A_209 = arith.constant 0 : i32
      %dma_start3A_210 = tpu.memref_slice %arg16[%add3A_142, %dma_start3A_209] : memref<10112x144xf32, #tpu.memory_space<vmem_shared>> -> memref<80x144xf32, #tpu.memory_space<vmem_shared>>
      %dma_start3A_211 = arith.constant 0 : i32
      %dma_start3A_212 = tpu.memref_slice %arg16[%add3A_142, %dma_start3A_211] : memref<10112x144xf32, #tpu.memory_space<vmem_shared>> -> memref<80x144xf32, #tpu.memory_space<vmem_shared>>
      tpu.enqueue_dma source(%arg11 : memref<80x144xf32, #tpu.memory_space<vmem>>) target(%dma_start3A_212 : memref<80x144xf32, #tpu.memory_space<vmem_shared>>) target_semaphore(%run_scoped3A_208 : memref<!tpu.dma_semaphore, #tpu.memory_space<semaphore_mem>>)
      %dma_wait3A_213 = arith.constant 0 : i32
      %dma_wait3A_214 = tpu.memref_slice %arg16[%add3A_142, %dma_wait3A_213] : memref<10112x144xf32, #tpu.memory_space<vmem_shared>> -> memref<80x144xf32, #tpu.memory_space<vmem_shared>>
      %dma_wait3A_215 = arith.constant 0 : i32
      %dma_wait3A_216 = tpu.memref_slice %arg16[%add3A_142, %dma_wait3A_215] : memref<10112x144xf32, #tpu.memory_space<vmem_shared>> -> memref<80x144xf32, #tpu.memory_space<vmem_shared>>
      tpu.wait_dma2 semaphore(%run_scoped3A_208 : memref<!tpu.dma_semaphore, #tpu.memory_space<semaphore_mem>>) src(%arg11 : memref<80x144xf32, #tpu.memory_space<vmem>>) dst(%dma_wait3A_216 : memref<80x144xf32, #tpu.memory_space<vmem_shared>>)
      tpu.yield
    }) : () -> ()
    %add3A_143 = arith.constant 160 : i32
    %add3A_144 = arith.addi %mul3A_138, %add3A_143 : i32
    "tpu.region"() ({
      %run_scoped3A_208 = tpu.sem_alloc : memref<!tpu.dma_semaphore, #tpu.memory_space<semaphore_mem>>
      %dma_start3A_209 = arith.constant 0 : i32
      %dma_start3A_210 = tpu.memref_slice %arg16[%add3A_144, %dma_start3A_209] : memref<10112x144xf32, #tpu.memory_space<vmem_shared>> -> memref<80x144xf32, #tpu.memory_space<vmem_shared>>
      %dma_start3A_211 = arith.constant 0 : i32
      %dma_start3A_212 = tpu.memref_slice %arg16[%add3A_144, %dma_start3A_211] : memref<10112x144xf32, #tpu.memory_space<vmem_shared>> -> memref<80x144xf32, #tpu.memory_space<vmem_shared>>
      tpu.enqueue_dma source(%arg11 : memref<80x144xf32, #tpu.memory_space<vmem>>) target(%dma_start3A_212 : memref<80x144xf32, #tpu.memory_space<vmem_shared>>) target_semaphore(%run_scoped3A_208 : memref<!tpu.dma_semaphore, #tpu.memory_space<semaphore_mem>>)
      %dma_wait3A_213 = arith.constant 0 : i32
      %dma_wait3A_214 = tpu.memref_slice %arg16[%add3A_144, %dma_wait3A_213] : memref<10112x144xf32, #tpu.memory_space<vmem_shared>> -> memref<80x144xf32, #tpu.memory_space<vmem_shared>>
      %dma_wait3A_215 = arith.constant 0 : i32
      %dma_wait3A_216 = tpu.memref_slice %arg16[%add3A_144, %dma_wait3A_215] : memref<10112x144xf32, #tpu.memory_space<vmem_shared>> -> memref<80x144xf32, #tpu.memory_space<vmem_shared>>
      tpu.wait_dma2 semaphore(%run_scoped3A_208 : memref<!tpu.dma_semaphore, #tpu.memory_space<semaphore_mem>>) src(%arg11 : memref<80x144xf32, #tpu.memory_space<vmem>>) dst(%dma_wait3A_216 : memref<80x144xf32, #tpu.memory_space<vmem_shared>>)
      tpu.yield
    }) : () -> ()
    %add3A_145 = arith.constant 240 : i32
    %add3A_146 = arith.addi %mul3A_138, %add3A_145 : i32
    "tpu.region"() ({
      %run_scoped3A_208 = tpu.sem_alloc : memref<!tpu.dma_semaphore, #tpu.memory_space<semaphore_mem>>
      %dma_start3A_209 = arith.constant 0 : i32
      %dma_start3A_210 = tpu.memref_slice %arg16[%add3A_146, %dma_start3A_209] : memref<10112x144xf32, #tpu.memory_space<vmem_shared>> -> memref<80x144xf32, #tpu.memory_space<vmem_shared>>
      %dma_start3A_211 = arith.constant 0 : i32
      %dma_start3A_212 = tpu.memref_slice %arg16[%add3A_146, %dma_start3A_211] : memref<10112x144xf32, #tpu.memory_space<vmem_shared>> -> memref<80x144xf32, #tpu.memory_space<vmem_shared>>
      tpu.enqueue_dma source(%arg11 : memref<80x144xf32, #tpu.memory_space<vmem>>) target(%dma_start3A_212 : memref<80x144xf32, #tpu.memory_space<vmem_shared>>) target_semaphore(%run_scoped3A_208 : memref<!tpu.dma_semaphore, #tpu.memory_space<semaphore_mem>>)
      %dma_wait3A_213 = arith.constant 0 : i32
      %dma_wait3A_214 = tpu.memref_slice %arg16[%add3A_146, %dma_wait3A_213] : memref<10112x144xf32, #tpu.memory_space<vmem_shared>> -> memref<80x144xf32, #tpu.memory_space<vmem_shared>>
      %dma_wait3A_215 = arith.constant 0 : i32
      %dma_wait3A_216 = tpu.memref_slice %arg16[%add3A_146, %dma_wait3A_215] : memref<10112x144xf32, #tpu.memory_space<vmem_shared>> -> memref<80x144xf32, #tpu.memory_space<vmem_shared>>
      tpu.wait_dma2 semaphore(%run_scoped3A_208 : memref<!tpu.dma_semaphore, #tpu.memory_space<semaphore_mem>>) src(%arg11 : memref<80x144xf32, #tpu.memory_space<vmem>>) dst(%dma_wait3A_216 : memref<80x144xf32, #tpu.memory_space<vmem_shared>>)
      tpu.yield
    }) : () -> ()
    %add3A_147 = arith.constant 320 : i32
    %add3A_148 = arith.addi %mul3A_138, %add3A_147 : i32
    "tpu.region"() ({
      %run_scoped3A_208 = tpu.sem_alloc : memref<!tpu.dma_semaphore, #tpu.memory_space<semaphore_mem>>
      %dma_start3A_209 = arith.constant 0 : i32
      %dma_start3A_210 = tpu.memref_slice %arg16[%add3A_148, %dma_start3A_209] : memref<10112x144xf32, #tpu.memory_space<vmem_shared>> -> memref<80x144xf32, #tpu.memory_space<vmem_shared>>
      %dma_start3A_211 = arith.constant 0 : i32
      %dma_start3A_212 = tpu.memref_slice %arg16[%add3A_148, %dma_start3A_211] : memref<10112x144xf32, #tpu.memory_space<vmem_shared>> -> memref<80x144xf32, #tpu.memory_space<vmem_shared>>
      tpu.enqueue_dma source(%arg11 : memref<80x144xf32, #tpu.memory_space<vmem>>) target(%dma_start3A_212 : memref<80x144xf32, #tpu.memory_space<vmem_shared>>) target_semaphore(%run_scoped3A_208 : memref<!tpu.dma_semaphore, #tpu.memory_space<semaphore_mem>>)
      %dma_wait3A_213 = arith.constant 0 : i32
      %dma_wait3A_214 = tpu.memref_slice %arg16[%add3A_148, %dma_wait3A_213] : memref<10112x144xf32, #tpu.memory_space<vmem_shared>> -> memref<80x144xf32, #tpu.memory_space<vmem_shared>>
      %dma_wait3A_215 = arith.constant 0 : i32
      %dma_wait3A_216 = tpu.memref_slice %arg16[%add3A_148, %dma_wait3A_215] : memref<10112x144xf32, #tpu.memory_space<vmem_shared>> -> memref<80x144xf32, #tpu.memory_space<vmem_shared>>
      tpu.wait_dma2 semaphore(%run_scoped3A_208 : memref<!tpu.dma_semaphore, #tpu.memory_space<semaphore_mem>>) src(%arg11 : memref<80x144xf32, #tpu.memory_space<vmem>>) dst(%dma_wait3A_216 : memref<80x144xf32, #tpu.memory_space<vmem_shared>>)
      tpu.yield
    }) : () -> ()
    %add3A_149 = arith.constant 400 : i32
    %add3A_150 = arith.addi %mul3A_138, %add3A_149 : i32
    "tpu.region"() ({
      %run_scoped3A_208 = tpu.sem_alloc : memref<!tpu.dma_semaphore, #tpu.memory_space<semaphore_mem>>
      %dma_start3A_209 = arith.constant 0 : i32
      %dma_start3A_210 = tpu.memref_slice %arg16[%add3A_150, %dma_start3A_209] : memref<10112x144xf32, #tpu.memory_space<vmem_shared>> -> memref<80x144xf32, #tpu.memory_space<vmem_shared>>
      %dma_start3A_211 = arith.constant 0 : i32
      %dma_start3A_212 = tpu.memref_slice %arg16[%add3A_150, %dma_start3A_211] : memref<10112x144xf32, #tpu.memory_space<vmem_shared>> -> memref<80x144xf32, #tpu.memory_space<vmem_shared>>
      tpu.enqueue_dma source(%arg11 : memref<80x144xf32, #tpu.memory_space<vmem>>) target(%dma_start3A_212 : memref<80x144xf32, #tpu.memory_space<vmem_shared>>) target_semaphore(%run_scoped3A_208 : memref<!tpu.dma_semaphore, #tpu.memory_space<semaphore_mem>>)
      %dma_wait3A_213 = arith.constant 0 : i32
      %dma_wait3A_214 = tpu.memref_slice %arg16[%add3A_150, %dma_wait3A_213] : memref<10112x144xf32, #tpu.memory_space<vmem_shared>> -> memref<80x144xf32, #tpu.memory_space<vmem_shared>>
      %dma_wait3A_215 = arith.constant 0 : i32
      %dma_wait3A_216 = tpu.memref_slice %arg16[%add3A_150, %dma_wait3A_215] : memref<10112x144xf32, #tpu.memory_space<vmem_shared>> -> memref<80x144xf32, #tpu.memory_space<vmem_shared>>
      tpu.wait_dma2 semaphore(%run_scoped3A_208 : memref<!tpu.dma_semaphore, #tpu.memory_space<semaphore_mem>>) src(%arg11 : memref<80x144xf32, #tpu.memory_space<vmem>>) dst(%dma_wait3A_216 : memref<80x144xf32, #tpu.memory_space<vmem_shared>>)
      tpu.yield
    }) : () -> ()
    %add3A_151 = arith.constant 480 : i32
    %add3A_152 = arith.addi %mul3A_138, %add3A_151 : i32
    "tpu.region"() ({
      %run_scoped3A_208 = tpu.sem_alloc : memref<!tpu.dma_semaphore, #tpu.memory_space<semaphore_mem>>
      %dma_start3A_209 = arith.constant 0 : i32
      %dma_start3A_210 = tpu.memref_slice %arg16[%add3A_152, %dma_start3A_209] : memref<10112x144xf32, #tpu.memory_space<vmem_shared>> -> memref<80x144xf32, #tpu.memory_space<vmem_shared>>
      %dma_start3A_211 = arith.constant 0 : i32
      %dma_start3A_212 = tpu.memref_slice %arg16[%add3A_152, %dma_start3A_211] : memref<10112x144xf32, #tpu.memory_space<vmem_shared>> -> memref<80x144xf32, #tpu.memory_space<vmem_shared>>
      tpu.enqueue_dma source(%arg11 : memref<80x144xf32, #tpu.memory_space<vmem>>) target(%dma_start3A_212 : memref<80x144xf32, #tpu.memory_space<vmem_shared>>) target_semaphore(%run_scoped3A_208 : memref<!tpu.dma_semaphore, #tpu.memory_space<semaphore_mem>>)
      %dma_wait3A_213 = arith.constant 0 : i32
      %dma_wait3A_214 = tpu.memref_slice %arg16[%add3A_152, %dma_wait3A_213] : memref<10112x144xf32, #tpu.memory_space<vmem_shared>> -> memref<80x144xf32, #tpu.memory_space<vmem_shared>>
      %dma_wait3A_215 = arith.constant 0 : i32
      %dma_wait3A_216 = tpu.memref_slice %arg16[%add3A_152, %dma_wait3A_215] : memref<10112x144xf32, #tpu.memory_space<vmem_shared>> -> memref<80x144xf32, #tpu.memory_space<vmem_shared>>
      tpu.wait_dma2 semaphore(%run_scoped3A_208 : memref<!tpu.dma_semaphore, #tpu.memory_space<semaphore_mem>>) src(%arg11 : memref<80x144xf32, #tpu.memory_space<vmem>>) dst(%dma_wait3A_216 : memref<80x144xf32, #tpu.memory_space<vmem_shared>>)
      tpu.yield
    }) : () -> ()
    %add3A_153 = arith.constant 560 : i32
    %add3A_154 = arith.addi %mul3A_138, %add3A_153 : i32
    "tpu.region"() ({
      %run_scoped3A_208 = tpu.sem_alloc : memref<!tpu.dma_semaphore, #tpu.memory_space<semaphore_mem>>
      %dma_start3A_209 = arith.constant 0 : i32
      %dma_start3A_210 = arith.constant 0 : i32
      %dma_start3A_211 = tpu.memref_slice %arg11[%dma_start3A_209, %dma_start3A_210] : memref<80x144xf32, #tpu.memory_space<vmem>> -> memref<72x144xf32, #tpu.memory_space<vmem>>
      %dma_start3A_212 = arith.constant 0 : i32
      %dma_start3A_213 = tpu.memref_slice %arg16[%add3A_154, %dma_start3A_212] : memref<10112x144xf32, #tpu.memory_space<vmem_shared>> -> memref<72x144xf32, #tpu.memory_space<vmem_shared>>
      %dma_start3A_214 = arith.constant 0 : i32
      %dma_start3A_215 = tpu.memref_slice %arg16[%add3A_154, %dma_start3A_214] : memref<10112x144xf32, #tpu.memory_space<vmem_shared>> -> memref<72x144xf32, #tpu.memory_space<vmem_shared>>
      %dma_start3A_216 = arith.constant 0 : i32
      %dma_start3A_217 = arith.constant 0 : i32
      %dma_start3A_218 = tpu.memref_slice %arg11[%dma_start3A_216, %dma_start3A_217] : memref<80x144xf32, #tpu.memory_space<vmem>> -> memref<72x144xf32, #tpu.memory_space<vmem>>
      tpu.enqueue_dma source(%dma_start3A_218 : memref<72x144xf32, #tpu.memory_space<vmem>>) target(%dma_start3A_215 : memref<72x144xf32, #tpu.memory_space<vmem_shared>>) target_semaphore(%run_scoped3A_208 : memref<!tpu.dma_semaphore, #tpu.memory_space<semaphore_mem>>)
      %dma_wait3A_219 = arith.constant 0 : i32
      %dma_wait3A_220 = arith.constant 0 : i32
      %dma_wait3A_221 = tpu.memref_slice %arg11[%dma_wait3A_219, %dma_wait3A_220] : memref<80x144xf32, #tpu.memory_space<vmem>> -> memref<72x144xf32, #tpu.memory_space<vmem>>
      %dma_wait3A_222 = arith.constant 0 : i32
      %dma_wait3A_223 = tpu.memref_slice %arg16[%add3A_154, %dma_wait3A_222] : memref<10112x144xf32, #tpu.memory_space<vmem_shared>> -> memref<72x144xf32, #tpu.memory_space<vmem_shared>>
      %dma_wait3A_224 = arith.constant 0 : i32
      %dma_wait3A_225 = tpu.memref_slice %arg16[%add3A_154, %dma_wait3A_224] : memref<10112x144xf32, #tpu.memory_space<vmem_shared>> -> memref<72x144xf32, #tpu.memory_space<vmem_shared>>
      %dma_wait3A_226 = arith.constant 0 : i32
      %dma_wait3A_227 = arith.constant 0 : i32
      %dma_wait3A_228 = tpu.memref_slice %arg11[%dma_wait3A_226, %dma_wait3A_227] : memref<80x144xf32, #tpu.memory_space<vmem>> -> memref<72x144xf32, #tpu.memory_space<vmem>>
      tpu.wait_dma2 semaphore(%run_scoped3A_208 : memref<!tpu.dma_semaphore, #tpu.memory_space<semaphore_mem>>) src(%dma_wait3A_228 : memref<72x144xf32, #tpu.memory_space<vmem>>) dst(%dma_wait3A_225 : memref<72x144xf32, #tpu.memory_space<vmem_shared>>)
      tpu.yield
    }) : () -> ()
    %barrier3A = arith.constant 0 : index
    tpu.barrier barrier_id(%barrier3A)
    %get3A = arith.constant 0 : index
    %get3A_155 = tpu.vector_load %arg15[%get3A] {strides = array<i32>} : memref<16xf32, #tpu.memory_space<vmem>>, vector<16xf32>,
    %get3A_156 = vector.shape_cast %get3A_155 : vector<16xf32> to vector<16xf32>
    %lt3A = arith.constant 4 : i32
    %lt3A_157 = vector.broadcast %lt3A : i32 to vector<16xi32>
    %lt3A_158 = arith.cmpi slt, %iota3A, %lt3A_157 : vector<16xi32>
    %scan3A_159 = arith.constant 0 : i32
    %scan3A_160 = arith.constant 0 : i32
    %scan3A_161 = arith.constant 21 : i32
    %scan3A_162 = arith.addi %scan3A_160, %scan3A_161 : i32
    %scan3A_163 = arith.constant 1 : i32
    %scan3A_164 = scf.for %scan3A_208 = %scan3A_160 to %scan3A_162 step %scan3A_163 iter_args(%scan3A_209 = %scan3A_159) -> (i32)  : i32 {
      %mul3A_210 = arith.constant 6 : i32
      %mul3A_211 = arith.muli %mul3A_210, %scan3A_208 : i32
      %add3A_212 = arith.constant 0 : i32
      %add3A_213 = arith.addi %mul3A_211, %add3A_212 : i32
      %mul3A_214 = arith.constant 32 : i32
      %mul3A_215 = arith.muli %add3A_213, %mul3A_214 : i32
      %add3A_216 = arith.addi %add3A, %mul3A_215 : i32
      %add3A_217 = arith.constant 32 : i32
      %add3A_218 = arith.addi %add3A_216, %add3A_217 : i32
      %gt3A = arith.constant 0 : i32
      %gt3A_219 = arith.cmpi sgt, %scan3A_208, %gt3A : i32
      %lt3A_220 = arith.constant 4000 : i32
      %lt3A_221 = arith.cmpi slt, %add3A_218, %lt3A_220 : i32
      %and3A = arith.andi %gt3A_219, %lt3A_221 : i1
      %convert_element_type3A = arith.extui %and3A : i1 to i32
      %cond3A = arith.constant 0 : i32
      %cond3A_222 = arith.cmpi ne, %convert_element_type3A, %cond3A : i32
      scf.if %cond3A_222 {
        %dma_wait3A_399 = arith.constant 0 : i32
        %dma_wait3A_400 = arith.constant 0 : i32
        %dma_wait3A_401 = tpu.memref_slice %arg8[%dma_wait3A_399, %dma_wait3A_400] : memref<6x80xi32, #tpu.memory_space<vmem>> -> memref<1x80xi32, #tpu.memory_space<vmem>>
        %dma_wait3A_402 = tpu.memref_squeeze %dma_wait3A_401 : memref<1x80xi32, #tpu.memory_space<vmem>> -> memref<80xi32, #tpu.memory_space<vmem>>
        %dma_wait3A_403 = arith.constant 0 : i32
        %dma_wait3A_404 = arith.constant 0 : i32
        %dma_wait3A_405 = tpu.memref_slice %arg16[%dma_wait3A_403, %dma_wait3A_404] : memref<10112x144xf32, #tpu.memory_space<vmem_shared>> -> memref<10112x144xf32, #tpu.memory_space<vmem_shared>>
        tpu.wait_indirect_dma semaphore(%arg24 : memref<!tpu.dma_semaphore, #tpu.memory_space<semaphore_mem>>) src(%arg11 : memref<80x144xf32, #tpu.memory_space<vmem>>) dst(%dma_wait3A_405 : memref<10112x144xf32, #tpu.memory_space<vmem_shared>>)
      } else {
      }
      %lt3A_223 = arith.constant 4000 : i32
      %lt3A_224 = arith.cmpi slt, %add3A_218, %lt3A_223 : i32
      %convert_element_type3A_225 = arith.extui %lt3A_224 : i1 to i32
      %cond3A_226 = arith.constant 0 : i32
      %cond3A_227 = arith.cmpi ne, %convert_element_type3A_225, %cond3A_226 : i32
      scf.if %cond3A_227 {
        %dma_wait3A_399 = arith.constant 0 : i32
        %dma_wait3A_400 = arith.constant 1 : i32
        %dma_wait3A_401 = arith.constant 0 : i32
        %dma_wait3A_402 = tpu.memref_slice %arg7[%dma_wait3A_400, %dma_wait3A_401] : memref<6x80xi32, #tpu.memory_space<vmem>> -> memref<1x80xi32, #tpu.memory_space<vmem>>
        %dma_wait3A_403 = tpu.memref_squeeze %dma_wait3A_402 : memref<1x80xi32, #tpu.memory_space<vmem>> -> memref<80xi32, #tpu.memory_space<vmem>>
        %dma_wait3A_404 = arith.constant 0 : i32
        %dma_wait3A_405 = tpu.memref_slice %arg4[%dma_wait3A_399, %add3A_218, %dma_wait3A_404] : memref<2x4000x80xi32, #tpu.memory_space<hbm>> -> memref<1x1x80xi32, #tpu.memory_space<hbm>>
        %dma_wait3A_406 = tpu.memref_squeeze %dma_wait3A_405 : memref<1x1x80xi32, #tpu.memory_space<hbm>> -> memref<80xi32, #tpu.memory_space<hbm>>
        %dma_wait3A_407 = arith.constant 0 : i32
        %dma_wait3A_408 = tpu.memref_slice %arg7[%dma_wait3A_400, %dma_wait3A_407] : memref<6x80xi32, #tpu.memory_space<vmem>> -> memref<1x80xi32, #tpu.memory_space<vmem>>
        %dma_wait3A_409 = tpu.memref_squeeze %dma_wait3A_408 : memref<1x80xi32, #tpu.memory_space<vmem>> -> memref<80xi32, #tpu.memory_space<vmem>>
        %dma_wait3A_410 = arith.constant 0 : i32
        %dma_wait3A_411 = tpu.memref_slice %arg4[%dma_wait3A_399, %add3A_218, %dma_wait3A_410] : memref<2x4000x80xi32, #tpu.memory_space<hbm>> -> memref<1x1x80xi32, #tpu.memory_space<hbm>>
        %dma_wait3A_412 = tpu.memref_squeeze %dma_wait3A_411 : memref<1x1x80xi32, #tpu.memory_space<hbm>> -> memref<80xi32, #tpu.memory_space<hbm>>
        tpu.wait_dma2 semaphore(%arg27 : memref<!tpu.dma_semaphore, #tpu.memory_space<semaphore_mem>>) src(%dma_wait3A_412 : memref<80xi32, #tpu.memory_space<hbm>>) dst(%dma_wait3A_409 : memref<80xi32, #tpu.memory_space<vmem>>)
        %dma_wait3A_413 = arith.constant 1 : i32
        %dma_wait3A_414 = arith.constant 1 : i32
        %dma_wait3A_415 = arith.constant 0 : i32
        %dma_wait3A_416 = tpu.memref_slice %arg8[%dma_wait3A_414, %dma_wait3A_415] : memref<6x80xi32, #tpu.memory_space<vmem>> -> memref<1x80xi32, #tpu.memory_space<vmem>>
        %dma_wait3A_417 = tpu.memref_squeeze %dma_wait3A_416 : memref<1x80xi32, #tpu.memory_space<vmem>> -> memref<80xi32, #tpu.memory_space<vmem>>
        %dma_wait3A_418 = arith.constant 0 : i32
        %dma_wait3A_419 = tpu.memref_slice %arg4[%dma_wait3A_413, %add3A_218, %dma_wait3A_418] : memref<2x4000x80xi32, #tpu.memory_space<hbm>> -> memref<1x1x80xi32, #tpu.memory_space<hbm>>
        %dma_wait3A_420 = tpu.memref_squeeze %dma_wait3A_419 : memref<1x1x80xi32, #tpu.memory_space<hbm>> -> memref<80xi32, #tpu.memory_space<hbm>>
        %dma_wait3A_421 = arith.constant 0 : i32
        %dma_wait3A_422 = tpu.memref_slice %arg8[%dma_wait3A_414, %dma_wait3A_421] : memref<6x80xi32, #tpu.memory_space<vmem>> -> memref<1x80xi32, #tpu.memory_space<vmem>>
        %dma_wait3A_423 = tpu.memref_squeeze %dma_wait3A_422 : memref<1x80xi32, #tpu.memory_space<vmem>> -> memref<80xi32, #tpu.memory_space<vmem>>
        %dma_wait3A_424 = arith.constant 0 : i32
        %dma_wait3A_425 = tpu.memref_slice %arg4[%dma_wait3A_413, %add3A_218, %dma_wait3A_424] : memref<2x4000x80xi32, #tpu.memory_space<hbm>> -> memref<1x1x80xi32, #tpu.memory_space<hbm>>
        %dma_wait3A_426 = tpu.memref_squeeze %dma_wait3A_425 : memref<1x1x80xi32, #tpu.memory_space<hbm>> -> memref<80xi32, #tpu.memory_space<hbm>>
        tpu.wait_dma2 semaphore(%arg27 : memref<!tpu.dma_semaphore, #tpu.memory_space<semaphore_mem>>) src(%dma_wait3A_426 : memref<80xi32, #tpu.memory_space<hbm>>) dst(%dma_wait3A_423 : memref<80xi32, #tpu.memory_space<vmem>>)
        %dma_start3A_427 = arith.constant 1 : i32
        %dma_start3A_428 = arith.constant 0 : i32
        %dma_start3A_429 = tpu.memref_slice %arg7[%dma_start3A_427, %dma_start3A_428] : memref<6x80xi32, #tpu.memory_space<vmem>> -> memref<1x80xi32, #tpu.memory_space<vmem>>
        %dma_start3A_430 = tpu.memref_squeeze %dma_start3A_429 : memref<1x80xi32, #tpu.memory_space<vmem>> -> memref<80xi32, #tpu.memory_space<vmem>>
        %dma_start3A_431 = arith.constant 0 : i32
        %dma_start3A_432 = arith.constant 0 : i32
        %dma_start3A_433 = tpu.memref_slice %arg2[%dma_start3A_431, %dma_start3A_432] : memref<10000x144xf32, #tpu.memory_space<hbm>> -> memref<10000x144xf32, #tpu.memory_space<hbm>>
        tpu.enqueue_indirect_dma source(%dma_start3A_433 : memref<10000x144xf32, #tpu.memory_space<hbm>>) target(%arg11 : memref<80x144xf32, #tpu.memory_space<vmem>>) offsets(%dma_start3A_430 : memref<80xi32, #tpu.memory_space<vmem>>) semaphore(%arg19 : memref<!tpu.dma_semaphore, #tpu.memory_space<semaphore_mem>>)
        %dma_start3A_434 = arith.constant 1 : i32
        %dma_start3A_435 = arith.constant 0 : i32
        %dma_start3A_436 = tpu.memref_slice %arg8[%dma_start3A_434, %dma_start3A_435] : memref<6x80xi32, #tpu.memory_space<vmem>> -> memref<1x80xi32, #tpu.memory_space<vmem>>
        %dma_start3A_437 = tpu.memref_squeeze %dma_start3A_436 : memref<1x80xi32, #tpu.memory_space<vmem>> -> memref<80xi32, #tpu.memory_space<vmem>>
        %dma_start3A_438 = arith.constant 0 : i32
        %dma_start3A_439 = arith.constant 0 : i32
        %dma_start3A_440 = tpu.memref_slice %arg3[%dma_start3A_438, %dma_start3A_439] : memref<10000x16xf32, #tpu.memory_space<hbm>> -> memref<10000x16xf32, #tpu.memory_space<hbm>>
        tpu.enqueue_indirect_dma source(%dma_start3A_440 : memref<10000x16xf32, #tpu.memory_space<hbm>>) target(%arg12 : memref<80x16xf32, #tpu.memory_space<vmem>>) offsets(%dma_start3A_437 : memref<80xi32, #tpu.memory_space<vmem>>) semaphore(%arg20 : memref<!tpu.dma_semaphore, #tpu.memory_space<semaphore_mem>>)
      } else {
      }
      %add3A_228 = arith.constant 96 : i32
      %add3A_229 = arith.addi %add3A_216, %add3A_228 : i32
      %lt3A_230 = arith.constant 4000 : i32
      %lt3A_231 = arith.cmpi slt, %add3A_229, %lt3A_230 : i32
      %convert_element_type3A_232 = arith.extui %lt3A_231 : i1 to i32
      %cond3A_233 = arith.constant 0 : i32
      %cond3A_234 = arith.cmpi ne, %convert_element_type3A_232, %cond3A_233 : i32
      scf.if %cond3A_234 {
        %add3A_399 = arith.constant 96 : i32
        %add3A_400 = arith.addi %add3A_216, %add3A_399 : i32
        %dma_start3A_401 = arith.constant 0 : i32
        %dma_start3A_402 = arith.constant 3 : i32
        %dma_start3A_403 = arith.constant 0 : i32
        %dma_start3A_404 = tpu.memref_slice %arg7[%dma_start3A_402, %dma_start3A_403] : memref<6x80xi32, #tpu.memory_space<vmem>> -> memref<1x80xi32, #tpu.memory_space<vmem>>
        %dma_start3A_405 = tpu.memref_squeeze %dma_start3A_404 : memref<1x80xi32, #tpu.memory_space<vmem>> -> memref<80xi32, #tpu.memory_space<vmem>>
        %dma_start3A_406 = arith.constant 0 : i32
        %dma_start3A_407 = tpu.memref_slice %arg4[%dma_start3A_401, %add3A_400, %dma_start3A_406] : memref<2x4000x80xi32, #tpu.memory_space<hbm>> -> memref<1x1x80xi32, #tpu.memory_space<hbm>>
        %dma_start3A_408 = tpu.memref_squeeze %dma_start3A_407 : memref<1x1x80xi32, #tpu.memory_space<hbm>> -> memref<80xi32, #tpu.memory_space<hbm>>
        %dma_start3A_409 = arith.constant 0 : i32
        %dma_start3A_410 = tpu.memref_slice %arg7[%dma_start3A_402, %dma_start3A_409] : memref<6x80xi32, #tpu.memory_space<vmem>> -> memref<1x80xi32, #tpu.memory_space<vmem>>
        %dma_start3A_411 = tpu.memref_squeeze %dma_start3A_410 : memref<1x80xi32, #tpu.memory_space<vmem>> -> memref<80xi32, #tpu.memory_space<vmem>>
        %dma_start3A_412 = arith.constant 0 : i32
        %dma_start3A_413 = tpu.memref_slice %arg4[%dma_start3A_401, %add3A_400, %dma_start3A_412] : memref<2x4000x80xi32, #tpu.memory_space<hbm>> -> memref<1x1x80xi32, #tpu.memory_space<hbm>>
        %dma_start3A_414 = tpu.memref_squeeze %dma_start3A_413 : memref<1x1x80xi32, #tpu.memory_space<hbm>> -> memref<80xi32, #tpu.memory_space<hbm>>
        tpu.enqueue_dma source(%dma_start3A_414 : memref<80xi32, #tpu.memory_space<hbm>>) target(%dma_start3A_411 : memref<80xi32, #tpu.memory_space<vmem>>) target_semaphore(%arg29 : memref<!tpu.dma_semaphore, #tpu.memory_space<semaphore_mem>>)
        %dma_start3A_415 = arith.constant 1 : i32
        %dma_start3A_416 = arith.constant 3 : i32
        %dma_start3A_417 = arith.constant 0 : i32
        %dma_start3A_418 = tpu.memref_slice %arg8[%dma_start3A_416, %dma_start3A_417] : memref<6x80xi32, #tpu.memory_space<vmem>> -> memref<1x80xi32, #tpu.memory_space<vmem>>
        %dma_start3A_419 = tpu.memref_squeeze %dma_start3A_418 : memref<1x80xi32, #tpu.memory_space<vmem>> -> memref<80xi32, #tpu.memory_space<vmem>>
        %dma_start3A_420 = arith.constant 0 : i32
        %dma_start3A_421 = tpu.memref_slice %arg4[%dma_start3A_415, %add3A_400, %dma_start3A_420] : memref<2x4000x80xi32, #tpu.memory_space<hbm>> -> memref<1x1x80xi32, #tpu.memory_space<hbm>>
        %dma_start3A_422 = tpu.memref_squeeze %dma_start3A_421 : memref<1x1x80xi32, #tpu.memory_space<hbm>> -> memref<80xi32, #tpu.memory_space<hbm>>
        %dma_start3A_423 = arith.constant 0 : i32
        %dma_start3A_424 = tpu.memref_slice %arg8[%dma_start3A_416, %dma_start3A_423] : memref<6x80xi32, #tpu.memory_space<vmem>> -> memref<1x80xi32, #tpu.memory_space<vmem>>
        %dma_start3A_425 = tpu.memref_squeeze %dma_start3A_424 : memref<1x80xi32, #tpu.memory_space<vmem>> -> memref<80xi32, #tpu.memory_space<vmem>>
        %dma_start3A_426 = arith.constant 0 : i32
        %dma_start3A_427 = tpu.memref_slice %arg4[%dma_start3A_415, %add3A_400, %dma_start3A_426] : memref<2x4000x80xi32, #tpu.memory_space<hbm>> -> memref<1x1x80xi32, #tpu.memory_space<hbm>>
        %dma_start3A_428 = tpu.memref_squeeze %dma_start3A_427 : memref<1x1x80xi32, #tpu.memory_space<hbm>> -> memref<80xi32, #tpu.memory_space<hbm>>
        tpu.enqueue_dma source(%dma_start3A_428 : memref<80xi32, #tpu.memory_space<hbm>>) target(%dma_start3A_425 : memref<80xi32, #tpu.memory_space<vmem>>) target_semaphore(%arg29 : memref<!tpu.dma_semaphore, #tpu.memory_space<semaphore_mem>>)
      } else {
      }
      %lt3A_235 = arith.constant 4000 : i32
      %lt3A_236 = arith.cmpi slt, %add3A_216, %lt3A_235 : i32
      %convert_element_type3A_237 = arith.extui %lt3A_236 : i1 to i32
      %cond3A_238 = arith.constant 0 : i32
      %cond3A_239 = arith.cmpi ne, %convert_element_type3A_237, %cond3A_238 : i32
      scf.if %cond3A_239 {
        %dma_wait3A_399 = arith.constant 0 : i32
        %dma_wait3A_400 = arith.constant 0 : i32
        %dma_wait3A_401 = tpu.memref_slice %arg7[%dma_wait3A_399, %dma_wait3A_400] : memref<6x80xi32, #tpu.memory_space<vmem>> -> memref<1x80xi32, #tpu.memory_space<vmem>>
        %dma_wait3A_402 = tpu.memref_squeeze %dma_wait3A_401 : memref<1x80xi32, #tpu.memory_space<vmem>> -> memref<80xi32, #tpu.memory_space<vmem>>
        %dma_wait3A_403 = arith.constant 0 : i32
        %dma_wait3A_404 = arith.constant 0 : i32
        %dma_wait3A_405 = tpu.memref_slice %arg2[%dma_wait3A_403, %dma_wait3A_404] : memref<10000x144xf32, #tpu.memory_space<hbm>> -> memref<10000x144xf32, #tpu.memory_space<hbm>>
        tpu.wait_indirect_dma semaphore(%arg17 : memref<!tpu.dma_semaphore, #tpu.memory_space<semaphore_mem>>) src(%dma_wait3A_405 : memref<10000x144xf32, #tpu.memory_space<hbm>>) dst(%arg9 : memref<80x144xf32, #tpu.memory_space<vmem>>)
        %dma_wait3A_406 = arith.constant 0 : i32
        %dma_wait3A_407 = arith.constant 0 : i32
        %dma_wait3A_408 = tpu.memref_slice %arg8[%dma_wait3A_406, %dma_wait3A_407] : memref<6x80xi32, #tpu.memory_space<vmem>> -> memref<1x80xi32, #tpu.memory_space<vmem>>
        %dma_wait3A_409 = tpu.memref_squeeze %dma_wait3A_408 : memref<1x80xi32, #tpu.memory_space<vmem>> -> memref<80xi32, #tpu.memory_space<vmem>>
        %dma_wait3A_410 = arith.constant 0 : i32
        %dma_wait3A_411 = arith.constant 0 : i32
        %dma_wait3A_412 = tpu.memref_slice %arg3[%dma_wait3A_410, %dma_wait3A_411] : memref<10000x16xf32, #tpu.memory_space<hbm>> -> memref<10000x16xf32, #tpu.memory_space<hbm>>
        tpu.wait_indirect_dma semaphore(%arg18 : memref<!tpu.dma_semaphore, #tpu.memory_space<semaphore_mem>>) src(%dma_wait3A_412 : memref<10000x16xf32, #tpu.memory_space<hbm>>) dst(%arg10 : memref<80x16xf32, #tpu.memory_space<vmem>>)
        %parallel_loop3A = arith.constant 0 : i32
        %parallel_loop3A_413 = arith.constant 80 : i32
        %parallel_loop3A_414 = arith.constant 1 : i32
        scf.for %parallel_loop3A_422 = %parallel_loop3A to %parallel_loop3A_413 step %parallel_loop3A_414  : i32 {
          %parallel_loop3A_423 = arith.index_cast %parallel_loop3A_422 : i32 to index
          %parallel_loop3A_424 = arith.constant 0 : index
          %parallel_loop3A_425 = tpu.vector_load %arg10[%parallel_loop3A_423, %parallel_loop3A_424] {strides = array<i32>} : memref<80x16xf32, #tpu.memory_space<vmem>>, vector<1x16xf32>,
          %parallel_loop3A_426 = vector.shape_cast %parallel_loop3A_425 : vector<1x16xf32> to vector<16xf32>
          %parallel_loop3A_427 = arith.index_cast %parallel_loop3A_422 : i32 to index
          %parallel_loop3A_428 = arith.constant 128 : index
          %parallel_loop3A_429 = tpu.vector_load %arg9[%parallel_loop3A_427, %parallel_loop3A_428] {strides = array<i32>} : memref<80x144xf32, #tpu.memory_space<vmem>>, vector<1x16xf32>,
          %parallel_loop3A_430 = vector.shape_cast %parallel_loop3A_429 : vector<1x16xf32> to vector<16xf32>
          %parallel_loop3A_431 = arith.addf %parallel_loop3A_430, %parallel_loop3A_426 : vector<16xf32>
          %parallel_loop3A_432 = arith.constant 2.000000e-01 : f32
          %parallel_loop3A_433 = vector.broadcast %parallel_loop3A_432 : f32 to vector<16xf32>
          %parallel_loop3A_434 = arith.mulf %parallel_loop3A_433, %parallel_loop3A_431 : vector<16xf32>
          %parallel_loop3A_435 = arith.maximumf %parallel_loop3A_431, %parallel_loop3A_434 : vector<16xf32>
          %parallel_loop3A_436 = arith.addf %get3A_156, %parallel_loop3A_426 : vector<16xf32>
          %parallel_loop3A_437 = arith.constant 2.000000e-01 : f32
          %parallel_loop3A_438 = vector.broadcast %parallel_loop3A_437 : f32 to vector<16xf32>
          %parallel_loop3A_439 = arith.mulf %parallel_loop3A_438, %parallel_loop3A_436 : vector<16xf32>
          %parallel_loop3A_440 = arith.maximumf %parallel_loop3A_436, %parallel_loop3A_439 : vector<16xf32>
          %parallel_loop3A_441 = arith.subf %parallel_loop3A_435, %parallel_loop3A_440 : vector<16xf32>
          %parallel_loop3A_442 = math.exp %parallel_loop3A_441 : vector<16xf32>
          %parallel_loop3A_443 = arith.constant 0.000000e+00 : f32
          %parallel_loop3A_444 = vector.broadcast %parallel_loop3A_443 : f32 to vector<16xf32>
          %parallel_loop3A_445 = arith.select %lt3A_158, %parallel_loop3A_442, %parallel_loop3A_444 : vector<16xi1>, vector<16xf32>
          %parallel_loop3A_446 = arith.index_cast %parallel_loop3A_422 : i32 to index
          %parallel_loop3A_447 = arith.constant 128 : index
          %parallel_loop3A_448 = tpu.vector_load %arg9[%parallel_loop3A_446, %parallel_loop3A_447] {strides = array<i32>} : memref<80x144xf32, #tpu.memory_space<vmem>>, vector<1x16xf32>,
          %parallel_loop3A_449 = vector.shape_cast %parallel_loop3A_448 : vector<1x16xf32> to vector<16xf32>
          %parallel_loop3A_450 = vector.shape_cast %parallel_loop3A_445 : vector<16xf32> to vector<1x16xf32>
          tpu.vector_store %arg9[%parallel_loop3A_446, %parallel_loop3A_447], %parallel_loop3A_450 {strides = array<i32>} : memref<80x144xf32, #tpu.memory_space<vmem>>, vector<1x16xf32>,
          %parallel_loop3A_451 = vector.extract_strided_slice %parallel_loop3A_445 {offsets = [0], sizes = [1], strides = [1]} : vector<16xf32> to vector<1xf32>
          %parallel_loop3A_452 = vector.extract %parallel_loop3A_451[0] : f32 from vector<1xf32>
          %parallel_loop3A_453 = arith.index_cast %parallel_loop3A_422 : i32 to index
          %parallel_loop3A_454 = arith.constant 0 : index
          %parallel_loop3A_455 = tpu.vector_load %arg9[%parallel_loop3A_453, %parallel_loop3A_454] {strides = array<i32>} : memref<80x144xf32, #tpu.memory_space<vmem>>, vector<1x16xf32>,
          %parallel_loop3A_456 = vector.shape_cast %parallel_loop3A_455 : vector<1x16xf32> to vector<16xf32>
          %parallel_loop3A_457 = vector.broadcast %parallel_loop3A_452 : f32 to vector<16xf32>
          %parallel_loop3A_458 = arith.mulf %parallel_loop3A_456, %parallel_loop3A_457 : vector<16xf32>
          %parallel_loop3A_459 = arith.index_cast %parallel_loop3A_422 : i32 to index
          %parallel_loop3A_460 = arith.constant 0 : index
          %parallel_loop3A_461 = tpu.vector_load %arg9[%parallel_loop3A_459, %parallel_loop3A_460] {strides = array<i32>} : memref<80x144xf32, #tpu.memory_space<vmem>>, vector<1x16xf32>,
          %parallel_loop3A_462 = vector.shape_cast %parallel_loop3A_461 : vector<1x16xf32> to vector<16xf32>
          %parallel_loop3A_463 = vector.shape_cast %parallel_loop3A_458 : vector<16xf32> to vector<1x16xf32>
          tpu.vector_store %arg9[%parallel_loop3A_459, %parallel_loop3A_460], %parallel_loop3A_463 {strides = array<i32>} : memref<80x144xf32, #tpu.memory_space<vmem>>, vector<1x16xf32>,
          %parallel_loop3A_464 = vector.extract_strided_slice %parallel_loop3A_445 {offsets = [0], sizes = [1], strides = [1]} : vector<16xf32> to vector<1xf32>
          %parallel_loop3A_465 = vector.extract %parallel_loop3A_464[0] : f32 from vector<1xf32>
          %parallel_loop3A_466 = arith.index_cast %parallel_loop3A_422 : i32 to index
          %parallel_loop3A_467 = arith.constant 16 : index
          %parallel_loop3A_468 = tpu.vector_load %arg9[%parallel_loop3A_466, %parallel_loop3A_467] {strides = array<i32>} : memref<80x144xf32, #tpu.memory_space<vmem>>, vector<1x16xf32>,
          %parallel_loop3A_469 = vector.shape_cast %parallel_loop3A_468 : vector<1x16xf32> to vector<16xf32>
          %parallel_loop3A_470 = vector.broadcast %parallel_loop3A_465 : f32 to vector<16xf32>
          %parallel_loop3A_471 = arith.mulf %parallel_loop3A_469, %parallel_loop3A_470 : vector<16xf32>
          %parallel_loop3A_472 = arith.index_cast %parallel_loop3A_422 : i32 to index
          %parallel_loop3A_473 = arith.constant 16 : index
          %parallel_loop3A_474 = tpu.vector_load %arg9[%parallel_loop3A_472, %parallel_loop3A_473] {strides = array<i32>} : memref<80x144xf32, #tpu.memory_space<vmem>>, vector<1x16xf32>,
          %parallel_loop3A_475 = vector.shape_cast %parallel_loop3A_474 : vector<1x16xf32> to vector<16xf32>
          %parallel_loop3A_476 = vector.shape_cast %parallel_loop3A_471 : vector<16xf32> to vector<1x16xf32>
          tpu.vector_store %arg9[%parallel_loop3A_472, %parallel_loop3A_473], %parallel_loop3A_476 {strides = array<i32>} : memref<80x144xf32, #tpu.memory_space<vmem>>, vector<1x16xf32>,
          %parallel_loop3A_477 = vector.extract_strided_slice %parallel_loop3A_445 {offsets = [1], sizes = [1], strides = [1]} : vector<16xf32> to vector<1xf32>
          %parallel_loop3A_478 = vector.extract %parallel_loop3A_477[0] : f32 from vector<1xf32>
          %parallel_loop3A_479 = arith.index_cast %parallel_loop3A_422 : i32 to index
          %parallel_loop3A_480 = arith.constant 32 : index
          %parallel_loop3A_481 = tpu.vector_load %arg9[%parallel_loop3A_479, %parallel_loop3A_480] {strides = array<i32>} : memref<80x144xf32, #tpu.memory_space<vmem>>, vector<1x16xf32>,
          %parallel_loop3A_482 = vector.shape_cast %parallel_loop3A_481 : vector<1x16xf32> to vector<16xf32>
          %parallel_loop3A_483 = vector.broadcast %parallel_loop3A_478 : f32 to vector<16xf32>
          %parallel_loop3A_484 = arith.mulf %parallel_loop3A_482, %parallel_loop3A_483 : vector<16xf32>
          %parallel_loop3A_485 = arith.index_cast %parallel_loop3A_422 : i32 to index
          %parallel_loop3A_486 = arith.constant 32 : index
          %parallel_loop3A_487 = tpu.vector_load %arg9[%parallel_loop3A_485, %parallel_loop3A_486] {strides = array<i32>} : memref<80x144xf32, #tpu.memory_space<vmem>>, vector<1x16xf32>,
          %parallel_loop3A_488 = vector.shape_cast %parallel_loop3A_487 : vector<1x16xf32> to vector<16xf32>
          %parallel_loop3A_489 = vector.shape_cast %parallel_loop3A_484 : vector<16xf32> to vector<1x16xf32>
          tpu.vector_store %arg9[%parallel_loop3A_485, %parallel_loop3A_486], %parallel_loop3A_489 {strides = array<i32>} : memref<80x144xf32, #tpu.memory_space<vmem>>, vector<1x16xf32>,
          %parallel_loop3A_490 = vector.extract_strided_slice %parallel_loop3A_445 {offsets = [1], sizes = [1], strides = [1]} : vector<16xf32> to vector<1xf32>
          %parallel_loop3A_491 = vector.extract %parallel_loop3A_490[0] : f32 from vector<1xf32>
          %parallel_loop3A_492 = arith.index_cast %parallel_loop3A_422 : i32 to index
          %parallel_loop3A_493 = arith.constant 48 : index
          %parallel_loop3A_494 = tpu.vector_load %arg9[%parallel_loop3A_492, %parallel_loop3A_493] {strides = array<i32>} : memref<80x144xf32, #tpu.memory_space<vmem>>, vector<1x16xf32>,
          %parallel_loop3A_495 = vector.shape_cast %parallel_loop3A_494 : vector<1x16xf32> to vector<16xf32>
          %parallel_loop3A_496 = vector.broadcast %parallel_loop3A_491 : f32 to vector<16xf32>
          %parallel_loop3A_497 = arith.mulf %parallel_loop3A_495, %parallel_loop3A_496 : vector<16xf32>
          %parallel_loop3A_498 = arith.index_cast %parallel_loop3A_422 : i32 to index
          %parallel_loop3A_499 = arith.constant 48 : index
          %parallel_loop3A_500 = tpu.vector_load %arg9[%parallel_loop3A_498, %parallel_loop3A_499] {strides = array<i32>} : memref<80x144xf32, #tpu.memory_space<vmem>>, vector<1x16xf32>,
          %parallel_loop3A_501 = vector.shape_cast %parallel_loop3A_500 : vector<1x16xf32> to vector<16xf32>
          %parallel_loop3A_502 = vector.shape_cast %parallel_loop3A_497 : vector<16xf32> to vector<1x16xf32>
          tpu.vector_store %arg9[%parallel_loop3A_498, %parallel_loop3A_499], %parallel_loop3A_502 {strides = array<i32>} : memref<80x144xf32, #tpu.memory_space<vmem>>, vector<1x16xf32>,
          %parallel_loop3A_503 = vector.extract_strided_slice %parallel_loop3A_445 {offsets = [2], sizes = [1], strides = [1]} : vector<16xf32> to vector<1xf32>
          %parallel_loop3A_504 = vector.extract %parallel_loop3A_503[0] : f32 from vector<1xf32>
          %parallel_loop3A_505 = arith.index_cast %parallel_loop3A_422 : i32 to index
          %parallel_loop3A_506 = arith.constant 64 : index
          %parallel_loop3A_507 = tpu.vector_load %arg9[%parallel_loop3A_505, %parallel_loop3A_506] {strides = array<i32>} : memref<80x144xf32, #tpu.memory_space<vmem>>, vector<1x16xf32>,
          %parallel_loop3A_508 = vector.shape_cast %parallel_loop3A_507 : vector<1x16xf32> to vector<16xf32>
          %parallel_loop3A_509 = vector.broadcast %parallel_loop3A_504 : f32 to vector<16xf32>
          %parallel_loop3A_510 = arith.mulf %parallel_loop3A_508, %parallel_loop3A_509 : vector<16xf32>
          %parallel_loop3A_511 = arith.index_cast %parallel_loop3A_422 : i32 to index
          %parallel_loop3A_512 = arith.constant 64 : index
          %parallel_loop3A_513 = tpu.vector_load %arg9[%parallel_loop3A_511, %parallel_loop3A_512] {strides = array<i32>} : memref<80x144xf32, #tpu.memory_space<vmem>>, vector<1x16xf32>,
          %parallel_loop3A_514 = vector.shape_cast %parallel_loop3A_513 : vector<1x16xf32> to vector<16xf32>
          %parallel_loop3A_515 = vector.shape_cast %parallel_loop3A_510 : vector<16xf32> to vector<1x16xf32>
          tpu.vector_store %arg9[%parallel_loop3A_511, %parallel_loop3A_512], %parallel_loop3A_515 {strides = array<i32>} : memref<80x144xf32, #tpu.memory_space<vmem>>, vector<1x16xf32>,
          %parallel_loop3A_516 = vector.extract_strided_slice %parallel_loop3A_445 {offsets = [2], sizes = [1], strides = [1]} : vector<16xf32> to vector<1xf32>
          %parallel_loop3A_517 = vector.extract %parallel_loop3A_516[0] : f32 from vector<1xf32>
          %parallel_loop3A_518 = arith.index_cast %parallel_loop3A_422 : i32 to index
          %parallel_loop3A_519 = arith.constant 80 : index
          %parallel_loop3A_520 = tpu.vector_load %arg9[%parallel_loop3A_518, %parallel_loop3A_519] {strides = array<i32>} : memref<80x144xf32, #tpu.memory_space<vmem>>, vector<1x16xf32>,
          %parallel_loop3A_521 = vector.shape_cast %parallel_loop3A_520 : vector<1x16xf32> to vector<16xf32>
          %parallel_loop3A_522 = vector.broadcast %parallel_loop3A_517 : f32 to vector<16xf32>
          %parallel_loop3A_523 = arith.mulf %parallel_loop3A_521, %parallel_loop3A_522 : vector<16xf32>
          %parallel_loop3A_524 = arith.index_cast %parallel_loop3A_422 : i32 to index
          %parallel_loop3A_525 = arith.constant 80 : index
          %parallel_loop3A_526 = tpu.vector_load %arg9[%parallel_loop3A_524, %parallel_loop3A_525] {strides = array<i32>} : memref<80x144xf32, #tpu.memory_space<vmem>>, vector<1x16xf32>,
          %parallel_loop3A_527 = vector.shape_cast %parallel_loop3A_526 : vector<1x16xf32> to vector<16xf32>
          %parallel_loop3A_528 = vector.shape_cast %parallel_loop3A_523 : vector<16xf32> to vector<1x16xf32>
          tpu.vector_store %arg9[%parallel_loop3A_524, %parallel_loop3A_525], %parallel_loop3A_528 {strides = array<i32>} : memref<80x144xf32, #tpu.memory_space<vmem>>, vector<1x16xf32>,
          %parallel_loop3A_529 = vector.extract_strided_slice %parallel_loop3A_445 {offsets = [3], sizes = [1], strides = [1]} : vector<16xf32> to vector<1xf32>
          %parallel_loop3A_530 = vector.extract %parallel_loop3A_529[0] : f32 from vector<1xf32>
          %parallel_loop3A_531 = arith.index_cast %parallel_loop3A_422 : i32 to index
          %parallel_loop3A_532 = arith.constant 96 : index
          %parallel_loop3A_533 = tpu.vector_load %arg9[%parallel_loop3A_531, %parallel_loop3A_532] {strides = array<i32>} : memref<80x144xf32, #tpu.memory_space<vmem>>, vector<1x16xf32>,
          %parallel_loop3A_534 = vector.shape_cast %parallel_loop3A_533 : vector<1x16xf32> to vector<16xf32>
          %parallel_loop3A_535 = vector.broadcast %parallel_loop3A_530 : f32 to vector<16xf32>
          %parallel_loop3A_536 = arith.mulf %parallel_loop3A_534, %parallel_loop3A_535 : vector<16xf32>
          %parallel_loop3A_537 = arith.index_cast %parallel_loop3A_422 : i32 to index
          %parallel_loop3A_538 = arith.constant 96 : index
          %parallel_loop3A_539 = tpu.vector_load %arg9[%parallel_loop3A_537, %parallel_loop3A_538] {strides = array<i32>} : memref<80x144xf32, #tpu.memory_space<vmem>>, vector<1x16xf32>,
          %parallel_loop3A_540 = vector.shape_cast %parallel_loop3A_539 : vector<1x16xf32> to vector<16xf32>
          %parallel_loop3A_541 = vector.shape_cast %parallel_loop3A_536 : vector<16xf32> to vector<1x16xf32>
          tpu.vector_store %arg9[%parallel_loop3A_537, %parallel_loop3A_538], %parallel_loop3A_541 {strides = array<i32>} : memref<80x144xf32, #tpu.memory_space<vmem>>, vector<1x16xf32>,
          %parallel_loop3A_542 = vector.extract_strided_slice %parallel_loop3A_445 {offsets = [3], sizes = [1], strides = [1]} : vector<16xf32> to vector<1xf32>
          %parallel_loop3A_543 = vector.extract %parallel_loop3A_542[0] : f32 from vector<1xf32>
          %parallel_loop3A_544 = arith.index_cast %parallel_loop3A_422 : i32 to index
          %parallel_loop3A_545 = arith.constant 112 : index
          %parallel_loop3A_546 = tpu.vector_load %arg9[%parallel_loop3A_544, %parallel_loop3A_545] {strides = array<i32>} : memref<80x144xf32, #tpu.memory_space<vmem>>, vector<1x16xf32>,
          %parallel_loop3A_547 = vector.shape_cast %parallel_loop3A_546 : vector<1x16xf32> to vector<16xf32>
          %parallel_loop3A_548 = vector.broadcast %parallel_loop3A_543 : f32 to vector<16xf32>
          %parallel_loop3A_549 = arith.mulf %parallel_loop3A_547, %parallel_loop3A_548 : vector<16xf32>
          %parallel_loop3A_550 = arith.index_cast %parallel_loop3A_422 : i32 to index
          %parallel_loop3A_551 = arith.constant 112 : index
          %parallel_loop3A_552 = tpu.vector_load %arg9[%parallel_loop3A_550, %parallel_loop3A_551] {strides = array<i32>} : memref<80x144xf32, #tpu.memory_space<vmem>>, vector<1x16xf32>,
          %parallel_loop3A_553 = vector.shape_cast %parallel_loop3A_552 : vector<1x16xf32> to vector<16xf32>
          %parallel_loop3A_554 = vector.shape_cast %parallel_loop3A_549 : vector<16xf32> to vector<1x16xf32>
          tpu.vector_store %arg9[%parallel_loop3A_550, %parallel_loop3A_551], %parallel_loop3A_554 {strides = array<i32>} : memref<80x144xf32, #tpu.memory_space<vmem>>, vector<1x16xf32>,
        } {sc.loop_unroll_factor = 4 : i64, sc.parallel_access}
        %dma_start3A_415 = arith.constant 0 : i32
        %dma_start3A_416 = arith.constant 0 : i32
        %dma_start3A_417 = tpu.memref_slice %arg8[%dma_start3A_415, %dma_start3A_416] : memref<6x80xi32, #tpu.memory_space<vmem>> -> memref<1x80xi32, #tpu.memory_space<vmem>>
        %dma_start3A_418 = tpu.memref_squeeze %dma_start3A_417 : memref<1x80xi32, #tpu.memory_space<vmem>> -> memref<80xi32, #tpu.memory_space<vmem>>
        %dma_start3A_419 = arith.constant 0 : i32
        %dma_start3A_420 = arith.constant 0 : i32
        %dma_start3A_421 = tpu.memref_slice %arg16[%dma_start3A_419, %dma_start3A_420] : memref<10112x144xf32, #tpu.memory_space<vmem_shared>> -> memref<10112x144xf32, #tpu.memory_space<vmem_shared>>
        tpu.enqueue_indirect_dma source(%arg9 : memref<80x144xf32, #tpu.memory_space<vmem>>) target(%dma_start3A_421 : memref<10112x144xf32, #tpu.memory_space<vmem_shared>>) offsets(%dma_start3A_418 : memref<80xi32, #tpu.memory_space<vmem>>) semaphore(%arg23 : memref<!tpu.dma_semaphore, #tpu.memory_space<semaphore_mem>>) {add = true}
      } else {
      }
      %mul3A_240 = arith.constant 6 : i32
      %mul3A_241 = arith.muli %mul3A_240, %scan3A_208 : i32
      %add3A_242 = arith.constant 1 : i32
      %add3A_243 = arith.addi %mul3A_241, %add3A_242 : i32
      %mul3A_244 = arith.constant 32 : i32
      %mul3A_245 = arith.muli %add3A_243, %mul3A_244 : i32
      %add3A_246 = arith.addi %add3A, %mul3A_245 : i32
      %add3A_247 = arith.constant 32 : i32
      %add3A_248 = arith.addi %add3A_246, %add3A_247 : i32
      %gt3A_249 = arith.constant 0 : i32
      %gt3A_250 = arith.cmpi sgt, %scan3A_208, %gt3A_249 : i32
      %lt3A_251 = arith.constant 4000 : i32
      %lt3A_252 = arith.cmpi slt, %add3A_248, %lt3A_251 : i32
      %and3A_253 = arith.andi %gt3A_250, %lt3A_252 : i1
      %convert_element_type3A_254 = arith.extui %and3A_253 : i1 to i32
      %cond3A_255 = arith.constant 0 : i32
      %cond3A_256 = arith.cmpi ne, %convert_element_type3A_254, %cond3A_255 : i32
      scf.if %cond3A_256 {
        %dma_wait3A_399 = arith.constant 0 : i32
        %dma_wait3A_400 = arith.constant 0 : i32
        %dma_wait3A_401 = tpu.memref_slice %arg8[%dma_wait3A_399, %dma_wait3A_400] : memref<6x80xi32, #tpu.memory_space<vmem>> -> memref<1x80xi32, #tpu.memory_space<vmem>>
        %dma_wait3A_402 = tpu.memref_squeeze %dma_wait3A_401 : memref<1x80xi32, #tpu.memory_space<vmem>> -> memref<80xi32, #tpu.memory_space<vmem>>
        %dma_wait3A_403 = arith.constant 0 : i32
        %dma_wait3A_404 = arith.constant 0 : i32
        %dma_wait3A_405 = tpu.memref_slice %arg16[%dma_wait3A_403, %dma_wait3A_404] : memref<10112x144xf32, #tpu.memory_space<vmem_shared>> -> memref<10112x144xf32, #tpu.memory_space<vmem_shared>>
        tpu.wait_indirect_dma semaphore(%arg25 : memref<!tpu.dma_semaphore, #tpu.memory_space<semaphore_mem>>) src(%arg13 : memref<80x144xf32, #tpu.memory_space<vmem>>) dst(%dma_wait3A_405 : memref<10112x144xf32, #tpu.memory_space<vmem_shared>>)
      } else {
      }
      %lt3A_257 = arith.constant 4000 : i32
      %lt3A_258 = arith.cmpi slt, %add3A_248, %lt3A_257 : i32
      %convert_element_type3A_259 = arith.extui %lt3A_258 : i1 to i32
      %cond3A_260 = arith.constant 0 : i32
      %cond3A_261 = arith.cmpi ne, %convert_element_type3A_259, %cond3A_260 : i32
      scf.if %cond3A_261 {
        %dma_wait3A_399 = arith.constant 0 : i32
        %dma_wait3A_400 = arith.constant 2 : i32
        %dma_wait3A_401 = arith.constant 0 : i32
        %dma_wait3A_402 = tpu.memref_slice %arg7[%dma_wait3A_400, %dma_wait3A_401] : memref<6x80xi32, #tpu.memory_space<vmem>> -> memref<1x80xi32, #tpu.memory_space<vmem>>
        %dma_wait3A_403 = tpu.memref_squeeze %dma_wait3A_402 : memref<1x80xi32, #tpu.memory_space<vmem>> -> memref<80xi32, #tpu.memory_space<vmem>>
        %dma_wait3A_404 = arith.constant 0 : i32
        %dma_wait3A_405 = tpu.memref_slice %arg4[%dma_wait3A_399, %add3A_248, %dma_wait3A_404] : memref<2x4000x80xi32, #tpu.memory_space<hbm>> -> memref<1x1x80xi32, #tpu.memory_space<hbm>>
        %dma_wait3A_406 = tpu.memref_squeeze %dma_wait3A_405 : memref<1x1x80xi32, #tpu.memory_space<hbm>> -> memref<80xi32, #tpu.memory_space<hbm>>
        %dma_wait3A_407 = arith.constant 0 : i32
        %dma_wait3A_408 = tpu.memref_slice %arg7[%dma_wait3A_400, %dma_wait3A_407] : memref<6x80xi32, #tpu.memory_space<vmem>> -> memref<1x80xi32, #tpu.memory_space<vmem>>
        %dma_wait3A_409 = tpu.memref_squeeze %dma_wait3A_408 : memref<1x80xi32, #tpu.memory_space<vmem>> -> memref<80xi32, #tpu.memory_space<vmem>>
        %dma_wait3A_410 = arith.constant 0 : i32
        %dma_wait3A_411 = tpu.memref_slice %arg4[%dma_wait3A_399, %add3A_248, %dma_wait3A_410] : memref<2x4000x80xi32, #tpu.memory_space<hbm>> -> memref<1x1x80xi32, #tpu.memory_space<hbm>>
        %dma_wait3A_412 = tpu.memref_squeeze %dma_wait3A_411 : memref<1x1x80xi32, #tpu.memory_space<hbm>> -> memref<80xi32, #tpu.memory_space<hbm>>
        tpu.wait_dma2 semaphore(%arg28 : memref<!tpu.dma_semaphore, #tpu.memory_space<semaphore_mem>>) src(%dma_wait3A_412 : memref<80xi32, #tpu.memory_space<hbm>>) dst(%dma_wait3A_409 : memref<80xi32, #tpu.memory_space<vmem>>)
        %dma_wait3A_413 = arith.constant 1 : i32
        %dma_wait3A_414 = arith.constant 2 : i32
        %dma_wait3A_415 = arith.constant 0 : i32
        %dma_wait3A_416 = tpu.memref_slice %arg8[%dma_wait3A_414, %dma_wait3A_415] : memref<6x80xi32, #tpu.memory_space<vmem>> -> memref<1x80xi32, #tpu.memory_space<vmem>>
        %dma_wait3A_417 = tpu.memref_squeeze %dma_wait3A_416 : memref<1x80xi32, #tpu.memory_space<vmem>> -> memref<80xi32, #tpu.memory_space<vmem>>
        %dma_wait3A_418 = arith.constant 0 : i32
        %dma_wait3A_419 = tpu.memref_slice %arg4[%dma_wait3A_413, %add3A_248, %dma_wait3A_418] : memref<2x4000x80xi32, #tpu.memory_space<hbm>> -> memref<1x1x80xi32, #tpu.memory_space<hbm>>
        %dma_wait3A_420 = tpu.memref_squeeze %dma_wait3A_419 : memref<1x1x80xi32, #tpu.memory_space<hbm>> -> memref<80xi32, #tpu.memory_space<hbm>>
        %dma_wait3A_421 = arith.constant 0 : i32
        %dma_wait3A_422 = tpu.memref_slice %arg8[%dma_wait3A_414, %dma_wait3A_421] : memref<6x80xi32, #tpu.memory_space<vmem>> -> memref<1x80xi32, #tpu.memory_space<vmem>>
        %dma_wait3A_423 = tpu.memref_squeeze %dma_wait3A_422 : memref<1x80xi32, #tpu.memory_space<vmem>> -> memref<80xi32, #tpu.memory_space<vmem>>
        %dma_wait3A_424 = arith.constant 0 : i32
        %dma_wait3A_425 = tpu.memref_slice %arg4[%dma_wait3A_413, %add3A_248, %dma_wait3A_424] : memref<2x4000x80xi32, #tpu.memory_space<hbm>> -> memref<1x1x80xi32, #tpu.memory_space<hbm>>
        %dma_wait3A_426 = tpu.memref_squeeze %dma_wait3A_425 : memref<1x1x80xi32, #tpu.memory_space<hbm>> -> memref<80xi32, #tpu.memory_space<hbm>>
        tpu.wait_dma2 semaphore(%arg28 : memref<!tpu.dma_semaphore, #tpu.memory_space<semaphore_mem>>) src(%dma_wait3A_426 : memref<80xi32, #tpu.memory_space<hbm>>) dst(%dma_wait3A_423 : memref<80xi32, #tpu.memory_space<vmem>>)
        %dma_start3A_427 = arith.constant 2 : i32
        %dma_start3A_428 = arith.constant 0 : i32
        %dma_start3A_429 = tpu.memref_slice %arg7[%dma_start3A_427, %dma_start3A_428] : memref<6x80xi32, #tpu.memory_space<vmem>> -> memref<1x80xi32, #tpu.memory_space<vmem>>
        %dma_start3A_430 = tpu.memref_squeeze %dma_start3A_429 : memref<1x80xi32, #tpu.memory_space<vmem>> -> memref<80xi32, #tpu.memory_space<vmem>>
        %dma_start3A_431 = arith.constant 0 : i32
        %dma_start3A_432 = arith.constant 0 : i32
        %dma_start3A_433 = tpu.memref_slice %arg2[%dma_start3A_431, %dma_start3A_432] : memref<10000x144xf32, #tpu.memory_space<hbm>> -> memref<10000x144xf32, #tpu.memory_space<hbm>>
        tpu.enqueue_indirect_dma source(%dma_start3A_433 : memref<10000x144xf32, #tpu.memory_space<hbm>>) target(%arg13 : memref<80x144xf32, #tpu.memory_space<vmem>>) offsets(%dma_start3A_430 : memref<80xi32, #tpu.memory_space<vmem>>) semaphore(%arg21 : memref<!tpu.dma_semaphore, #tpu.memory_space<semaphore_mem>>)
        %dma_start3A_434 = arith.constant 2 : i32
        %dma_start3A_435 = arith.constant 0 : i32
        %dma_start3A_436 = tpu.memref_slice %arg8[%dma_start3A_434, %dma_start3A_435] : memref<6x80xi32, #tpu.memory_space<vmem>> -> memref<1x80xi32, #tpu.memory_space<vmem>>
        %dma_start3A_437 = tpu.memref_squeeze %dma_start3A_436 : memref<1x80xi32, #tpu.memory_space<vmem>> -> memref<80xi32, #tpu.memory_space<vmem>>
        %dma_start3A_438 = arith.constant 0 : i32
        %dma_start3A_439 = arith.constant 0 : i32
        %dma_start3A_440 = tpu.memref_slice %arg3[%dma_start3A_438, %dma_start3A_439] : memref<10000x16xf32, #tpu.memory_space<hbm>> -> memref<10000x16xf32, #tpu.memory_space<hbm>>
        tpu.enqueue_indirect_dma source(%dma_start3A_440 : memref<10000x16xf32, #tpu.memory_space<hbm>>) target(%arg14 : memref<80x16xf32, #tpu.memory_space<vmem>>) offsets(%dma_start3A_437 : memref<80xi32, #tpu.memory_space<vmem>>) semaphore(%arg22 : memref<!tpu.dma_semaphore, #tpu.memory_space<semaphore_mem>>)
      } else {
      }
      %add3A_262 = arith.constant 96 : i32
      %add3A_263 = arith.addi %add3A_246, %add3A_262 : i32
      %lt3A_264 = arith.constant 4000 : i32
      %lt3A_265 = arith.cmpi slt, %add3A_263, %lt3A_264 : i32
      %convert_element_type3A_266 = arith.extui %lt3A_265 : i1 to i32
      %cond3A_267 = arith.constant 0 : i32
      %cond3A_268 = arith.cmpi ne, %convert_element_type3A_266, %cond3A_267 : i32
      scf.if %cond3A_268 {
        %add3A_399 = arith.constant 96 : i32
        %add3A_400 = arith.addi %add3A_246, %add3A_399 : i32
        %dma_start3A_401 = arith.constant 0 : i32
        %dma_start3A_402 = arith.constant 4 : i32
        %dma_start3A_403 = arith.constant 0 : i32
        %dma_start3A_404 = tpu.memref_slice %arg7[%dma_start3A_402, %dma_start3A_403] : memref<6x80xi32, #tpu.memory_space<vmem>> -> memref<1x80xi32, #tpu.memory_space<vmem>>
        %dma_start3A_405 = tpu.memref_squeeze %dma_start3A_404 : memref<1x80xi32, #tpu.memory_space<vmem>> -> memref<80xi32, #tpu.memory_space<vmem>>
        %dma_start3A_406 = arith.constant 0 : i32
        %dma_start3A_407 = tpu.memref_slice %arg4[%dma_start3A_401, %add3A_400, %dma_start3A_406] : memref<2x4000x80xi32, #tpu.memory_space<hbm>> -> memref<1x1x80xi32, #tpu.memory_space<hbm>>
        %dma_start3A_408 = tpu.memref_squeeze %dma_start3A_407 : memref<1x1x80xi32, #tpu.memory_space<hbm>> -> memref<80xi32, #tpu.memory_space<hbm>>
        %dma_start3A_409 = arith.constant 0 : i32
        %dma_start3A_410 = tpu.memref_slice %arg7[%dma_start3A_402, %dma_start3A_409] : memref<6x80xi32, #tpu.memory_space<vmem>> -> memref<1x80xi32, #tpu.memory_space<vmem>>
        %dma_start3A_411 = tpu.memref_squeeze %dma_start3A_410 : memref<1x80xi32, #tpu.memory_space<vmem>> -> memref<80xi32, #tpu.memory_space<vmem>>
        %dma_start3A_412 = arith.constant 0 : i32
        %dma_start3A_413 = tpu.memref_slice %arg4[%dma_start3A_401, %add3A_400, %dma_start3A_412] : memref<2x4000x80xi32, #tpu.memory_space<hbm>> -> memref<1x1x80xi32, #tpu.memory_space<hbm>>
        %dma_start3A_414 = tpu.memref_squeeze %dma_start3A_413 : memref<1x1x80xi32, #tpu.memory_space<hbm>> -> memref<80xi32, #tpu.memory_space<hbm>>
        tpu.enqueue_dma source(%dma_start3A_414 : memref<80xi32, #tpu.memory_space<hbm>>) target(%dma_start3A_411 : memref<80xi32, #tpu.memory_space<vmem>>) target_semaphore(%arg30 : memref<!tpu.dma_semaphore, #tpu.memory_space<semaphore_mem>>)
        %dma_start3A_415 = arith.constant 1 : i32
        %dma_start3A_416 = arith.constant 4 : i32
        %dma_start3A_417 = arith.constant 0 : i32
        %dma_start3A_418 = tpu.memref_slice %arg8[%dma_start3A_416, %dma_start3A_417] : memref<6x80xi32, #tpu.memory_space<vmem>> -> memref<1x80xi32, #tpu.memory_space<vmem>>
        %dma_start3A_419 = tpu.memref_squeeze %dma_start3A_418 : memref<1x80xi32, #tpu.memory_space<vmem>> -> memref<80xi32, #tpu.memory_space<vmem>>
        %dma_start3A_420 = arith.constant 0 : i32
        %dma_start3A_421 = tpu.memref_slice %arg4[%dma_start3A_415, %add3A_400, %dma_start3A_420] : memref<2x4000x80xi32, #tpu.memory_space<hbm>> -> memref<1x1x80xi32, #tpu.memory_space<hbm>>
        %dma_start3A_422 = tpu.memref_squeeze %dma_start3A_421 : memref<1x1x80xi32, #tpu.memory_space<hbm>> -> memref<80xi32, #tpu.memory_space<hbm>>
        %dma_start3A_423 = arith.constant 0 : i32
        %dma_start3A_424 = tpu.memref_slice %arg8[%dma_start3A_416, %dma_start3A_423] : memref<6x80xi32, #tpu.memory_space<vmem>> -> memref<1x80xi32, #tpu.memory_space<vmem>>
        %dma_start3A_425 = tpu.memref_squeeze %dma_start3A_424 : memref<1x80xi32, #tpu.memory_space<vmem>> -> memref<80xi32, #tpu.memory_space<vmem>>
        %dma_start3A_426 = arith.constant 0 : i32
        %dma_start3A_427 = tpu.memref_slice %arg4[%dma_start3A_415, %add3A_400, %dma_start3A_426] : memref<2x4000x80xi32, #tpu.memory_space<hbm>> -> memref<1x1x80xi32, #tpu.memory_space<hbm>>
        %dma_start3A_428 = tpu.memref_squeeze %dma_start3A_427 : memref<1x1x80xi32, #tpu.memory_space<hbm>> -> memref<80xi32, #tpu.memory_space<hbm>>
        tpu.enqueue_dma source(%dma_start3A_428 : memref<80xi32, #tpu.memory_space<hbm>>) target(%dma_start3A_425 : memref<80xi32, #tpu.memory_space<vmem>>) target_semaphore(%arg30 : memref<!tpu.dma_semaphore, #tpu.memory_space<semaphore_mem>>)
      } else {
      }
      %lt3A_269 = arith.constant 4000 : i32
      %lt3A_270 = arith.cmpi slt, %add3A_246, %lt3A_269 : i32
      %convert_element_type3A_271 = arith.extui %lt3A_270 : i1 to i32
      %cond3A_272 = arith.constant 0 : i32
      %cond3A_273 = arith.cmpi ne, %convert_element_type3A_271, %cond3A_272 : i32
      scf.if %cond3A_273 {
        %dma_wait3A_399 = arith.constant 1 : i32
        %dma_wait3A_400 = arith.constant 0 : i32
        %dma_wait3A_401 = tpu.memref_slice %arg7[%dma_wait3A_399, %dma_wait3A_400] : memref<6x80xi32, #tpu.memory_space<vmem>> -> memref<1x80xi32, #tpu.memory_space<vmem>>
        %dma_wait3A_402 = tpu.memref_squeeze %dma_wait3A_401 : memref<1x80xi32, #tpu.memory_space<vmem>> -> memref<80xi32, #tpu.memory_space<vmem>>
        %dma_wait3A_403 = arith.constant 0 : i32
        %dma_wait3A_404 = arith.constant 0 : i32
        %dma_wait3A_405 = tpu.memref_slice %arg2[%dma_wait3A_403, %dma_wait3A_404] : memref<10000x144xf32, #tpu.memory_space<hbm>> -> memref<10000x144xf32, #tpu.memory_space<hbm>>
        tpu.wait_indirect_dma semaphore(%arg19 : memref<!tpu.dma_semaphore, #tpu.memory_space<semaphore_mem>>) src(%dma_wait3A_405 : memref<10000x144xf32, #tpu.memory_space<hbm>>) dst(%arg11 : memref<80x144xf32, #tpu.memory_space<vmem>>)
        %dma_wait3A_406 = arith.constant 1 : i32
        %dma_wait3A_407 = arith.constant 0 : i32
        %dma_wait3A_408 = tpu.memref_slice %arg8[%dma_wait3A_406, %dma_wait3A_407] : memref<6x80xi32, #tpu.memory_space<vmem>> -> memref<1x80xi32, #tpu.memory_space<vmem>>
        %dma_wait3A_409 = tpu.memref_squeeze %dma_wait3A_408 : memref<1x80xi32, #tpu.memory_space<vmem>> -> memref<80xi32, #tpu.memory_space<vmem>>
        %dma_wait3A_410 = arith.constant 0 : i32
        %dma_wait3A_411 = arith.constant 0 : i32
        %dma_wait3A_412 = tpu.memref_slice %arg3[%dma_wait3A_410, %dma_wait3A_411] : memref<10000x16xf32, #tpu.memory_space<hbm>> -> memref<10000x16xf32, #tpu.memory_space<hbm>>
        tpu.wait_indirect_dma semaphore(%arg20 : memref<!tpu.dma_semaphore, #tpu.memory_space<semaphore_mem>>) src(%dma_wait3A_412 : memref<10000x16xf32, #tpu.memory_space<hbm>>) dst(%arg12 : memref<80x16xf32, #tpu.memory_space<vmem>>)
        %parallel_loop3A = arith.constant 0 : i32
        %parallel_loop3A_413 = arith.constant 80 : i32
        %parallel_loop3A_414 = arith.constant 1 : i32
        scf.for %parallel_loop3A_422 = %parallel_loop3A to %parallel_loop3A_413 step %parallel_loop3A_414  : i32 {
          %parallel_loop3A_423 = arith.index_cast %parallel_loop3A_422 : i32 to index
          %parallel_loop3A_424 = arith.constant 0 : index
          %parallel_loop3A_425 = tpu.vector_load %arg12[%parallel_loop3A_423, %parallel_loop3A_424] {strides = array<i32>} : memref<80x16xf32, #tpu.memory_space<vmem>>, vector<1x16xf32>,
          %parallel_loop3A_426 = vector.shape_cast %parallel_loop3A_425 : vector<1x16xf32> to vector<16xf32>
          %parallel_loop3A_427 = arith.index_cast %parallel_loop3A_422 : i32 to index
          %parallel_loop3A_428 = arith.constant 128 : index
          %parallel_loop3A_429 = tpu.vector_load %arg11[%parallel_loop3A_427, %parallel_loop3A_428] {strides = array<i32>} : memref<80x144xf32, #tpu.memory_space<vmem>>, vector<1x16xf32>,
          %parallel_loop3A_430 = vector.shape_cast %parallel_loop3A_429 : vector<1x16xf32> to vector<16xf32>
          %parallel_loop3A_431 = arith.addf %parallel_loop3A_430, %parallel_loop3A_426 : vector<16xf32>
          %parallel_loop3A_432 = arith.constant 2.000000e-01 : f32
          %parallel_loop3A_433 = vector.broadcast %parallel_loop3A_432 : f32 to vector<16xf32>
          %parallel_loop3A_434 = arith.mulf %parallel_loop3A_433, %parallel_loop3A_431 : vector<16xf32>
          %parallel_loop3A_435 = arith.maximumf %parallel_loop3A_431, %parallel_loop3A_434 : vector<16xf32>
          %parallel_loop3A_436 = arith.addf %get3A_156, %parallel_loop3A_426 : vector<16xf32>
          %parallel_loop3A_437 = arith.constant 2.000000e-01 : f32
          %parallel_loop3A_438 = vector.broadcast %parallel_loop3A_437 : f32 to vector<16xf32>
          %parallel_loop3A_439 = arith.mulf %parallel_loop3A_438, %parallel_loop3A_436 : vector<16xf32>
          %parallel_loop3A_440 = arith.maximumf %parallel_loop3A_436, %parallel_loop3A_439 : vector<16xf32>
          %parallel_loop3A_441 = arith.subf %parallel_loop3A_435, %parallel_loop3A_440 : vector<16xf32>
          %parallel_loop3A_442 = math.exp %parallel_loop3A_441 : vector<16xf32>
          %parallel_loop3A_443 = arith.constant 0.000000e+00 : f32
          %parallel_loop3A_444 = vector.broadcast %parallel_loop3A_443 : f32 to vector<16xf32>
          %parallel_loop3A_445 = arith.select %lt3A_158, %parallel_loop3A_442, %parallel_loop3A_444 : vector<16xi1>, vector<16xf32>
          %parallel_loop3A_446 = arith.index_cast %parallel_loop3A_422 : i32 to index
          %parallel_loop3A_447 = arith.constant 128 : index
          %parallel_loop3A_448 = tpu.vector_load %arg11[%parallel_loop3A_446, %parallel_loop3A_447] {strides = array<i32>} : memref<80x144xf32, #tpu.memory_space<vmem>>, vector<1x16xf32>,
          %parallel_loop3A_449 = vector.shape_cast %parallel_loop3A_448 : vector<1x16xf32> to vector<16xf32>
          %parallel_loop3A_450 = vector.shape_cast %parallel_loop3A_445 : vector<16xf32> to vector<1x16xf32>
          tpu.vector_store %arg11[%parallel_loop3A_446, %parallel_loop3A_447], %parallel_loop3A_450 {strides = array<i32>} : memref<80x144xf32, #tpu.memory_space<vmem>>, vector<1x16xf32>,
          %parallel_loop3A_451 = vector.extract_strided_slice %parallel_loop3A_445 {offsets = [0], sizes = [1], strides = [1]} : vector<16xf32> to vector<1xf32>
          %parallel_loop3A_452 = vector.extract %parallel_loop3A_451[0] : f32 from vector<1xf32>
          %parallel_loop3A_453 = arith.index_cast %parallel_loop3A_422 : i32 to index
          %parallel_loop3A_454 = arith.constant 0 : index
          %parallel_loop3A_455 = tpu.vector_load %arg11[%parallel_loop3A_453, %parallel_loop3A_454] {strides = array<i32>} : memref<80x144xf32, #tpu.memory_space<vmem>>, vector<1x16xf32>,
          %parallel_loop3A_456 = vector.shape_cast %parallel_loop3A_455 : vector<1x16xf32> to vector<16xf32>
          %parallel_loop3A_457 = vector.broadcast %parallel_loop3A_452 : f32 to vector<16xf32>
          %parallel_loop3A_458 = arith.mulf %parallel_loop3A_456, %parallel_loop3A_457 : vector<16xf32>
          %parallel_loop3A_459 = arith.index_cast %parallel_loop3A_422 : i32 to index
          %parallel_loop3A_460 = arith.constant 0 : index
          %parallel_loop3A_461 = tpu.vector_load %arg11[%parallel_loop3A_459, %parallel_loop3A_460] {strides = array<i32>} : memref<80x144xf32, #tpu.memory_space<vmem>>, vector<1x16xf32>,
          %parallel_loop3A_462 = vector.shape_cast %parallel_loop3A_461 : vector<1x16xf32> to vector<16xf32>
          %parallel_loop3A_463 = vector.shape_cast %parallel_loop3A_458 : vector<16xf32> to vector<1x16xf32>
          tpu.vector_store %arg11[%parallel_loop3A_459, %parallel_loop3A_460], %parallel_loop3A_463 {strides = array<i32>} : memref<80x144xf32, #tpu.memory_space<vmem>>, vector<1x16xf32>,
          %parallel_loop3A_464 = vector.extract_strided_slice %parallel_loop3A_445 {offsets = [0], sizes = [1], strides = [1]} : vector<16xf32> to vector<1xf32>
          %parallel_loop3A_465 = vector.extract %parallel_loop3A_464[0] : f32 from vector<1xf32>
          %parallel_loop3A_466 = arith.index_cast %parallel_loop3A_422 : i32 to index
          %parallel_loop3A_467 = arith.constant 16 : index
          %parallel_loop3A_468 = tpu.vector_load %arg11[%parallel_loop3A_466, %parallel_loop3A_467] {strides = array<i32>} : memref<80x144xf32, #tpu.memory_space<vmem>>, vector<1x16xf32>,
          %parallel_loop3A_469 = vector.shape_cast %parallel_loop3A_468 : vector<1x16xf32> to vector<16xf32>
          %parallel_loop3A_470 = vector.broadcast %parallel_loop3A_465 : f32 to vector<16xf32>
          %parallel_loop3A_471 = arith.mulf %parallel_loop3A_469, %parallel_loop3A_470 : vector<16xf32>
          %parallel_loop3A_472 = arith.index_cast %parallel_loop3A_422 : i32 to index
          %parallel_loop3A_473 = arith.constant 16 : index
          %parallel_loop3A_474 = tpu.vector_load %arg11[%parallel_loop3A_472, %parallel_loop3A_473] {strides = array<i32>} : memref<80x144xf32, #tpu.memory_space<vmem>>, vector<1x16xf32>,
          %parallel_loop3A_475 = vector.shape_cast %parallel_loop3A_474 : vector<1x16xf32> to vector<16xf32>
          %parallel_loop3A_476 = vector.shape_cast %parallel_loop3A_471 : vector<16xf32> to vector<1x16xf32>
          tpu.vector_store %arg11[%parallel_loop3A_472, %parallel_loop3A_473], %parallel_loop3A_476 {strides = array<i32>} : memref<80x144xf32, #tpu.memory_space<vmem>>, vector<1x16xf32>,
          %parallel_loop3A_477 = vector.extract_strided_slice %parallel_loop3A_445 {offsets = [1], sizes = [1], strides = [1]} : vector<16xf32> to vector<1xf32>
          %parallel_loop3A_478 = vector.extract %parallel_loop3A_477[0] : f32 from vector<1xf32>
          %parallel_loop3A_479 = arith.index_cast %parallel_loop3A_422 : i32 to index
          %parallel_loop3A_480 = arith.constant 32 : index
          %parallel_loop3A_481 = tpu.vector_load %arg11[%parallel_loop3A_479, %parallel_loop3A_480] {strides = array<i32>} : memref<80x144xf32, #tpu.memory_space<vmem>>, vector<1x16xf32>,
          %parallel_loop3A_482 = vector.shape_cast %parallel_loop3A_481 : vector<1x16xf32> to vector<16xf32>
          %parallel_loop3A_483 = vector.broadcast %parallel_loop3A_478 : f32 to vector<16xf32>
          %parallel_loop3A_484 = arith.mulf %parallel_loop3A_482, %parallel_loop3A_483 : vector<16xf32>
          %parallel_loop3A_485 = arith.index_cast %parallel_loop3A_422 : i32 to index
          %parallel_loop3A_486 = arith.constant 32 : index
          %parallel_loop3A_487 = tpu.vector_load %arg11[%parallel_loop3A_485, %parallel_loop3A_486] {strides = array<i32>} : memref<80x144xf32, #tpu.memory_space<vmem>>, vector<1x16xf32>,
          %parallel_loop3A_488 = vector.shape_cast %parallel_loop3A_487 : vector<1x16xf32> to vector<16xf32>
          %parallel_loop3A_489 = vector.shape_cast %parallel_loop3A_484 : vector<16xf32> to vector<1x16xf32>
          tpu.vector_store %arg11[%parallel_loop3A_485, %parallel_loop3A_486], %parallel_loop3A_489 {strides = array<i32>} : memref<80x144xf32, #tpu.memory_space<vmem>>, vector<1x16xf32>,
          %parallel_loop3A_490 = vector.extract_strided_slice %parallel_loop3A_445 {offsets = [1], sizes = [1], strides = [1]} : vector<16xf32> to vector<1xf32>
          %parallel_loop3A_491 = vector.extract %parallel_loop3A_490[0] : f32 from vector<1xf32>
          %parallel_loop3A_492 = arith.index_cast %parallel_loop3A_422 : i32 to index
          %parallel_loop3A_493 = arith.constant 48 : index
          %parallel_loop3A_494 = tpu.vector_load %arg11[%parallel_loop3A_492, %parallel_loop3A_493] {strides = array<i32>} : memref<80x144xf32, #tpu.memory_space<vmem>>, vector<1x16xf32>,
          %parallel_loop3A_495 = vector.shape_cast %parallel_loop3A_494 : vector<1x16xf32> to vector<16xf32>
          %parallel_loop3A_496 = vector.broadcast %parallel_loop3A_491 : f32 to vector<16xf32>
          %parallel_loop3A_497 = arith.mulf %parallel_loop3A_495, %parallel_loop3A_496 : vector<16xf32>
          %parallel_loop3A_498 = arith.index_cast %parallel_loop3A_422 : i32 to index
          %parallel_loop3A_499 = arith.constant 48 : index
          %parallel_loop3A_500 = tpu.vector_load %arg11[%parallel_loop3A_498, %parallel_loop3A_499] {strides = array<i32>} : memref<80x144xf32, #tpu.memory_space<vmem>>, vector<1x16xf32>,
          %parallel_loop3A_501 = vector.shape_cast %parallel_loop3A_500 : vector<1x16xf32> to vector<16xf32>
          %parallel_loop3A_502 = vector.shape_cast %parallel_loop3A_497 : vector<16xf32> to vector<1x16xf32>
          tpu.vector_store %arg11[%parallel_loop3A_498, %parallel_loop3A_499], %parallel_loop3A_502 {strides = array<i32>} : memref<80x144xf32, #tpu.memory_space<vmem>>, vector<1x16xf32>,
          %parallel_loop3A_503 = vector.extract_strided_slice %parallel_loop3A_445 {offsets = [2], sizes = [1], strides = [1]} : vector<16xf32> to vector<1xf32>
          %parallel_loop3A_504 = vector.extract %parallel_loop3A_503[0] : f32 from vector<1xf32>
          %parallel_loop3A_505 = arith.index_cast %parallel_loop3A_422 : i32 to index
          %parallel_loop3A_506 = arith.constant 64 : index
          %parallel_loop3A_507 = tpu.vector_load %arg11[%parallel_loop3A_505, %parallel_loop3A_506] {strides = array<i32>} : memref<80x144xf32, #tpu.memory_space<vmem>>, vector<1x16xf32>,
          %parallel_loop3A_508 = vector.shape_cast %parallel_loop3A_507 : vector<1x16xf32> to vector<16xf32>
          %parallel_loop3A_509 = vector.broadcast %parallel_loop3A_504 : f32 to vector<16xf32>
          %parallel_loop3A_510 = arith.mulf %parallel_loop3A_508, %parallel_loop3A_509 : vector<16xf32>
          %parallel_loop3A_511 = arith.index_cast %parallel_loop3A_422 : i32 to index
          %parallel_loop3A_512 = arith.constant 64 : index
          %parallel_loop3A_513 = tpu.vector_load %arg11[%parallel_loop3A_511, %parallel_loop3A_512] {strides = array<i32>} : memref<80x144xf32, #tpu.memory_space<vmem>>, vector<1x16xf32>,
          %parallel_loop3A_514 = vector.shape_cast %parallel_loop3A_513 : vector<1x16xf32> to vector<16xf32>
          %parallel_loop3A_515 = vector.shape_cast %parallel_loop3A_510 : vector<16xf32> to vector<1x16xf32>
          tpu.vector_store %arg11[%parallel_loop3A_511, %parallel_loop3A_512], %parallel_loop3A_515 {strides = array<i32>} : memref<80x144xf32, #tpu.memory_space<vmem>>, vector<1x16xf32>,
          %parallel_loop3A_516 = vector.extract_strided_slice %parallel_loop3A_445 {offsets = [2], sizes = [1], strides = [1]} : vector<16xf32> to vector<1xf32>
          %parallel_loop3A_517 = vector.extract %parallel_loop3A_516[0] : f32 from vector<1xf32>
          %parallel_loop3A_518 = arith.index_cast %parallel_loop3A_422 : i32 to index
          %parallel_loop3A_519 = arith.constant 80 : index
          %parallel_loop3A_520 = tpu.vector_load %arg11[%parallel_loop3A_518, %parallel_loop3A_519] {strides = array<i32>} : memref<80x144xf32, #tpu.memory_space<vmem>>, vector<1x16xf32>,
          %parallel_loop3A_521 = vector.shape_cast %parallel_loop3A_520 : vector<1x16xf32> to vector<16xf32>
          %parallel_loop3A_522 = vector.broadcast %parallel_loop3A_517 : f32 to vector<16xf32>
          %parallel_loop3A_523 = arith.mulf %parallel_loop3A_521, %parallel_loop3A_522 : vector<16xf32>
          %parallel_loop3A_524 = arith.index_cast %parallel_loop3A_422 : i32 to index
          %parallel_loop3A_525 = arith.constant 80 : index
          %parallel_loop3A_526 = tpu.vector_load %arg11[%parallel_loop3A_524, %parallel_loop3A_525] {strides = array<i32>} : memref<80x144xf32, #tpu.memory_space<vmem>>, vector<1x16xf32>,
          %parallel_loop3A_527 = vector.shape_cast %parallel_loop3A_526 : vector<1x16xf32> to vector<16xf32>
          %parallel_loop3A_528 = vector.shape_cast %parallel_loop3A_523 : vector<16xf32> to vector<1x16xf32>
          tpu.vector_store %arg11[%parallel_loop3A_524, %parallel_loop3A_525], %parallel_loop3A_528 {strides = array<i32>} : memref<80x144xf32, #tpu.memory_space<vmem>>, vector<1x16xf32>,
          %parallel_loop3A_529 = vector.extract_strided_slice %parallel_loop3A_445 {offsets = [3], sizes = [1], strides = [1]} : vector<16xf32> to vector<1xf32>
          %parallel_loop3A_530 = vector.extract %parallel_loop3A_529[0] : f32 from vector<1xf32>
          %parallel_loop3A_531 = arith.index_cast %parallel_loop3A_422 : i32 to index
          %parallel_loop3A_532 = arith.constant 96 : index
          %parallel_loop3A_533 = tpu.vector_load %arg11[%parallel_loop3A_531, %parallel_loop3A_532] {strides = array<i32>} : memref<80x144xf32, #tpu.memory_space<vmem>>, vector<1x16xf32>,
          %parallel_loop3A_534 = vector.shape_cast %parallel_loop3A_533 : vector<1x16xf32> to vector<16xf32>
          %parallel_loop3A_535 = vector.broadcast %parallel_loop3A_530 : f32 to vector<16xf32>
          %parallel_loop3A_536 = arith.mulf %parallel_loop3A_534, %parallel_loop3A_535 : vector<16xf32>
          %parallel_loop3A_537 = arith.index_cast %parallel_loop3A_422 : i32 to index
          %parallel_loop3A_538 = arith.constant 96 : index
          %parallel_loop3A_539 = tpu.vector_load %arg11[%parallel_loop3A_537, %parallel_loop3A_538] {strides = array<i32>} : memref<80x144xf32, #tpu.memory_space<vmem>>, vector<1x16xf32>,
          %parallel_loop3A_540 = vector.shape_cast %parallel_loop3A_539 : vector<1x16xf32> to vector<16xf32>
          %parallel_loop3A_541 = vector.shape_cast %parallel_loop3A_536 : vector<16xf32> to vector<1x16xf32>
          tpu.vector_store %arg11[%parallel_loop3A_537, %parallel_loop3A_538], %parallel_loop3A_541 {strides = array<i32>} : memref<80x144xf32, #tpu.memory_space<vmem>>, vector<1x16xf32>,
          %parallel_loop3A_542 = vector.extract_strided_slice %parallel_loop3A_445 {offsets = [3], sizes = [1], strides = [1]} : vector<16xf32> to vector<1xf32>
          %parallel_loop3A_543 = vector.extract %parallel_loop3A_542[0] : f32 from vector<1xf32>
          %parallel_loop3A_544 = arith.index_cast %parallel_loop3A_422 : i32 to index
          %parallel_loop3A_545 = arith.constant 112 : index
          %parallel_loop3A_546 = tpu.vector_load %arg11[%parallel_loop3A_544, %parallel_loop3A_545] {strides = array<i32>} : memref<80x144xf32, #tpu.memory_space<vmem>>, vector<1x16xf32>,
          %parallel_loop3A_547 = vector.shape_cast %parallel_loop3A_546 : vector<1x16xf32> to vector<16xf32>
          %parallel_loop3A_548 = vector.broadcast %parallel_loop3A_543 : f32 to vector<16xf32>
          %parallel_loop3A_549 = arith.mulf %parallel_loop3A_547, %parallel_loop3A_548 : vector<16xf32>
          %parallel_loop3A_550 = arith.index_cast %parallel_loop3A_422 : i32 to index
          %parallel_loop3A_551 = arith.constant 112 : index
          %parallel_loop3A_552 = tpu.vector_load %arg11[%parallel_loop3A_550, %parallel_loop3A_551] {strides = array<i32>} : memref<80x144xf32, #tpu.memory_space<vmem>>, vector<1x16xf32>,
          %parallel_loop3A_553 = vector.shape_cast %parallel_loop3A_552 : vector<1x16xf32> to vector<16xf32>
          %parallel_loop3A_554 = vector.shape_cast %parallel_loop3A_549 : vector<16xf32> to vector<1x16xf32>
          tpu.vector_store %arg11[%parallel_loop3A_550, %parallel_loop3A_551], %parallel_loop3A_554 {strides = array<i32>} : memref<80x144xf32, #tpu.memory_space<vmem>>, vector<1x16xf32>,
        } {sc.loop_unroll_factor = 4 : i64, sc.parallel_access}
        %dma_start3A_415 = arith.constant 1 : i32
        %dma_start3A_416 = arith.constant 0 : i32
        %dma_start3A_417 = tpu.memref_slice %arg8[%dma_start3A_415, %dma_start3A_416] : memref<6x80xi32, #tpu.memory_space<vmem>> -> memref<1x80xi32, #tpu.memory_space<vmem>>
        %dma_start3A_418 = tpu.memref_squeeze %dma_start3A_417 : memref<1x80xi32, #tpu.memory_space<vmem>> -> memref<80xi32, #tpu.memory_space<vmem>>
        %dma_start3A_419 = arith.constant 0 : i32
        %dma_start3A_420 = arith.constant 0 : i32
        %dma_start3A_421 = tpu.memref_slice %arg16[%dma_start3A_419, %dma_start3A_420] : memref<10112x144xf32, #tpu.memory_space<vmem_shared>> -> memref<10112x144xf32, #tpu.memory_space<vmem_shared>>
        tpu.enqueue_indirect_dma source(%arg11 : memref<80x144xf32, #tpu.memory_space<vmem>>) target(%dma_start3A_421 : memref<10112x144xf32, #tpu.memory_space<vmem_shared>>) offsets(%dma_start3A_418 : memref<80xi32, #tpu.memory_space<vmem>>) semaphore(%arg24 : memref<!tpu.dma_semaphore, #tpu.memory_space<semaphore_mem>>) {add = true}
      } else {
      }
      %mul3A_274 = arith.constant 6 : i32
      %mul3A_275 = arith.muli %mul3A_274, %scan3A_208 : i32
      %add3A_276 = arith.constant 2 : i32
      %add3A_277 = arith.addi %mul3A_275, %add3A_276 : i32
      %mul3A_278 = arith.constant 32 : i32
      %mul3A_279 = arith.muli %add3A_277, %mul3A_278 : i32
      %add3A_280 = arith.addi %add3A, %mul3A_279 : i32
      %add3A_281 = arith.constant 32 : i32
      %add3A_282 = arith.addi %add3A_280, %add3A_281 : i32
      %lt3A_283 = arith.constant 4000 : i32
      %lt3A_284 = arith.cmpi slt, %add3A_282, %lt3A_283 : i32
      %convert_element_type3A_285 = arith.extui %lt3A_284 : i1 to i32
      %cond3A_286 = arith.constant 0 : i32
      %cond3A_287 = arith.cmpi ne, %convert_element_type3A_285, %cond3A_286 : i32
      scf.if %cond3A_287 {
        %dma_wait3A_399 = arith.constant 0 : i32
        %dma_wait3A_400 = arith.constant 0 : i32
        %dma_wait3A_401 = tpu.memref_slice %arg8[%dma_wait3A_399, %dma_wait3A_400] : memref<6x80xi32, #tpu.memory_space<vmem>> -> memref<1x80xi32, #tpu.memory_space<vmem>>
        %dma_wait3A_402 = tpu.memref_squeeze %dma_wait3A_401 : memref<1x80xi32, #tpu.memory_space<vmem>> -> memref<80xi32, #tpu.memory_space<vmem>>
        %dma_wait3A_403 = arith.constant 0 : i32
        %dma_wait3A_404 = arith.constant 0 : i32
        %dma_wait3A_405 = tpu.memref_slice %arg16[%dma_wait3A_403, %dma_wait3A_404] : memref<10112x144xf32, #tpu.memory_space<vmem_shared>> -> memref<10112x144xf32, #tpu.memory_space<vmem_shared>>
        tpu.wait_indirect_dma semaphore(%arg23 : memref<!tpu.dma_semaphore, #tpu.memory_space<semaphore_mem>>) src(%arg9 : memref<80x144xf32, #tpu.memory_space<vmem>>) dst(%dma_wait3A_405 : memref<10112x144xf32, #tpu.memory_space<vmem_shared>>)
      } else {
      }
      %lt3A_288 = arith.constant 4000 : i32
      %lt3A_289 = arith.cmpi slt, %add3A_282, %lt3A_288 : i32
      %convert_element_type3A_290 = arith.extui %lt3A_289 : i1 to i32
      %cond3A_291 = arith.constant 0 : i32
      %cond3A_292 = arith.cmpi ne, %convert_element_type3A_290, %cond3A_291 : i32
      scf.if %cond3A_292 {
        %dma_wait3A_399 = arith.constant 0 : i32
        %dma_wait3A_400 = arith.constant 3 : i32
        %dma_wait3A_401 = arith.constant 0 : i32
        %dma_wait3A_402 = tpu.memref_slice %arg7[%dma_wait3A_400, %dma_wait3A_401] : memref<6x80xi32, #tpu.memory_space<vmem>> -> memref<1x80xi32, #tpu.memory_space<vmem>>
        %dma_wait3A_403 = tpu.memref_squeeze %dma_wait3A_402 : memref<1x80xi32, #tpu.memory_space<vmem>> -> memref<80xi32, #tpu.memory_space<vmem>>
        %dma_wait3A_404 = arith.constant 0 : i32
        %dma_wait3A_405 = tpu.memref_slice %arg4[%dma_wait3A_399, %add3A_282, %dma_wait3A_404] : memref<2x4000x80xi32, #tpu.memory_space<hbm>> -> memref<1x1x80xi32, #tpu.memory_space<hbm>>
        %dma_wait3A_406 = tpu.memref_squeeze %dma_wait3A_405 : memref<1x1x80xi32, #tpu.memory_space<hbm>> -> memref<80xi32, #tpu.memory_space<hbm>>
        %dma_wait3A_407 = arith.constant 0 : i32
        %dma_wait3A_408 = tpu.memref_slice %arg7[%dma_wait3A_400, %dma_wait3A_407] : memref<6x80xi32, #tpu.memory_space<vmem>> -> memref<1x80xi32, #tpu.memory_space<vmem>>
        %dma_wait3A_409 = tpu.memref_squeeze %dma_wait3A_408 : memref<1x80xi32, #tpu.memory_space<vmem>> -> memref<80xi32, #tpu.memory_space<vmem>>
        %dma_wait3A_410 = arith.constant 0 : i32
        %dma_wait3A_411 = tpu.memref_slice %arg4[%dma_wait3A_399, %add3A_282, %dma_wait3A_410] : memref<2x4000x80xi32, #tpu.memory_space<hbm>> -> memref<1x1x80xi32, #tpu.memory_space<hbm>>
        %dma_wait3A_412 = tpu.memref_squeeze %dma_wait3A_411 : memref<1x1x80xi32, #tpu.memory_space<hbm>> -> memref<80xi32, #tpu.memory_space<hbm>>
        tpu.wait_dma2 semaphore(%arg29 : memref<!tpu.dma_semaphore, #tpu.memory_space<semaphore_mem>>) src(%dma_wait3A_412 : memref<80xi32, #tpu.memory_space<hbm>>) dst(%dma_wait3A_409 : memref<80xi32, #tpu.memory_space<vmem>>)
        %dma_wait3A_413 = arith.constant 1 : i32
        %dma_wait3A_414 = arith.constant 3 : i32
        %dma_wait3A_415 = arith.constant 0 : i32
        %dma_wait3A_416 = tpu.memref_slice %arg8[%dma_wait3A_414, %dma_wait3A_415] : memref<6x80xi32, #tpu.memory_space<vmem>> -> memref<1x80xi32, #tpu.memory_space<vmem>>
        %dma_wait3A_417 = tpu.memref_squeeze %dma_wait3A_416 : memref<1x80xi32, #tpu.memory_space<vmem>> -> memref<80xi32, #tpu.memory_space<vmem>>
        %dma_wait3A_418 = arith.constant 0 : i32
        %dma_wait3A_419 = tpu.memref_slice %arg4[%dma_wait3A_413, %add3A_282, %dma_wait3A_418] : memref<2x4000x80xi32, #tpu.memory_space<hbm>> -> memref<1x1x80xi32, #tpu.memory_space<hbm>>
        %dma_wait3A_420 = tpu.memref_squeeze %dma_wait3A_419 : memref<1x1x80xi32, #tpu.memory_space<hbm>> -> memref<80xi32, #tpu.memory_space<hbm>>
        %dma_wait3A_421 = arith.constant 0 : i32
        %dma_wait3A_422 = tpu.memref_slice %arg8[%dma_wait3A_414, %dma_wait3A_421] : memref<6x80xi32, #tpu.memory_space<vmem>> -> memref<1x80xi32, #tpu.memory_space<vmem>>
        %dma_wait3A_423 = tpu.memref_squeeze %dma_wait3A_422 : memref<1x80xi32, #tpu.memory_space<vmem>> -> memref<80xi32, #tpu.memory_space<vmem>>
        %dma_wait3A_424 = arith.constant 0 : i32
        %dma_wait3A_425 = tpu.memref_slice %arg4[%dma_wait3A_413, %add3A_282, %dma_wait3A_424] : memref<2x4000x80xi32, #tpu.memory_space<hbm>> -> memref<1x1x80xi32, #tpu.memory_space<hbm>>
        %dma_wait3A_426 = tpu.memref_squeeze %dma_wait3A_425 : memref<1x1x80xi32, #tpu.memory_space<hbm>> -> memref<80xi32, #tpu.memory_space<hbm>>
        tpu.wait_dma2 semaphore(%arg29 : memref<!tpu.dma_semaphore, #tpu.memory_space<semaphore_mem>>) src(%dma_wait3A_426 : memref<80xi32, #tpu.memory_space<hbm>>) dst(%dma_wait3A_423 : memref<80xi32, #tpu.memory_space<vmem>>)
        %dma_start3A_427 = arith.constant 3 : i32
        %dma_start3A_428 = arith.constant 0 : i32
        %dma_start3A_429 = tpu.memref_slice %arg7[%dma_start3A_427, %dma_start3A_428] : memref<6x80xi32, #tpu.memory_space<vmem>> -> memref<1x80xi32, #tpu.memory_space<vmem>>
        %dma_start3A_430 = tpu.memref_squeeze %dma_start3A_429 : memref<1x80xi32, #tpu.memory_space<vmem>> -> memref<80xi32, #tpu.memory_space<vmem>>
        %dma_start3A_431 = arith.constant 0 : i32
        %dma_start3A_432 = arith.constant 0 : i32
        %dma_start3A_433 = tpu.memref_slice %arg2[%dma_start3A_431, %dma_start3A_432] : memref<10000x144xf32, #tpu.memory_space<hbm>> -> memref<10000x144xf32, #tpu.memory_space<hbm>>
        tpu.enqueue_indirect_dma source(%dma_start3A_433 : memref<10000x144xf32, #tpu.memory_space<hbm>>) target(%arg9 : memref<80x144xf32, #tpu.memory_space<vmem>>) offsets(%dma_start3A_430 : memref<80xi32, #tpu.memory_space<vmem>>) semaphore(%arg17 : memref<!tpu.dma_semaphore, #tpu.memory_space<semaphore_mem>>)
        %dma_start3A_434 = arith.constant 3 : i32
        %dma_start3A_435 = arith.constant 0 : i32
        %dma_start3A_436 = tpu.memref_slice %arg8[%dma_start3A_434, %dma_start3A_435] : memref<6x80xi32, #tpu.memory_space<vmem>> -> memref<1x80xi32, #tpu.memory_space<vmem>>
        %dma_start3A_437 = tpu.memref_squeeze %dma_start3A_436 : memref<1x80xi32, #tpu.memory_space<vmem>> -> memref<80xi32, #tpu.memory_space<vmem>>
        %dma_start3A_438 = arith.constant 0 : i32
        %dma_start3A_439 = arith.constant 0 : i32
        %dma_start3A_440 = tpu.memref_slice %arg3[%dma_start3A_438, %dma_start3A_439] : memref<10000x16xf32, #tpu.memory_space<hbm>> -> memref<10000x16xf32, #tpu.memory_space<hbm>>
        tpu.enqueue_indirect_dma source(%dma_start3A_440 : memref<10000x16xf32, #tpu.memory_space<hbm>>) target(%arg10 : memref<80x16xf32, #tpu.memory_space<vmem>>) offsets(%dma_start3A_437 : memref<80xi32, #tpu.memory_space<vmem>>) semaphore(%arg18 : memref<!tpu.dma_semaphore, #tpu.memory_space<semaphore_mem>>)
      } else {
      }
      %add3A_293 = arith.constant 96 : i32
      %add3A_294 = arith.addi %add3A_280, %add3A_293 : i32
      %lt3A_295 = arith.constant 4000 : i32
      %lt3A_296 = arith.cmpi slt, %add3A_294, %lt3A_295 : i32
      %convert_element_type3A_297 = arith.extui %lt3A_296 : i1 to i32
      %cond3A_298 = arith.constant 0 : i32
      %cond3A_299 = arith.cmpi ne, %convert_element_type3A_297, %cond3A_298 : i32
      scf.if %cond3A_299 {
        %add3A_399 = arith.constant 96 : i32
        %add3A_400 = arith.addi %add3A_280, %add3A_399 : i32
        %dma_start3A_401 = arith.constant 0 : i32
        %dma_start3A_402 = arith.constant 5 : i32
        %dma_start3A_403 = arith.constant 0 : i32
        %dma_start3A_404 = tpu.memref_slice %arg7[%dma_start3A_402, %dma_start3A_403] : memref<6x80xi32, #tpu.memory_space<vmem>> -> memref<1x80xi32, #tpu.memory_space<vmem>>
        %dma_start3A_405 = tpu.memref_squeeze %dma_start3A_404 : memref<1x80xi32, #tpu.memory_space<vmem>> -> memref<80xi32, #tpu.memory_space<vmem>>
        %dma_start3A_406 = arith.constant 0 : i32
        %dma_start3A_407 = tpu.memref_slice %arg4[%dma_start3A_401, %add3A_400, %dma_start3A_406] : memref<2x4000x80xi32, #tpu.memory_space<hbm>> -> memref<1x1x80xi32, #tpu.memory_space<hbm>>
        %dma_start3A_408 = tpu.memref_squeeze %dma_start3A_407 : memref<1x1x80xi32, #tpu.memory_space<hbm>> -> memref<80xi32, #tpu.memory_space<hbm>>
        %dma_start3A_409 = arith.constant 0 : i32
        %dma_start3A_410 = tpu.memref_slice %arg7[%dma_start3A_402, %dma_start3A_409] : memref<6x80xi32, #tpu.memory_space<vmem>> -> memref<1x80xi32, #tpu.memory_space<vmem>>
        %dma_start3A_411 = tpu.memref_squeeze %dma_start3A_410 : memref<1x80xi32, #tpu.memory_space<vmem>> -> memref<80xi32, #tpu.memory_space<vmem>>
        %dma_start3A_412 = arith.constant 0 : i32
        %dma_start3A_413 = tpu.memref_slice %arg4[%dma_start3A_401, %add3A_400, %dma_start3A_412] : memref<2x4000x80xi32, #tpu.memory_space<hbm>> -> memref<1x1x80xi32, #tpu.memory_space<hbm>>
        %dma_start3A_414 = tpu.memref_squeeze %dma_start3A_413 : memref<1x1x80xi32, #tpu.memory_space<hbm>> -> memref<80xi32, #tpu.memory_space<hbm>>
        tpu.enqueue_dma source(%dma_start3A_414 : memref<80xi32, #tpu.memory_space<hbm>>) target(%dma_start3A_411 : memref<80xi32, #tpu.memory_space<vmem>>) target_semaphore(%arg31 : memref<!tpu.dma_semaphore, #tpu.memory_space<semaphore_mem>>)
        %dma_start3A_415 = arith.constant 1 : i32
        %dma_start3A_416 = arith.constant 5 : i32
        %dma_start3A_417 = arith.constant 0 : i32
        %dma_start3A_418 = tpu.memref_slice %arg8[%dma_start3A_416, %dma_start3A_417] : memref<6x80xi32, #tpu.memory_space<vmem>> -> memref<1x80xi32, #tpu.memory_space<vmem>>
        %dma_start3A_419 = tpu.memref_squeeze %dma_start3A_418 : memref<1x80xi32, #tpu.memory_space<vmem>> -> memref<80xi32, #tpu.memory_space<vmem>>
        %dma_start3A_420 = arith.constant 0 : i32
        %dma_start3A_421 = tpu.memref_slice %arg4[%dma_start3A_415, %add3A_400, %dma_start3A_420] : memref<2x4000x80xi32, #tpu.memory_space<hbm>> -> memref<1x1x80xi32, #tpu.memory_space<hbm>>
        %dma_start3A_422 = tpu.memref_squeeze %dma_start3A_421 : memref<1x1x80xi32, #tpu.memory_space<hbm>> -> memref<80xi32, #tpu.memory_space<hbm>>
        %dma_start3A_423 = arith.constant 0 : i32
        %dma_start3A_424 = tpu.memref_slice %arg8[%dma_start3A_416, %dma_start3A_423] : memref<6x80xi32, #tpu.memory_space<vmem>> -> memref<1x80xi32, #tpu.memory_space<vmem>>
        %dma_start3A_425 = tpu.memref_squeeze %dma_start3A_424 : memref<1x80xi32, #tpu.memory_space<vmem>> -> memref<80xi32, #tpu.memory_space<vmem>>
        %dma_start3A_426 = arith.constant 0 : i32
        %dma_start3A_427 = tpu.memref_slice %arg4[%dma_start3A_415, %add3A_400, %dma_start3A_426] : memref<2x4000x80xi32, #tpu.memory_space<hbm>> -> memref<1x1x80xi32, #tpu.memory_space<hbm>>
        %dma_start3A_428 = tpu.memref_squeeze %dma_start3A_427 : memref<1x1x80xi32, #tpu.memory_space<hbm>> -> memref<80xi32, #tpu.memory_space<hbm>>
        tpu.enqueue_dma source(%dma_start3A_428 : memref<80xi32, #tpu.memory_space<hbm>>) target(%dma_start3A_425 : memref<80xi32, #tpu.memory_space<vmem>>) target_semaphore(%arg31 : memref<!tpu.dma_semaphore, #tpu.memory_space<semaphore_mem>>)
      } else {
      }
      %lt3A_300 = arith.constant 4000 : i32
      %lt3A_301 = arith.cmpi slt, %add3A_280, %lt3A_300 : i32
      %convert_element_type3A_302 = arith.extui %lt3A_301 : i1 to i32
      %cond3A_303 = arith.constant 0 : i32
      %cond3A_304 = arith.cmpi ne, %convert_element_type3A_302, %cond3A_303 : i32
      scf.if %cond3A_304 {
        %dma_wait3A_399 = arith.constant 2 : i32
        %dma_wait3A_400 = arith.constant 0 : i32
        %dma_wait3A_401 = tpu.memref_slice %arg7[%dma_wait3A_399, %dma_wait3A_400] : memref<6x80xi32, #tpu.memory_space<vmem>> -> memref<1x80xi32, #tpu.memory_space<vmem>>
        %dma_wait3A_402 = tpu.memref_squeeze %dma_wait3A_401 : memref<1x80xi32, #tpu.memory_space<vmem>> -> memref<80xi32, #tpu.memory_space<vmem>>
        %dma_wait3A_403 = arith.constant 0 : i32
        %dma_wait3A_404 = arith.constant 0 : i32
        %dma_wait3A_405 = tpu.memref_slice %arg2[%dma_wait3A_403, %dma_wait3A_404] : memref<10000x144xf32, #tpu.memory_space<hbm>> -> memref<10000x144xf32, #tpu.memory_space<hbm>>
        tpu.wait_indirect_dma semaphore(%arg21 : memref<!tpu.dma_semaphore, #tpu.memory_space<semaphore_mem>>) src(%dma_wait3A_405 : memref<10000x144xf32, #tpu.memory_space<hbm>>) dst(%arg13 : memref<80x144xf32, #tpu.memory_space<vmem>>)
        %dma_wait3A_406 = arith.constant 2 : i32
        %dma_wait3A_407 = arith.constant 0 : i32
        %dma_wait3A_408 = tpu.memref_slice %arg8[%dma_wait3A_406, %dma_wait3A_407] : memref<6x80xi32, #tpu.memory_space<vmem>> -> memref<1x80xi32, #tpu.memory_space<vmem>>
        %dma_wait3A_409 = tpu.memref_squeeze %dma_wait3A_408 : memref<1x80xi32, #tpu.memory_space<vmem>> -> memref<80xi32, #tpu.memory_space<vmem>>
        %dma_wait3A_410 = arith.constant 0 : i32
        %dma_wait3A_411 = arith.constant 0 : i32
        %dma_wait3A_412 = tpu.memref_slice %arg3[%dma_wait3A_410, %dma_wait3A_411] : memref<10000x16xf32, #tpu.memory_space<hbm>> -> memref<10000x16xf32, #tpu.memory_space<hbm>>
        tpu.wait_indirect_dma semaphore(%arg22 : memref<!tpu.dma_semaphore, #tpu.memory_space<semaphore_mem>>) src(%dma_wait3A_412 : memref<10000x16xf32, #tpu.memory_space<hbm>>) dst(%arg14 : memref<80x16xf32, #tpu.memory_space<vmem>>)
        %parallel_loop3A = arith.constant 0 : i32
        %parallel_loop3A_413 = arith.constant 80 : i32
        %parallel_loop3A_414 = arith.constant 1 : i32
        scf.for %parallel_loop3A_422 = %parallel_loop3A to %parallel_loop3A_413 step %parallel_loop3A_414  : i32 {
          %parallel_loop3A_423 = arith.index_cast %parallel_loop3A_422 : i32 to index
          %parallel_loop3A_424 = arith.constant 0 : index
          %parallel_loop3A_425 = tpu.vector_load %arg14[%parallel_loop3A_423, %parallel_loop3A_424] {strides = array<i32>} : memref<80x16xf32, #tpu.memory_space<vmem>>, vector<1x16xf32>,
          %parallel_loop3A_426 = vector.shape_cast %parallel_loop3A_425 : vector<1x16xf32> to vector<16xf32>
          %parallel_loop3A_427 = arith.index_cast %parallel_loop3A_422 : i32 to index
          %parallel_loop3A_428 = arith.constant 128 : index
          %parallel_loop3A_429 = tpu.vector_load %arg13[%parallel_loop3A_427, %parallel_loop3A_428] {strides = array<i32>} : memref<80x144xf32, #tpu.memory_space<vmem>>, vector<1x16xf32>,
          %parallel_loop3A_430 = vector.shape_cast %parallel_loop3A_429 : vector<1x16xf32> to vector<16xf32>
          %parallel_loop3A_431 = arith.addf %parallel_loop3A_430, %parallel_loop3A_426 : vector<16xf32>
          %parallel_loop3A_432 = arith.constant 2.000000e-01 : f32
          %parallel_loop3A_433 = vector.broadcast %parallel_loop3A_432 : f32 to vector<16xf32>
          %parallel_loop3A_434 = arith.mulf %parallel_loop3A_433, %parallel_loop3A_431 : vector<16xf32>
          %parallel_loop3A_435 = arith.maximumf %parallel_loop3A_431, %parallel_loop3A_434 : vector<16xf32>
          %parallel_loop3A_436 = arith.addf %get3A_156, %parallel_loop3A_426 : vector<16xf32>
          %parallel_loop3A_437 = arith.constant 2.000000e-01 : f32
          %parallel_loop3A_438 = vector.broadcast %parallel_loop3A_437 : f32 to vector<16xf32>
          %parallel_loop3A_439 = arith.mulf %parallel_loop3A_438, %parallel_loop3A_436 : vector<16xf32>
          %parallel_loop3A_440 = arith.maximumf %parallel_loop3A_436, %parallel_loop3A_439 : vector<16xf32>
          %parallel_loop3A_441 = arith.subf %parallel_loop3A_435, %parallel_loop3A_440 : vector<16xf32>
          %parallel_loop3A_442 = math.exp %parallel_loop3A_441 : vector<16xf32>
          %parallel_loop3A_443 = arith.constant 0.000000e+00 : f32
          %parallel_loop3A_444 = vector.broadcast %parallel_loop3A_443 : f32 to vector<16xf32>
          %parallel_loop3A_445 = arith.select %lt3A_158, %parallel_loop3A_442, %parallel_loop3A_444 : vector<16xi1>, vector<16xf32>
          %parallel_loop3A_446 = arith.index_cast %parallel_loop3A_422 : i32 to index
          %parallel_loop3A_447 = arith.constant 128 : index
          %parallel_loop3A_448 = tpu.vector_load %arg13[%parallel_loop3A_446, %parallel_loop3A_447] {strides = array<i32>} : memref<80x144xf32, #tpu.memory_space<vmem>>, vector<1x16xf32>,
          %parallel_loop3A_449 = vector.shape_cast %parallel_loop3A_448 : vector<1x16xf32> to vector<16xf32>
          %parallel_loop3A_450 = vector.shape_cast %parallel_loop3A_445 : vector<16xf32> to vector<1x16xf32>
          tpu.vector_store %arg13[%parallel_loop3A_446, %parallel_loop3A_447], %parallel_loop3A_450 {strides = array<i32>} : memref<80x144xf32, #tpu.memory_space<vmem>>, vector<1x16xf32>,
          %parallel_loop3A_451 = vector.extract_strided_slice %parallel_loop3A_445 {offsets = [0], sizes = [1], strides = [1]} : vector<16xf32> to vector<1xf32>
          %parallel_loop3A_452 = vector.extract %parallel_loop3A_451[0] : f32 from vector<1xf32>
          %parallel_loop3A_453 = arith.index_cast %parallel_loop3A_422 : i32 to index
          %parallel_loop3A_454 = arith.constant 0 : index
          %parallel_loop3A_455 = tpu.vector_load %arg13[%parallel_loop3A_453, %parallel_loop3A_454] {strides = array<i32>} : memref<80x144xf32, #tpu.memory_space<vmem>>, vector<1x16xf32>,
          %parallel_loop3A_456 = vector.shape_cast %parallel_loop3A_455 : vector<1x16xf32> to vector<16xf32>
          %parallel_loop3A_457 = vector.broadcast %parallel_loop3A_452 : f32 to vector<16xf32>
          %parallel_loop3A_458 = arith.mulf %parallel_loop3A_456, %parallel_loop3A_457 : vector<16xf32>
          %parallel_loop3A_459 = arith.index_cast %parallel_loop3A_422 : i32 to index
          %parallel_loop3A_460 = arith.constant 0 : index
          %parallel_loop3A_461 = tpu.vector_load %arg13[%parallel_loop3A_459, %parallel_loop3A_460] {strides = array<i32>} : memref<80x144xf32, #tpu.memory_space<vmem>>, vector<1x16xf32>,
          %parallel_loop3A_462 = vector.shape_cast %parallel_loop3A_461 : vector<1x16xf32> to vector<16xf32>
          %parallel_loop3A_463 = vector.shape_cast %parallel_loop3A_458 : vector<16xf32> to vector<1x16xf32>
          tpu.vector_store %arg13[%parallel_loop3A_459, %parallel_loop3A_460], %parallel_loop3A_463 {strides = array<i32>} : memref<80x144xf32, #tpu.memory_space<vmem>>, vector<1x16xf32>,
          %parallel_loop3A_464 = vector.extract_strided_slice %parallel_loop3A_445 {offsets = [0], sizes = [1], strides = [1]} : vector<16xf32> to vector<1xf32>
          %parallel_loop3A_465 = vector.extract %parallel_loop3A_464[0] : f32 from vector<1xf32>
          %parallel_loop3A_466 = arith.index_cast %parallel_loop3A_422 : i32 to index
          %parallel_loop3A_467 = arith.constant 16 : index
          %parallel_loop3A_468 = tpu.vector_load %arg13[%parallel_loop3A_466, %parallel_loop3A_467] {strides = array<i32>} : memref<80x144xf32, #tpu.memory_space<vmem>>, vector<1x16xf32>,
          %parallel_loop3A_469 = vector.shape_cast %parallel_loop3A_468 : vector<1x16xf32> to vector<16xf32>
          %parallel_loop3A_470 = vector.broadcast %parallel_loop3A_465 : f32 to vector<16xf32>
          %parallel_loop3A_471 = arith.mulf %parallel_loop3A_469, %parallel_loop3A_470 : vector<16xf32>
          %parallel_loop3A_472 = arith.index_cast %parallel_loop3A_422 : i32 to index
          %parallel_loop3A_473 = arith.constant 16 : index
          %parallel_loop3A_474 = tpu.vector_load %arg13[%parallel_loop3A_472, %parallel_loop3A_473] {strides = array<i32>} : memref<80x144xf32, #tpu.memory_space<vmem>>, vector<1x16xf32>,
          %parallel_loop3A_475 = vector.shape_cast %parallel_loop3A_474 : vector<1x16xf32> to vector<16xf32>
          %parallel_loop3A_476 = vector.shape_cast %parallel_loop3A_471 : vector<16xf32> to vector<1x16xf32>
          tpu.vector_store %arg13[%parallel_loop3A_472, %parallel_loop3A_473], %parallel_loop3A_476 {strides = array<i32>} : memref<80x144xf32, #tpu.memory_space<vmem>>, vector<1x16xf32>,
          %parallel_loop3A_477 = vector.extract_strided_slice %parallel_loop3A_445 {offsets = [1], sizes = [1], strides = [1]} : vector<16xf32> to vector<1xf32>
          %parallel_loop3A_478 = vector.extract %parallel_loop3A_477[0] : f32 from vector<1xf32>
          %parallel_loop3A_479 = arith.index_cast %parallel_loop3A_422 : i32 to index
          %parallel_loop3A_480 = arith.constant 32 : index
          %parallel_loop3A_481 = tpu.vector_load %arg13[%parallel_loop3A_479, %parallel_loop3A_480] {strides = array<i32>} : memref<80x144xf32, #tpu.memory_space<vmem>>, vector<1x16xf32>,
          %parallel_loop3A_482 = vector.shape_cast %parallel_loop3A_481 : vector<1x16xf32> to vector<16xf32>
          %parallel_loop3A_483 = vector.broadcast %parallel_loop3A_478 : f32 to vector<16xf32>
          %parallel_loop3A_484 = arith.mulf %parallel_loop3A_482, %parallel_loop3A_483 : vector<16xf32>
          %parallel_loop3A_485 = arith.index_cast %parallel_loop3A_422 : i32 to index
          %parallel_loop3A_486 = arith.constant 32 : index
          %parallel_loop3A_487 = tpu.vector_load %arg13[%parallel_loop3A_485, %parallel_loop3A_486] {strides = array<i32>} : memref<80x144xf32, #tpu.memory_space<vmem>>, vector<1x16xf32>,
          %parallel_loop3A_488 = vector.shape_cast %parallel_loop3A_487 : vector<1x16xf32> to vector<16xf32>
          %parallel_loop3A_489 = vector.shape_cast %parallel_loop3A_484 : vector<16xf32> to vector<1x16xf32>
          tpu.vector_store %arg13[%parallel_loop3A_485, %parallel_loop3A_486], %parallel_loop3A_489 {strides = array<i32>} : memref<80x144xf32, #tpu.memory_space<vmem>>, vector<1x16xf32>,
          %parallel_loop3A_490 = vector.extract_strided_slice %parallel_loop3A_445 {offsets = [1], sizes = [1], strides = [1]} : vector<16xf32> to vector<1xf32>
          %parallel_loop3A_491 = vector.extract %parallel_loop3A_490[0] : f32 from vector<1xf32>
          %parallel_loop3A_492 = arith.index_cast %parallel_loop3A_422 : i32 to index
          %parallel_loop3A_493 = arith.constant 48 : index
          %parallel_loop3A_494 = tpu.vector_load %arg13[%parallel_loop3A_492, %parallel_loop3A_493] {strides = array<i32>} : memref<80x144xf32, #tpu.memory_space<vmem>>, vector<1x16xf32>,
          %parallel_loop3A_495 = vector.shape_cast %parallel_loop3A_494 : vector<1x16xf32> to vector<16xf32>
          %parallel_loop3A_496 = vector.broadcast %parallel_loop3A_491 : f32 to vector<16xf32>
          %parallel_loop3A_497 = arith.mulf %parallel_loop3A_495, %parallel_loop3A_496 : vector<16xf32>
          %parallel_loop3A_498 = arith.index_cast %parallel_loop3A_422 : i32 to index
          %parallel_loop3A_499 = arith.constant 48 : index
          %parallel_loop3A_500 = tpu.vector_load %arg13[%parallel_loop3A_498, %parallel_loop3A_499] {strides = array<i32>} : memref<80x144xf32, #tpu.memory_space<vmem>>, vector<1x16xf32>,
          %parallel_loop3A_501 = vector.shape_cast %parallel_loop3A_500 : vector<1x16xf32> to vector<16xf32>
          %parallel_loop3A_502 = vector.shape_cast %parallel_loop3A_497 : vector<16xf32> to vector<1x16xf32>
          tpu.vector_store %arg13[%parallel_loop3A_498, %parallel_loop3A_499], %parallel_loop3A_502 {strides = array<i32>} : memref<80x144xf32, #tpu.memory_space<vmem>>, vector<1x16xf32>,
          %parallel_loop3A_503 = vector.extract_strided_slice %parallel_loop3A_445 {offsets = [2], sizes = [1], strides = [1]} : vector<16xf32> to vector<1xf32>
          %parallel_loop3A_504 = vector.extract %parallel_loop3A_503[0] : f32 from vector<1xf32>
          %parallel_loop3A_505 = arith.index_cast %parallel_loop3A_422 : i32 to index
          %parallel_loop3A_506 = arith.constant 64 : index
          %parallel_loop3A_507 = tpu.vector_load %arg13[%parallel_loop3A_505, %parallel_loop3A_506] {strides = array<i32>} : memref<80x144xf32, #tpu.memory_space<vmem>>, vector<1x16xf32>,
          %parallel_loop3A_508 = vector.shape_cast %parallel_loop3A_507 : vector<1x16xf32> to vector<16xf32>
          %parallel_loop3A_509 = vector.broadcast %parallel_loop3A_504 : f32 to vector<16xf32>
          %parallel_loop3A_510 = arith.mulf %parallel_loop3A_508, %parallel_loop3A_509 : vector<16xf32>
          %parallel_loop3A_511 = arith.index_cast %parallel_loop3A_422 : i32 to index
          %parallel_loop3A_512 = arith.constant 64 : index
          %parallel_loop3A_513 = tpu.vector_load %arg13[%parallel_loop3A_511, %parallel_loop3A_512] {strides = array<i32>} : memref<80x144xf32, #tpu.memory_space<vmem>>, vector<1x16xf32>,
          %parallel_loop3A_514 = vector.shape_cast %parallel_loop3A_513 : vector<1x16xf32> to vector<16xf32>
          %parallel_loop3A_515 = vector.shape_cast %parallel_loop3A_510 : vector<16xf32> to vector<1x16xf32>
          tpu.vector_store %arg13[%parallel_loop3A_511, %parallel_loop3A_512], %parallel_loop3A_515 {strides = array<i32>} : memref<80x144xf32, #tpu.memory_space<vmem>>, vector<1x16xf32>,
          %parallel_loop3A_516 = vector.extract_strided_slice %parallel_loop3A_445 {offsets = [2], sizes = [1], strides = [1]} : vector<16xf32> to vector<1xf32>
          %parallel_loop3A_517 = vector.extract %parallel_loop3A_516[0] : f32 from vector<1xf32>
          %parallel_loop3A_518 = arith.index_cast %parallel_loop3A_422 : i32 to index
          %parallel_loop3A_519 = arith.constant 80 : index
          %parallel_loop3A_520 = tpu.vector_load %arg13[%parallel_loop3A_518, %parallel_loop3A_519] {strides = array<i32>} : memref<80x144xf32, #tpu.memory_space<vmem>>, vector<1x16xf32>,
          %parallel_loop3A_521 = vector.shape_cast %parallel_loop3A_520 : vector<1x16xf32> to vector<16xf32>
          %parallel_loop3A_522 = vector.broadcast %parallel_loop3A_517 : f32 to vector<16xf32>
          %parallel_loop3A_523 = arith.mulf %parallel_loop3A_521, %parallel_loop3A_522 : vector<16xf32>
          %parallel_loop3A_524 = arith.index_cast %parallel_loop3A_422 : i32 to index
          %parallel_loop3A_525 = arith.constant 80 : index
          %parallel_loop3A_526 = tpu.vector_load %arg13[%parallel_loop3A_524, %parallel_loop3A_525] {strides = array<i32>} : memref<80x144xf32, #tpu.memory_space<vmem>>, vector<1x16xf32>,
          %parallel_loop3A_527 = vector.shape_cast %parallel_loop3A_526 : vector<1x16xf32> to vector<16xf32>
          %parallel_loop3A_528 = vector.shape_cast %parallel_loop3A_523 : vector<16xf32> to vector<1x16xf32>
          tpu.vector_store %arg13[%parallel_loop3A_524, %parallel_loop3A_525], %parallel_loop3A_528 {strides = array<i32>} : memref<80x144xf32, #tpu.memory_space<vmem>>, vector<1x16xf32>,
          %parallel_loop3A_529 = vector.extract_strided_slice %parallel_loop3A_445 {offsets = [3], sizes = [1], strides = [1]} : vector<16xf32> to vector<1xf32>
          %parallel_loop3A_530 = vector.extract %parallel_loop3A_529[0] : f32 from vector<1xf32>
          %parallel_loop3A_531 = arith.index_cast %parallel_loop3A_422 : i32 to index
          %parallel_loop3A_532 = arith.constant 96 : index
          %parallel_loop3A_533 = tpu.vector_load %arg13[%parallel_loop3A_531, %parallel_loop3A_532] {strides = array<i32>} : memref<80x144xf32, #tpu.memory_space<vmem>>, vector<1x16xf32>,
          %parallel_loop3A_534 = vector.shape_cast %parallel_loop3A_533 : vector<1x16xf32> to vector<16xf32>
          %parallel_loop3A_535 = vector.broadcast %parallel_loop3A_530 : f32 to vector<16xf32>
          %parallel_loop3A_536 = arith.mulf %parallel_loop3A_534, %parallel_loop3A_535 : vector<16xf32>
          %parallel_loop3A_537 = arith.index_cast %parallel_loop3A_422 : i32 to index
          %parallel_loop3A_538 = arith.constant 96 : index
          %parallel_loop3A_539 = tpu.vector_load %arg13[%parallel_loop3A_537, %parallel_loop3A_538] {strides = array<i32>} : memref<80x144xf32, #tpu.memory_space<vmem>>, vector<1x16xf32>,
          %parallel_loop3A_540 = vector.shape_cast %parallel_loop3A_539 : vector<1x16xf32> to vector<16xf32>
          %parallel_loop3A_541 = vector.shape_cast %parallel_loop3A_536 : vector<16xf32> to vector<1x16xf32>
          tpu.vector_store %arg13[%parallel_loop3A_537, %parallel_loop3A_538], %parallel_loop3A_541 {strides = array<i32>} : memref<80x144xf32, #tpu.memory_space<vmem>>, vector<1x16xf32>,
          %parallel_loop3A_542 = vector.extract_strided_slice %parallel_loop3A_445 {offsets = [3], sizes = [1], strides = [1]} : vector<16xf32> to vector<1xf32>
          %parallel_loop3A_543 = vector.extract %parallel_loop3A_542[0] : f32 from vector<1xf32>
          %parallel_loop3A_544 = arith.index_cast %parallel_loop3A_422 : i32 to index
          %parallel_loop3A_545 = arith.constant 112 : index
          %parallel_loop3A_546 = tpu.vector_load %arg13[%parallel_loop3A_544, %parallel_loop3A_545] {strides = array<i32>} : memref<80x144xf32, #tpu.memory_space<vmem>>, vector<1x16xf32>,
          %parallel_loop3A_547 = vector.shape_cast %parallel_loop3A_546 : vector<1x16xf32> to vector<16xf32>
          %parallel_loop3A_548 = vector.broadcast %parallel_loop3A_543 : f32 to vector<16xf32>
          %parallel_loop3A_549 = arith.mulf %parallel_loop3A_547, %parallel_loop3A_548 : vector<16xf32>
          %parallel_loop3A_550 = arith.index_cast %parallel_loop3A_422 : i32 to index
          %parallel_loop3A_551 = arith.constant 112 : index
          %parallel_loop3A_552 = tpu.vector_load %arg13[%parallel_loop3A_550, %parallel_loop3A_551] {strides = array<i32>} : memref<80x144xf32, #tpu.memory_space<vmem>>, vector<1x16xf32>,
          %parallel_loop3A_553 = vector.shape_cast %parallel_loop3A_552 : vector<1x16xf32> to vector<16xf32>
          %parallel_loop3A_554 = vector.shape_cast %parallel_loop3A_549 : vector<16xf32> to vector<1x16xf32>
          tpu.vector_store %arg13[%parallel_loop3A_550, %parallel_loop3A_551], %parallel_loop3A_554 {strides = array<i32>} : memref<80x144xf32, #tpu.memory_space<vmem>>, vector<1x16xf32>,
        } {sc.loop_unroll_factor = 4 : i64, sc.parallel_access}
        %dma_start3A_415 = arith.constant 2 : i32
        %dma_start3A_416 = arith.constant 0 : i32
        %dma_start3A_417 = tpu.memref_slice %arg8[%dma_start3A_415, %dma_start3A_416] : memref<6x80xi32, #tpu.memory_space<vmem>> -> memref<1x80xi32, #tpu.memory_space<vmem>>
        %dma_start3A_418 = tpu.memref_squeeze %dma_start3A_417 : memref<1x80xi32, #tpu.memory_space<vmem>> -> memref<80xi32, #tpu.memory_space<vmem>>
        %dma_start3A_419 = arith.constant 0 : i32
        %dma_start3A_420 = arith.constant 0 : i32
        %dma_start3A_421 = tpu.memref_slice %arg16[%dma_start3A_419, %dma_start3A_420] : memref<10112x144xf32, #tpu.memory_space<vmem_shared>> -> memref<10112x144xf32, #tpu.memory_space<vmem_shared>>
        tpu.enqueue_indirect_dma source(%arg13 : memref<80x144xf32, #tpu.memory_space<vmem>>) target(%dma_start3A_421 : memref<10112x144xf32, #tpu.memory_space<vmem_shared>>) offsets(%dma_start3A_418 : memref<80xi32, #tpu.memory_space<vmem>>) semaphore(%arg25 : memref<!tpu.dma_semaphore, #tpu.memory_space<semaphore_mem>>) {add = true}
      } else {
      }
      %mul3A_305 = arith.constant 6 : i32
      %mul3A_306 = arith.muli %mul3A_305, %scan3A_208 : i32
      %add3A_307 = arith.constant 3 : i32
      %add3A_308 = arith.addi %mul3A_306, %add3A_307 : i32
      %mul3A_309 = arith.constant 32 : i32
      %mul3A_310 = arith.muli %add3A_308, %mul3A_309 : i32
      %add3A_311 = arith.addi %add3A, %mul3A_310 : i32
      %add3A_312 = arith.constant 32 : i32
      %add3A_313 = arith.addi %add3A_311, %add3A_312 : i32
      %lt3A_314 = arith.constant 4000 : i32
      %lt3A_315 = arith.cmpi slt, %add3A_313, %lt3A_314 : i32
      %convert_element_type3A_316 = arith.extui %lt3A_315 : i1 to i32
      %cond3A_317 = arith.constant 0 : i32
      %cond3A_318 = arith.cmpi ne, %convert_element_type3A_316, %cond3A_317 : i32
      scf.if %cond3A_318 {
        %dma_wait3A_399 = arith.constant 0 : i32
        %dma_wait3A_400 = arith.constant 0 : i32
        %dma_wait3A_401 = tpu.memref_slice %arg8[%dma_wait3A_399, %dma_wait3A_400] : memref<6x80xi32, #tpu.memory_space<vmem>> -> memref<1x80xi32, #tpu.memory_space<vmem>>
        %dma_wait3A_402 = tpu.memref_squeeze %dma_wait3A_401 : memref<1x80xi32, #tpu.memory_space<vmem>> -> memref<80xi32, #tpu.memory_space<vmem>>
        %dma_wait3A_403 = arith.constant 0 : i32
        %dma_wait3A_404 = arith.constant 0 : i32
        %dma_wait3A_405 = tpu.memref_slice %arg16[%dma_wait3A_403, %dma_wait3A_404] : memref<10112x144xf32, #tpu.memory_space<vmem_shared>> -> memref<10112x144xf32, #tpu.memory_space<vmem_shared>>
        tpu.wait_indirect_dma semaphore(%arg24 : memref<!tpu.dma_semaphore, #tpu.memory_space<semaphore_mem>>) src(%arg11 : memref<80x144xf32, #tpu.memory_space<vmem>>) dst(%dma_wait3A_405 : memref<10112x144xf32, #tpu.memory_space<vmem_shared>>)
      } else {
      }
      %lt3A_319 = arith.constant 4000 : i32
      %lt3A_320 = arith.cmpi slt, %add3A_313, %lt3A_319 : i32
      %convert_element_type3A_321 = arith.extui %lt3A_320 : i1 to i32
      %cond3A_322 = arith.constant 0 : i32
      %cond3A_323 = arith.cmpi ne, %convert_element_type3A_321, %cond3A_322 : i32
      scf.if %cond3A_323 {
        %dma_wait3A_399 = arith.constant 0 : i32
        %dma_wait3A_400 = arith.constant 4 : i32
        %dma_wait3A_401 = arith.constant 0 : i32
        %dma_wait3A_402 = tpu.memref_slice %arg7[%dma_wait3A_400, %dma_wait3A_401] : memref<6x80xi32, #tpu.memory_space<vmem>> -> memref<1x80xi32, #tpu.memory_space<vmem>>
        %dma_wait3A_403 = tpu.memref_squeeze %dma_wait3A_402 : memref<1x80xi32, #tpu.memory_space<vmem>> -> memref<80xi32, #tpu.memory_space<vmem>>
        %dma_wait3A_404 = arith.constant 0 : i32
        %dma_wait3A_405 = tpu.memref_slice %arg4[%dma_wait3A_399, %add3A_313, %dma_wait3A_404] : memref<2x4000x80xi32, #tpu.memory_space<hbm>> -> memref<1x1x80xi32, #tpu.memory_space<hbm>>
        %dma_wait3A_406 = tpu.memref_squeeze %dma_wait3A_405 : memref<1x1x80xi32, #tpu.memory_space<hbm>> -> memref<80xi32, #tpu.memory_space<hbm>>
        %dma_wait3A_407 = arith.constant 0 : i32
        %dma_wait3A_408 = tpu.memref_slice %arg7[%dma_wait3A_400, %dma_wait3A_407] : memref<6x80xi32, #tpu.memory_space<vmem>> -> memref<1x80xi32, #tpu.memory_space<vmem>>
        %dma_wait3A_409 = tpu.memref_squeeze %dma_wait3A_408 : memref<1x80xi32, #tpu.memory_space<vmem>> -> memref<80xi32, #tpu.memory_space<vmem>>
        %dma_wait3A_410 = arith.constant 0 : i32
        %dma_wait3A_411 = tpu.memref_slice %arg4[%dma_wait3A_399, %add3A_313, %dma_wait3A_410] : memref<2x4000x80xi32, #tpu.memory_space<hbm>> -> memref<1x1x80xi32, #tpu.memory_space<hbm>>
        %dma_wait3A_412 = tpu.memref_squeeze %dma_wait3A_411 : memref<1x1x80xi32, #tpu.memory_space<hbm>> -> memref<80xi32, #tpu.memory_space<hbm>>
        tpu.wait_dma2 semaphore(%arg30 : memref<!tpu.dma_semaphore, #tpu.memory_space<semaphore_mem>>) src(%dma_wait3A_412 : memref<80xi32, #tpu.memory_space<hbm>>) dst(%dma_wait3A_409 : memref<80xi32, #tpu.memory_space<vmem>>)
        %dma_wait3A_413 = arith.constant 1 : i32
        %dma_wait3A_414 = arith.constant 4 : i32
        %dma_wait3A_415 = arith.constant 0 : i32
        %dma_wait3A_416 = tpu.memref_slice %arg8[%dma_wait3A_414, %dma_wait3A_415] : memref<6x80xi32, #tpu.memory_space<vmem>> -> memref<1x80xi32, #tpu.memory_space<vmem>>
        %dma_wait3A_417 = tpu.memref_squeeze %dma_wait3A_416 : memref<1x80xi32, #tpu.memory_space<vmem>> -> memref<80xi32, #tpu.memory_space<vmem>>
        %dma_wait3A_418 = arith.constant 0 : i32
        %dma_wait3A_419 = tpu.memref_slice %arg4[%dma_wait3A_413, %add3A_313, %dma_wait3A_418] : memref<2x4000x80xi32, #tpu.memory_space<hbm>> -> memref<1x1x80xi32, #tpu.memory_space<hbm>>
        %dma_wait3A_420 = tpu.memref_squeeze %dma_wait3A_419 : memref<1x1x80xi32, #tpu.memory_space<hbm>> -> memref<80xi32, #tpu.memory_space<hbm>>
        %dma_wait3A_421 = arith.constant 0 : i32
        %dma_wait3A_422 = tpu.memref_slice %arg8[%dma_wait3A_414, %dma_wait3A_421] : memref<6x80xi32, #tpu.memory_space<vmem>> -> memref<1x80xi32, #tpu.memory_space<vmem>>
        %dma_wait3A_423 = tpu.memref_squeeze %dma_wait3A_422 : memref<1x80xi32, #tpu.memory_space<vmem>> -> memref<80xi32, #tpu.memory_space<vmem>>
        %dma_wait3A_424 = arith.constant 0 : i32
        %dma_wait3A_425 = tpu.memref_slice %arg4[%dma_wait3A_413, %add3A_313, %dma_wait3A_424] : memref<2x4000x80xi32, #tpu.memory_space<hbm>> -> memref<1x1x80xi32, #tpu.memory_space<hbm>>
        %dma_wait3A_426 = tpu.memref_squeeze %dma_wait3A_425 : memref<1x1x80xi32, #tpu.memory_space<hbm>> -> memref<80xi32, #tpu.memory_space<hbm>>
        tpu.wait_dma2 semaphore(%arg30 : memref<!tpu.dma_semaphore, #tpu.memory_space<semaphore_mem>>) src(%dma_wait3A_426 : memref<80xi32, #tpu.memory_space<hbm>>) dst(%dma_wait3A_423 : memref<80xi32, #tpu.memory_space<vmem>>)
        %dma_start3A_427 = arith.constant 4 : i32
        %dma_start3A_428 = arith.constant 0 : i32
        %dma_start3A_429 = tpu.memref_slice %arg7[%dma_start3A_427, %dma_start3A_428] : memref<6x80xi32, #tpu.memory_space<vmem>> -> memref<1x80xi32, #tpu.memory_space<vmem>>
        %dma_start3A_430 = tpu.memref_squeeze %dma_start3A_429 : memref<1x80xi32, #tpu.memory_space<vmem>> -> memref<80xi32, #tpu.memory_space<vmem>>
        %dma_start3A_431 = arith.constant 0 : i32
        %dma_start3A_432 = arith.constant 0 : i32
        %dma_start3A_433 = tpu.memref_slice %arg2[%dma_start3A_431, %dma_start3A_432] : memref<10000x144xf32, #tpu.memory_space<hbm>> -> memref<10000x144xf32, #tpu.memory_space<hbm>>
        tpu.enqueue_indirect_dma source(%dma_start3A_433 : memref<10000x144xf32, #tpu.memory_space<hbm>>) target(%arg11 : memref<80x144xf32, #tpu.memory_space<vmem>>) offsets(%dma_start3A_430 : memref<80xi32, #tpu.memory_space<vmem>>) semaphore(%arg19 : memref<!tpu.dma_semaphore, #tpu.memory_space<semaphore_mem>>)
        %dma_start3A_434 = arith.constant 4 : i32
        %dma_start3A_435 = arith.constant 0 : i32
        %dma_start3A_436 = tpu.memref_slice %arg8[%dma_start3A_434, %dma_start3A_435] : memref<6x80xi32, #tpu.memory_space<vmem>> -> memref<1x80xi32, #tpu.memory_space<vmem>>
        %dma_start3A_437 = tpu.memref_squeeze %dma_start3A_436 : memref<1x80xi32, #tpu.memory_space<vmem>> -> memref<80xi32, #tpu.memory_space<vmem>>
        %dma_start3A_438 = arith.constant 0 : i32
        %dma_start3A_439 = arith.constant 0 : i32
        %dma_start3A_440 = tpu.memref_slice %arg3[%dma_start3A_438, %dma_start3A_439] : memref<10000x16xf32, #tpu.memory_space<hbm>> -> memref<10000x16xf32, #tpu.memory_space<hbm>>
        tpu.enqueue_indirect_dma source(%dma_start3A_440 : memref<10000x16xf32, #tpu.memory_space<hbm>>) target(%arg12 : memref<80x16xf32, #tpu.memory_space<vmem>>) offsets(%dma_start3A_437 : memref<80xi32, #tpu.memory_space<vmem>>) semaphore(%arg20 : memref<!tpu.dma_semaphore, #tpu.memory_space<semaphore_mem>>)
      } else {
      }
      %add3A_324 = arith.constant 96 : i32
      %add3A_325 = arith.addi %add3A_311, %add3A_324 : i32
      %lt3A_326 = arith.constant 4000 : i32
      %lt3A_327 = arith.cmpi slt, %add3A_325, %lt3A_326 : i32
      %convert_element_type3A_328 = arith.extui %lt3A_327 : i1 to i32
      %cond3A_329 = arith.constant 0 : i32
      %cond3A_330 = arith.cmpi ne, %convert_element_type3A_328, %cond3A_329 : i32
      scf.if %cond3A_330 {
        %add3A_399 = arith.constant 96 : i32
        %add3A_400 = arith.addi %add3A_311, %add3A_399 : i32
        %dma_start3A_401 = arith.constant 0 : i32
        %dma_start3A_402 = arith.constant 0 : i32
        %dma_start3A_403 = arith.constant 0 : i32
        %dma_start3A_404 = tpu.memref_slice %arg7[%dma_start3A_402, %dma_start3A_403] : memref<6x80xi32, #tpu.memory_space<vmem>> -> memref<1x80xi32, #tpu.memory_space<vmem>>
        %dma_start3A_405 = tpu.memref_squeeze %dma_start3A_404 : memref<1x80xi32, #tpu.memory_space<vmem>> -> memref<80xi32, #tpu.memory_space<vmem>>
        %dma_start3A_406 = arith.constant 0 : i32
        %dma_start3A_407 = tpu.memref_slice %arg4[%dma_start3A_401, %add3A_400, %dma_start3A_406] : memref<2x4000x80xi32, #tpu.memory_space<hbm>> -> memref<1x1x80xi32, #tpu.memory_space<hbm>>
        %dma_start3A_408 = tpu.memref_squeeze %dma_start3A_407 : memref<1x1x80xi32, #tpu.memory_space<hbm>> -> memref<80xi32, #tpu.memory_space<hbm>>
        %dma_start3A_409 = arith.constant 0 : i32
        %dma_start3A_410 = tpu.memref_slice %arg7[%dma_start3A_402, %dma_start3A_409] : memref<6x80xi32, #tpu.memory_space<vmem>> -> memref<1x80xi32, #tpu.memory_space<vmem>>
        %dma_start3A_411 = tpu.memref_squeeze %dma_start3A_410 : memref<1x80xi32, #tpu.memory_space<vmem>> -> memref<80xi32, #tpu.memory_space<vmem>>
        %dma_start3A_412 = arith.constant 0 : i32
        %dma_start3A_413 = tpu.memref_slice %arg4[%dma_start3A_401, %add3A_400, %dma_start3A_412] : memref<2x4000x80xi32, #tpu.memory_space<hbm>> -> memref<1x1x80xi32, #tpu.memory_space<hbm>>
        %dma_start3A_414 = tpu.memref_squeeze %dma_start3A_413 : memref<1x1x80xi32, #tpu.memory_space<hbm>> -> memref<80xi32, #tpu.memory_space<hbm>>
        tpu.enqueue_dma source(%dma_start3A_414 : memref<80xi32, #tpu.memory_space<hbm>>) target(%dma_start3A_411 : memref<80xi32, #tpu.memory_space<vmem>>) target_semaphore(%arg26 : memref<!tpu.dma_semaphore, #tpu.memory_space<semaphore_mem>>)
        %dma_start3A_415 = arith.constant 1 : i32
        %dma_start3A_416 = arith.constant 0 : i32
        %dma_start3A_417 = arith.constant 0 : i32
        %dma_start3A_418 = tpu.memref_slice %arg8[%dma_start3A_416, %dma_start3A_417] : memref<6x80xi32, #tpu.memory_space<vmem>> -> memref<1x80xi32, #tpu.memory_space<vmem>>
        %dma_start3A_419 = tpu.memref_squeeze %dma_start3A_418 : memref<1x80xi32, #tpu.memory_space<vmem>> -> memref<80xi32, #tpu.memory_space<vmem>>
        %dma_start3A_420 = arith.constant 0 : i32
        %dma_start3A_421 = tpu.memref_slice %arg4[%dma_start3A_415, %add3A_400, %dma_start3A_420] : memref<2x4000x80xi32, #tpu.memory_space<hbm>> -> memref<1x1x80xi32, #tpu.memory_space<hbm>>
        %dma_start3A_422 = tpu.memref_squeeze %dma_start3A_421 : memref<1x1x80xi32, #tpu.memory_space<hbm>> -> memref<80xi32, #tpu.memory_space<hbm>>
        %dma_start3A_423 = arith.constant 0 : i32
        %dma_start3A_424 = tpu.memref_slice %arg8[%dma_start3A_416, %dma_start3A_423] : memref<6x80xi32, #tpu.memory_space<vmem>> -> memref<1x80xi32, #tpu.memory_space<vmem>>
        %dma_start3A_425 = tpu.memref_squeeze %dma_start3A_424 : memref<1x80xi32, #tpu.memory_space<vmem>> -> memref<80xi32, #tpu.memory_space<vmem>>
        %dma_start3A_426 = arith.constant 0 : i32
        %dma_start3A_427 = tpu.memref_slice %arg4[%dma_start3A_415, %add3A_400, %dma_start3A_426] : memref<2x4000x80xi32, #tpu.memory_space<hbm>> -> memref<1x1x80xi32, #tpu.memory_space<hbm>>
        %dma_start3A_428 = tpu.memref_squeeze %dma_start3A_427 : memref<1x1x80xi32, #tpu.memory_space<hbm>> -> memref<80xi32, #tpu.memory_space<hbm>>
        tpu.enqueue_dma source(%dma_start3A_428 : memref<80xi32, #tpu.memory_space<hbm>>) target(%dma_start3A_425 : memref<80xi32, #tpu.memory_space<vmem>>) target_semaphore(%arg26 : memref<!tpu.dma_semaphore, #tpu.memory_space<semaphore_mem>>)
      } else {
      }
      %lt3A_331 = arith.constant 4000 : i32
      %lt3A_332 = arith.cmpi slt, %add3A_311, %lt3A_331 : i32
      %convert_element_type3A_333 = arith.extui %lt3A_332 : i1 to i32
      %cond3A_334 = arith.constant 0 : i32
      %cond3A_335 = arith.cmpi ne, %convert_element_type3A_333, %cond3A_334 : i32
      scf.if %cond3A_335 {
        %dma_wait3A_399 = arith.constant 3 : i32
        %dma_wait3A_400 = arith.constant 0 : i32
        %dma_wait3A_401 = tpu.memref_slice %arg7[%dma_wait3A_399, %dma_wait3A_400] : memref<6x80xi32, #tpu.memory_space<vmem>> -> memref<1x80xi32, #tpu.memory_space<vmem>>
        %dma_wait3A_402 = tpu.memref_squeeze %dma_wait3A_401 : memref<1x80xi32, #tpu.memory_space<vmem>> -> memref<80xi32, #tpu.memory_space<vmem>>
        %dma_wait3A_403 = arith.constant 0 : i32
        %dma_wait3A_404 = arith.constant 0 : i32
        %dma_wait3A_405 = tpu.memref_slice %arg2[%dma_wait3A_403, %dma_wait3A_404] : memref<10000x144xf32, #tpu.memory_space<hbm>> -> memref<10000x144xf32, #tpu.memory_space<hbm>>
        tpu.wait_indirect_dma semaphore(%arg17 : memref<!tpu.dma_semaphore, #tpu.memory_space<semaphore_mem>>) src(%dma_wait3A_405 : memref<10000x144xf32, #tpu.memory_space<hbm>>) dst(%arg9 : memref<80x144xf32, #tpu.memory_space<vmem>>)
        %dma_wait3A_406 = arith.constant 3 : i32
        %dma_wait3A_407 = arith.constant 0 : i32
        %dma_wait3A_408 = tpu.memref_slice %arg8[%dma_wait3A_406, %dma_wait3A_407] : memref<6x80xi32, #tpu.memory_space<vmem>> -> memref<1x80xi32, #tpu.memory_space<vmem>>
        %dma_wait3A_409 = tpu.memref_squeeze %dma_wait3A_408 : memref<1x80xi32, #tpu.memory_space<vmem>> -> memref<80xi32, #tpu.memory_space<vmem>>
        %dma_wait3A_410 = arith.constant 0 : i32
        %dma_wait3A_411 = arith.constant 0 : i32
        %dma_wait3A_412 = tpu.memref_slice %arg3[%dma_wait3A_410, %dma_wait3A_411] : memref<10000x16xf32, #tpu.memory_space<hbm>> -> memref<10000x16xf32, #tpu.memory_space<hbm>>
        tpu.wait_indirect_dma semaphore(%arg18 : memref<!tpu.dma_semaphore, #tpu.memory_space<semaphore_mem>>) src(%dma_wait3A_412 : memref<10000x16xf32, #tpu.memory_space<hbm>>) dst(%arg10 : memref<80x16xf32, #tpu.memory_space<vmem>>)
        %parallel_loop3A = arith.constant 0 : i32
        %parallel_loop3A_413 = arith.constant 80 : i32
        %parallel_loop3A_414 = arith.constant 1 : i32
        scf.for %parallel_loop3A_422 = %parallel_loop3A to %parallel_loop3A_413 step %parallel_loop3A_414  : i32 {
          %parallel_loop3A_423 = arith.index_cast %parallel_loop3A_422 : i32 to index
          %parallel_loop3A_424 = arith.constant 0 : index
          %parallel_loop3A_425 = tpu.vector_load %arg10[%parallel_loop3A_423, %parallel_loop3A_424] {strides = array<i32>} : memref<80x16xf32, #tpu.memory_space<vmem>>, vector<1x16xf32>,
          %parallel_loop3A_426 = vector.shape_cast %parallel_loop3A_425 : vector<1x16xf32> to vector<16xf32>
          %parallel_loop3A_427 = arith.index_cast %parallel_loop3A_422 : i32 to index
          %parallel_loop3A_428 = arith.constant 128 : index
          %parallel_loop3A_429 = tpu.vector_load %arg9[%parallel_loop3A_427, %parallel_loop3A_428] {strides = array<i32>} : memref<80x144xf32, #tpu.memory_space<vmem>>, vector<1x16xf32>,
          %parallel_loop3A_430 = vector.shape_cast %parallel_loop3A_429 : vector<1x16xf32> to vector<16xf32>
          %parallel_loop3A_431 = arith.addf %parallel_loop3A_430, %parallel_loop3A_426 : vector<16xf32>
          %parallel_loop3A_432 = arith.constant 2.000000e-01 : f32
          %parallel_loop3A_433 = vector.broadcast %parallel_loop3A_432 : f32 to vector<16xf32>
          %parallel_loop3A_434 = arith.mulf %parallel_loop3A_433, %parallel_loop3A_431 : vector<16xf32>
          %parallel_loop3A_435 = arith.maximumf %parallel_loop3A_431, %parallel_loop3A_434 : vector<16xf32>
          %parallel_loop3A_436 = arith.addf %get3A_156, %parallel_loop3A_426 : vector<16xf32>
          %parallel_loop3A_437 = arith.constant 2.000000e-01 : f32
          %parallel_loop3A_438 = vector.broadcast %parallel_loop3A_437 : f32 to vector<16xf32>
          %parallel_loop3A_439 = arith.mulf %parallel_loop3A_438, %parallel_loop3A_436 : vector<16xf32>
          %parallel_loop3A_440 = arith.maximumf %parallel_loop3A_436, %parallel_loop3A_439 : vector<16xf32>
          %parallel_loop3A_441 = arith.subf %parallel_loop3A_435, %parallel_loop3A_440 : vector<16xf32>
          %parallel_loop3A_442 = math.exp %parallel_loop3A_441 : vector<16xf32>
          %parallel_loop3A_443 = arith.constant 0.000000e+00 : f32
          %parallel_loop3A_444 = vector.broadcast %parallel_loop3A_443 : f32 to vector<16xf32>
          %parallel_loop3A_445 = arith.select %lt3A_158, %parallel_loop3A_442, %parallel_loop3A_444 : vector<16xi1>, vector<16xf32>
          %parallel_loop3A_446 = arith.index_cast %parallel_loop3A_422 : i32 to index
          %parallel_loop3A_447 = arith.constant 128 : index
          %parallel_loop3A_448 = tpu.vector_load %arg9[%parallel_loop3A_446, %parallel_loop3A_447] {strides = array<i32>} : memref<80x144xf32, #tpu.memory_space<vmem>>, vector<1x16xf32>,
          %parallel_loop3A_449 = vector.shape_cast %parallel_loop3A_448 : vector<1x16xf32> to vector<16xf32>
          %parallel_loop3A_450 = vector.shape_cast %parallel_loop3A_445 : vector<16xf32> to vector<1x16xf32>
          tpu.vector_store %arg9[%parallel_loop3A_446, %parallel_loop3A_447], %parallel_loop3A_450 {strides = array<i32>} : memref<80x144xf32, #tpu.memory_space<vmem>>, vector<1x16xf32>,
          %parallel_loop3A_451 = vector.extract_strided_slice %parallel_loop3A_445 {offsets = [0], sizes = [1], strides = [1]} : vector<16xf32> to vector<1xf32>
          %parallel_loop3A_452 = vector.extract %parallel_loop3A_451[0] : f32 from vector<1xf32>
          %parallel_loop3A_453 = arith.index_cast %parallel_loop3A_422 : i32 to index
          %parallel_loop3A_454 = arith.constant 0 : index
          %parallel_loop3A_455 = tpu.vector_load %arg9[%parallel_loop3A_453, %parallel_loop3A_454] {strides = array<i32>} : memref<80x144xf32, #tpu.memory_space<vmem>>, vector<1x16xf32>,
          %parallel_loop3A_456 = vector.shape_cast %parallel_loop3A_455 : vector<1x16xf32> to vector<16xf32>
          %parallel_loop3A_457 = vector.broadcast %parallel_loop3A_452 : f32 to vector<16xf32>
          %parallel_loop3A_458 = arith.mulf %parallel_loop3A_456, %parallel_loop3A_457 : vector<16xf32>
          %parallel_loop3A_459 = arith.index_cast %parallel_loop3A_422 : i32 to index
          %parallel_loop3A_460 = arith.constant 0 : index
          %parallel_loop3A_461 = tpu.vector_load %arg9[%parallel_loop3A_459, %parallel_loop3A_460] {strides = array<i32>} : memref<80x144xf32, #tpu.memory_space<vmem>>, vector<1x16xf32>,
          %parallel_loop3A_462 = vector.shape_cast %parallel_loop3A_461 : vector<1x16xf32> to vector<16xf32>
          %parallel_loop3A_463 = vector.shape_cast %parallel_loop3A_458 : vector<16xf32> to vector<1x16xf32>
          tpu.vector_store %arg9[%parallel_loop3A_459, %parallel_loop3A_460], %parallel_loop3A_463 {strides = array<i32>} : memref<80x144xf32, #tpu.memory_space<vmem>>, vector<1x16xf32>,
          %parallel_loop3A_464 = vector.extract_strided_slice %parallel_loop3A_445 {offsets = [0], sizes = [1], strides = [1]} : vector<16xf32> to vector<1xf32>
          %parallel_loop3A_465 = vector.extract %parallel_loop3A_464[0] : f32 from vector<1xf32>
          %parallel_loop3A_466 = arith.index_cast %parallel_loop3A_422 : i32 to index
          %parallel_loop3A_467 = arith.constant 16 : index
          %parallel_loop3A_468 = tpu.vector_load %arg9[%parallel_loop3A_466, %parallel_loop3A_467] {strides = array<i32>} : memref<80x144xf32, #tpu.memory_space<vmem>>, vector<1x16xf32>,
          %parallel_loop3A_469 = vector.shape_cast %parallel_loop3A_468 : vector<1x16xf32> to vector<16xf32>
          %parallel_loop3A_470 = vector.broadcast %parallel_loop3A_465 : f32 to vector<16xf32>
          %parallel_loop3A_471 = arith.mulf %parallel_loop3A_469, %parallel_loop3A_470 : vector<16xf32>
          %parallel_loop3A_472 = arith.index_cast %parallel_loop3A_422 : i32 to index
          %parallel_loop3A_473 = arith.constant 16 : index
          %parallel_loop3A_474 = tpu.vector_load %arg9[%parallel_loop3A_472, %parallel_loop3A_473] {strides = array<i32>} : memref<80x144xf32, #tpu.memory_space<vmem>>, vector<1x16xf32>,
          %parallel_loop3A_475 = vector.shape_cast %parallel_loop3A_474 : vector<1x16xf32> to vector<16xf32>
          %parallel_loop3A_476 = vector.shape_cast %parallel_loop3A_471 : vector<16xf32> to vector<1x16xf32>
          tpu.vector_store %arg9[%parallel_loop3A_472, %parallel_loop3A_473], %parallel_loop3A_476 {strides = array<i32>} : memref<80x144xf32, #tpu.memory_space<vmem>>, vector<1x16xf32>,
          %parallel_loop3A_477 = vector.extract_strided_slice %parallel_loop3A_445 {offsets = [1], sizes = [1], strides = [1]} : vector<16xf32> to vector<1xf32>
          %parallel_loop3A_478 = vector.extract %parallel_loop3A_477[0] : f32 from vector<1xf32>
          %parallel_loop3A_479 = arith.index_cast %parallel_loop3A_422 : i32 to index
          %parallel_loop3A_480 = arith.constant 32 : index
          %parallel_loop3A_481 = tpu.vector_load %arg9[%parallel_loop3A_479, %parallel_loop3A_480] {strides = array<i32>} : memref<80x144xf32, #tpu.memory_space<vmem>>, vector<1x16xf32>,
          %parallel_loop3A_482 = vector.shape_cast %parallel_loop3A_481 : vector<1x16xf32> to vector<16xf32>
          %parallel_loop3A_483 = vector.broadcast %parallel_loop3A_478 : f32 to vector<16xf32>
          %parallel_loop3A_484 = arith.mulf %parallel_loop3A_482, %parallel_loop3A_483 : vector<16xf32>
          %parallel_loop3A_485 = arith.index_cast %parallel_loop3A_422 : i32 to index
          %parallel_loop3A_486 = arith.constant 32 : index
          %parallel_loop3A_487 = tpu.vector_load %arg9[%parallel_loop3A_485, %parallel_loop3A_486] {strides = array<i32>} : memref<80x144xf32, #tpu.memory_space<vmem>>, vector<1x16xf32>,
          %parallel_loop3A_488 = vector.shape_cast %parallel_loop3A_487 : vector<1x16xf32> to vector<16xf32>
          %parallel_loop3A_489 = vector.shape_cast %parallel_loop3A_484 : vector<16xf32> to vector<1x16xf32>
          tpu.vector_store %arg9[%parallel_loop3A_485, %parallel_loop3A_486], %parallel_loop3A_489 {strides = array<i32>} : memref<80x144xf32, #tpu.memory_space<vmem>>, vector<1x16xf32>,
          %parallel_loop3A_490 = vector.extract_strided_slice %parallel_loop3A_445 {offsets = [1], sizes = [1], strides = [1]} : vector<16xf32> to vector<1xf32>
          %parallel_loop3A_491 = vector.extract %parallel_loop3A_490[0] : f32 from vector<1xf32>
          %parallel_loop3A_492 = arith.index_cast %parallel_loop3A_422 : i32 to index
          %parallel_loop3A_493 = arith.constant 48 : index
          %parallel_loop3A_494 = tpu.vector_load %arg9[%parallel_loop3A_492, %parallel_loop3A_493] {strides = array<i32>} : memref<80x144xf32, #tpu.memory_space<vmem>>, vector<1x16xf32>,
          %parallel_loop3A_495 = vector.shape_cast %parallel_loop3A_494 : vector<1x16xf32> to vector<16xf32>
          %parallel_loop3A_496 = vector.broadcast %parallel_loop3A_491 : f32 to vector<16xf32>
          %parallel_loop3A_497 = arith.mulf %parallel_loop3A_495, %parallel_loop3A_496 : vector<16xf32>
          %parallel_loop3A_498 = arith.index_cast %parallel_loop3A_422 : i32 to index
          %parallel_loop3A_499 = arith.constant 48 : index
          %parallel_loop3A_500 = tpu.vector_load %arg9[%parallel_loop3A_498, %parallel_loop3A_499] {strides = array<i32>} : memref<80x144xf32, #tpu.memory_space<vmem>>, vector<1x16xf32>,
          %parallel_loop3A_501 = vector.shape_cast %parallel_loop3A_500 : vector<1x16xf32> to vector<16xf32>
          %parallel_loop3A_502 = vector.shape_cast %parallel_loop3A_497 : vector<16xf32> to vector<1x16xf32>
          tpu.vector_store %arg9[%parallel_loop3A_498, %parallel_loop3A_499], %parallel_loop3A_502 {strides = array<i32>} : memref<80x144xf32, #tpu.memory_space<vmem>>, vector<1x16xf32>,
          %parallel_loop3A_503 = vector.extract_strided_slice %parallel_loop3A_445 {offsets = [2], sizes = [1], strides = [1]} : vector<16xf32> to vector<1xf32>
          %parallel_loop3A_504 = vector.extract %parallel_loop3A_503[0] : f32 from vector<1xf32>
          %parallel_loop3A_505 = arith.index_cast %parallel_loop3A_422 : i32 to index
          %parallel_loop3A_506 = arith.constant 64 : index
          %parallel_loop3A_507 = tpu.vector_load %arg9[%parallel_loop3A_505, %parallel_loop3A_506] {strides = array<i32>} : memref<80x144xf32, #tpu.memory_space<vmem>>, vector<1x16xf32>,
          %parallel_loop3A_508 = vector.shape_cast %parallel_loop3A_507 : vector<1x16xf32> to vector<16xf32>
          %parallel_loop3A_509 = vector.broadcast %parallel_loop3A_504 : f32 to vector<16xf32>
          %parallel_loop3A_510 = arith.mulf %parallel_loop3A_508, %parallel_loop3A_509 : vector<16xf32>
          %parallel_loop3A_511 = arith.index_cast %parallel_loop3A_422 : i32 to index
          %parallel_loop3A_512 = arith.constant 64 : index
          %parallel_loop3A_513 = tpu.vector_load %arg9[%parallel_loop3A_511, %parallel_loop3A_512] {strides = array<i32>} : memref<80x144xf32, #tpu.memory_space<vmem>>, vector<1x16xf32>,
          %parallel_loop3A_514 = vector.shape_cast %parallel_loop3A_513 : vector<1x16xf32> to vector<16xf32>
          %parallel_loop3A_515 = vector.shape_cast %parallel_loop3A_510 : vector<16xf32> to vector<1x16xf32>
          tpu.vector_store %arg9[%parallel_loop3A_511, %parallel_loop3A_512], %parallel_loop3A_515 {strides = array<i32>} : memref<80x144xf32, #tpu.memory_space<vmem>>, vector<1x16xf32>,
          %parallel_loop3A_516 = vector.extract_strided_slice %parallel_loop3A_445 {offsets = [2], sizes = [1], strides = [1]} : vector<16xf32> to vector<1xf32>
          %parallel_loop3A_517 = vector.extract %parallel_loop3A_516[0] : f32 from vector<1xf32>
          %parallel_loop3A_518 = arith.index_cast %parallel_loop3A_422 : i32 to index
          %parallel_loop3A_519 = arith.constant 80 : index
          %parallel_loop3A_520 = tpu.vector_load %arg9[%parallel_loop3A_518, %parallel_loop3A_519] {strides = array<i32>} : memref<80x144xf32, #tpu.memory_space<vmem>>, vector<1x16xf32>,
          %parallel_loop3A_521 = vector.shape_cast %parallel_loop3A_520 : vector<1x16xf32> to vector<16xf32>
          %parallel_loop3A_522 = vector.broadcast %parallel_loop3A_517 : f32 to vector<16xf32>
          %parallel_loop3A_523 = arith.mulf %parallel_loop3A_521, %parallel_loop3A_522 : vector<16xf32>
          %parallel_loop3A_524 = arith.index_cast %parallel_loop3A_422 : i32 to index
          %parallel_loop3A_525 = arith.constant 80 : index
          %parallel_loop3A_526 = tpu.vector_load %arg9[%parallel_loop3A_524, %parallel_loop3A_525] {strides = array<i32>} : memref<80x144xf32, #tpu.memory_space<vmem>>, vector<1x16xf32>,
          %parallel_loop3A_527 = vector.shape_cast %parallel_loop3A_526 : vector<1x16xf32> to vector<16xf32>
          %parallel_loop3A_528 = vector.shape_cast %parallel_loop3A_523 : vector<16xf32> to vector<1x16xf32>
          tpu.vector_store %arg9[%parallel_loop3A_524, %parallel_loop3A_525], %parallel_loop3A_528 {strides = array<i32>} : memref<80x144xf32, #tpu.memory_space<vmem>>, vector<1x16xf32>,
          %parallel_loop3A_529 = vector.extract_strided_slice %parallel_loop3A_445 {offsets = [3], sizes = [1], strides = [1]} : vector<16xf32> to vector<1xf32>
          %parallel_loop3A_530 = vector.extract %parallel_loop3A_529[0] : f32 from vector<1xf32>
          %parallel_loop3A_531 = arith.index_cast %parallel_loop3A_422 : i32 to index
          %parallel_loop3A_532 = arith.constant 96 : index
          %parallel_loop3A_533 = tpu.vector_load %arg9[%parallel_loop3A_531, %parallel_loop3A_532] {strides = array<i32>} : memref<80x144xf32, #tpu.memory_space<vmem>>, vector<1x16xf32>,
          %parallel_loop3A_534 = vector.shape_cast %parallel_loop3A_533 : vector<1x16xf32> to vector<16xf32>
          %parallel_loop3A_535 = vector.broadcast %parallel_loop3A_530 : f32 to vector<16xf32>
          %parallel_loop3A_536 = arith.mulf %parallel_loop3A_534, %parallel_loop3A_535 : vector<16xf32>
          %parallel_loop3A_537 = arith.index_cast %parallel_loop3A_422 : i32 to index
          %parallel_loop3A_538 = arith.constant 96 : index
          %parallel_loop3A_539 = tpu.vector_load %arg9[%parallel_loop3A_537, %parallel_loop3A_538] {strides = array<i32>} : memref<80x144xf32, #tpu.memory_space<vmem>>, vector<1x16xf32>,
          %parallel_loop3A_540 = vector.shape_cast %parallel_loop3A_539 : vector<1x16xf32> to vector<16xf32>
          %parallel_loop3A_541 = vector.shape_cast %parallel_loop3A_536 : vector<16xf32> to vector<1x16xf32>
          tpu.vector_store %arg9[%parallel_loop3A_537, %parallel_loop3A_538], %parallel_loop3A_541 {strides = array<i32>} : memref<80x144xf32, #tpu.memory_space<vmem>>, vector<1x16xf32>,
          %parallel_loop3A_542 = vector.extract_strided_slice %parallel_loop3A_445 {offsets = [3], sizes = [1], strides = [1]} : vector<16xf32> to vector<1xf32>
          %parallel_loop3A_543 = vector.extract %parallel_loop3A_542[0] : f32 from vector<1xf32>
          %parallel_loop3A_544 = arith.index_cast %parallel_loop3A_422 : i32 to index
          %parallel_loop3A_545 = arith.constant 112 : index
          %parallel_loop3A_546 = tpu.vector_load %arg9[%parallel_loop3A_544, %parallel_loop3A_545] {strides = array<i32>} : memref<80x144xf32, #tpu.memory_space<vmem>>, vector<1x16xf32>,
          %parallel_loop3A_547 = vector.shape_cast %parallel_loop3A_546 : vector<1x16xf32> to vector<16xf32>
          %parallel_loop3A_548 = vector.broadcast %parallel_loop3A_543 : f32 to vector<16xf32>
          %parallel_loop3A_549 = arith.mulf %parallel_loop3A_547, %parallel_loop3A_548 : vector<16xf32>
          %parallel_loop3A_550 = arith.index_cast %parallel_loop3A_422 : i32 to index
          %parallel_loop3A_551 = arith.constant 112 : index
          %parallel_loop3A_552 = tpu.vector_load %arg9[%parallel_loop3A_550, %parallel_loop3A_551] {strides = array<i32>} : memref<80x144xf32, #tpu.memory_space<vmem>>, vector<1x16xf32>,
          %parallel_loop3A_553 = vector.shape_cast %parallel_loop3A_552 : vector<1x16xf32> to vector<16xf32>
          %parallel_loop3A_554 = vector.shape_cast %parallel_loop3A_549 : vector<16xf32> to vector<1x16xf32>
          tpu.vector_store %arg9[%parallel_loop3A_550, %parallel_loop3A_551], %parallel_loop3A_554 {strides = array<i32>} : memref<80x144xf32, #tpu.memory_space<vmem>>, vector<1x16xf32>,
        } {sc.loop_unroll_factor = 4 : i64, sc.parallel_access}
        %dma_start3A_415 = arith.constant 3 : i32
        %dma_start3A_416 = arith.constant 0 : i32
        %dma_start3A_417 = tpu.memref_slice %arg8[%dma_start3A_415, %dma_start3A_416] : memref<6x80xi32, #tpu.memory_space<vmem>> -> memref<1x80xi32, #tpu.memory_space<vmem>>
        %dma_start3A_418 = tpu.memref_squeeze %dma_start3A_417 : memref<1x80xi32, #tpu.memory_space<vmem>> -> memref<80xi32, #tpu.memory_space<vmem>>
        %dma_start3A_419 = arith.constant 0 : i32
        %dma_start3A_420 = arith.constant 0 : i32
        %dma_start3A_421 = tpu.memref_slice %arg16[%dma_start3A_419, %dma_start3A_420] : memref<10112x144xf32, #tpu.memory_space<vmem_shared>> -> memref<10112x144xf32, #tpu.memory_space<vmem_shared>>
        tpu.enqueue_indirect_dma source(%arg9 : memref<80x144xf32, #tpu.memory_space<vmem>>) target(%dma_start3A_421 : memref<10112x144xf32, #tpu.memory_space<vmem_shared>>) offsets(%dma_start3A_418 : memref<80xi32, #tpu.memory_space<vmem>>) semaphore(%arg23 : memref<!tpu.dma_semaphore, #tpu.memory_space<semaphore_mem>>) {add = true}
      } else {
      }
      %mul3A_336 = arith.constant 6 : i32
      %mul3A_337 = arith.muli %mul3A_336, %scan3A_208 : i32
      %add3A_338 = arith.constant 4 : i32
      %add3A_339 = arith.addi %mul3A_337, %add3A_338 : i32
      %mul3A_340 = arith.constant 32 : i32
      %mul3A_341 = arith.muli %add3A_339, %mul3A_340 : i32
      %add3A_342 = arith.addi %add3A, %mul3A_341 : i32
      %add3A_343 = arith.constant 32 : i32
      %add3A_344 = arith.addi %add3A_342, %add3A_343 : i32
      %lt3A_345 = arith.constant 4000 : i32
      %lt3A_346 = arith.cmpi slt, %add3A_344, %lt3A_345 : i32
      %convert_element_type3A_347 = arith.extui %lt3A_346 : i1 to i32
      %cond3A_348 = arith.constant 0 : i32
      %cond3A_349 = arith.cmpi ne, %convert_element_type3A_347, %cond3A_348 : i32
      scf.if %cond3A_349 {
        %dma_wait3A_399 = arith.constant 0 : i32
        %dma_wait3A_400 = arith.constant 0 : i32
        %dma_wait3A_401 = tpu.memref_slice %arg8[%dma_wait3A_399, %dma_wait3A_400] : memref<6x80xi32, #tpu.memory_space<vmem>> -> memref<1x80xi32, #tpu.memory_space<vmem>>
        %dma_wait3A_402 = tpu.memref_squeeze %dma_wait3A_401 : memref<1x80xi32, #tpu.memory_space<vmem>> -> memref<80xi32, #tpu.memory_space<vmem>>
        %dma_wait3A_403 = arith.constant 0 : i32
        %dma_wait3A_404 = arith.constant 0 : i32
        %dma_wait3A_405 = tpu.memref_slice %arg16[%dma_wait3A_403, %dma_wait3A_404] : memref<10112x144xf32, #tpu.memory_space<vmem_shared>> -> memref<10112x144xf32, #tpu.memory_space<vmem_shared>>
        tpu.wait_indirect_dma semaphore(%arg25 : memref<!tpu.dma_semaphore, #tpu.memory_space<semaphore_mem>>) src(%arg13 : memref<80x144xf32, #tpu.memory_space<vmem>>) dst(%dma_wait3A_405 : memref<10112x144xf32, #tpu.memory_space<vmem_shared>>)
      } else {
      }
      %lt3A_350 = arith.constant 4000 : i32
      %lt3A_351 = arith.cmpi slt, %add3A_344, %lt3A_350 : i32
      %convert_element_type3A_352 = arith.extui %lt3A_351 : i1 to i32
      %cond3A_353 = arith.constant 0 : i32
      %cond3A_354 = arith.cmpi ne, %convert_element_type3A_352, %cond3A_353 : i32
      scf.if %cond3A_354 {
        %dma_wait3A_399 = arith.constant 0 : i32
        %dma_wait3A_400 = arith.constant 5 : i32
        %dma_wait3A_401 = arith.constant 0 : i32
        %dma_wait3A_402 = tpu.memref_slice %arg7[%dma_wait3A_400, %dma_wait3A_401] : memref<6x80xi32, #tpu.memory_space<vmem>> -> memref<1x80xi32, #tpu.memory_space<vmem>>
        %dma_wait3A_403 = tpu.memref_squeeze %dma_wait3A_402 : memref<1x80xi32, #tpu.memory_space<vmem>> -> memref<80xi32, #tpu.memory_space<vmem>>
        %dma_wait3A_404 = arith.constant 0 : i32
        %dma_wait3A_405 = tpu.memref_slice %arg4[%dma_wait3A_399, %add3A_344, %dma_wait3A_404] : memref<2x4000x80xi32, #tpu.memory_space<hbm>> -> memref<1x1x80xi32, #tpu.memory_space<hbm>>
        %dma_wait3A_406 = tpu.memref_squeeze %dma_wait3A_405 : memref<1x1x80xi32, #tpu.memory_space<hbm>> -> memref<80xi32, #tpu.memory_space<hbm>>
        %dma_wait3A_407 = arith.constant 0 : i32
        %dma_wait3A_408 = tpu.memref_slice %arg7[%dma_wait3A_400, %dma_wait3A_407] : memref<6x80xi32, #tpu.memory_space<vmem>> -> memref<1x80xi32, #tpu.memory_space<vmem>>
        %dma_wait3A_409 = tpu.memref_squeeze %dma_wait3A_408 : memref<1x80xi32, #tpu.memory_space<vmem>> -> memref<80xi32, #tpu.memory_space<vmem>>
        %dma_wait3A_410 = arith.constant 0 : i32
        %dma_wait3A_411 = tpu.memref_slice %arg4[%dma_wait3A_399, %add3A_344, %dma_wait3A_410] : memref<2x4000x80xi32, #tpu.memory_space<hbm>> -> memref<1x1x80xi32, #tpu.memory_space<hbm>>
        %dma_wait3A_412 = tpu.memref_squeeze %dma_wait3A_411 : memref<1x1x80xi32, #tpu.memory_space<hbm>> -> memref<80xi32, #tpu.memory_space<hbm>>
        tpu.wait_dma2 semaphore(%arg31 : memref<!tpu.dma_semaphore, #tpu.memory_space<semaphore_mem>>) src(%dma_wait3A_412 : memref<80xi32, #tpu.memory_space<hbm>>) dst(%dma_wait3A_409 : memref<80xi32, #tpu.memory_space<vmem>>)
        %dma_wait3A_413 = arith.constant 1 : i32
        %dma_wait3A_414 = arith.constant 5 : i32
        %dma_wait3A_415 = arith.constant 0 : i32
        %dma_wait3A_416 = tpu.memref_slice %arg8[%dma_wait3A_414, %dma_wait3A_415] : memref<6x80xi32, #tpu.memory_space<vmem>> -> memref<1x80xi32, #tpu.memory_space<vmem>>
        %dma_wait3A_417 = tpu.memref_squeeze %dma_wait3A_416 : memref<1x80xi32, #tpu.memory_space<vmem>> -> memref<80xi32, #tpu.memory_space<vmem>>
        %dma_wait3A_418 = arith.constant 0 : i32
        %dma_wait3A_419 = tpu.memref_slice %arg4[%dma_wait3A_413, %add3A_344, %dma_wait3A_418] : memref<2x4000x80xi32, #tpu.memory_space<hbm>> -> memref<1x1x80xi32, #tpu.memory_space<hbm>>
        %dma_wait3A_420 = tpu.memref_squeeze %dma_wait3A_419 : memref<1x1x80xi32, #tpu.memory_space<hbm>> -> memref<80xi32, #tpu.memory_space<hbm>>
        %dma_wait3A_421 = arith.constant 0 : i32
        %dma_wait3A_422 = tpu.memref_slice %arg8[%dma_wait3A_414, %dma_wait3A_421] : memref<6x80xi32, #tpu.memory_space<vmem>> -> memref<1x80xi32, #tpu.memory_space<vmem>>
        %dma_wait3A_423 = tpu.memref_squeeze %dma_wait3A_422 : memref<1x80xi32, #tpu.memory_space<vmem>> -> memref<80xi32, #tpu.memory_space<vmem>>
        %dma_wait3A_424 = arith.constant 0 : i32
        %dma_wait3A_425 = tpu.memref_slice %arg4[%dma_wait3A_413, %add3A_344, %dma_wait3A_424] : memref<2x4000x80xi32, #tpu.memory_space<hbm>> -> memref<1x1x80xi32, #tpu.memory_space<hbm>>
        %dma_wait3A_426 = tpu.memref_squeeze %dma_wait3A_425 : memref<1x1x80xi32, #tpu.memory_space<hbm>> -> memref<80xi32, #tpu.memory_space<hbm>>
        tpu.wait_dma2 semaphore(%arg31 : memref<!tpu.dma_semaphore, #tpu.memory_space<semaphore_mem>>) src(%dma_wait3A_426 : memref<80xi32, #tpu.memory_space<hbm>>) dst(%dma_wait3A_423 : memref<80xi32, #tpu.memory_space<vmem>>)
        %dma_start3A_427 = arith.constant 5 : i32
        %dma_start3A_428 = arith.constant 0 : i32
        %dma_start3A_429 = tpu.memref_slice %arg7[%dma_start3A_427, %dma_start3A_428] : memref<6x80xi32, #tpu.memory_space<vmem>> -> memref<1x80xi32, #tpu.memory_space<vmem>>
        %dma_start3A_430 = tpu.memref_squeeze %dma_start3A_429 : memref<1x80xi32, #tpu.memory_space<vmem>> -> memref<80xi32, #tpu.memory_space<vmem>>
        %dma_start3A_431 = arith.constant 0 : i32
        %dma_start3A_432 = arith.constant 0 : i32
        %dma_start3A_433 = tpu.memref_slice %arg2[%dma_start3A_431, %dma_start3A_432] : memref<10000x144xf32, #tpu.memory_space<hbm>> -> memref<10000x144xf32, #tpu.memory_space<hbm>>
        tpu.enqueue_indirect_dma source(%dma_start3A_433 : memref<10000x144xf32, #tpu.memory_space<hbm>>) target(%arg13 : memref<80x144xf32, #tpu.memory_space<vmem>>) offsets(%dma_start3A_430 : memref<80xi32, #tpu.memory_space<vmem>>) semaphore(%arg21 : memref<!tpu.dma_semaphore, #tpu.memory_space<semaphore_mem>>)
        %dma_start3A_434 = arith.constant 5 : i32
        %dma_start3A_435 = arith.constant 0 : i32
        %dma_start3A_436 = tpu.memref_slice %arg8[%dma_start3A_434, %dma_start3A_435] : memref<6x80xi32, #tpu.memory_space<vmem>> -> memref<1x80xi32, #tpu.memory_space<vmem>>
        %dma_start3A_437 = tpu.memref_squeeze %dma_start3A_436 : memref<1x80xi32, #tpu.memory_space<vmem>> -> memref<80xi32, #tpu.memory_space<vmem>>
        %dma_start3A_438 = arith.constant 0 : i32
        %dma_start3A_439 = arith.constant 0 : i32
        %dma_start3A_440 = tpu.memref_slice %arg3[%dma_start3A_438, %dma_start3A_439] : memref<10000x16xf32, #tpu.memory_space<hbm>> -> memref<10000x16xf32, #tpu.memory_space<hbm>>
        tpu.enqueue_indirect_dma source(%dma_start3A_440 : memref<10000x16xf32, #tpu.memory_space<hbm>>) target(%arg14 : memref<80x16xf32, #tpu.memory_space<vmem>>) offsets(%dma_start3A_437 : memref<80xi32, #tpu.memory_space<vmem>>) semaphore(%arg22 : memref<!tpu.dma_semaphore, #tpu.memory_space<semaphore_mem>>)
      } else {
      }
      %add3A_355 = arith.constant 96 : i32
      %add3A_356 = arith.addi %add3A_342, %add3A_355 : i32
      %lt3A_357 = arith.constant 4000 : i32
      %lt3A_358 = arith.cmpi slt, %add3A_356, %lt3A_357 : i32
      %convert_element_type3A_359 = arith.extui %lt3A_358 : i1 to i32
      %cond3A_360 = arith.constant 0 : i32
      %cond3A_361 = arith.cmpi ne, %convert_element_type3A_359, %cond3A_360 : i32
      scf.if %cond3A_361 {
        %add3A_399 = arith.constant 96 : i32
        %add3A_400 = arith.addi %add3A_342, %add3A_399 : i32
        %dma_start3A_401 = arith.constant 0 : i32
        %dma_start3A_402 = arith.constant 1 : i32
        %dma_start3A_403 = arith.constant 0 : i32
        %dma_start3A_404 = tpu.memref_slice %arg7[%dma_start3A_402, %dma_start3A_403] : memref<6x80xi32, #tpu.memory_space<vmem>> -> memref<1x80xi32, #tpu.memory_space<vmem>>
        %dma_start3A_405 = tpu.memref_squeeze %dma_start3A_404 : memref<1x80xi32, #tpu.memory_space<vmem>> -> memref<80xi32, #tpu.memory_space<vmem>>
        %dma_start3A_406 = arith.constant 0 : i32
        %dma_start3A_407 = tpu.memref_slice %arg4[%dma_start3A_401, %add3A_400, %dma_start3A_406] : memref<2x4000x80xi32, #tpu.memory_space<hbm>> -> memref<1x1x80xi32, #tpu.memory_space<hbm>>
        %dma_start3A_408 = tpu.memref_squeeze %dma_start3A_407 : memref<1x1x80xi32, #tpu.memory_space<hbm>> -> memref<80xi32, #tpu.memory_space<hbm>>
        %dma_start3A_409 = arith.constant 0 : i32
        %dma_start3A_410 = tpu.memref_slice %arg7[%dma_start3A_402, %dma_start3A_409] : memref<6x80xi32, #tpu.memory_space<vmem>> -> memref<1x80xi32, #tpu.memory_space<vmem>>
        %dma_start3A_411 = tpu.memref_squeeze %dma_start3A_410 : memref<1x80xi32, #tpu.memory_space<vmem>> -> memref<80xi32, #tpu.memory_space<vmem>>
        %dma_start3A_412 = arith.constant 0 : i32
        %dma_start3A_413 = tpu.memref_slice %arg4[%dma_start3A_401, %add3A_400, %dma_start3A_412] : memref<2x4000x80xi32, #tpu.memory_space<hbm>> -> memref<1x1x80xi32, #tpu.memory_space<hbm>>
        %dma_start3A_414 = tpu.memref_squeeze %dma_start3A_413 : memref<1x1x80xi32, #tpu.memory_space<hbm>> -> memref<80xi32, #tpu.memory_space<hbm>>
        tpu.enqueue_dma source(%dma_start3A_414 : memref<80xi32, #tpu.memory_space<hbm>>) target(%dma_start3A_411 : memref<80xi32, #tpu.memory_space<vmem>>) target_semaphore(%arg27 : memref<!tpu.dma_semaphore, #tpu.memory_space<semaphore_mem>>)
        %dma_start3A_415 = arith.constant 1 : i32
        %dma_start3A_416 = arith.constant 1 : i32
        %dma_start3A_417 = arith.constant 0 : i32
        %dma_start3A_418 = tpu.memref_slice %arg8[%dma_start3A_416, %dma_start3A_417] : memref<6x80xi32, #tpu.memory_space<vmem>> -> memref<1x80xi32, #tpu.memory_space<vmem>>
        %dma_start3A_419 = tpu.memref_squeeze %dma_start3A_418 : memref<1x80xi32, #tpu.memory_space<vmem>> -> memref<80xi32, #tpu.memory_space<vmem>>
        %dma_start3A_420 = arith.constant 0 : i32
        %dma_start3A_421 = tpu.memref_slice %arg4[%dma_start3A_415, %add3A_400, %dma_start3A_420] : memref<2x4000x80xi32, #tpu.memory_space<hbm>> -> memref<1x1x80xi32, #tpu.memory_space<hbm>>
        %dma_start3A_422 = tpu.memref_squeeze %dma_start3A_421 : memref<1x1x80xi32, #tpu.memory_space<hbm>> -> memref<80xi32, #tpu.memory_space<hbm>>
        %dma_start3A_423 = arith.constant 0 : i32
        %dma_start3A_424 = tpu.memref_slice %arg8[%dma_start3A_416, %dma_start3A_423] : memref<6x80xi32, #tpu.memory_space<vmem>> -> memref<1x80xi32, #tpu.memory_space<vmem>>
        %dma_start3A_425 = tpu.memref_squeeze %dma_start3A_424 : memref<1x80xi32, #tpu.memory_space<vmem>> -> memref<80xi32, #tpu.memory_space<vmem>>
        %dma_start3A_426 = arith.constant 0 : i32
        %dma_start3A_427 = tpu.memref_slice %arg4[%dma_start3A_415, %add3A_400, %dma_start3A_426] : memref<2x4000x80xi32, #tpu.memory_space<hbm>> -> memref<1x1x80xi32, #tpu.memory_space<hbm>>
        %dma_start3A_428 = tpu.memref_squeeze %dma_start3A_427 : memref<1x1x80xi32, #tpu.memory_space<hbm>> -> memref<80xi32, #tpu.memory_space<hbm>>
        tpu.enqueue_dma source(%dma_start3A_428 : memref<80xi32, #tpu.memory_space<hbm>>) target(%dma_start3A_425 : memref<80xi32, #tpu.memory_space<vmem>>) target_semaphore(%arg27 : memref<!tpu.dma_semaphore, #tpu.memory_space<semaphore_mem>>)
      } else {
      }
      %lt3A_362 = arith.constant 4000 : i32
      %lt3A_363 = arith.cmpi slt, %add3A_342, %lt3A_362 : i32
      %convert_element_type3A_364 = arith.extui %lt3A_363 : i1 to i32
      %cond3A_365 = arith.constant 0 : i32
      %cond3A_366 = arith.cmpi ne, %convert_element_type3A_364, %cond3A_365 : i32
      scf.if %cond3A_366 {
        %dma_wait3A_399 = arith.constant 4 : i32
        %dma_wait3A_400 = arith.constant 0 : i32
        %dma_wait3A_401 = tpu.memref_slice %arg7[%dma_wait3A_399, %dma_wait3A_400] : memref<6x80xi32, #tpu.memory_space<vmem>> -> memref<1x80xi32, #tpu.memory_space<vmem>>
        %dma_wait3A_402 = tpu.memref_squeeze %dma_wait3A_401 : memref<1x80xi32, #tpu.memory_space<vmem>> -> memref<80xi32, #tpu.memory_space<vmem>>
        %dma_wait3A_403 = arith.constant 0 : i32
        %dma_wait3A_404 = arith.constant 0 : i32
        %dma_wait3A_405 = tpu.memref_slice %arg2[%dma_wait3A_403, %dma_wait3A_404] : memref<10000x144xf32, #tpu.memory_space<hbm>> -> memref<10000x144xf32, #tpu.memory_space<hbm>>
        tpu.wait_indirect_dma semaphore(%arg19 : memref<!tpu.dma_semaphore, #tpu.memory_space<semaphore_mem>>) src(%dma_wait3A_405 : memref<10000x144xf32, #tpu.memory_space<hbm>>) dst(%arg11 : memref<80x144xf32, #tpu.memory_space<vmem>>)
        %dma_wait3A_406 = arith.constant 4 : i32
        %dma_wait3A_407 = arith.constant 0 : i32
        %dma_wait3A_408 = tpu.memref_slice %arg8[%dma_wait3A_406, %dma_wait3A_407] : memref<6x80xi32, #tpu.memory_space<vmem>> -> memref<1x80xi32, #tpu.memory_space<vmem>>
        %dma_wait3A_409 = tpu.memref_squeeze %dma_wait3A_408 : memref<1x80xi32, #tpu.memory_space<vmem>> -> memref<80xi32, #tpu.memory_space<vmem>>
        %dma_wait3A_410 = arith.constant 0 : i32
        %dma_wait3A_411 = arith.constant 0 : i32
        %dma_wait3A_412 = tpu.memref_slice %arg3[%dma_wait3A_410, %dma_wait3A_411] : memref<10000x16xf32, #tpu.memory_space<hbm>> -> memref<10000x16xf32, #tpu.memory_space<hbm>>
        tpu.wait_indirect_dma semaphore(%arg20 : memref<!tpu.dma_semaphore, #tpu.memory_space<semaphore_mem>>) src(%dma_wait3A_412 : memref<10000x16xf32, #tpu.memory_space<hbm>>) dst(%arg12 : memref<80x16xf32, #tpu.memory_space<vmem>>)
        %parallel_loop3A = arith.constant 0 : i32
        %parallel_loop3A_413 = arith.constant 80 : i32
        %parallel_loop3A_414 = arith.constant 1 : i32
        scf.for %parallel_loop3A_422 = %parallel_loop3A to %parallel_loop3A_413 step %parallel_loop3A_414  : i32 {
          %parallel_loop3A_423 = arith.index_cast %parallel_loop3A_422 : i32 to index
          %parallel_loop3A_424 = arith.constant 0 : index
          %parallel_loop3A_425 = tpu.vector_load %arg12[%parallel_loop3A_423, %parallel_loop3A_424] {strides = array<i32>} : memref<80x16xf32, #tpu.memory_space<vmem>>, vector<1x16xf32>,
          %parallel_loop3A_426 = vector.shape_cast %parallel_loop3A_425 : vector<1x16xf32> to vector<16xf32>
          %parallel_loop3A_427 = arith.index_cast %parallel_loop3A_422 : i32 to index
          %parallel_loop3A_428 = arith.constant 128 : index
          %parallel_loop3A_429 = tpu.vector_load %arg11[%parallel_loop3A_427, %parallel_loop3A_428] {strides = array<i32>} : memref<80x144xf32, #tpu.memory_space<vmem>>, vector<1x16xf32>,
          %parallel_loop3A_430 = vector.shape_cast %parallel_loop3A_429 : vector<1x16xf32> to vector<16xf32>
          %parallel_loop3A_431 = arith.addf %parallel_loop3A_430, %parallel_loop3A_426 : vector<16xf32>
          %parallel_loop3A_432 = arith.constant 2.000000e-01 : f32
          %parallel_loop3A_433 = vector.broadcast %parallel_loop3A_432 : f32 to vector<16xf32>
          %parallel_loop3A_434 = arith.mulf %parallel_loop3A_433, %parallel_loop3A_431 : vector<16xf32>
          %parallel_loop3A_435 = arith.maximumf %parallel_loop3A_431, %parallel_loop3A_434 : vector<16xf32>
          %parallel_loop3A_436 = arith.addf %get3A_156, %parallel_loop3A_426 : vector<16xf32>
          %parallel_loop3A_437 = arith.constant 2.000000e-01 : f32
          %parallel_loop3A_438 = vector.broadcast %parallel_loop3A_437 : f32 to vector<16xf32>
          %parallel_loop3A_439 = arith.mulf %parallel_loop3A_438, %parallel_loop3A_436 : vector<16xf32>
          %parallel_loop3A_440 = arith.maximumf %parallel_loop3A_436, %parallel_loop3A_439 : vector<16xf32>
          %parallel_loop3A_441 = arith.subf %parallel_loop3A_435, %parallel_loop3A_440 : vector<16xf32>
          %parallel_loop3A_442 = math.exp %parallel_loop3A_441 : vector<16xf32>
          %parallel_loop3A_443 = arith.constant 0.000000e+00 : f32
          %parallel_loop3A_444 = vector.broadcast %parallel_loop3A_443 : f32 to vector<16xf32>
          %parallel_loop3A_445 = arith.select %lt3A_158, %parallel_loop3A_442, %parallel_loop3A_444 : vector<16xi1>, vector<16xf32>
          %parallel_loop3A_446 = arith.index_cast %parallel_loop3A_422 : i32 to index
          %parallel_loop3A_447 = arith.constant 128 : index
          %parallel_loop3A_448 = tpu.vector_load %arg11[%parallel_loop3A_446, %parallel_loop3A_447] {strides = array<i32>} : memref<80x144xf32, #tpu.memory_space<vmem>>, vector<1x16xf32>,
          %parallel_loop3A_449 = vector.shape_cast %parallel_loop3A_448 : vector<1x16xf32> to vector<16xf32>
          %parallel_loop3A_450 = vector.shape_cast %parallel_loop3A_445 : vector<16xf32> to vector<1x16xf32>
          tpu.vector_store %arg11[%parallel_loop3A_446, %parallel_loop3A_447], %parallel_loop3A_450 {strides = array<i32>} : memref<80x144xf32, #tpu.memory_space<vmem>>, vector<1x16xf32>,
          %parallel_loop3A_451 = vector.extract_strided_slice %parallel_loop3A_445 {offsets = [0], sizes = [1], strides = [1]} : vector<16xf32> to vector<1xf32>
          %parallel_loop3A_452 = vector.extract %parallel_loop3A_451[0] : f32 from vector<1xf32>
          %parallel_loop3A_453 = arith.index_cast %parallel_loop3A_422 : i32 to index
          %parallel_loop3A_454 = arith.constant 0 : index
          %parallel_loop3A_455 = tpu.vector_load %arg11[%parallel_loop3A_453, %parallel_loop3A_454] {strides = array<i32>} : memref<80x144xf32, #tpu.memory_space<vmem>>, vector<1x16xf32>,
          %parallel_loop3A_456 = vector.shape_cast %parallel_loop3A_455 : vector<1x16xf32> to vector<16xf32>
          %parallel_loop3A_457 = vector.broadcast %parallel_loop3A_452 : f32 to vector<16xf32>
          %parallel_loop3A_458 = arith.mulf %parallel_loop3A_456, %parallel_loop3A_457 : vector<16xf32>
          %parallel_loop3A_459 = arith.index_cast %parallel_loop3A_422 : i32 to index
          %parallel_loop3A_460 = arith.constant 0 : index
          %parallel_loop3A_461 = tpu.vector_load %arg11[%parallel_loop3A_459, %parallel_loop3A_460] {strides = array<i32>} : memref<80x144xf32, #tpu.memory_space<vmem>>, vector<1x16xf32>,
          %parallel_loop3A_462 = vector.shape_cast %parallel_loop3A_461 : vector<1x16xf32> to vector<16xf32>
          %parallel_loop3A_463 = vector.shape_cast %parallel_loop3A_458 : vector<16xf32> to vector<1x16xf32>
          tpu.vector_store %arg11[%parallel_loop3A_459, %parallel_loop3A_460], %parallel_loop3A_463 {strides = array<i32>} : memref<80x144xf32, #tpu.memory_space<vmem>>, vector<1x16xf32>,
          %parallel_loop3A_464 = vector.extract_strided_slice %parallel_loop3A_445 {offsets = [0], sizes = [1], strides = [1]} : vector<16xf32> to vector<1xf32>
          %parallel_loop3A_465 = vector.extract %parallel_loop3A_464[0] : f32 from vector<1xf32>
          %parallel_loop3A_466 = arith.index_cast %parallel_loop3A_422 : i32 to index
          %parallel_loop3A_467 = arith.constant 16 : index
          %parallel_loop3A_468 = tpu.vector_load %arg11[%parallel_loop3A_466, %parallel_loop3A_467] {strides = array<i32>} : memref<80x144xf32, #tpu.memory_space<vmem>>, vector<1x16xf32>,
          %parallel_loop3A_469 = vector.shape_cast %parallel_loop3A_468 : vector<1x16xf32> to vector<16xf32>
          %parallel_loop3A_470 = vector.broadcast %parallel_loop3A_465 : f32 to vector<16xf32>
          %parallel_loop3A_471 = arith.mulf %parallel_loop3A_469, %parallel_loop3A_470 : vector<16xf32>
          %parallel_loop3A_472 = arith.index_cast %parallel_loop3A_422 : i32 to index
          %parallel_loop3A_473 = arith.constant 16 : index
          %parallel_loop3A_474 = tpu.vector_load %arg11[%parallel_loop3A_472, %parallel_loop3A_473] {strides = array<i32>} : memref<80x144xf32, #tpu.memory_space<vmem>>, vector<1x16xf32>,
          %parallel_loop3A_475 = vector.shape_cast %parallel_loop3A_474 : vector<1x16xf32> to vector<16xf32>
          %parallel_loop3A_476 = vector.shape_cast %parallel_loop3A_471 : vector<16xf32> to vector<1x16xf32>
          tpu.vector_store %arg11[%parallel_loop3A_472, %parallel_loop3A_473], %parallel_loop3A_476 {strides = array<i32>} : memref<80x144xf32, #tpu.memory_space<vmem>>, vector<1x16xf32>,
          %parallel_loop3A_477 = vector.extract_strided_slice %parallel_loop3A_445 {offsets = [1], sizes = [1], strides = [1]} : vector<16xf32> to vector<1xf32>
          %parallel_loop3A_478 = vector.extract %parallel_loop3A_477[0] : f32 from vector<1xf32>
          %parallel_loop3A_479 = arith.index_cast %parallel_loop3A_422 : i32 to index
          %parallel_loop3A_480 = arith.constant 32 : index
          %parallel_loop3A_481 = tpu.vector_load %arg11[%parallel_loop3A_479, %parallel_loop3A_480] {strides = array<i32>} : memref<80x144xf32, #tpu.memory_space<vmem>>, vector<1x16xf32>,
          %parallel_loop3A_482 = vector.shape_cast %parallel_loop3A_481 : vector<1x16xf32> to vector<16xf32>
          %parallel_loop3A_483 = vector.broadcast %parallel_loop3A_478 : f32 to vector<16xf32>
          %parallel_loop3A_484 = arith.mulf %parallel_loop3A_482, %parallel_loop3A_483 : vector<16xf32>
          %parallel_loop3A_485 = arith.index_cast %parallel_loop3A_422 : i32 to index
          %parallel_loop3A_486 = arith.constant 32 : index
          %parallel_loop3A_487 = tpu.vector_load %arg11[%parallel_loop3A_485, %parallel_loop3A_486] {strides = array<i32>} : memref<80x144xf32, #tpu.memory_space<vmem>>, vector<1x16xf32>,
          %parallel_loop3A_488 = vector.shape_cast %parallel_loop3A_487 : vector<1x16xf32> to vector<16xf32>
          %parallel_loop3A_489 = vector.shape_cast %parallel_loop3A_484 : vector<16xf32> to vector<1x16xf32>
          tpu.vector_store %arg11[%parallel_loop3A_485, %parallel_loop3A_486], %parallel_loop3A_489 {strides = array<i32>} : memref<80x144xf32, #tpu.memory_space<vmem>>, vector<1x16xf32>,
          %parallel_loop3A_490 = vector.extract_strided_slice %parallel_loop3A_445 {offsets = [1], sizes = [1], strides = [1]} : vector<16xf32> to vector<1xf32>
          %parallel_loop3A_491 = vector.extract %parallel_loop3A_490[0] : f32 from vector<1xf32>
          %parallel_loop3A_492 = arith.index_cast %parallel_loop3A_422 : i32 to index
          %parallel_loop3A_493 = arith.constant 48 : index
          %parallel_loop3A_494 = tpu.vector_load %arg11[%parallel_loop3A_492, %parallel_loop3A_493] {strides = array<i32>} : memref<80x144xf32, #tpu.memory_space<vmem>>, vector<1x16xf32>,
          %parallel_loop3A_495 = vector.shape_cast %parallel_loop3A_494 : vector<1x16xf32> to vector<16xf32>
          %parallel_loop3A_496 = vector.broadcast %parallel_loop3A_491 : f32 to vector<16xf32>
          %parallel_loop3A_497 = arith.mulf %parallel_loop3A_495, %parallel_loop3A_496 : vector<16xf32>
          %parallel_loop3A_498 = arith.index_cast %parallel_loop3A_422 : i32 to index
          %parallel_loop3A_499 = arith.constant 48 : index
          %parallel_loop3A_500 = tpu.vector_load %arg11[%parallel_loop3A_498, %parallel_loop3A_499] {strides = array<i32>} : memref<80x144xf32, #tpu.memory_space<vmem>>, vector<1x16xf32>,
          %parallel_loop3A_501 = vector.shape_cast %parallel_loop3A_500 : vector<1x16xf32> to vector<16xf32>
          %parallel_loop3A_502 = vector.shape_cast %parallel_loop3A_497 : vector<16xf32> to vector<1x16xf32>
          tpu.vector_store %arg11[%parallel_loop3A_498, %parallel_loop3A_499], %parallel_loop3A_502 {strides = array<i32>} : memref<80x144xf32, #tpu.memory_space<vmem>>, vector<1x16xf32>,
          %parallel_loop3A_503 = vector.extract_strided_slice %parallel_loop3A_445 {offsets = [2], sizes = [1], strides = [1]} : vector<16xf32> to vector<1xf32>
          %parallel_loop3A_504 = vector.extract %parallel_loop3A_503[0] : f32 from vector<1xf32>
          %parallel_loop3A_505 = arith.index_cast %parallel_loop3A_422 : i32 to index
          %parallel_loop3A_506 = arith.constant 64 : index
          %parallel_loop3A_507 = tpu.vector_load %arg11[%parallel_loop3A_505, %parallel_loop3A_506] {strides = array<i32>} : memref<80x144xf32, #tpu.memory_space<vmem>>, vector<1x16xf32>,
          %parallel_loop3A_508 = vector.shape_cast %parallel_loop3A_507 : vector<1x16xf32> to vector<16xf32>
          %parallel_loop3A_509 = vector.broadcast %parallel_loop3A_504 : f32 to vector<16xf32>
          %parallel_loop3A_510 = arith.mulf %parallel_loop3A_508, %parallel_loop3A_509 : vector<16xf32>
          %parallel_loop3A_511 = arith.index_cast %parallel_loop3A_422 : i32 to index
          %parallel_loop3A_512 = arith.constant 64 : index
          %parallel_loop3A_513 = tpu.vector_load %arg11[%parallel_loop3A_511, %parallel_loop3A_512] {strides = array<i32>} : memref<80x144xf32, #tpu.memory_space<vmem>>, vector<1x16xf32>,
          %parallel_loop3A_514 = vector.shape_cast %parallel_loop3A_513 : vector<1x16xf32> to vector<16xf32>
          %parallel_loop3A_515 = vector.shape_cast %parallel_loop3A_510 : vector<16xf32> to vector<1x16xf32>
          tpu.vector_store %arg11[%parallel_loop3A_511, %parallel_loop3A_512], %parallel_loop3A_515 {strides = array<i32>} : memref<80x144xf32, #tpu.memory_space<vmem>>, vector<1x16xf32>,
          %parallel_loop3A_516 = vector.extract_strided_slice %parallel_loop3A_445 {offsets = [2], sizes = [1], strides = [1]} : vector<16xf32> to vector<1xf32>
          %parallel_loop3A_517 = vector.extract %parallel_loop3A_516[0] : f32 from vector<1xf32>
          %parallel_loop3A_518 = arith.index_cast %parallel_loop3A_422 : i32 to index
          %parallel_loop3A_519 = arith.constant 80 : index
          %parallel_loop3A_520 = tpu.vector_load %arg11[%parallel_loop3A_518, %parallel_loop3A_519] {strides = array<i32>} : memref<80x144xf32, #tpu.memory_space<vmem>>, vector<1x16xf32>,
          %parallel_loop3A_521 = vector.shape_cast %parallel_loop3A_520 : vector<1x16xf32> to vector<16xf32>
          %parallel_loop3A_522 = vector.broadcast %parallel_loop3A_517 : f32 to vector<16xf32>
          %parallel_loop3A_523 = arith.mulf %parallel_loop3A_521, %parallel_loop3A_522 : vector<16xf32>
          %parallel_loop3A_524 = arith.index_cast %parallel_loop3A_422 : i32 to index
          %parallel_loop3A_525 = arith.constant 80 : index
          %parallel_loop3A_526 = tpu.vector_load %arg11[%parallel_loop3A_524, %parallel_loop3A_525] {strides = array<i32>} : memref<80x144xf32, #tpu.memory_space<vmem>>, vector<1x16xf32>,
          %parallel_loop3A_527 = vector.shape_cast %parallel_loop3A_526 : vector<1x16xf32> to vector<16xf32>
          %parallel_loop3A_528 = vector.shape_cast %parallel_loop3A_523 : vector<16xf32> to vector<1x16xf32>
          tpu.vector_store %arg11[%parallel_loop3A_524, %parallel_loop3A_525], %parallel_loop3A_528 {strides = array<i32>} : memref<80x144xf32, #tpu.memory_space<vmem>>, vector<1x16xf32>,
          %parallel_loop3A_529 = vector.extract_strided_slice %parallel_loop3A_445 {offsets = [3], sizes = [1], strides = [1]} : vector<16xf32> to vector<1xf32>
          %parallel_loop3A_530 = vector.extract %parallel_loop3A_529[0] : f32 from vector<1xf32>
          %parallel_loop3A_531 = arith.index_cast %parallel_loop3A_422 : i32 to index
          %parallel_loop3A_532 = arith.constant 96 : index
          %parallel_loop3A_533 = tpu.vector_load %arg11[%parallel_loop3A_531, %parallel_loop3A_532] {strides = array<i32>} : memref<80x144xf32, #tpu.memory_space<vmem>>, vector<1x16xf32>,
          %parallel_loop3A_534 = vector.shape_cast %parallel_loop3A_533 : vector<1x16xf32> to vector<16xf32>
          %parallel_loop3A_535 = vector.broadcast %parallel_loop3A_530 : f32 to vector<16xf32>
          %parallel_loop3A_536 = arith.mulf %parallel_loop3A_534, %parallel_loop3A_535 : vector<16xf32>
          %parallel_loop3A_537 = arith.index_cast %parallel_loop3A_422 : i32 to index
          %parallel_loop3A_538 = arith.constant 96 : index
          %parallel_loop3A_539 = tpu.vector_load %arg11[%parallel_loop3A_537, %parallel_loop3A_538] {strides = array<i32>} : memref<80x144xf32, #tpu.memory_space<vmem>>, vector<1x16xf32>,
          %parallel_loop3A_540 = vector.shape_cast %parallel_loop3A_539 : vector<1x16xf32> to vector<16xf32>
          %parallel_loop3A_541 = vector.shape_cast %parallel_loop3A_536 : vector<16xf32> to vector<1x16xf32>
          tpu.vector_store %arg11[%parallel_loop3A_537, %parallel_loop3A_538], %parallel_loop3A_541 {strides = array<i32>} : memref<80x144xf32, #tpu.memory_space<vmem>>, vector<1x16xf32>,
          %parallel_loop3A_542 = vector.extract_strided_slice %parallel_loop3A_445 {offsets = [3], sizes = [1], strides = [1]} : vector<16xf32> to vector<1xf32>
          %parallel_loop3A_543 = vector.extract %parallel_loop3A_542[0] : f32 from vector<1xf32>
          %parallel_loop3A_544 = arith.index_cast %parallel_loop3A_422 : i32 to index
          %parallel_loop3A_545 = arith.constant 112 : index
          %parallel_loop3A_546 = tpu.vector_load %arg11[%parallel_loop3A_544, %parallel_loop3A_545] {strides = array<i32>} : memref<80x144xf32, #tpu.memory_space<vmem>>, vector<1x16xf32>,
          %parallel_loop3A_547 = vector.shape_cast %parallel_loop3A_546 : vector<1x16xf32> to vector<16xf32>
          %parallel_loop3A_548 = vector.broadcast %parallel_loop3A_543 : f32 to vector<16xf32>
          %parallel_loop3A_549 = arith.mulf %parallel_loop3A_547, %parallel_loop3A_548 : vector<16xf32>
          %parallel_loop3A_550 = arith.index_cast %parallel_loop3A_422 : i32 to index
          %parallel_loop3A_551 = arith.constant 112 : index
          %parallel_loop3A_552 = tpu.vector_load %arg11[%parallel_loop3A_550, %parallel_loop3A_551] {strides = array<i32>} : memref<80x144xf32, #tpu.memory_space<vmem>>, vector<1x16xf32>,
          %parallel_loop3A_553 = vector.shape_cast %parallel_loop3A_552 : vector<1x16xf32> to vector<16xf32>
          %parallel_loop3A_554 = vector.shape_cast %parallel_loop3A_549 : vector<16xf32> to vector<1x16xf32>
          tpu.vector_store %arg11[%parallel_loop3A_550, %parallel_loop3A_551], %parallel_loop3A_554 {strides = array<i32>} : memref<80x144xf32, #tpu.memory_space<vmem>>, vector<1x16xf32>,
        } {sc.loop_unroll_factor = 4 : i64, sc.parallel_access}
        %dma_start3A_415 = arith.constant 4 : i32
        %dma_start3A_416 = arith.constant 0 : i32
        %dma_start3A_417 = tpu.memref_slice %arg8[%dma_start3A_415, %dma_start3A_416] : memref<6x80xi32, #tpu.memory_space<vmem>> -> memref<1x80xi32, #tpu.memory_space<vmem>>
        %dma_start3A_418 = tpu.memref_squeeze %dma_start3A_417 : memref<1x80xi32, #tpu.memory_space<vmem>> -> memref<80xi32, #tpu.memory_space<vmem>>
        %dma_start3A_419 = arith.constant 0 : i32
        %dma_start3A_420 = arith.constant 0 : i32
        %dma_start3A_421 = tpu.memref_slice %arg16[%dma_start3A_419, %dma_start3A_420] : memref<10112x144xf32, #tpu.memory_space<vmem_shared>> -> memref<10112x144xf32, #tpu.memory_space<vmem_shared>>
        tpu.enqueue_indirect_dma source(%arg11 : memref<80x144xf32, #tpu.memory_space<vmem>>) target(%dma_start3A_421 : memref<10112x144xf32, #tpu.memory_space<vmem_shared>>) offsets(%dma_start3A_418 : memref<80xi32, #tpu.memory_space<vmem>>) semaphore(%arg24 : memref<!tpu.dma_semaphore, #tpu.memory_space<semaphore_mem>>) {add = true}
      } else {
      }
      %mul3A_367 = arith.constant 6 : i32
      %mul3A_368 = arith.muli %mul3A_367, %scan3A_208 : i32
      %add3A_369 = arith.constant 5 : i32
      %add3A_370 = arith.addi %mul3A_368, %add3A_369 : i32
      %mul3A_371 = arith.constant 32 : i32
      %mul3A_372 = arith.muli %add3A_370, %mul3A_371 : i32
      %add3A_373 = arith.addi %add3A, %mul3A_372 : i32
      %add3A_374 = arith.constant 32 : i32
      %add3A_375 = arith.addi %add3A_373, %add3A_374 : i32
      %lt3A_376 = arith.constant 4000 : i32
      %lt3A_377 = arith.cmpi slt, %add3A_375, %lt3A_376 : i32
      %convert_element_type3A_378 = arith.extui %lt3A_377 : i1 to i32
      %cond3A_379 = arith.constant 0 : i32
      %cond3A_380 = arith.cmpi ne, %convert_element_type3A_378, %cond3A_379 : i32
      scf.if %cond3A_380 {
        %dma_wait3A_399 = arith.constant 0 : i32
        %dma_wait3A_400 = arith.constant 0 : i32
        %dma_wait3A_401 = tpu.memref_slice %arg8[%dma_wait3A_399, %dma_wait3A_400] : memref<6x80xi32, #tpu.memory_space<vmem>> -> memref<1x80xi32, #tpu.memory_space<vmem>>
        %dma_wait3A_402 = tpu.memref_squeeze %dma_wait3A_401 : memref<1x80xi32, #tpu.memory_space<vmem>> -> memref<80xi32, #tpu.memory_space<vmem>>
        %dma_wait3A_403 = arith.constant 0 : i32
        %dma_wait3A_404 = arith.constant 0 : i32
        %dma_wait3A_405 = tpu.memref_slice %arg16[%dma_wait3A_403, %dma_wait3A_404] : memref<10112x144xf32, #tpu.memory_space<vmem_shared>> -> memref<10112x144xf32, #tpu.memory_space<vmem_shared>>
        tpu.wait_indirect_dma semaphore(%arg23 : memref<!tpu.dma_semaphore, #tpu.memory_space<semaphore_mem>>) src(%arg9 : memref<80x144xf32, #tpu.memory_space<vmem>>) dst(%dma_wait3A_405 : memref<10112x144xf32, #tpu.memory_space<vmem_shared>>)
      } else {
      }
      %lt3A_381 = arith.constant 4000 : i32
      %lt3A_382 = arith.cmpi slt, %add3A_375, %lt3A_381 : i32
      %convert_element_type3A_383 = arith.extui %lt3A_382 : i1 to i32
      %cond3A_384 = arith.constant 0 : i32
      %cond3A_385 = arith.cmpi ne, %convert_element_type3A_383, %cond3A_384 : i32
      scf.if %cond3A_385 {
        %dma_wait3A_399 = arith.constant 0 : i32
        %dma_wait3A_400 = arith.constant 0 : i32
        %dma_wait3A_401 = arith.constant 0 : i32
        %dma_wait3A_402 = tpu.memref_slice %arg7[%dma_wait3A_400, %dma_wait3A_401] : memref<6x80xi32, #tpu.memory_space<vmem>> -> memref<1x80xi32, #tpu.memory_space<vmem>>
        %dma_wait3A_403 = tpu.memref_squeeze %dma_wait3A_402 : memref<1x80xi32, #tpu.memory_space<vmem>> -> memref<80xi32, #tpu.memory_space<vmem>>
        %dma_wait3A_404 = arith.constant 0 : i32
        %dma_wait3A_405 = tpu.memref_slice %arg4[%dma_wait3A_399, %add3A_375, %dma_wait3A_404] : memref<2x4000x80xi32, #tpu.memory_space<hbm>> -> memref<1x1x80xi32, #tpu.memory_space<hbm>>
        %dma_wait3A_406 = tpu.memref_squeeze %dma_wait3A_405 : memref<1x1x80xi32, #tpu.memory_space<hbm>> -> memref<80xi32, #tpu.memory_space<hbm>>
        %dma_wait3A_407 = arith.constant 0 : i32
        %dma_wait3A_408 = tpu.memref_slice %arg7[%dma_wait3A_400, %dma_wait3A_407] : memref<6x80xi32, #tpu.memory_space<vmem>> -> memref<1x80xi32, #tpu.memory_space<vmem>>
        %dma_wait3A_409 = tpu.memref_squeeze %dma_wait3A_408 : memref<1x80xi32, #tpu.memory_space<vmem>> -> memref<80xi32, #tpu.memory_space<vmem>>
        %dma_wait3A_410 = arith.constant 0 : i32
        %dma_wait3A_411 = tpu.memref_slice %arg4[%dma_wait3A_399, %add3A_375, %dma_wait3A_410] : memref<2x4000x80xi32, #tpu.memory_space<hbm>> -> memref<1x1x80xi32, #tpu.memory_space<hbm>>
        %dma_wait3A_412 = tpu.memref_squeeze %dma_wait3A_411 : memref<1x1x80xi32, #tpu.memory_space<hbm>> -> memref<80xi32, #tpu.memory_space<hbm>>
        tpu.wait_dma2 semaphore(%arg26 : memref<!tpu.dma_semaphore, #tpu.memory_space<semaphore_mem>>) src(%dma_wait3A_412 : memref<80xi32, #tpu.memory_space<hbm>>) dst(%dma_wait3A_409 : memref<80xi32, #tpu.memory_space<vmem>>)
        %dma_wait3A_413 = arith.constant 1 : i32
        %dma_wait3A_414 = arith.constant 0 : i32
        %dma_wait3A_415 = arith.constant 0 : i32
        %dma_wait3A_416 = tpu.memref_slice %arg8[%dma_wait3A_414, %dma_wait3A_415] : memref<6x80xi32, #tpu.memory_space<vmem>> -> memref<1x80xi32, #tpu.memory_space<vmem>>
        %dma_wait3A_417 = tpu.memref_squeeze %dma_wait3A_416 : memref<1x80xi32, #tpu.memory_space<vmem>> -> memref<80xi32, #tpu.memory_space<vmem>>
        %dma_wait3A_418 = arith.constant 0 : i32
        %dma_wait3A_419 = tpu.memref_slice %arg4[%dma_wait3A_413, %add3A_375, %dma_wait3A_418] : memref<2x4000x80xi32, #tpu.memory_space<hbm>> -> memref<1x1x80xi32, #tpu.memory_space<hbm>>
        %dma_wait3A_420 = tpu.memref_squeeze %dma_wait3A_419 : memref<1x1x80xi32, #tpu.memory_space<hbm>> -> memref<80xi32, #tpu.memory_space<hbm>>
        %dma_wait3A_421 = arith.constant 0 : i32
        %dma_wait3A_422 = tpu.memref_slice %arg8[%dma_wait3A_414, %dma_wait3A_421] : memref<6x80xi32, #tpu.memory_space<vmem>> -> memref<1x80xi32, #tpu.memory_space<vmem>>
        %dma_wait3A_423 = tpu.memref_squeeze %dma_wait3A_422 : memref<1x80xi32, #tpu.memory_space<vmem>> -> memref<80xi32, #tpu.memory_space<vmem>>
        %dma_wait3A_424 = arith.constant 0 : i32
        %dma_wait3A_425 = tpu.memref_slice %arg4[%dma_wait3A_413, %add3A_375, %dma_wait3A_424] : memref<2x4000x80xi32, #tpu.memory_space<hbm>> -> memref<1x1x80xi32, #tpu.memory_space<hbm>>
        %dma_wait3A_426 = tpu.memref_squeeze %dma_wait3A_425 : memref<1x1x80xi32, #tpu.memory_space<hbm>> -> memref<80xi32, #tpu.memory_space<hbm>>
        tpu.wait_dma2 semaphore(%arg26 : memref<!tpu.dma_semaphore, #tpu.memory_space<semaphore_mem>>) src(%dma_wait3A_426 : memref<80xi32, #tpu.memory_space<hbm>>) dst(%dma_wait3A_423 : memref<80xi32, #tpu.memory_space<vmem>>)
        %dma_start3A_427 = arith.constant 0 : i32
        %dma_start3A_428 = arith.constant 0 : i32
        %dma_start3A_429 = tpu.memref_slice %arg7[%dma_start3A_427, %dma_start3A_428] : memref<6x80xi32, #tpu.memory_space<vmem>> -> memref<1x80xi32, #tpu.memory_space<vmem>>
        %dma_start3A_430 = tpu.memref_squeeze %dma_start3A_429 : memref<1x80xi32, #tpu.memory_space<vmem>> -> memref<80xi32, #tpu.memory_space<vmem>>
        %dma_start3A_431 = arith.constant 0 : i32
        %dma_start3A_432 = arith.constant 0 : i32
        %dma_start3A_433 = tpu.memref_slice %arg2[%dma_start3A_431, %dma_start3A_432] : memref<10000x144xf32, #tpu.memory_space<hbm>> -> memref<10000x144xf32, #tpu.memory_space<hbm>>
        tpu.enqueue_indirect_dma source(%dma_start3A_433 : memref<10000x144xf32, #tpu.memory_space<hbm>>) target(%arg9 : memref<80x144xf32, #tpu.memory_space<vmem>>) offsets(%dma_start3A_430 : memref<80xi32, #tpu.memory_space<vmem>>) semaphore(%arg17 : memref<!tpu.dma_semaphore, #tpu.memory_space<semaphore_mem>>)
        %dma_start3A_434 = arith.constant 0 : i32
        %dma_start3A_435 = arith.constant 0 : i32
        %dma_start3A_436 = tpu.memref_slice %arg8[%dma_start3A_434, %dma_start3A_435] : memref<6x80xi32, #tpu.memory_space<vmem>> -> memref<1x80xi32, #tpu.memory_space<vmem>>
        %dma_start3A_437 = tpu.memref_squeeze %dma_start3A_436 : memref<1x80xi32, #tpu.memory_space<vmem>> -> memref<80xi32, #tpu.memory_space<vmem>>
        %dma_start3A_438 = arith.constant 0 : i32
        %dma_start3A_439 = arith.constant 0 : i32
        %dma_start3A_440 = tpu.memref_slice %arg3[%dma_start3A_438, %dma_start3A_439] : memref<10000x16xf32, #tpu.memory_space<hbm>> -> memref<10000x16xf32, #tpu.memory_space<hbm>>
        tpu.enqueue_indirect_dma source(%dma_start3A_440 : memref<10000x16xf32, #tpu.memory_space<hbm>>) target(%arg10 : memref<80x16xf32, #tpu.memory_space<vmem>>) offsets(%dma_start3A_437 : memref<80xi32, #tpu.memory_space<vmem>>) semaphore(%arg18 : memref<!tpu.dma_semaphore, #tpu.memory_space<semaphore_mem>>)
      } else {
      }
      %add3A_386 = arith.constant 96 : i32
      %add3A_387 = arith.addi %add3A_373, %add3A_386 : i32
      %lt3A_388 = arith.constant 4000 : i32
      %lt3A_389 = arith.cmpi slt, %add3A_387, %lt3A_388 : i32
      %convert_element_type3A_390 = arith.extui %lt3A_389 : i1 to i32
      %cond3A_391 = arith.constant 0 : i32
      %cond3A_392 = arith.cmpi ne, %convert_element_type3A_390, %cond3A_391 : i32
      scf.if %cond3A_392 {
        %add3A_399 = arith.constant 96 : i32
        %add3A_400 = arith.addi %add3A_373, %add3A_399 : i32
        %dma_start3A_401 = arith.constant 0 : i32
        %dma_start3A_402 = arith.constant 2 : i32
        %dma_start3A_403 = arith.constant 0 : i32
        %dma_start3A_404 = tpu.memref_slice %arg7[%dma_start3A_402, %dma_start3A_403] : memref<6x80xi32, #tpu.memory_space<vmem>> -> memref<1x80xi32, #tpu.memory_space<vmem>>
        %dma_start3A_405 = tpu.memref_squeeze %dma_start3A_404 : memref<1x80xi32, #tpu.memory_space<vmem>> -> memref<80xi32, #tpu.memory_space<vmem>>
        %dma_start3A_406 = arith.constant 0 : i32
        %dma_start3A_407 = tpu.memref_slice %arg4[%dma_start3A_401, %add3A_400, %dma_start3A_406] : memref<2x4000x80xi32, #tpu.memory_space<hbm>> -> memref<1x1x80xi32, #tpu.memory_space<hbm>>
        %dma_start3A_408 = tpu.memref_squeeze %dma_start3A_407 : memref<1x1x80xi32, #tpu.memory_space<hbm>> -> memref<80xi32, #tpu.memory_space<hbm>>
        %dma_start3A_409 = arith.constant 0 : i32
        %dma_start3A_410 = tpu.memref_slice %arg7[%dma_start3A_402, %dma_start3A_409] : memref<6x80xi32, #tpu.memory_space<vmem>> -> memref<1x80xi32, #tpu.memory_space<vmem>>
        %dma_start3A_411 = tpu.memref_squeeze %dma_start3A_410 : memref<1x80xi32, #tpu.memory_space<vmem>> -> memref<80xi32, #tpu.memory_space<vmem>>
        %dma_start3A_412 = arith.constant 0 : i32
        %dma_start3A_413 = tpu.memref_slice %arg4[%dma_start3A_401, %add3A_400, %dma_start3A_412] : memref<2x4000x80xi32, #tpu.memory_space<hbm>> -> memref<1x1x80xi32, #tpu.memory_space<hbm>>
        %dma_start3A_414 = tpu.memref_squeeze %dma_start3A_413 : memref<1x1x80xi32, #tpu.memory_space<hbm>> -> memref<80xi32, #tpu.memory_space<hbm>>
        tpu.enqueue_dma source(%dma_start3A_414 : memref<80xi32, #tpu.memory_space<hbm>>) target(%dma_start3A_411 : memref<80xi32, #tpu.memory_space<vmem>>) target_semaphore(%arg28 : memref<!tpu.dma_semaphore, #tpu.memory_space<semaphore_mem>>)
        %dma_start3A_415 = arith.constant 1 : i32
        %dma_start3A_416 = arith.constant 2 : i32
        %dma_start3A_417 = arith.constant 0 : i32
        %dma_start3A_418 = tpu.memref_slice %arg8[%dma_start3A_416, %dma_start3A_417] : memref<6x80xi32, #tpu.memory_space<vmem>> -> memref<1x80xi32, #tpu.memory_space<vmem>>
        %dma_start3A_419 = tpu.memref_squeeze %dma_start3A_418 : memref<1x80xi32, #tpu.memory_space<vmem>> -> memref<80xi32, #tpu.memory_space<vmem>>
        %dma_start3A_420 = arith.constant 0 : i32
        %dma_start3A_421 = tpu.memref_slice %arg4[%dma_start3A_415, %add3A_400, %dma_start3A_420] : memref<2x4000x80xi32, #tpu.memory_space<hbm>> -> memref<1x1x80xi32, #tpu.memory_space<hbm>>
        %dma_start3A_422 = tpu.memref_squeeze %dma_start3A_421 : memref<1x1x80xi32, #tpu.memory_space<hbm>> -> memref<80xi32, #tpu.memory_space<hbm>>
        %dma_start3A_423 = arith.constant 0 : i32
        %dma_start3A_424 = tpu.memref_slice %arg8[%dma_start3A_416, %dma_start3A_423] : memref<6x80xi32, #tpu.memory_space<vmem>> -> memref<1x80xi32, #tpu.memory_space<vmem>>
        %dma_start3A_425 = tpu.memref_squeeze %dma_start3A_424 : memref<1x80xi32, #tpu.memory_space<vmem>> -> memref<80xi32, #tpu.memory_space<vmem>>
        %dma_start3A_426 = arith.constant 0 : i32
        %dma_start3A_427 = tpu.memref_slice %arg4[%dma_start3A_415, %add3A_400, %dma_start3A_426] : memref<2x4000x80xi32, #tpu.memory_space<hbm>> -> memref<1x1x80xi32, #tpu.memory_space<hbm>>
        %dma_start3A_428 = tpu.memref_squeeze %dma_start3A_427 : memref<1x1x80xi32, #tpu.memory_space<hbm>> -> memref<80xi32, #tpu.memory_space<hbm>>
        tpu.enqueue_dma source(%dma_start3A_428 : memref<80xi32, #tpu.memory_space<hbm>>) target(%dma_start3A_425 : memref<80xi32, #tpu.memory_space<vmem>>) target_semaphore(%arg28 : memref<!tpu.dma_semaphore, #tpu.memory_space<semaphore_mem>>)
      } else {
      }
      %lt3A_393 = arith.constant 4000 : i32
      %lt3A_394 = arith.cmpi slt, %add3A_373, %lt3A_393 : i32
      %convert_element_type3A_395 = arith.extui %lt3A_394 : i1 to i32
      %cond3A_396 = arith.constant 0 : i32
      %cond3A_397 = arith.cmpi ne, %convert_element_type3A_395, %cond3A_396 : i32
      scf.if %cond3A_397 {
        %dma_wait3A_399 = arith.constant 5 : i32
        %dma_wait3A_400 = arith.constant 0 : i32
        %dma_wait3A_401 = tpu.memref_slice %arg7[%dma_wait3A_399, %dma_wait3A_400] : memref<6x80xi32, #tpu.memory_space<vmem>> -> memref<1x80xi32, #tpu.memory_space<vmem>>
        %dma_wait3A_402 = tpu.memref_squeeze %dma_wait3A_401 : memref<1x80xi32, #tpu.memory_space<vmem>> -> memref<80xi32, #tpu.memory_space<vmem>>
        %dma_wait3A_403 = arith.constant 0 : i32
        %dma_wait3A_404 = arith.constant 0 : i32
        %dma_wait3A_405 = tpu.memref_slice %arg2[%dma_wait3A_403, %dma_wait3A_404] : memref<10000x144xf32, #tpu.memory_space<hbm>> -> memref<10000x144xf32, #tpu.memory_space<hbm>>
        tpu.wait_indirect_dma semaphore(%arg21 : memref<!tpu.dma_semaphore, #tpu.memory_space<semaphore_mem>>) src(%dma_wait3A_405 : memref<10000x144xf32, #tpu.memory_space<hbm>>) dst(%arg13 : memref<80x144xf32, #tpu.memory_space<vmem>>)
        %dma_wait3A_406 = arith.constant 5 : i32
        %dma_wait3A_407 = arith.constant 0 : i32
        %dma_wait3A_408 = tpu.memref_slice %arg8[%dma_wait3A_406, %dma_wait3A_407] : memref<6x80xi32, #tpu.memory_space<vmem>> -> memref<1x80xi32, #tpu.memory_space<vmem>>
        %dma_wait3A_409 = tpu.memref_squeeze %dma_wait3A_408 : memref<1x80xi32, #tpu.memory_space<vmem>> -> memref<80xi32, #tpu.memory_space<vmem>>
        %dma_wait3A_410 = arith.constant 0 : i32
        %dma_wait3A_411 = arith.constant 0 : i32
        %dma_wait3A_412 = tpu.memref_slice %arg3[%dma_wait3A_410, %dma_wait3A_411] : memref<10000x16xf32, #tpu.memory_space<hbm>> -> memref<10000x16xf32, #tpu.memory_space<hbm>>
        tpu.wait_indirect_dma semaphore(%arg22 : memref<!tpu.dma_semaphore, #tpu.memory_space<semaphore_mem>>) src(%dma_wait3A_412 : memref<10000x16xf32, #tpu.memory_space<hbm>>) dst(%arg14 : memref<80x16xf32, #tpu.memory_space<vmem>>)
        %parallel_loop3A = arith.constant 0 : i32
        %parallel_loop3A_413 = arith.constant 80 : i32
        %parallel_loop3A_414 = arith.constant 1 : i32
        scf.for %parallel_loop3A_422 = %parallel_loop3A to %parallel_loop3A_413 step %parallel_loop3A_414  : i32 {
          %parallel_loop3A_423 = arith.index_cast %parallel_loop3A_422 : i32 to index
          %parallel_loop3A_424 = arith.constant 0 : index
          %parallel_loop3A_425 = tpu.vector_load %arg14[%parallel_loop3A_423, %parallel_loop3A_424] {strides = array<i32>} : memref<80x16xf32, #tpu.memory_space<vmem>>, vector<1x16xf32>,
          %parallel_loop3A_426 = vector.shape_cast %parallel_loop3A_425 : vector<1x16xf32> to vector<16xf32>
          %parallel_loop3A_427 = arith.index_cast %parallel_loop3A_422 : i32 to index
          %parallel_loop3A_428 = arith.constant 128 : index
          %parallel_loop3A_429 = tpu.vector_load %arg13[%parallel_loop3A_427, %parallel_loop3A_428] {strides = array<i32>} : memref<80x144xf32, #tpu.memory_space<vmem>>, vector<1x16xf32>,
          %parallel_loop3A_430 = vector.shape_cast %parallel_loop3A_429 : vector<1x16xf32> to vector<16xf32>
          %parallel_loop3A_431 = arith.addf %parallel_loop3A_430, %parallel_loop3A_426 : vector<16xf32>
          %parallel_loop3A_432 = arith.constant 2.000000e-01 : f32
          %parallel_loop3A_433 = vector.broadcast %parallel_loop3A_432 : f32 to vector<16xf32>
          %parallel_loop3A_434 = arith.mulf %parallel_loop3A_433, %parallel_loop3A_431 : vector<16xf32>
          %parallel_loop3A_435 = arith.maximumf %parallel_loop3A_431, %parallel_loop3A_434 : vector<16xf32>
          %parallel_loop3A_436 = arith.addf %get3A_156, %parallel_loop3A_426 : vector<16xf32>
          %parallel_loop3A_437 = arith.constant 2.000000e-01 : f32
          %parallel_loop3A_438 = vector.broadcast %parallel_loop3A_437 : f32 to vector<16xf32>
          %parallel_loop3A_439 = arith.mulf %parallel_loop3A_438, %parallel_loop3A_436 : vector<16xf32>
          %parallel_loop3A_440 = arith.maximumf %parallel_loop3A_436, %parallel_loop3A_439 : vector<16xf32>
          %parallel_loop3A_441 = arith.subf %parallel_loop3A_435, %parallel_loop3A_440 : vector<16xf32>
          %parallel_loop3A_442 = math.exp %parallel_loop3A_441 : vector<16xf32>
          %parallel_loop3A_443 = arith.constant 0.000000e+00 : f32
          %parallel_loop3A_444 = vector.broadcast %parallel_loop3A_443 : f32 to vector<16xf32>
          %parallel_loop3A_445 = arith.select %lt3A_158, %parallel_loop3A_442, %parallel_loop3A_444 : vector<16xi1>, vector<16xf32>
          %parallel_loop3A_446 = arith.index_cast %parallel_loop3A_422 : i32 to index
          %parallel_loop3A_447 = arith.constant 128 : index
          %parallel_loop3A_448 = tpu.vector_load %arg13[%parallel_loop3A_446, %parallel_loop3A_447] {strides = array<i32>} : memref<80x144xf32, #tpu.memory_space<vmem>>, vector<1x16xf32>,
          %parallel_loop3A_449 = vector.shape_cast %parallel_loop3A_448 : vector<1x16xf32> to vector<16xf32>
          %parallel_loop3A_450 = vector.shape_cast %parallel_loop3A_445 : vector<16xf32> to vector<1x16xf32>
          tpu.vector_store %arg13[%parallel_loop3A_446, %parallel_loop3A_447], %parallel_loop3A_450 {strides = array<i32>} : memref<80x144xf32, #tpu.memory_space<vmem>>, vector<1x16xf32>,
          %parallel_loop3A_451 = vector.extract_strided_slice %parallel_loop3A_445 {offsets = [0], sizes = [1], strides = [1]} : vector<16xf32> to vector<1xf32>
          %parallel_loop3A_452 = vector.extract %parallel_loop3A_451[0] : f32 from vector<1xf32>
          %parallel_loop3A_453 = arith.index_cast %parallel_loop3A_422 : i32 to index
          %parallel_loop3A_454 = arith.constant 0 : index
          %parallel_loop3A_455 = tpu.vector_load %arg13[%parallel_loop3A_453, %parallel_loop3A_454] {strides = array<i32>} : memref<80x144xf32, #tpu.memory_space<vmem>>, vector<1x16xf32>,
          %parallel_loop3A_456 = vector.shape_cast %parallel_loop3A_455 : vector<1x16xf32> to vector<16xf32>
          %parallel_loop3A_457 = vector.broadcast %parallel_loop3A_452 : f32 to vector<16xf32>
          %parallel_loop3A_458 = arith.mulf %parallel_loop3A_456, %parallel_loop3A_457 : vector<16xf32>
          %parallel_loop3A_459 = arith.index_cast %parallel_loop3A_422 : i32 to index
          %parallel_loop3A_460 = arith.constant 0 : index
          %parallel_loop3A_461 = tpu.vector_load %arg13[%parallel_loop3A_459, %parallel_loop3A_460] {strides = array<i32>} : memref<80x144xf32, #tpu.memory_space<vmem>>, vector<1x16xf32>,
          %parallel_loop3A_462 = vector.shape_cast %parallel_loop3A_461 : vector<1x16xf32> to vector<16xf32>
          %parallel_loop3A_463 = vector.shape_cast %parallel_loop3A_458 : vector<16xf32> to vector<1x16xf32>
          tpu.vector_store %arg13[%parallel_loop3A_459, %parallel_loop3A_460], %parallel_loop3A_463 {strides = array<i32>} : memref<80x144xf32, #tpu.memory_space<vmem>>, vector<1x16xf32>,
          %parallel_loop3A_464 = vector.extract_strided_slice %parallel_loop3A_445 {offsets = [0], sizes = [1], strides = [1]} : vector<16xf32> to vector<1xf32>
          %parallel_loop3A_465 = vector.extract %parallel_loop3A_464[0] : f32 from vector<1xf32>
          %parallel_loop3A_466 = arith.index_cast %parallel_loop3A_422 : i32 to index
          %parallel_loop3A_467 = arith.constant 16 : index
          %parallel_loop3A_468 = tpu.vector_load %arg13[%parallel_loop3A_466, %parallel_loop3A_467] {strides = array<i32>} : memref<80x144xf32, #tpu.memory_space<vmem>>, vector<1x16xf32>,
          %parallel_loop3A_469 = vector.shape_cast %parallel_loop3A_468 : vector<1x16xf32> to vector<16xf32>
          %parallel_loop3A_470 = vector.broadcast %parallel_loop3A_465 : f32 to vector<16xf32>
          %parallel_loop3A_471 = arith.mulf %parallel_loop3A_469, %parallel_loop3A_470 : vector<16xf32>
          %parallel_loop3A_472 = arith.index_cast %parallel_loop3A_422 : i32 to index
          %parallel_loop3A_473 = arith.constant 16 : index
          %parallel_loop3A_474 = tpu.vector_load %arg13[%parallel_loop3A_472, %parallel_loop3A_473] {strides = array<i32>} : memref<80x144xf32, #tpu.memory_space<vmem>>, vector<1x16xf32>,
          %parallel_loop3A_475 = vector.shape_cast %parallel_loop3A_474 : vector<1x16xf32> to vector<16xf32>
          %parallel_loop3A_476 = vector.shape_cast %parallel_loop3A_471 : vector<16xf32> to vector<1x16xf32>
          tpu.vector_store %arg13[%parallel_loop3A_472, %parallel_loop3A_473], %parallel_loop3A_476 {strides = array<i32>} : memref<80x144xf32, #tpu.memory_space<vmem>>, vector<1x16xf32>,
          %parallel_loop3A_477 = vector.extract_strided_slice %parallel_loop3A_445 {offsets = [1], sizes = [1], strides = [1]} : vector<16xf32> to vector<1xf32>
          %parallel_loop3A_478 = vector.extract %parallel_loop3A_477[0] : f32 from vector<1xf32>
          %parallel_loop3A_479 = arith.index_cast %parallel_loop3A_422 : i32 to index
          %parallel_loop3A_480 = arith.constant 32 : index
          %parallel_loop3A_481 = tpu.vector_load %arg13[%parallel_loop3A_479, %parallel_loop3A_480] {strides = array<i32>} : memref<80x144xf32, #tpu.memory_space<vmem>>, vector<1x16xf32>,
          %parallel_loop3A_482 = vector.shape_cast %parallel_loop3A_481 : vector<1x16xf32> to vector<16xf32>
          %parallel_loop3A_483 = vector.broadcast %parallel_loop3A_478 : f32 to vector<16xf32>
          %parallel_loop3A_484 = arith.mulf %parallel_loop3A_482, %parallel_loop3A_483 : vector<16xf32>
          %parallel_loop3A_485 = arith.index_cast %parallel_loop3A_422 : i32 to index
          %parallel_loop3A_486 = arith.constant 32 : index
          %parallel_loop3A_487 = tpu.vector_load %arg13[%parallel_loop3A_485, %parallel_loop3A_486] {strides = array<i32>} : memref<80x144xf32, #tpu.memory_space<vmem>>, vector<1x16xf32>,
          %parallel_loop3A_488 = vector.shape_cast %parallel_loop3A_487 : vector<1x16xf32> to vector<16xf32>
          %parallel_loop3A_489 = vector.shape_cast %parallel_loop3A_484 : vector<16xf32> to vector<1x16xf32>
          tpu.vector_store %arg13[%parallel_loop3A_485, %parallel_loop3A_486], %parallel_loop3A_489 {strides = array<i32>} : memref<80x144xf32, #tpu.memory_space<vmem>>, vector<1x16xf32>,
          %parallel_loop3A_490 = vector.extract_strided_slice %parallel_loop3A_445 {offsets = [1], sizes = [1], strides = [1]} : vector<16xf32> to vector<1xf32>
          %parallel_loop3A_491 = vector.extract %parallel_loop3A_490[0] : f32 from vector<1xf32>
          %parallel_loop3A_492 = arith.index_cast %parallel_loop3A_422 : i32 to index
          %parallel_loop3A_493 = arith.constant 48 : index
          %parallel_loop3A_494 = tpu.vector_load %arg13[%parallel_loop3A_492, %parallel_loop3A_493] {strides = array<i32>} : memref<80x144xf32, #tpu.memory_space<vmem>>, vector<1x16xf32>,
          %parallel_loop3A_495 = vector.shape_cast %parallel_loop3A_494 : vector<1x16xf32> to vector<16xf32>
          %parallel_loop3A_496 = vector.broadcast %parallel_loop3A_491 : f32 to vector<16xf32>
          %parallel_loop3A_497 = arith.mulf %parallel_loop3A_495, %parallel_loop3A_496 : vector<16xf32>
          %parallel_loop3A_498 = arith.index_cast %parallel_loop3A_422 : i32 to index
          %parallel_loop3A_499 = arith.constant 48 : index
          %parallel_loop3A_500 = tpu.vector_load %arg13[%parallel_loop3A_498, %parallel_loop3A_499] {strides = array<i32>} : memref<80x144xf32, #tpu.memory_space<vmem>>, vector<1x16xf32>,
          %parallel_loop3A_501 = vector.shape_cast %parallel_loop3A_500 : vector<1x16xf32> to vector<16xf32>
          %parallel_loop3A_502 = vector.shape_cast %parallel_loop3A_497 : vector<16xf32> to vector<1x16xf32>
          tpu.vector_store %arg13[%parallel_loop3A_498, %parallel_loop3A_499], %parallel_loop3A_502 {strides = array<i32>} : memref<80x144xf32, #tpu.memory_space<vmem>>, vector<1x16xf32>,
          %parallel_loop3A_503 = vector.extract_strided_slice %parallel_loop3A_445 {offsets = [2], sizes = [1], strides = [1]} : vector<16xf32> to vector<1xf32>
          %parallel_loop3A_504 = vector.extract %parallel_loop3A_503[0] : f32 from vector<1xf32>
          %parallel_loop3A_505 = arith.index_cast %parallel_loop3A_422 : i32 to index
          %parallel_loop3A_506 = arith.constant 64 : index
          %parallel_loop3A_507 = tpu.vector_load %arg13[%parallel_loop3A_505, %parallel_loop3A_506] {strides = array<i32>} : memref<80x144xf32, #tpu.memory_space<vmem>>, vector<1x16xf32>,
          %parallel_loop3A_508 = vector.shape_cast %parallel_loop3A_507 : vector<1x16xf32> to vector<16xf32>
          %parallel_loop3A_509 = vector.broadcast %parallel_loop3A_504 : f32 to vector<16xf32>
          %parallel_loop3A_510 = arith.mulf %parallel_loop3A_508, %parallel_loop3A_509 : vector<16xf32>
          %parallel_loop3A_511 = arith.index_cast %parallel_loop3A_422 : i32 to index
          %parallel_loop3A_512 = arith.constant 64 : index
          %parallel_loop3A_513 = tpu.vector_load %arg13[%parallel_loop3A_511, %parallel_loop3A_512] {strides = array<i32>} : memref<80x144xf32, #tpu.memory_space<vmem>>, vector<1x16xf32>,
          %parallel_loop3A_514 = vector.shape_cast %parallel_loop3A_513 : vector<1x16xf32> to vector<16xf32>
          %parallel_loop3A_515 = vector.shape_cast %parallel_loop3A_510 : vector<16xf32> to vector<1x16xf32>
          tpu.vector_store %arg13[%parallel_loop3A_511, %parallel_loop3A_512], %parallel_loop3A_515 {strides = array<i32>} : memref<80x144xf32, #tpu.memory_space<vmem>>, vector<1x16xf32>,
          %parallel_loop3A_516 = vector.extract_strided_slice %parallel_loop3A_445 {offsets = [2], sizes = [1], strides = [1]} : vector<16xf32> to vector<1xf32>
          %parallel_loop3A_517 = vector.extract %parallel_loop3A_516[0] : f32 from vector<1xf32>
          %parallel_loop3A_518 = arith.index_cast %parallel_loop3A_422 : i32 to index
          %parallel_loop3A_519 = arith.constant 80 : index
          %parallel_loop3A_520 = tpu.vector_load %arg13[%parallel_loop3A_518, %parallel_loop3A_519] {strides = array<i32>} : memref<80x144xf32, #tpu.memory_space<vmem>>, vector<1x16xf32>,
          %parallel_loop3A_521 = vector.shape_cast %parallel_loop3A_520 : vector<1x16xf32> to vector<16xf32>
          %parallel_loop3A_522 = vector.broadcast %parallel_loop3A_517 : f32 to vector<16xf32>
          %parallel_loop3A_523 = arith.mulf %parallel_loop3A_521, %parallel_loop3A_522 : vector<16xf32>
          %parallel_loop3A_524 = arith.index_cast %parallel_loop3A_422 : i32 to index
          %parallel_loop3A_525 = arith.constant 80 : index
          %parallel_loop3A_526 = tpu.vector_load %arg13[%parallel_loop3A_524, %parallel_loop3A_525] {strides = array<i32>} : memref<80x144xf32, #tpu.memory_space<vmem>>, vector<1x16xf32>,
          %parallel_loop3A_527 = vector.shape_cast %parallel_loop3A_526 : vector<1x16xf32> to vector<16xf32>
          %parallel_loop3A_528 = vector.shape_cast %parallel_loop3A_523 : vector<16xf32> to vector<1x16xf32>
          tpu.vector_store %arg13[%parallel_loop3A_524, %parallel_loop3A_525], %parallel_loop3A_528 {strides = array<i32>} : memref<80x144xf32, #tpu.memory_space<vmem>>, vector<1x16xf32>,
          %parallel_loop3A_529 = vector.extract_strided_slice %parallel_loop3A_445 {offsets = [3], sizes = [1], strides = [1]} : vector<16xf32> to vector<1xf32>
          %parallel_loop3A_530 = vector.extract %parallel_loop3A_529[0] : f32 from vector<1xf32>
          %parallel_loop3A_531 = arith.index_cast %parallel_loop3A_422 : i32 to index
          %parallel_loop3A_532 = arith.constant 96 : index
          %parallel_loop3A_533 = tpu.vector_load %arg13[%parallel_loop3A_531, %parallel_loop3A_532] {strides = array<i32>} : memref<80x144xf32, #tpu.memory_space<vmem>>, vector<1x16xf32>,
          %parallel_loop3A_534 = vector.shape_cast %parallel_loop3A_533 : vector<1x16xf32> to vector<16xf32>
          %parallel_loop3A_535 = vector.broadcast %parallel_loop3A_530 : f32 to vector<16xf32>
          %parallel_loop3A_536 = arith.mulf %parallel_loop3A_534, %parallel_loop3A_535 : vector<16xf32>
          %parallel_loop3A_537 = arith.index_cast %parallel_loop3A_422 : i32 to index
          %parallel_loop3A_538 = arith.constant 96 : index
          %parallel_loop3A_539 = tpu.vector_load %arg13[%parallel_loop3A_537, %parallel_loop3A_538] {strides = array<i32>} : memref<80x144xf32, #tpu.memory_space<vmem>>, vector<1x16xf32>,
          %parallel_loop3A_540 = vector.shape_cast %parallel_loop3A_539 : vector<1x16xf32> to vector<16xf32>
          %parallel_loop3A_541 = vector.shape_cast %parallel_loop3A_536 : vector<16xf32> to vector<1x16xf32>
          tpu.vector_store %arg13[%parallel_loop3A_537, %parallel_loop3A_538], %parallel_loop3A_541 {strides = array<i32>} : memref<80x144xf32, #tpu.memory_space<vmem>>, vector<1x16xf32>,
          %parallel_loop3A_542 = vector.extract_strided_slice %parallel_loop3A_445 {offsets = [3], sizes = [1], strides = [1]} : vector<16xf32> to vector<1xf32>
          %parallel_loop3A_543 = vector.extract %parallel_loop3A_542[0] : f32 from vector<1xf32>
          %parallel_loop3A_544 = arith.index_cast %parallel_loop3A_422 : i32 to index
          %parallel_loop3A_545 = arith.constant 112 : index
          %parallel_loop3A_546 = tpu.vector_load %arg13[%parallel_loop3A_544, %parallel_loop3A_545] {strides = array<i32>} : memref<80x144xf32, #tpu.memory_space<vmem>>, vector<1x16xf32>,
          %parallel_loop3A_547 = vector.shape_cast %parallel_loop3A_546 : vector<1x16xf32> to vector<16xf32>
          %parallel_loop3A_548 = vector.broadcast %parallel_loop3A_543 : f32 to vector<16xf32>
          %parallel_loop3A_549 = arith.mulf %parallel_loop3A_547, %parallel_loop3A_548 : vector<16xf32>
          %parallel_loop3A_550 = arith.index_cast %parallel_loop3A_422 : i32 to index
          %parallel_loop3A_551 = arith.constant 112 : index
          %parallel_loop3A_552 = tpu.vector_load %arg13[%parallel_loop3A_550, %parallel_loop3A_551] {strides = array<i32>} : memref<80x144xf32, #tpu.memory_space<vmem>>, vector<1x16xf32>,
          %parallel_loop3A_553 = vector.shape_cast %parallel_loop3A_552 : vector<1x16xf32> to vector<16xf32>
          %parallel_loop3A_554 = vector.shape_cast %parallel_loop3A_549 : vector<16xf32> to vector<1x16xf32>
          tpu.vector_store %arg13[%parallel_loop3A_550, %parallel_loop3A_551], %parallel_loop3A_554 {strides = array<i32>} : memref<80x144xf32, #tpu.memory_space<vmem>>, vector<1x16xf32>,
        } {sc.loop_unroll_factor = 4 : i64, sc.parallel_access}
        %dma_start3A_415 = arith.constant 5 : i32
        %dma_start3A_416 = arith.constant 0 : i32
        %dma_start3A_417 = tpu.memref_slice %arg8[%dma_start3A_415, %dma_start3A_416] : memref<6x80xi32, #tpu.memory_space<vmem>> -> memref<1x80xi32, #tpu.memory_space<vmem>>
        %dma_start3A_418 = tpu.memref_squeeze %dma_start3A_417 : memref<1x80xi32, #tpu.memory_space<vmem>> -> memref<80xi32, #tpu.memory_space<vmem>>
        %dma_start3A_419 = arith.constant 0 : i32
        %dma_start3A_420 = arith.constant 0 : i32
        %dma_start3A_421 = tpu.memref_slice %arg16[%dma_start3A_419, %dma_start3A_420] : memref<10112x144xf32, #tpu.memory_space<vmem_shared>> -> memref<10112x144xf32, #tpu.memory_space<vmem_shared>>
        tpu.enqueue_indirect_dma source(%arg13 : memref<80x144xf32, #tpu.memory_space<vmem>>) target(%dma_start3A_421 : memref<10112x144xf32, #tpu.memory_space<vmem_shared>>) offsets(%dma_start3A_418 : memref<80xi32, #tpu.memory_space<vmem>>) semaphore(%arg25 : memref<!tpu.dma_semaphore, #tpu.memory_space<semaphore_mem>>) {add = true}
      } else {
      }
      %scan3A_398 = arith.constant 0 : i32
      scf.yield %scan3A_398 : i32
    }
    %scan3A_165 = arith.constant 21 : i32
    %dma_wait3A_166 = arith.constant 0 : i32
    %dma_wait3A_167 = arith.constant 0 : i32
    %dma_wait3A_168 = tpu.memref_slice %arg8[%dma_wait3A_166, %dma_wait3A_167] : memref<6x80xi32, #tpu.memory_space<vmem>> -> memref<1x80xi32, #tpu.memory_space<vmem>>
    %dma_wait3A_169 = tpu.memref_squeeze %dma_wait3A_168 : memref<1x80xi32, #tpu.memory_space<vmem>> -> memref<80xi32, #tpu.memory_space<vmem>>
    %dma_wait3A_170 = arith.constant 0 : i32
    %dma_wait3A_171 = arith.constant 0 : i32
    %dma_wait3A_172 = tpu.memref_slice %arg16[%dma_wait3A_170, %dma_wait3A_171] : memref<10112x144xf32, #tpu.memory_space<vmem_shared>> -> memref<10112x144xf32, #tpu.memory_space<vmem_shared>>
    tpu.wait_indirect_dma semaphore(%arg23 : memref<!tpu.dma_semaphore, #tpu.memory_space<semaphore_mem>>) src(%arg9 : memref<80x144xf32, #tpu.memory_space<vmem>>) dst(%dma_wait3A_172 : memref<10112x144xf32, #tpu.memory_space<vmem_shared>>)
    %dma_wait3A_173 = arith.constant 0 : i32
    %dma_wait3A_174 = arith.constant 0 : i32
    %dma_wait3A_175 = tpu.memref_slice %arg8[%dma_wait3A_173, %dma_wait3A_174] : memref<6x80xi32, #tpu.memory_space<vmem>> -> memref<1x80xi32, #tpu.memory_space<vmem>>
    %dma_wait3A_176 = tpu.memref_squeeze %dma_wait3A_175 : memref<1x80xi32, #tpu.memory_space<vmem>> -> memref<80xi32, #tpu.memory_space<vmem>>
    %dma_wait3A_177 = arith.constant 0 : i32
    %dma_wait3A_178 = arith.constant 0 : i32
    %dma_wait3A_179 = tpu.memref_slice %arg16[%dma_wait3A_177, %dma_wait3A_178] : memref<10112x144xf32, #tpu.memory_space<vmem_shared>> -> memref<10112x144xf32, #tpu.memory_space<vmem_shared>>
    tpu.wait_indirect_dma semaphore(%arg24 : memref<!tpu.dma_semaphore, #tpu.memory_space<semaphore_mem>>) src(%arg11 : memref<80x144xf32, #tpu.memory_space<vmem>>) dst(%dma_wait3A_179 : memref<10112x144xf32, #tpu.memory_space<vmem_shared>>)
    %dma_wait3A_180 = arith.constant 0 : i32
    %dma_wait3A_181 = arith.constant 0 : i32
    %dma_wait3A_182 = tpu.memref_slice %arg8[%dma_wait3A_180, %dma_wait3A_181] : memref<6x80xi32, #tpu.memory_space<vmem>> -> memref<1x80xi32, #tpu.memory_space<vmem>>
    %dma_wait3A_183 = tpu.memref_squeeze %dma_wait3A_182 : memref<1x80xi32, #tpu.memory_space<vmem>> -> memref<80xi32, #tpu.memory_space<vmem>>
    %dma_wait3A_184 = arith.constant 0 : i32
    %dma_wait3A_185 = arith.constant 0 : i32
    %dma_wait3A_186 = tpu.memref_slice %arg16[%dma_wait3A_184, %dma_wait3A_185] : memref<10112x144xf32, #tpu.memory_space<vmem_shared>> -> memref<10112x144xf32, #tpu.memory_space<vmem_shared>>
    tpu.wait_indirect_dma semaphore(%arg25 : memref<!tpu.dma_semaphore, #tpu.memory_space<semaphore_mem>>) src(%arg13 : memref<80x144xf32, #tpu.memory_space<vmem>>) dst(%dma_wait3A_186 : memref<10112x144xf32, #tpu.memory_space<vmem_shared>>)
    %barrier3A_187 = arith.constant 0 : index
    tpu.barrier barrier_id(%barrier3A_187)
    %add3A_188 = arith.constant 0 : i32
    %add3A_189 = arith.addi %mul3A_138, %add3A_188 : i32
    %add3A_190 = arith.constant 0 : i32
    %add3A_191 = arith.addi %mul3A_138, %add3A_190 : i32
    "tpu.region"() ({
      %run_scoped3A_208 = tpu.sem_alloc : memref<!tpu.dma_semaphore, #tpu.memory_space<semaphore_mem>>
      %dma_start3A_209 = arith.constant 0 : i32
      %dma_start3A_210 = tpu.memref_slice %arg6[%arg0, %add3A_191, %dma_start3A_209] : memref<2x10112x144xf32, #tpu.memory_space<hbm>> -> memref<1x128x144xf32, #tpu.memory_space<hbm>>
      %dma_start3A_211 = tpu.memref_squeeze %dma_start3A_210 : memref<1x128x144xf32, #tpu.memory_space<hbm>> -> memref<128x144xf32, #tpu.memory_space<hbm>>
      %dma_start3A_212 = arith.constant 0 : i32
      %dma_start3A_213 = tpu.memref_slice %arg16[%add3A_189, %dma_start3A_212] : memref<10112x144xf32, #tpu.memory_space<vmem_shared>> -> memref<128x144xf32, #tpu.memory_space<vmem_shared>>
      tpu.enqueue_dma source(%dma_start3A_213 : memref<128x144xf32, #tpu.memory_space<vmem_shared>>) target(%dma_start3A_211 : memref<128x144xf32, #tpu.memory_space<hbm>>) target_semaphore(%run_scoped3A_208 : memref<!tpu.dma_semaphore, #tpu.memory_space<semaphore_mem>>)
      %dma_wait3A_214 = arith.constant 0 : i32
      %dma_wait3A_215 = tpu.memref_slice %arg6[%arg0, %add3A_191, %dma_wait3A_214] : memref<2x10112x144xf32, #tpu.memory_space<hbm>> -> memref<1x128x144xf32, #tpu.memory_space<hbm>>
      %dma_wait3A_216 = tpu.memref_squeeze %dma_wait3A_215 : memref<1x128x144xf32, #tpu.memory_space<hbm>> -> memref<128x144xf32, #tpu.memory_space<hbm>>
      %dma_wait3A_217 = arith.constant 0 : i32
      %dma_wait3A_218 = tpu.memref_slice %arg16[%add3A_189, %dma_wait3A_217] : memref<10112x144xf32, #tpu.memory_space<vmem_shared>> -> memref<128x144xf32, #tpu.memory_space<vmem_shared>>
      tpu.wait_dma2 semaphore(%run_scoped3A_208 : memref<!tpu.dma_semaphore, #tpu.memory_space<semaphore_mem>>) src(%dma_wait3A_218 : memref<128x144xf32, #tpu.memory_space<vmem_shared>>) dst(%dma_wait3A_216 : memref<128x144xf32, #tpu.memory_space<hbm>>)
      tpu.yield
    }) : () -> ()
    %add3A_192 = arith.constant 128 : i32
    %add3A_193 = arith.addi %mul3A_138, %add3A_192 : i32
    %add3A_194 = arith.constant 128 : i32
    %add3A_195 = arith.addi %mul3A_138, %add3A_194 : i32
    "tpu.region"() ({
      %run_scoped3A_208 = tpu.sem_alloc : memref<!tpu.dma_semaphore, #tpu.memory_space<semaphore_mem>>
      %dma_start3A_209 = arith.constant 0 : i32
      %dma_start3A_210 = tpu.memref_slice %arg6[%arg0, %add3A_195, %dma_start3A_209] : memref<2x10112x144xf32, #tpu.memory_space<hbm>> -> memref<1x128x144xf32, #tpu.memory_space<hbm>>
      %dma_start3A_211 = tpu.memref_squeeze %dma_start3A_210 : memref<1x128x144xf32, #tpu.memory_space<hbm>> -> memref<128x144xf32, #tpu.memory_space<hbm>>
      %dma_start3A_212 = arith.constant 0 : i32
      %dma_start3A_213 = tpu.memref_slice %arg16[%add3A_193, %dma_start3A_212] : memref<10112x144xf32, #tpu.memory_space<vmem_shared>> -> memref<128x144xf32, #tpu.memory_space<vmem_shared>>
      tpu.enqueue_dma source(%dma_start3A_213 : memref<128x144xf32, #tpu.memory_space<vmem_shared>>) target(%dma_start3A_211 : memref<128x144xf32, #tpu.memory_space<hbm>>) target_semaphore(%run_scoped3A_208 : memref<!tpu.dma_semaphore, #tpu.memory_space<semaphore_mem>>)
      %dma_wait3A_214 = arith.constant 0 : i32
      %dma_wait3A_215 = tpu.memref_slice %arg6[%arg0, %add3A_195, %dma_wait3A_214] : memref<2x10112x144xf32, #tpu.memory_space<hbm>> -> memref<1x128x144xf32, #tpu.memory_space<hbm>>
      %dma_wait3A_216 = tpu.memref_squeeze %dma_wait3A_215 : memref<1x128x144xf32, #tpu.memory_space<hbm>> -> memref<128x144xf32, #tpu.memory_space<hbm>>
      %dma_wait3A_217 = arith.constant 0 : i32
      %dma_wait3A_218 = tpu.memref_slice %arg16[%add3A_193, %dma_wait3A_217] : memref<10112x144xf32, #tpu.memory_space<vmem_shared>> -> memref<128x144xf32, #tpu.memory_space<vmem_shared>>
      tpu.wait_dma2 semaphore(%run_scoped3A_208 : memref<!tpu.dma_semaphore, #tpu.memory_space<semaphore_mem>>) src(%dma_wait3A_218 : memref<128x144xf32, #tpu.memory_space<vmem_shared>>) dst(%dma_wait3A_216 : memref<128x144xf32, #tpu.memory_space<hbm>>)
      tpu.yield
    }) : () -> ()
    %add3A_196 = arith.constant 256 : i32
    %add3A_197 = arith.addi %mul3A_138, %add3A_196 : i32
    %add3A_198 = arith.constant 256 : i32
    %add3A_199 = arith.addi %mul3A_138, %add3A_198 : i32
    "tpu.region"() ({
      %run_scoped3A_208 = tpu.sem_alloc : memref<!tpu.dma_semaphore, #tpu.memory_space<semaphore_mem>>
      %dma_start3A_209 = arith.constant 0 : i32
      %dma_start3A_210 = tpu.memref_slice %arg6[%arg0, %add3A_199, %dma_start3A_209] : memref<2x10112x144xf32, #tpu.memory_space<hbm>> -> memref<1x128x144xf32, #tpu.memory_space<hbm>>
      %dma_start3A_211 = tpu.memref_squeeze %dma_start3A_210 : memref<1x128x144xf32, #tpu.memory_space<hbm>> -> memref<128x144xf32, #tpu.memory_space<hbm>>
      %dma_start3A_212 = arith.constant 0 : i32
      %dma_start3A_213 = tpu.memref_slice %arg16[%add3A_197, %dma_start3A_212] : memref<10112x144xf32, #tpu.memory_space<vmem_shared>> -> memref<128x144xf32, #tpu.memory_space<vmem_shared>>
      tpu.enqueue_dma source(%dma_start3A_213 : memref<128x144xf32, #tpu.memory_space<vmem_shared>>) target(%dma_start3A_211 : memref<128x144xf32, #tpu.memory_space<hbm>>) target_semaphore(%run_scoped3A_208 : memref<!tpu.dma_semaphore, #tpu.memory_space<semaphore_mem>>)
      %dma_wait3A_214 = arith.constant 0 : i32
      %dma_wait3A_215 = tpu.memref_slice %arg6[%arg0, %add3A_199, %dma_wait3A_214] : memref<2x10112x144xf32, #tpu.memory_space<hbm>> -> memref<1x128x144xf32, #tpu.memory_space<hbm>>
      %dma_wait3A_216 = tpu.memref_squeeze %dma_wait3A_215 : memref<1x128x144xf32, #tpu.memory_space<hbm>> -> memref<128x144xf32, #tpu.memory_space<hbm>>
      %dma_wait3A_217 = arith.constant 0 : i32
      %dma_wait3A_218 = tpu.memref_slice %arg16[%add3A_197, %dma_wait3A_217] : memref<10112x144xf32, #tpu.memory_space<vmem_shared>> -> memref<128x144xf32, #tpu.memory_space<vmem_shared>>
      tpu.wait_dma2 semaphore(%run_scoped3A_208 : memref<!tpu.dma_semaphore, #tpu.memory_space<semaphore_mem>>) src(%dma_wait3A_218 : memref<128x144xf32, #tpu.memory_space<vmem_shared>>) dst(%dma_wait3A_216 : memref<128x144xf32, #tpu.memory_space<hbm>>)
      tpu.yield
    }) : () -> ()
    %add3A_200 = arith.constant 384 : i32
    %add3A_201 = arith.addi %mul3A_138, %add3A_200 : i32
    %add3A_202 = arith.constant 384 : i32
    %add3A_203 = arith.addi %mul3A_138, %add3A_202 : i32
    "tpu.region"() ({
      %run_scoped3A_208 = tpu.sem_alloc : memref<!tpu.dma_semaphore, #tpu.memory_space<semaphore_mem>>
      %dma_start3A_209 = arith.constant 0 : i32
      %dma_start3A_210 = tpu.memref_slice %arg6[%arg0, %add3A_203, %dma_start3A_209] : memref<2x10112x144xf32, #tpu.memory_space<hbm>> -> memref<1x128x144xf32, #tpu.memory_space<hbm>>
      %dma_start3A_211 = tpu.memref_squeeze %dma_start3A_210 : memref<1x128x144xf32, #tpu.memory_space<hbm>> -> memref<128x144xf32, #tpu.memory_space<hbm>>
      %dma_start3A_212 = arith.constant 0 : i32
      %dma_start3A_213 = tpu.memref_slice %arg16[%add3A_201, %dma_start3A_212] : memref<10112x144xf32, #tpu.memory_space<vmem_shared>> -> memref<128x144xf32, #tpu.memory_space<vmem_shared>>
      tpu.enqueue_dma source(%dma_start3A_213 : memref<128x144xf32, #tpu.memory_space<vmem_shared>>) target(%dma_start3A_211 : memref<128x144xf32, #tpu.memory_space<hbm>>) target_semaphore(%run_scoped3A_208 : memref<!tpu.dma_semaphore, #tpu.memory_space<semaphore_mem>>)
      %dma_wait3A_214 = arith.constant 0 : i32
      %dma_wait3A_215 = tpu.memref_slice %arg6[%arg0, %add3A_203, %dma_wait3A_214] : memref<2x10112x144xf32, #tpu.memory_space<hbm>> -> memref<1x128x144xf32, #tpu.memory_space<hbm>>
      %dma_wait3A_216 = tpu.memref_squeeze %dma_wait3A_215 : memref<1x128x144xf32, #tpu.memory_space<hbm>> -> memref<128x144xf32, #tpu.memory_space<hbm>>
      %dma_wait3A_217 = arith.constant 0 : i32
      %dma_wait3A_218 = tpu.memref_slice %arg16[%add3A_201, %dma_wait3A_217] : memref<10112x144xf32, #tpu.memory_space<vmem_shared>> -> memref<128x144xf32, #tpu.memory_space<vmem_shared>>
      tpu.wait_dma2 semaphore(%run_scoped3A_208 : memref<!tpu.dma_semaphore, #tpu.memory_space<semaphore_mem>>) src(%dma_wait3A_218 : memref<128x144xf32, #tpu.memory_space<vmem_shared>>) dst(%dma_wait3A_216 : memref<128x144xf32, #tpu.memory_space<hbm>>)
      tpu.yield
    }) : () -> ()
    %add3A_204 = arith.constant 512 : i32
    %add3A_205 = arith.addi %mul3A_138, %add3A_204 : i32
    %add3A_206 = arith.constant 512 : i32
    %add3A_207 = arith.addi %mul3A_138, %add3A_206 : i32
    "tpu.region"() ({
      %run_scoped3A_208 = tpu.sem_alloc : memref<!tpu.dma_semaphore, #tpu.memory_space<semaphore_mem>>
      %dma_start3A_209 = arith.constant 0 : i32
      %dma_start3A_210 = tpu.memref_slice %arg6[%arg0, %add3A_207, %dma_start3A_209] : memref<2x10112x144xf32, #tpu.memory_space<hbm>> -> memref<1x120x144xf32, #tpu.memory_space<hbm>>
      %dma_start3A_211 = tpu.memref_squeeze %dma_start3A_210 : memref<1x120x144xf32, #tpu.memory_space<hbm>> -> memref<120x144xf32, #tpu.memory_space<hbm>>
      %dma_start3A_212 = arith.constant 0 : i32
      %dma_start3A_213 = tpu.memref_slice %arg16[%add3A_205, %dma_start3A_212] : memref<10112x144xf32, #tpu.memory_space<vmem_shared>> -> memref<120x144xf32, #tpu.memory_space<vmem_shared>>
      tpu.enqueue_dma source(%dma_start3A_213 : memref<120x144xf32, #tpu.memory_space<vmem_shared>>) target(%dma_start3A_211 : memref<120x144xf32, #tpu.memory_space<hbm>>) target_semaphore(%run_scoped3A_208 : memref<!tpu.dma_semaphore, #tpu.memory_space<semaphore_mem>>)
      %dma_wait3A_214 = arith.constant 0 : i32
      %dma_wait3A_215 = tpu.memref_slice %arg6[%arg0, %add3A_207, %dma_wait3A_214] : memref<2x10112x144xf32, #tpu.memory_space<hbm>> -> memref<1x120x144xf32, #tpu.memory_space<hbm>>
      %dma_wait3A_216 = tpu.memref_squeeze %dma_wait3A_215 : memref<1x120x144xf32, #tpu.memory_space<hbm>> -> memref<120x144xf32, #tpu.memory_space<hbm>>
      %dma_wait3A_217 = arith.constant 0 : i32
      %dma_wait3A_218 = tpu.memref_slice %arg16[%add3A_205, %dma_wait3A_217] : memref<10112x144xf32, #tpu.memory_space<vmem_shared>> -> memref<120x144xf32, #tpu.memory_space<vmem_shared>>
      tpu.wait_dma2 semaphore(%run_scoped3A_208 : memref<!tpu.dma_semaphore, #tpu.memory_space<semaphore_mem>>) src(%dma_wait3A_218 : memref<120x144xf32, #tpu.memory_space<vmem_shared>>) dst(%dma_wait3A_216 : memref<120x144xf32, #tpu.memory_space<hbm>>)
      tpu.yield
    }) : () -> ()
    return
  }
}

module attributes {stable_mosaic.version = 14 : i64} {
  func.func @_prep_body(%arg0: i32, %arg1: memref<1000x128xf32, #tpu.memory_space<vmem>>, %arg2: memref<4x128x32xf32, #tpu.memory_space<vmem>>, %arg3: memref<4x32xf32, #tpu.memory_space<vmem>>, %arg4: memref<4x32xf32, #tpu.memory_space<vmem>>, %arg5: memref<1000x144xf32, #tpu.memory_space<vmem>>, %arg6: memref<1000x16xf32, #tpu.memory_space<vmem>>, %arg7: memref<1x128xf32, #tpu.memory_space<vmem>>) attributes {dimension_semantics = [#tpu.dimension_semantics<arbitrary>], iteration_bounds = array<i64: 10>, scalar_prefetch = 0 : i64, scratch_operands = 0 : i64, tpu.core_type = #tpu.core_type<tc>, window_params = [{transform_indices = @transform_0, window_bounds = array<i64: 1000, 128>}, {pipeline_mode = #tpu.pipeline_mode<synchronous>, transform_indices = @transform_1, window_bounds = array<i64: 4, 128, 32>}, {pipeline_mode = #tpu.pipeline_mode<synchronous>, transform_indices = @transform_2, window_bounds = array<i64: 4, 32>}, {pipeline_mode = #tpu.pipeline_mode<synchronous>, transform_indices = @transform_3, window_bounds = array<i64: 4, 32>}, {transform_indices = @transform_4, window_bounds = array<i64: 1000, 144>}, {transform_indices = @transform_5, window_bounds = array<i64: 1000, 16>}, {pipeline_mode = #tpu.pipeline_mode<synchronous>, transform_indices = @transform_6, window_bounds = array<i64: 1, 128>}]} {
    %get3A = arith.constant 0 : index
    %get3A_0 = arith.constant 0 : index
    %get3A_1 = vector.load %arg1[%get3A, %get3A_0] : memref<1000x128xf32, #tpu.memory_space<vmem>>, vector<1000x128xf32>
    %get3A_2 = arith.constant 0 : index
    %get3A_3 = arith.constant 0 : index
    %get3A_4 = arith.constant 0 : index
    %get3A_5 = vector.load %arg2[%get3A_2, %get3A_3, %get3A_4] : memref<4x128x32xf32, #tpu.memory_space<vmem>>, vector<1x128x32xf32>
    %get3A_6 = vector.shape_cast %get3A_5 : vector<1x128x32xf32> to vector<128x32xf32>
    %dot_general3A = arith.constant dense<0.000000e+00> : vector<1000x32xf32>
    %dot_general3A_7 = tpu.matmul %get3A_1, %get3A_6, %dot_general3A {dimension_numbers = #tpu.dot_dimension_numbers<[1], [0], [0], [1], [0, 0, 1, 1], [], []>, transpose_lhs_hint = false} : vector<1000x128xf32>, vector<128x32xf32>, vector<1000x32xf32> -> vector<1000x32xf32>
    %get3A_8 = arith.constant 0 : index
    %get3A_9 = arith.constant 0 : index
    %get3A_10 = vector.load %arg3[%get3A_8, %get3A_9] : memref<4x32xf32, #tpu.memory_space<vmem>>, vector<1x32xf32>
    %get3A_11 = vector.shape_cast %get3A_10 : vector<1x32xf32> to vector<32xf32>
    %broadcast_in_dim3A = vector.shape_cast %get3A_11 : vector<32xf32> to vector<1x32xf32>
    %mul3A = vector.broadcast %broadcast_in_dim3A : vector<1x32xf32> to vector<1000x32xf32>
    %mul3A_12 = arith.mulf %dot_general3A_7, %mul3A : vector<1000x32xf32>
    %reduce_sum3A = arith.constant dense<0.000000e+00> : vector<1000xf32>
    %reduce_sum3A_13 = vector.multi_reduction <add>, %mul3A_12, %reduce_sum3A [1] : vector<1000x32xf32> to vector<1000xf32>
    %broadcast_in_dim3A_14 = vector.shape_cast %reduce_sum3A_13 : vector<1000xf32> to vector<1000x1xf32>
    %get3A_15 = arith.constant 0 : index
    %get3A_16 = arith.constant 0 : index
    %get3A_17 = vector.load %arg4[%get3A_15, %get3A_16] : memref<4x32xf32, #tpu.memory_space<vmem>>, vector<1x32xf32>
    %get3A_18 = vector.shape_cast %get3A_17 : vector<1x32xf32> to vector<32xf32>
    %broadcast_in_dim3A_19 = vector.shape_cast %get3A_18 : vector<32xf32> to vector<1x32xf32>
    %mul3A_20 = vector.broadcast %broadcast_in_dim3A_19 : vector<1x32xf32> to vector<1000x32xf32>
    %mul3A_21 = arith.mulf %dot_general3A_7, %mul3A_20 : vector<1000x32xf32>
    %reduce_sum3A_22 = arith.constant dense<0.000000e+00> : vector<1000xf32>
    %reduce_sum3A_23 = vector.multi_reduction <add>, %mul3A_21, %reduce_sum3A_22 [1] : vector<1000x32xf32> to vector<1000xf32>
    %broadcast_in_dim3A_24 = vector.shape_cast %reduce_sum3A_23 : vector<1000xf32> to vector<1000x1xf32>
    %get3A_25 = arith.constant 1 : index
    %get3A_26 = arith.constant 0 : index
    %get3A_27 = arith.constant 0 : index
    %get3A_28 = vector.load %arg2[%get3A_25, %get3A_26, %get3A_27] : memref<4x128x32xf32, #tpu.memory_space<vmem>>, vector<1x128x32xf32>
    %get3A_29 = vector.shape_cast %get3A_28 : vector<1x128x32xf32> to vector<128x32xf32>
    %dot_general3A_30 = arith.constant dense<0.000000e+00> : vector<1000x32xf32>
    %dot_general3A_31 = tpu.matmul %get3A_1, %get3A_29, %dot_general3A_30 {dimension_numbers = #tpu.dot_dimension_numbers<[1], [0], [0], [1], [0, 0, 1, 1], [], []>, transpose_lhs_hint = false} : vector<1000x128xf32>, vector<128x32xf32>, vector<1000x32xf32> -> vector<1000x32xf32>
    %get3A_32 = arith.constant 1 : index
    %get3A_33 = arith.constant 0 : index
    %get3A_34 = vector.load %arg3[%get3A_32, %get3A_33] : memref<4x32xf32, #tpu.memory_space<vmem>>, vector<1x32xf32>
    %get3A_35 = vector.shape_cast %get3A_34 : vector<1x32xf32> to vector<32xf32>
    %broadcast_in_dim3A_36 = vector.shape_cast %get3A_35 : vector<32xf32> to vector<1x32xf32>
    %mul3A_37 = vector.broadcast %broadcast_in_dim3A_36 : vector<1x32xf32> to vector<1000x32xf32>
    %mul3A_38 = arith.mulf %dot_general3A_31, %mul3A_37 : vector<1000x32xf32>
    %reduce_sum3A_39 = arith.constant dense<0.000000e+00> : vector<1000xf32>
    %reduce_sum3A_40 = vector.multi_reduction <add>, %mul3A_38, %reduce_sum3A_39 [1] : vector<1000x32xf32> to vector<1000xf32>
    %broadcast_in_dim3A_41 = vector.shape_cast %reduce_sum3A_40 : vector<1000xf32> to vector<1000x1xf32>
    %get3A_42 = arith.constant 1 : index
    %get3A_43 = arith.constant 0 : index
    %get3A_44 = vector.load %arg4[%get3A_42, %get3A_43] : memref<4x32xf32, #tpu.memory_space<vmem>>, vector<1x32xf32>
    %get3A_45 = vector.shape_cast %get3A_44 : vector<1x32xf32> to vector<32xf32>
    %broadcast_in_dim3A_46 = vector.shape_cast %get3A_45 : vector<32xf32> to vector<1x32xf32>
    %mul3A_47 = vector.broadcast %broadcast_in_dim3A_46 : vector<1x32xf32> to vector<1000x32xf32>
    %mul3A_48 = arith.mulf %dot_general3A_31, %mul3A_47 : vector<1000x32xf32>
    %reduce_sum3A_49 = arith.constant dense<0.000000e+00> : vector<1000xf32>
    %reduce_sum3A_50 = vector.multi_reduction <add>, %mul3A_48, %reduce_sum3A_49 [1] : vector<1000x32xf32> to vector<1000xf32>
    %broadcast_in_dim3A_51 = vector.shape_cast %reduce_sum3A_50 : vector<1000xf32> to vector<1000x1xf32>
    %get3A_52 = arith.constant 2 : index
    %get3A_53 = arith.constant 0 : index
    %get3A_54 = arith.constant 0 : index
    %get3A_55 = vector.load %arg2[%get3A_52, %get3A_53, %get3A_54] : memref<4x128x32xf32, #tpu.memory_space<vmem>>, vector<1x128x32xf32>
    %get3A_56 = vector.shape_cast %get3A_55 : vector<1x128x32xf32> to vector<128x32xf32>
    %dot_general3A_57 = arith.constant dense<0.000000e+00> : vector<1000x32xf32>
    %dot_general3A_58 = tpu.matmul %get3A_1, %get3A_56, %dot_general3A_57 {dimension_numbers = #tpu.dot_dimension_numbers<[1], [0], [0], [1], [0, 0, 1, 1], [], []>, transpose_lhs_hint = false} : vector<1000x128xf32>, vector<128x32xf32>, vector<1000x32xf32> -> vector<1000x32xf32>
    %get3A_59 = arith.constant 2 : index
    %get3A_60 = arith.constant 0 : index
    %get3A_61 = vector.load %arg3[%get3A_59, %get3A_60] : memref<4x32xf32, #tpu.memory_space<vmem>>, vector<1x32xf32>
    %get3A_62 = vector.shape_cast %get3A_61 : vector<1x32xf32> to vector<32xf32>
    %broadcast_in_dim3A_63 = vector.shape_cast %get3A_62 : vector<32xf32> to vector<1x32xf32>
    %mul3A_64 = vector.broadcast %broadcast_in_dim3A_63 : vector<1x32xf32> to vector<1000x32xf32>
    %mul3A_65 = arith.mulf %dot_general3A_58, %mul3A_64 : vector<1000x32xf32>
    %reduce_sum3A_66 = arith.constant dense<0.000000e+00> : vector<1000xf32>
    %reduce_sum3A_67 = vector.multi_reduction <add>, %mul3A_65, %reduce_sum3A_66 [1] : vector<1000x32xf32> to vector<1000xf32>
    %broadcast_in_dim3A_68 = vector.shape_cast %reduce_sum3A_67 : vector<1000xf32> to vector<1000x1xf32>
    %get3A_69 = arith.constant 2 : index
    %get3A_70 = arith.constant 0 : index
    %get3A_71 = vector.load %arg4[%get3A_69, %get3A_70] : memref<4x32xf32, #tpu.memory_space<vmem>>, vector<1x32xf32>
    %get3A_72 = vector.shape_cast %get3A_71 : vector<1x32xf32> to vector<32xf32>
    %broadcast_in_dim3A_73 = vector.shape_cast %get3A_72 : vector<32xf32> to vector<1x32xf32>
    %mul3A_74 = vector.broadcast %broadcast_in_dim3A_73 : vector<1x32xf32> to vector<1000x32xf32>
    %mul3A_75 = arith.mulf %dot_general3A_58, %mul3A_74 : vector<1000x32xf32>
    %reduce_sum3A_76 = arith.constant dense<0.000000e+00> : vector<1000xf32>
    %reduce_sum3A_77 = vector.multi_reduction <add>, %mul3A_75, %reduce_sum3A_76 [1] : vector<1000x32xf32> to vector<1000xf32>
    %broadcast_in_dim3A_78 = vector.shape_cast %reduce_sum3A_77 : vector<1000xf32> to vector<1000x1xf32>
    %get3A_79 = arith.constant 3 : index
    %get3A_80 = arith.constant 0 : index
    %get3A_81 = arith.constant 0 : index
    %get3A_82 = vector.load %arg2[%get3A_79, %get3A_80, %get3A_81] : memref<4x128x32xf32, #tpu.memory_space<vmem>>, vector<1x128x32xf32>
    %get3A_83 = vector.shape_cast %get3A_82 : vector<1x128x32xf32> to vector<128x32xf32>
    %dot_general3A_84 = arith.constant dense<0.000000e+00> : vector<1000x32xf32>
    %dot_general3A_85 = tpu.matmul %get3A_1, %get3A_83, %dot_general3A_84 {dimension_numbers = #tpu.dot_dimension_numbers<[1], [0], [0], [1], [0, 0, 1, 1], [], []>, transpose_lhs_hint = false} : vector<1000x128xf32>, vector<128x32xf32>, vector<1000x32xf32> -> vector<1000x32xf32>
    %get3A_86 = arith.constant 3 : index
    %get3A_87 = arith.constant 0 : index
    %get3A_88 = vector.load %arg3[%get3A_86, %get3A_87] : memref<4x32xf32, #tpu.memory_space<vmem>>, vector<1x32xf32>
    %get3A_89 = vector.shape_cast %get3A_88 : vector<1x32xf32> to vector<32xf32>
    %broadcast_in_dim3A_90 = vector.shape_cast %get3A_89 : vector<32xf32> to vector<1x32xf32>
    %mul3A_91 = vector.broadcast %broadcast_in_dim3A_90 : vector<1x32xf32> to vector<1000x32xf32>
    %mul3A_92 = arith.mulf %dot_general3A_85, %mul3A_91 : vector<1000x32xf32>
    %reduce_sum3A_93 = arith.constant dense<0.000000e+00> : vector<1000xf32>
    %reduce_sum3A_94 = vector.multi_reduction <add>, %mul3A_92, %reduce_sum3A_93 [1] : vector<1000x32xf32> to vector<1000xf32>
    %broadcast_in_dim3A_95 = vector.shape_cast %reduce_sum3A_94 : vector<1000xf32> to vector<1000x1xf32>
    %get3A_96 = arith.constant 3 : index
    %get3A_97 = arith.constant 0 : index
    %get3A_98 = vector.load %arg4[%get3A_96, %get3A_97] : memref<4x32xf32, #tpu.memory_space<vmem>>, vector<1x32xf32>
    %get3A_99 = vector.shape_cast %get3A_98 : vector<1x32xf32> to vector<32xf32>
    %broadcast_in_dim3A_100 = vector.shape_cast %get3A_99 : vector<32xf32> to vector<1x32xf32>
    %mul3A_101 = vector.broadcast %broadcast_in_dim3A_100 : vector<1x32xf32> to vector<1000x32xf32>
    %mul3A_102 = arith.mulf %dot_general3A_85, %mul3A_101 : vector<1000x32xf32>
    %reduce_sum3A_103 = arith.constant dense<0.000000e+00> : vector<1000xf32>
    %reduce_sum3A_104 = vector.multi_reduction <add>, %mul3A_102, %reduce_sum3A_103 [1] : vector<1000x32xf32> to vector<1000xf32>
    %broadcast_in_dim3A_105 = vector.shape_cast %reduce_sum3A_104 : vector<1000xf32> to vector<1000x1xf32>
    %broadcast_in_dim3A_106 = arith.constant 0.000000e+00 : f32
    %broadcast_in_dim3A_107 = vector.broadcast %broadcast_in_dim3A_106 : f32 to vector<1000x12xf32>
    %concatenate3A = tpu.concatenate %dot_general3A_7, %dot_general3A_31, %dot_general3A_58, %dot_general3A_85, %broadcast_in_dim3A_14, %broadcast_in_dim3A_41, %broadcast_in_dim3A_68, %broadcast_in_dim3A_95, %broadcast_in_dim3A_107 in 1 : vector<1000x32xf32>, vector<1000x32xf32>, vector<1000x32xf32>, vector<1000x32xf32>, vector<1000x1xf32>, vector<1000x1xf32>, vector<1000x1xf32>, vector<1000x1xf32>, vector<1000x12xf32> -> vector<1000x144xf32>
    %swap3A = arith.constant 0 : index
    %swap3A_108 = arith.constant 0 : index
    %swap3A_109 = vector.load %arg5[%swap3A, %swap3A_108] : memref<1000x144xf32, #tpu.memory_space<vmem>>, vector<1000x144xf32>
    tpu.vector_store %arg5[%swap3A, %swap3A_108], %concatenate3A {strides = array<i32>} : memref<1000x144xf32, #tpu.memory_space<vmem>>, vector<1000x144xf32>,
    %concatenate3A_110 = tpu.concatenate %broadcast_in_dim3A_24, %broadcast_in_dim3A_51, %broadcast_in_dim3A_78, %broadcast_in_dim3A_105, %broadcast_in_dim3A_107 in 1 : vector<1000x1xf32>, vector<1000x1xf32>, vector<1000x1xf32>, vector<1000x1xf32>, vector<1000x12xf32> -> vector<1000x16xf32>
    %swap3A_111 = arith.constant 0 : index
    %swap3A_112 = arith.constant 0 : index
    %swap3A_113 = vector.load %arg6[%swap3A_111, %swap3A_112] : memref<1000x16xf32, #tpu.memory_space<vmem>>, vector<1000x16xf32>
    tpu.vector_store %arg6[%swap3A_111, %swap3A_112], %concatenate3A_110 {strides = array<i32>} : memref<1000x16xf32, #tpu.memory_space<vmem>>, vector<1000x16xf32>,
    %concatenate3A_114 = tpu.concatenate %broadcast_in_dim3A_14, %broadcast_in_dim3A_41, %broadcast_in_dim3A_68, %broadcast_in_dim3A_95 in 1 : vector<1000x1xf32>, vector<1000x1xf32>, vector<1000x1xf32>, vector<1000x1xf32> -> vector<1000x4xf32>
    %broadcast_in_dim3A_115 = arith.constant -3.000000e+38 : f32
    %broadcast_in_dim3A_116 = vector.broadcast %broadcast_in_dim3A_115 : f32 to vector<1000x124xf32>
    %concatenate3A_117 = tpu.concatenate %concatenate3A_114, %broadcast_in_dim3A_116 in 1 : vector<1000x4xf32>, vector<1000x124xf32> -> vector<1000x128xf32>
    %reduce_max3A = arith.constant dense<0xFF800000> : vector<128xf32>
    %reduce_max3A_118 = vector.multi_reduction <maximumf>, %concatenate3A_117, %reduce_max3A [0] : vector<1000x128xf32> to vector<128xf32>
    %broadcast_in_dim3A_119 = vector.shape_cast %reduce_max3A_118 : vector<128xf32> to vector<1x128xf32>
    %eq3A = arith.constant 0 : i32
    %eq3A_120 = arith.cmpi eq, %arg0, %eq3A : i32
    %convert_element_type3A = arith.extui %eq3A_120 : i1 to i32
    %cond3A = arith.constant 0 : i32
    %cond3A_121 = arith.cmpi ne, %convert_element_type3A, %cond3A : i32
    scf.if %cond3A_121 {
      %broadcast_in_dim3A_128 = arith.constant -3.000000e+38 : f32
      %broadcast_in_dim3A_129 = vector.broadcast %broadcast_in_dim3A_128 : f32 to vector<1x128xf32>
      %swap3A_130 = arith.constant 0 : index
      %swap3A_131 = arith.constant 0 : index
      %swap3A_132 = vector.load %arg7[%swap3A_130, %swap3A_131] : memref<1x128xf32, #tpu.memory_space<vmem>>, vector<1x128xf32>
      tpu.vector_store %arg7[%swap3A_130, %swap3A_131], %broadcast_in_dim3A_129 {strides = array<i32>} : memref<1x128xf32, #tpu.memory_space<vmem>>, vector<1x128xf32>,
    } else {
    }
    %get3A_122 = arith.constant 0 : index
    %get3A_123 = arith.constant 0 : index
    %get3A_124 = vector.load %arg7[%get3A_122, %get3A_123] : memref<1x128xf32, #tpu.memory_space<vmem>>, vector<1x128xf32>
    %max3A = arith.maximumf %get3A_124, %broadcast_in_dim3A_119 : vector<1x128xf32>
    %swap3A_125 = arith.constant 0 : index
    %swap3A_126 = arith.constant 0 : index
    %swap3A_127 = vector.load %arg7[%swap3A_125, %swap3A_126] : memref<1x128xf32, #tpu.memory_space<vmem>>, vector<1x128xf32>
    tpu.vector_store %arg7[%swap3A_125, %swap3A_126], %max3A {strides = array<i32>} : memref<1x128xf32, #tpu.memory_space<vmem>>, vector<1x128xf32>,
    return
  }
  func.func @transform_0(%arg0: i32) -> (i32, i32) {
    %c0_i32 = arith.constant 0 : i32
    %c0_i32_0 = arith.constant 0 : i32
    return %arg0, %c0_i32 : i32, i32
  }
  func.func @transform_1(%arg0: i32) -> (i32, i32, i32) {
    %c0_i32 = arith.constant 0 : i32
    %c0_i32_0 = arith.constant 0 : i32
    %c0_i32_1 = arith.constant 0 : i32
    %c0_i32_2 = arith.constant 0 : i32
    return %c0_i32, %c0_i32_0, %c0_i32_1 : i32, i32, i32
  }
  func.func @transform_2(%arg0: i32) -> (i32, i32) {
    %c0_i32 = arith.constant 0 : i32
    %c0_i32_0 = arith.constant 0 : i32
    %c0_i32_1 = arith.constant 0 : i32
    return %c0_i32, %c0_i32_0 : i32, i32
  }
  func.func @transform_3(%arg0: i32) -> (i32, i32) {
    %c0_i32 = arith.constant 0 : i32
    %c0_i32_0 = arith.constant 0 : i32
    %c0_i32_1 = arith.constant 0 : i32
    return %c0_i32, %c0_i32_0 : i32, i32
  }
  func.func @transform_4(%arg0: i32) -> (i32, i32) {
    %c0_i32 = arith.constant 0 : i32
    %c0_i32_0 = arith.constant 0 : i32
    return %arg0, %c0_i32 : i32, i32
  }
  func.func @transform_5(%arg0: i32) -> (i32, i32) {
    %c0_i32 = arith.constant 0 : i32
    %c0_i32_0 = arith.constant 0 : i32
    return %arg0, %c0_i32 : i32, i32
  }
  func.func @transform_6(%arg0: i32) -> (i32, i32) {
    %c0_i32 = arith.constant 0 : i32
    %c0_i32_0 = arith.constant 0 : i32
    %c0_i32_1 = arith.constant 0 : i32
    return %c0_i32, %c0_i32_0 : i32, i32
  }
}

module attributes {stable_mosaic.version = 14 : i64} {
  func.func @_merge_body(%arg0: i32, %arg1: memref<2x1000x144xf32, #tpu.memory_space<vmem>>, %arg2: memref<1000x128xf32, #tpu.memory_space<vmem>>) attributes {dimension_semantics = [#tpu.dimension_semantics<arbitrary>], iteration_bounds = array<i64: 10>, scalar_prefetch = 0 : i64, scratch_operands = 0 : i64, tpu.core_type = #tpu.core_type<tc>, window_params = [{transform_indices = @transform_0, window_bounds = array<i64: 2, 1000, 144>}, {transform_indices = @transform_1, window_bounds = array<i64: 1000, 128>}]} {
    %get3A = arith.constant 0 : index
    %get3A_0 = arith.constant 0 : index
    %get3A_1 = arith.constant 0 : index
    %get3A_2 = vector.load %arg1[%get3A, %get3A_0, %get3A_1] : memref<2x1000x144xf32, #tpu.memory_space<vmem>>, vector<1x1000x144xf32>
    %get3A_3 = vector.shape_cast %get3A_2 : vector<1x1000x144xf32> to vector<1000x144xf32>
    %get3A_4 = arith.constant 1 : index
    %get3A_5 = arith.constant 0 : index
    %get3A_6 = arith.constant 0 : index
    %get3A_7 = vector.load %arg1[%get3A_4, %get3A_5, %get3A_6] : memref<2x1000x144xf32, #tpu.memory_space<vmem>>, vector<1x1000x144xf32>
    %get3A_8 = vector.shape_cast %get3A_7 : vector<1x1000x144xf32> to vector<1000x144xf32>
    %add3A = arith.addf %get3A_3, %get3A_8 : vector<1000x144xf32>
    %slice3A = vector.extract_strided_slice %add3A {offsets = [0, 0], sizes = [1000, 128], strides = [1, 1]} : vector<1000x144xf32> to vector<1000x128xf32>
    %slice3A_9 = vector.extract_strided_slice %add3A {offsets = [0, 128], sizes = [1000, 4], strides = [1, 1]} : vector<1000x144xf32> to vector<1000x4xf32>
    %add3A_10 = arith.constant 9.99999971E-10 : f32
    %add3A_11 = vector.broadcast %add3A_10 : f32 to vector<1000x4xf32>
    %add3A_12 = arith.addf %slice3A_9, %add3A_11 : vector<1000x4xf32>
    %slice3A_13 = vector.extract_strided_slice %add3A_12 {offsets = [0, 0], sizes = [1000, 1], strides = [1, 1]} : vector<1000x4xf32> to vector<1000x1xf32>
    %broadcast_in_dim3A = vector.shape_cast %slice3A_13 : vector<1000x1xf32> to vector<1000x1xf32>
    %broadcast_in_dim3A_14 = vector.broadcast %broadcast_in_dim3A : vector<1000x1xf32> to vector<1000x32xf32>
    %slice3A_15 = vector.extract_strided_slice %add3A_12 {offsets = [0, 1], sizes = [1000, 1], strides = [1, 1]} : vector<1000x4xf32> to vector<1000x1xf32>
    %broadcast_in_dim3A_16 = vector.shape_cast %slice3A_15 : vector<1000x1xf32> to vector<1000x1xf32>
    %broadcast_in_dim3A_17 = vector.broadcast %broadcast_in_dim3A_16 : vector<1000x1xf32> to vector<1000x32xf32>
    %slice3A_18 = vector.extract_strided_slice %add3A_12 {offsets = [0, 2], sizes = [1000, 1], strides = [1, 1]} : vector<1000x4xf32> to vector<1000x1xf32>
    %broadcast_in_dim3A_19 = vector.shape_cast %slice3A_18 : vector<1000x1xf32> to vector<1000x1xf32>
    %broadcast_in_dim3A_20 = vector.broadcast %broadcast_in_dim3A_19 : vector<1000x1xf32> to vector<1000x32xf32>
    %slice3A_21 = vector.extract_strided_slice %add3A_12 {offsets = [0, 3], sizes = [1000, 1], strides = [1, 1]} : vector<1000x4xf32> to vector<1000x1xf32>
    %broadcast_in_dim3A_22 = vector.shape_cast %slice3A_21 : vector<1000x1xf32> to vector<1000x1xf32>
    %broadcast_in_dim3A_23 = vector.broadcast %broadcast_in_dim3A_22 : vector<1000x1xf32> to vector<1000x32xf32>
    %concatenate3A = tpu.concatenate %broadcast_in_dim3A_14, %broadcast_in_dim3A_17, %broadcast_in_dim3A_20, %broadcast_in_dim3A_23 in 1 : vector<1000x32xf32>, vector<1000x32xf32>, vector<1000x32xf32>, vector<1000x32xf32> -> vector<1000x128xf32>
    %div3A = arith.divf %slice3A, %concatenate3A : vector<1000x128xf32>
    %swap3A = arith.constant 0 : index
    %swap3A_24 = arith.constant 0 : index
    %swap3A_25 = vector.load %arg2[%swap3A, %swap3A_24] : memref<1000x128xf32, #tpu.memory_space<vmem>>, vector<1000x128xf32>
    tpu.vector_store %arg2[%swap3A, %swap3A_24], %div3A {strides = array<i32>} : memref<1000x128xf32, #tpu.memory_space<vmem>>, vector<1000x128xf32>,
    return
  }
  func.func @transform_0(%arg0: i32) -> (i32, i32, i32) {
    %c0_i32 = arith.constant 0 : i32
    %c0_i32_0 = arith.constant 0 : i32
    %c0_i32_1 = arith.constant 0 : i32
    return %c0_i32, %arg0, %c0_i32_0 : i32, i32, i32
  }
  func.func @transform_1(%arg0: i32) -> (i32, i32) {
    %c0_i32 = arith.constant 0 : i32
    %c0_i32_0 = arith.constant 0 : i32
    return %arg0, %c0_i32 : i32, i32
  }
}

</mosaic_0001>

<sc_bundles>
// kernel: kernel.5.cloned.1.call-start
scs
__scs_entry_jumppad:
0x0: {  	(pc) =	sbr.rel $0x88, $3  }
0x1: {  	(tag) =	ssettag $0x0;
	lr =	simm.s32 $0x1  }
0x2: {  	[smem:$0x3F9C] =	sst lr;
	_ =	strace $0xD0000000  }
0x3: {  	_ = 	snop  }
0x4: {  	_ = 	snop  }
0x5: {  	_ = 	snop  }
0x6: {  	_ = 	snop  }
0x7: {  	_ = 	snop  }
__scs_overlays_trampoline_lowered:
0x8: {  	[smem:$0x3FAB] =	sst s0  }
0x9: {  	[smem:$0x3FAC] =	sst s1  }
0xa: {  	[smem:$0x3FAD] =	sst s2  }
0xb: {  	[smem:$0x3FAE] =	sst s3  }
0xc: {  	[smem:$0x3FAF] =	sst s4  }
0xd: {  	[smem:$0x3FB0] =	sst s5  }
0xe: {  	[smem:$0x3FB1] =	sst s6  }
0xf: {  	[smem:$0x3FB2] =	sst s7  }
0x10: {  	[smem:$0x3FB3] =	sst s8  }
0x11: {  	[smem:$0x3FB4] =	sst s9;
	s0 =	simm.s32 @!p0 $0x0  }
0x12: {  	s1 =	sld [smem:$0x3F9A];
	s0 =	simm.s32 @p0 $0x1  }
0x13: {  	[smem:$0x3FB5] =	sst s0;
	s0 =	simm.s32 @!p1 $0x0  }
0x14: {  	s2 =	sld [smem:$0x3F99];
	s0 =	simm.s32 @p1 $0x1  }
0x15: {  	[smem:$0x3FB6] =	sst s0;
	s0 =	simm.s32 @!p2 $0x0  }
0x16: {  	s3 =	sld [smem:$0x3FDB];
	s0 =	simm.s32 @p2 $0x1  }
0x17: {  	s4 =	simm.s32 $0x1BF5;
	[smem:$0x3FB8] =	sst s0  }
0x18: {  	s0 =	sld [smem:$0x3F9B];
	_ =	swait.ge [sflag:s4], $0x0  }
0x19: {  	s7 =	sld [smem:$0x3F9C]  }
0x1a: {  	s8 =	sadd.s32 $0xFFFFE003, lr  }
0x1b: {  	s9 =	sadd.s32 $0xFFFFFEF7, lr;
	s5 =	simm.s32 $0xFFFFFFFF;
	p2 =	slt.u32 s8, $0xFFFFF086  }
0x1c: {  	p1 =	slt.u32 s9, $0xF7A;
	s5 =	simm.s32 @!p2 $0x0  }
0x1d: {  	s5 =	simm.s32 @p1 $0x1;
	p0 =	seq.s32 s7, s2  }
0x1e: {  	s7 =	smul.u32 @!p0 $0xF7A, s2;
	p2 =	seq.s32 @!p0 s5, $0x0  }
0x1f: {  	s9 =	smul.u32 $0xF7A, s1;
	s8 =	simm.s32 @!p0 $0x1BF5;
	p2 =	por !p2, p0  }
0x20: {  	[sflag:s8] =	ssyncset.s32 @!p0 $0xFFFFF086;
	s6 =	sadd.s32 @!p0 s3, s7;
	s7 =	simm.s32 @!p0 $0x108  }
0x21: {  	s3 =	sadd.s32 s3, s9;
	s6 =	sadd.s32 @!p0 $0x88, s6;
	s7 =	simm.s32 @p2 $0x1082  }
0x22: {  	[simem:s7], [sflag:s8] =	dma.local @!p0 [hbm:s6], $0xF7A  }
0x23: {  	s9 =	sor.u32 $0xD0000000, s2;
	s6 =	simm.s32 $0x108;
	_ =	swait.ge @!p0 [sflag:s8], $0x0  }
0x24: {  	s3 =	sadd.s32 $0x88, s3;
	s6 =	simm.s32 @!p1 $0x1082;
	[sflag:s4] =	ssyncset.s32 $0xFFFFF086  }
0x25: {  	[simem:s6], [sflag:s4] =	dma.local [hbm:s3], $0xF7A  }
0x26: {  	[smem:$0x3F9C] =	sst s1;
	(tag) =	ssettag s2;
	_ =	strace s9  }
0x27: {  	s1 =	sld [smem:$0x3FAC]  }
0x28: {  	s2 =	sld [smem:$0x3FAD]  }
0x29: {  	s4 =	sld [smem:$0x3FAF]  }
0x2a: {  	p0 =	seq.s32 s5, $0x0;
	s5 =	sld [smem:$0x3FB0]  }
0x2b: {  	s6 =	sld [smem:$0x3FB1]  }
0x2c: {  	s7 =	sld [smem:$0x3FB2]  }
0x2d: {  	s3 =	simm.s32 $0x108;
	s8 =	sld [smem:$0x3FB3]  }
0x2e: {  	s3 =	simm.s32 @!p0 $0x1082;
	s9 =	sld [smem:$0x3FB4]  }
0x2f: {  	lr =	sadd.s32 s0, s3;
	s0 =	sld [smem:$0x3FAB]  }
0x30: {  	s3 =	sld [smem:$0x3FAE]  }
0x31: {  	[smem:$0x3FB7] =	sst s10  }
0x32: {  	s10 =	sld [smem:$0x3FB5];
	_ =	sdelay $0x3  }
0x33: {  	p0 =	seq.s32 s10, $0x1;
	s10 =	sld [smem:$0x3FB7];
	_ =	sdelay $0x3  }
0x34: {  	[smem:$0x3FB7] =	sst s10  }
0x35: {  	s10 =	sld [smem:$0x3FB6];
	_ =	sdelay $0x3  }
0x36: {  	p1 =	seq.s32 s10, $0x1;
	s10 =	sld [smem:$0x3FB7];
	_ =	sdelay $0x3  }
0x37: {  	[smem:$0x3FB7] =	sst s10  }
0x38: {  	s10 =	sld [smem:$0x3FB8]  }
0x39: {  	_ = 	snop;
	(pc) =	sbr.ind lr, $3  }
0x3a: {  	_ = 	snop  }
0x3b: {  	_ = 	snop  }
0x3c: {  	p2 =	seq.s32 s10, $0x1;
	s10 =	sld [smem:$0x3FB7]  }
0x3d: {  	_ =	shalt  }
0x3e: {  	_ =	shalt  }
0x3f: {  	_ =	shalt  }
0x40: {  	_ =	shalt  }
0x41: {  	_ =	shalt  }
0x42: {  	_ =	shalt  }
0x43: {  	_ =	shalt  }
0x44: {  	_ =	shalt  }
0x45: {  	_ =	shalt  }
0x46: {  	_ =	shalt  }
0x47: {  	_ =	shalt  }
0x48: {  	_ =	shalt  }
0x49: {  	_ =	shalt  }
0x4a: {  	_ =	shalt  }
0x4b: {  	_ =	shalt  }
0x4c: {  	_ =	shalt  }
0x4d: {  	_ =	shalt  }
0x4e: {  	_ =	shalt  }
0x4f: {  	_ =	shalt  }
0x50: {  	_ =	shalt  }
0x51: {  	_ =	shalt  }
0x52: {  	_ =	shalt  }
0x53: {  	_ =	shalt  }
0x54: {  	_ =	shalt  }
0x55: {  	_ =	shalt  }
0x56: {  	_ =	shalt  }
0x57: {  	_ =	shalt  }
0x58: {  	_ =	shalt  }
0x59: {  	_ =	shalt  }
0x5a: {  	_ =	shalt  }
0x5b: {  	_ =	shalt  }
0x5c: {  	_ =	shalt  }
0x5d: {  	_ =	shalt  }
0x5e: {  	_ =	shalt  }
0x5f: {  	_ =	shalt  }
0x60: {  	_ =	shalt  }
0x61: {  	_ =	shalt  }
0x62: {  	_ =	shalt  }
0x63: {  	_ =	shalt  }
0x64: {  	_ =	shalt  }
0x65: {  	_ =	shalt  }
0x66: {  	_ =	shalt  }
0x67: {  	_ =	shalt  }
0x68: {  	_ =	shalt  }
0x69: {  	_ =	shalt  }
0x6a: {  	_ =	shalt  }
0x6b: {  	_ =	shalt  }
0x6c: {  	_ =	shalt  }
0x6d: {  	_ =	shalt  }
0x6e: {  	_ =	shalt  }
0x6f: {  	_ =	shalt  }
0x70: {  	_ =	shalt  }
0x71: {  	_ =	shalt  }
0x72: {  	_ =	shalt  }
0x73: {  	_ =	shalt  }
0x74: {  	_ =	shalt  }
0x75: {  	_ =	shalt  }
0x76: {  	_ =	shalt  }
0x77: {  	_ =	shalt  }
0x78: {  	_ =	shalt  }
0x79: {  	_ =	shalt  }
0x7a: {  	_ =	shalt  }
0x7b: {  	_ =	shalt  }
0x7c: {  	_ =	shalt  }
0x7d: {  	_ =	shalt  }
0x7e: {  	_ =	shalt  }
0x7f: {  	_ =	shalt  }
0x80: {  	_ =	shalt  }
0x81: {  	_ =	shalt  }
0x82: {  	_ =	shalt  }
0x83: {  	_ =	shalt  }
0x84: {  	_ =	shalt  }
0x85: {  	_ =	shalt  }
0x86: {  	_ =	shalt  }
0x87: {  	_ =	shalt  }
.Lfunc_end0:
.L_simem_size_0:
called_computation_lowered:
.L_overlay_start_0:
0x88: {  	s2 =	sld [smem:$0x3FD9]  }
0x89: {  	s3 =	sld [smem:$0x3FFE];
	_ =	sdelay $0x1  }
0x8a: {  	s1 =	srdreg.scid  }
0x8b: {  	s0 =	sand.u32 $0x1, s1  }
0x8c: {  	s17 =	sshll.u32 s0, $0xA;
	s2 =	sadd.s32 s3, s2  }
0x8d: {  	s2 =	sadd.s32 s2, s17  }
0x8e: {  	[smem:$0x3FC3] =	sst s2  }
0x8f: {  	_ = 	snop  }
0x90: {  	s2 =	sld [smem:$0x3FD0];
	(tm) =	ssettm $0x1  }
0x91: {  	s18 =	sld [smem:$0x3FFB];
	_ =	sdelay $0x3  }
0x92: {  	_ =	strace s18  }
0x93: {  	s3 =	sld [smem:$0x3FFC];
	_ =	sdelay $0x3  }
0x94: {  	_ =	strace s3  }
0x95: {  	s3 =	sld [smem:$0x3FFD];
	_ =	sdelay $0x3  }
0x96: {  	_ =	strace s3  }
0x97: {  	_ =	strace $0x8FFFFFFF  }
0x98: {  	s19 =	sld [smem:$0x3FDB];
	_ =	sdelay $0x1  }
0x99: {  	s4 =	simm.s32 $_scs_section_size  }
0x9a: {  	s5 =	simm.s32 $_size__tile_overlayer_lowered;
	s6 =	simm.s32 $_tile_overlayer_lowered  }
0x9b: {  	s22 =	simm.s32 $0x1BFF;
	s21 =	sshll.u32 s6, $0x1;
	s3 =	sadd.s32 s4, s19  }
0x9c: {  	s7 =	simm.s32 $0x0;
	s20 =	sshll.u32 s5, $0x1;
	s5 =	sadd.s32 s21, s3  }
0x9d: {  	[timem:s7], [sflag:s22] =	dma.local [hbm:s5], s20  }
0x9e: {  	_ =	swait.ge [sflag:s22], s20  }
0x9f: {  	s4 =	ssub.s32 $0x0, s20;
	[sflag:s22] =	ssyncset.done $0x0  }
0xa0: {  	[sflag:s22] =	ssyncadd.s32 s4;
	_ =	sdelay $0x1  }
0xa1: {  	s23 =	simm.s32 $0x1B8B  }
0xa2: {  	_ =	swait.ge [sflag:s23], $0x1  }
0xa3: {  	[sflag:s23] =	ssyncset.done $0x0  }
0xa4: {  	s25 =	simm.s32 $0x1B8E;
	s24 =	sld [smem:$0x3FFE];
	[sflag:s23] =	ssyncadd.s32 $0xFFFFFFFF  }
0xa5: {  	s26 =	simm.s32 $execute0_lowered;
	[smem:$0x3FD2] =	sst s25  }
0xa6: {  	s5 =	sshll.u32 s26, $0x1;
	_ =	strace $0x80000046;
	[dreg:$0x1] =	wrdreg $0xFFFFFFFF  }
0xa7: {  	s28 =	simm.s32 $_size_execute0_lowered;
	s3 =	sadd.s32 s3, s5;
	[dreg:$0x0] =	wrdreg $0x0  }
0xa8: {  	s5 =	sshll.u32 s28, $0x1;
	[dreg:$0x2] =	wrdreg s3  }
0xa9: {  	[dreg:$0x3] =	wrdreg s5  }
0xaa: {  	[dreg:$0x4] =	wrdreg $0xC0  }
0xab: {  	_ =	task [dreg:s7], $0x5FFFF  }
0xac: {  	[dreg:$0x1] =	wrdreg $0xFFFFFFFF  }
0xad: {  	[dreg:$0x0] =	wrdreg $0x60  }
0xae: {  	[dreg:$0x2] =	wrdreg s24  }
0xaf: {  	[dreg:$0x3] =	wrdreg s2  }
0xb0: {  	[dreg:$0x4] =	wrdreg $0x99D00  }
0xb1: {  	[dreg:$0x5] =	wrdreg $0x9  }
0xb2: {  	_ =	task.clear_ibuf [dreg:s7], $0x6FFFF;
	_ =	strace $0x90000046  }
0xb3: {  	s29 =	simm.s32 $0x9;
	_ =	strace $0x80000048  }
0xb4: {  	_ =	swait.ge [sflag:s29], $0x1  }
0xb5: {  	[sflag:s29] =	ssyncadd.s32 $0xFFFFFFFF  }
0xb6: {  	_ =	strace $0x90000048  }
0xb7: {  	_ =	sfence  }
0xb8: {  	s30 =	sld [smem:$0x0];
	_ =	sdelay $0x2  }
0xb9: {  	s31 =	sshll.u32 s1, $0xD;
	s1 =	sshrl.u32 s1, $0x2  }
0xba: {  	s3 =	sand.u32 $0x4000, s31;
	s1 =	sadd.s32 s1, s30  }
0xbb: {  	s0 =	sor.u32 s3, s0;
	s1 =	sshll.u32 s1, $0x11  }
0xbc: {  	s0 =	sor.u32 s1, s0  }
0xbd: {  	s0 =	sadd.s32 $0x8F2B, s0  }
0xbe: {  	[sflag:s0] =	ssyncadd.remote.s32 $0x1  }
0xbf: {  	_ =	sfence.sel $0xFFFF  }
0xc0: {  	[dreg:$0x0] =	wrdreg $0xFFFFFFFF;
	(pc) =	sbr.abs _section_cstart, $3  }
0xc1: {  	[dreg:$0x1] =	wrdreg $0xFFFFFFFF  }
0xc2: {  	_ =	task.clear_ibuf [dreg:s7], $0x2FFFF;
	_ =	strace $0x9FFFFFFF  }
0xc3: {  	(tm) =	ssettm $0x7FFFFFFF  }
tec
execute0_lowered:
.L_overlay_start_1:
0x0: {  	(tag) =	ssettag $0x1  }
0x1: {  	s0 =	rddreg [dreg:$0x0]  }
0x2: {  	s1 =	rddreg [dreg:$0x1]  }
0x3: {  	s2 =	rddreg [dreg:$0x2];
	s3 =	srdreg.scid  }
0x4: {  	s4 =	simm.s32 $0x0;
	s12 =	stileid.u32;
	s28 =	simm.s32 $0x2  }
0x5: {  	s29 =	simm.s32 $0xC;
	s30 =	simm.s32 $0x67C0;
	s31 =	simm.s32 $0xD  }
0x6: {  	s3 =	sand.u32 $0x1, s3;
	[smem:$0x7FF] =	sst s4;
	s6 =	sadd.s32 $0x1000, s0  }
0x7: {  	s7 =	sadd.s32 $0x2D000, s0;
	s11 =	smul.u32 $0x58E00, s12;
	s13 =	sadd.s32 $0xE00, s0  }
0x8: {  	s0 =	sadd.s32 $0x32000, s0;
	s26 =	smul.u32 $0x16380, s12;
	s5 =	sshll.u32 s3, $0x4  }
0x9: {  	_ =	strace $0x80000047;
	s8 =	ssub.s32 $0x2, s3;
	[dreg:$0x4] =	wrdreg s13  }
0xa: {  	s3 =	smul.u32 $0x163800, s3;
	s5 =	sor.u32 s12, s5;
	s10 =	sshrl.u32 s8, $0x1  }
0xb: {  	s11 =	sshrl.u32 s11, $0x2;
	s17 =	sadd.s32 s26, s2;
	s21 =	sadd.s32 $0x9000, s26  }
0xc: {  	s23 =	sadd.s32 $0xD800, s26;
	s9 =	smul.u32 $0x50, s5;
	s8 =	ssub.s32 s8, s10  }
0xd: {  	s18 =	sadd.s32 s26, s3;
	s22 =	sadd.s32 s3, s21;
	s10 =	sadd.s32 $0x12000, s26  }
0xe: {  	[dreg:$0x6] =	wrdreg s17;
	s12 =	sshrl.u32 s18, $0x3;
	s8 =	smax.u32 s8, $0x1  }
0xf: {  	s9 =	sshrl.u32 s9, $0x3;
	s12 =	sadd.s32 s0, s12;
	[dreg:$0x13] =	wrdreg s8  }
0x10: {  	s16 =	sadd.s32 s1, s9;
	s9 =	sadd.s32 s11, s2;
	[dreg:$0xa] =	wrdreg s12  }
0x11: {  	s8 =	simm.s32 $0x6;
	s11 =	sadd.s32 $0x2D00, s9;
	[dreg:$0x5] =	wrdreg s16  }
0x12: {  	s12 =	simm.s32 $0x7;
	s15 =	sadd.s32 $0x5A00, s9;
	[dreg:$0x7] =	wrdreg s11  }
0x13: {  	s14 =	sadd.s32 $0x8700, s9;
	s25 =	sadd.s32 $0xB400, s9;
	[dreg:$0x8] =	wrdreg s15  }
0x14: {  	s11 =	sadd.s32 $0x4800, s26;
	[dreg:$0x9] =	wrdreg s14;
	s15 =	sadd.s32 s3, s23  }
0x15: {  	[dreg:$0xf] =	wrdreg s25;
	s26 =	sadd.s32 $0xE100, s9;
	s14 =	sadd.s32 s23, s2  }
0x16: {  	s23 =	sadd.s32 $0x280, s16;
	s25 =	sor.u32 $0x60, s5;
	s19 =	sadd.s32 s3, s11  }
0x17: {  	s3 =	sadd.s32 s3, s10;
	s24 =	sshrl.u32 s15, $0x3;
	[dreg:$0x10] =	wrdreg s26  }
0x18: {  	s11 =	sadd.s32 s11, s2;
	s10 =	sadd.s32 s10, s2;
	[dreg:$0x1b] =	wrdreg s23  }
0x19: {  	s18 =	sshrl.u32 s14, $0x3;
	[dreg:$0x1d] =	wrdreg s25;
	s26 =	sor.u32 $0xA0, s5  }
0x1a: {  	s25 =	simm.s32 $0x1E0;
	s14 =	simm.s32 $0x50;
	[dreg:$0x16] =	wrdreg s18  }
0x1b: {  	s13 =	sshrl.u32 s19, $0x3;
	s19 =	sshrl.u32 s10, $0x3;
	[dreg:$0x1e] =	wrdreg s26  }
0x1c: {  	s23 =	simm.s32 $0xF;
	s20 =	sadd.s32 s0, s13;
	[dreg:$0x17] =	wrdreg s19  }
0x1d: {  	s13 =	sshrl.u32 s22, $0x3;
	s22 =	sadd.s32 $0x9D80, s16;
	[dreg:$0xb] =	wrdreg s20  }
0x1e: {  	s3 =	sshrl.u32 s3, $0x3;
	s13 =	sadd.s32 s0, s13;
	[dreg:$0x1a] =	wrdreg s22  }
0x1f: {  	s18 =	simm.s32 $0xA;
	s20 =	sadd.s32 $0x9C40, s16;
	[dreg:$0xc] =	wrdreg s13  }
0x20: {  	s26 =	simm.s32 $0x1;
	s13 =	sadd.s32 s0, s24;
	[dreg:$0x18] =	wrdreg s20  }
0x21: {  	s10 =	simm.s32 $0x4;
	s0 =	sadd.s32 s0, s3;
	[dreg:$0xd] =	wrdreg s13  }
0x22: {  	s19 =	simm.s32 $0x3C0;
	s3 =	sadd.s32 $0x10E00, s9;
	[dreg:$0xe] =	wrdreg s0  }
0x23: {  	s22 =	simm.s32 $0xB;
	s9 =	sadd.s32 $0x13B00, s9;
	[dreg:$0x11] =	wrdreg s3  }
0x24: {  	s24 =	sadd.s32 $0x9EC0, s16;
	s20 =	simm.s32 $0xE;
	[dreg:$0x12] =	wrdreg s9  }
.Ltmp0:
0x25: {  	s13 =	sadd.s32 s21, s2;
	s0 =	sshrl.u32 s11, $0x3;
	(pc) =	sbr.rel .LBB2_1-.Ltmp0, $4  }
0x26: {  	s21 =	sadd.s32 $0x140, s16;
	[dreg:$0x1c] =	wrdreg s24;
	s9 =	simm.s32 $0x3  }
0x27: {  	s11 =	simm.s32 $0x5;
	s16 =	simm.s32 $0x8;
	[dreg:$0x14] =	wrdreg s0  }
0x28: {  	s3 =	simm.s32 $0x0;
	s15 =	sshrl.u32 s13, $0x3;
	[dreg:$0x19] =	wrdreg s21  }
0x29: {  	v0 =	vimm.f32 $0.0e+00;
	vm0 =	vmmov $0xf;
	s21 =	simm.s32 $0x35C0;
	[dreg:$0x15] =	wrdreg s15;
	s15 =	simm.s32 $0x10  }
.LBB2_22:
0x2a: {  	_ =	swait.ge [sflag:s12], $0x2D00  }
0x2b: {  	[sflag:s12] =	ssyncset.done $0x0  }
0x2c: {  	[sflag:s12] =	ssyncadd.s32 $0xFFFFD300  }
0x2d: {  	_ =	swait.ge [sflag:s16], $0x2D00  }
0x2e: {  	[sflag:s16] =	ssyncset.done $0x0  }
0x2f: {  	s0 =	simm.s32 $0x9;
	[sflag:s16] =	ssyncadd.s32 $0xFFFFD300  }
0x30: {  	_ =	swait.ge [sflag:s0], $0x2D00  }
0x31: {  	[sflag:s0] =	ssyncset.done $0x0  }
0x32: {  	[sflag:s0] =	ssyncadd.s32 $0xFFFFD300  }
0x33: {  	s3 =	stileid.u32;
	[bflag:$0x0] =	sbarrier.arrive $0xFFFF  }
0x34: {  	s15 =	simm.s32 $0x10;
	s0 =	sshll.u32 s3, $0x6;
	s17 =	rddreg [dreg:$0x6]  }
0x35: {  	s0 =	sor.u32 $0x1C10, s0;
	s13 =	rddreg [dreg:$0xa];
	s3 =	sshrl.u32 s17, $0x3  }
0x36: {  	[hbm:s13], [sflag:s0] =	dma.local [spmem:s3], $0x900  }
0x37: {  	_ =	swait.ge [sflag:s15], $0x900  }
0x38: {  	[sflag:s15] =	ssyncset.done $0x0;
	s13 =	rddreg [dreg:$0xb]  }
0x39: {  	s24 =	rddreg [dreg:$0x14];
	[sflag:s15] =	ssyncadd.s32 $0xFFFFF700  }
0x3a: {  	[hbm:s13], [sflag:s0] =	dma.local [spmem:s24], $0x900  }
0x3b: {  	_ =	swait.ge [sflag:s15], $0x900  }
0x3c: {  	[sflag:s15] =	ssyncset.done $0x0;
	s13 =	rddreg [dreg:$0xc]  }
0x3d: {  	s24 =	rddreg [dreg:$0x15];
	[sflag:s15] =	ssyncadd.s32 $0xFFFFF700  }
0x3e: {  	[hbm:s13], [sflag:s0] =	dma.local [spmem:s24], $0x900  }
0x3f: {  	_ =	swait.ge [sflag:s15], $0x900  }
0x40: {  	[sflag:s15] =	ssyncset.done $0x0;
	s13 =	rddreg [dreg:$0xd]  }
0x41: {  	s24 =	rddreg [dreg:$0x16];
	[sflag:s15] =	ssyncadd.s32 $0xFFFFF700  }
0x42: {  	[hbm:s13], [sflag:s0] =	dma.local [spmem:s24], $0x900  }
0x43: {  	_ =	swait.ge [sflag:s15], $0x900  }
0x44: {  	[sflag:s15] =	ssyncset.done $0x0;
	s13 =	rddreg [dreg:$0xe]  }
0x45: {  	s24 =	rddreg [dreg:$0x17];
	[sflag:s15] =	ssyncadd.s32 $0xFFFFF700  }
0x46: {  	[hbm:s13], [sflag:s0] =	dma.local [spmem:s24], $0x870  }
0x47: {  	_ =	swait.ge [sflag:s15], $0x870  }
0x48: {  	s13 =	rddreg [dreg:$0x1f]  }
0x49: {  	s24 =	rddreg [dreg:$0x13];
	s3 =	sadd.s32 $0x1, s13  }
0x4a: {  	p0 =	sne.s32 s3, s24  }
.Ltmp1:
0x4b: {  	_ = 	snop;
	(pc) =	sbr.rel @!p0 .LBB2_23-.Ltmp1, $3  }
0x4c: {  	_ =	sdelay $0x1  }
0x4d: {  	[sflag:s15] =	ssyncset.done $0x0  }
0x4e: {  	[sflag:s15] =	ssyncadd.s32 $0xFFFFF790  }
.LBB2_1:
0x4f: {  	[dreg:$0x1f] =	wrdreg s3  }
0x50: {  	s0 =	rddreg [dreg:$0x4];
	s24 =	simm.s32 $0x99C0  }
0x51: {  	[tilespmem:s24], [sflag:$0x10] =	stream.linear.gather [hbm4b:s0+s4], $0x10, $0x38;
	[tilespmem:$0x1FD50] =	vst v63  }
0x52: {  	_ =	swait.ge [sflag:s15], $0x10  }
0x53: {  	[sflag:s15] =	ssyncset.done $0x0  }
0x54: {  	s13 =	rddreg [dreg:$0x5];
	[sflag:s15] =	ssyncadd.s32 $0xFFFFFFF0  }
0x55: {  	[tilespmem:s4], [sflag:$0xA] =	stream.linear.gather [hbm4b:s13+s4], $0x50, $0x38;
	[tilespmem:$0x1FD50] =	vst v63  }
0x56: {  	s24 =	rddreg [dreg:$0x18]  }
0x57: {  	[tilespmem:s25], [sflag:$0xA] =	stream.linear.gather [hbm4b:s24+s4], $0x50, $0x38;
	[tilespmem:$0x1FD50] =	vst v63  }
0x58: {  	s3 =	rddreg [dreg:$0x19]  }
0x59: {  	[tilespmem:s14], [sflag:$0xB] =	stream.linear.gather [hbm4b:s3+s4], $0x50, $0x38;
	[tilespmem:$0x1FD50] =	vst v63  }
0x5a: {  	s13 =	rddreg [dreg:$0x1a];
	s24 =	simm.s32 $0x230  }
0x5b: {  	[tilespmem:s24], [sflag:$0xB] =	stream.linear.gather [hbm4b:s13+s4], $0x50, $0x38;
	[tilespmem:$0x1FD50] =	vst v63  }
0x5c: {  	s13 =	rddreg [dreg:$0x1b];
	s24 =	simm.s32 $0xA0  }
0x5d: {  	[tilespmem:s24], [sflag:$0xC] =	stream.linear.gather [hbm4b:s13+s4], $0x50, $0x38;
	[tilespmem:$0x1FD50] =	vst v63  }
0x5e: {  	s3 =	rddreg [dreg:$0x1c];
	s13 =	simm.s32 $0x280  }
0x5f: {  	[tilespmem:s13], [sflag:$0xC] =	stream.linear.gather [hbm4b:s3+s4], $0x50, $0x38;
	[tilespmem:$0x1FD50] =	vst v63  }
0x60: {  	_ =	swait.ge [sflag:s18], $0x50  }
0x61: {  	[sflag:s18] =	ssyncset.done $0x0  }
0x62: {  	[sflag:s18] =	ssyncadd.s32 $0xFFFFFFB0  }
0x63: {  	_ =	swait.ge [sflag:s18], $0x50  }
0x64: {  	[sflag:s18] =	ssyncset.done $0x0  }
0x65: {  	[sflag:s18] =	ssyncadd.s32 $0xFFFFFFB0  }
0x66: {  	[tilespmem:s19], [sflag:$0x1] =	stream.indirect.gather [hbm4b:s6+s14], $0x90, s4, s14, $0xb8;
	[tilespmem:$0x1FD50] =	vst v63  }
0x67: {  	s0 =	simm.s32 $0x0;
	s24 =	simm.s32 $0x30C0;
	s3 =	simm.s32 $0x240  }
0x68: {  	[tilespmem:s24], [sflag:$0x2] =	stream.indirect.gather [hbm4b:s7+s14], $0x10, s25, s14, $0xb8;
	[tilespmem:$0x1FD50] =	vst v63  }
.LBB2_2:
0x69: {  	p0 =	sne.s32 s3, $0xB1C0;
	[tilespmem:s0+$0x3640] =	vst v0  }
0x6a: {  	[tilespmem:s0+$0x35C0] =	vst v0  }
0x6b: {  	[tilespmem:s0+$0x35D0] =	vst v0  }
0x6c: {  	[tilespmem:s0+$0x35E0] =	vst v0  }
.Ltmp2:
0x6d: {  	[tilespmem:s0+$0x35F0] =	vst v0;
	(pc) =	sbr.rel @p0 .LBB2_2-.Ltmp2, $4  }
0x6e: {  	[tilespmem:s0+$0x3600] =	vst v0  }
0x6f: {  	[tilespmem:s0+$0x3610] =	vst v0  }
0x70: {  	[tilespmem:s0+$0x3620] =	vst v0  }
0x71: {  	[tilespmem:s0+$0x3630] =	vst v0;
	s0 =	sshra.s32 s3, $0x2;
	s3 =	sadd.s32 $0x240, s3  }
0x72: {  	[tilespmem:s0+$0x3640] =	vst v0  }
0x73: {  	[tilespmem:s0+$0x35C0] =	vst v0  }
0x74: {  	[tilespmem:s0+$0x35D0] =	vst v0  }
0x75: {  	[tilespmem:s0+$0x35E0] =	vst v0  }
0x76: {  	[tilespmem:s0+$0x35F0] =	vst v0  }
0x77: {  	[tilespmem:s0+$0x3600] =	vst v0  }
0x78: {  	[tilespmem:s0+$0x3610] =	vst v0  }
0x79: {  	[tilespmem:s0+$0x3620] =	vst v0  }
0x7a: {  	[tilespmem:s0+$0x3630] =	vst v0  }
0x7b: {  	[spmem:s17] =	stream.linear.scatter [tilespmem:s21], [sflag:$0x10], $0x2D00, $0x38;
	[tilespmem:$0x1FD50] =	vst v63  }
0x7c: {  	_ =	swait.ge [sflag:s15], $0x2D00  }
0x7d: {  	[sflag:s15] =	ssyncset.done $0x0  }
0x7e: {  	s24 =	rddreg [dreg:$0x7];
	[sflag:s15] =	ssyncadd.s32 $0xFFFFD300  }
0x7f: {  	[spmem:s24] =	stream.linear.scatter [tilespmem:s21], [sflag:$0x10], $0x2D00, $0x38;
	[tilespmem:$0x1FD50] =	vst v63  }
0x80: {  	_ =	swait.ge [sflag:s15], $0x2D00  }
0x81: {  	[sflag:s15] =	ssyncset.done $0x0  }
0x82: {  	s25 =	rddreg [dreg:$0x8];
	[sflag:s15] =	ssyncadd.s32 $0xFFFFD300  }
0x83: {  	[spmem:s25] =	stream.linear.scatter [tilespmem:s21], [sflag:$0x10], $0x2D00, $0x38;
	[tilespmem:$0x1FD50] =	vst v63  }
0x84: {  	_ =	swait.ge [sflag:s15], $0x2D00  }
0x85: {  	[sflag:s15] =	ssyncset.done $0x0  }
0x86: {  	s3 =	rddreg [dreg:$0x9];
	[sflag:s15] =	ssyncadd.s32 $0xFFFFD300  }
0x87: {  	[spmem:s3] =	stream.linear.scatter [tilespmem:s21], [sflag:$0x10], $0x2D00, $0x38;
	[tilespmem:$0x1FD50] =	vst v63  }
0x88: {  	_ =	swait.ge [sflag:s15], $0x2D00  }
0x89: {  	[sflag:s15] =	ssyncset.done $0x0  }
0x8a: {  	s13 =	rddreg [dreg:$0xf];
	[sflag:s15] =	ssyncadd.s32 $0xFFFFD300  }
0x8b: {  	[spmem:s13] =	stream.linear.scatter [tilespmem:s21], [sflag:$0x10], $0x2D00, $0x38;
	[tilespmem:$0x1FD50] =	vst v63  }
0x8c: {  	_ =	swait.ge [sflag:s15], $0x2D00  }
0x8d: {  	[sflag:s15] =	ssyncset.done $0x0  }
0x8e: {  	s17 =	rddreg [dreg:$0x10];
	[sflag:s15] =	ssyncadd.s32 $0xFFFFD300  }
0x8f: {  	[spmem:s17] =	stream.linear.scatter [tilespmem:s21], [sflag:$0x10], $0x2D00, $0x38;
	[tilespmem:$0x1FD50] =	vst v63  }
0x90: {  	_ =	swait.ge [sflag:s15], $0x2D00  }
0x91: {  	[sflag:s15] =	ssyncset.done $0x0  }
0x92: {  	s24 =	rddreg [dreg:$0x11];
	[sflag:s15] =	ssyncadd.s32 $0xFFFFD300  }
0x93: {  	[spmem:s24] =	stream.linear.scatter [tilespmem:s21], [sflag:$0x10], $0x2D00, $0x38;
	[tilespmem:$0x1FD50] =	vst v63  }
0x94: {  	_ =	swait.ge [sflag:s15], $0x2D00  }
0x95: {  	[sflag:s15] =	ssyncset.done $0x0  }
0x96: {  	s25 =	rddreg [dreg:$0x12];
	[sflag:s15] =	ssyncadd.s32 $0xFFFFD300  }
0x97: {  	[spmem:s25] =	stream.linear.scatter [tilespmem:s21], [sflag:$0x10], $0x2880, $0x38;
	[tilespmem:$0x1FD50] =	vst v63  }
0x98: {  	_ =	swait.ge [sflag:s15], $0x2880  }
0x99: {  	[sflag:s15] =	ssyncset.done $0x0  }
0x9a: {  	[sflag:s15] =	ssyncadd.s32 $0xFFFFD780  }
0x9b: {  	[bflag:$0x0] =	sbarrier.arrive $0xFFFF  }
0x9c: {  	s24 =	simm.s32 $0x0;
	v1 =	vld [tilespmem:$0x99C0]  }
.LBB2_4:
0x9d: {  	p0 =	seq.s32 s24, $0x0  }
0x9e: {  	s0 =	simm.s32 @!p0 $0x8  }
0x9f: {  	_ =	swait.ge @!p0 [sflag:s0], $0x2D00  }
0xa0: {  	[sflag:s0] =	ssyncset.done @!p0 $0x0  }
0xa1: {  	[sflag:s0] =	ssyncadd.s32 @!p0 $0xFFFFD300  }
0xa2: {  	_ =	swait.ge [sflag:s22], $0x50  }
0xa3: {  	[sflag:s22] =	ssyncset.done $0x0  }
0xa4: {  	s0 =	smul.u32 $0xC0, s24;
	[sflag:s22] =	ssyncadd.s32 $0xFFFFFFB0  }
0xa5: {  	_ =	swait.ge [sflag:s22], $0x50  }
0xa6: {  	s3 =	sor.u32 s5, s0;
	[sflag:s22] =	ssyncset.done $0x0  }
0xa7: {  	s3 =	smul.u32 $0x50, s3;
	[sflag:s22] =	ssyncadd.s32 $0xFFFFFFB0  }
0xa8: {  	[tilespmem:s21], [sflag:$0x3] =	stream.indirect.gather [hbm4b:s6+s14], $0x90, s14, s14, $0xb8;
	[tilespmem:$0x1FD50] =	vst v63  }
0xa9: {  	s13 =	simm.s32 $0x230;
	s15 =	simm.s32 $0x62C0;
	s3 =	sshrl.u32 s3, $0x3  }
0xaa: {  	[tilespmem:s15], [sflag:$0x4] =	stream.indirect.gather [hbm4b:s7+s14], $0x10, s13, s14, $0xb8;
	[tilespmem:$0x1FD50] =	vst v63  }
0xab: {  	s13 =	sadd.s32 s1, s3  }
0xac: {  	s25 =	simm.s32 $0xF0;
	s3 =	sadd.s32 $0x3C0, s13  }
0xad: {  	[tilespmem:s25], [sflag:$0xD] =	stream.linear.gather [hbm4b:s3+s4], $0x50, $0x38;
	[tilespmem:$0x1FD50] =	vst v63  }
0xae: {  	s17 =	simm.s32 $0x2D0;
	s15 =	sadd.s32 $0xA000, s13  }
0xaf: {  	[tilespmem:s17], [sflag:$0xD] =	stream.linear.gather [hbm4b:s15+s4], $0x50, $0x38;
	[tilespmem:$0x1FD50] =	vst v63  }
0xb0: {  	_ =	swait.ge [sflag:s26], $0x2D00  }
0xb1: {  	[sflag:s26] =	ssyncset.done $0x0  }
0xb2: {  	[sflag:s26] =	ssyncadd.s32 $0xFFFFD300  }
0xb3: {  	_ =	swait.ge [sflag:s28], $0x500  }
0xb4: {  	[sflag:s28] =	ssyncset.done $0x0  }
0xb5: {  	s25 =	simm.s32 $0x30E0;
	[sflag:s28] =	ssyncadd.s32 $0xFFFFFB00  }
0xb6: {  	s15 =	simm.s32 $0x4E0;
	v2 =	vld [tilespmem:s25+$0x10]  }
0xb7: {  	v3 =	vld [tilespmem:s15+$0x110]  }
0xb8: {  	v4 =	vld [tilespmem:s15+$0xFFFFFF60]  }
0xb9: {  	v5 =	vld [tilespmem:s25+$0xFFFFFFF0]  }
0xba: {  	v6 =	vld [tilespmem:s15+$0xFFFFFFF0]  }
0xbb: {  	v7 =	vld [tilespmem:s25+$0x0]  }
0xbc: {  	v9 =	vld [tilespmem:s25+$0xFFFFFFE0]  }
0xbd: {  	v8 =	vld [tilespmem:s15+$0x80]  }
0xbe: {  	v10 =	vld [tilespmem:s15+$0xFFFFFEE0];
	v3 =	vadd.f32 v3, v2;
	v2 =	vadd.f32 v2, v1  }
0xbf: {  	v14 =	vld [tilespmem:s15+$0xFFFFFEF0];
	v13 =	vadd.f32 v5, v1  }
0xc0: {  	v17 =	vld [tilespmem:s15+$0xFFFFFF00];
	v5 =	vadd.f32 v6, v5;
	v11 =	vmul.f32 $2.000000030e-01, v3;
	v12 =	vmul.f32 $2.000000030e-01, v2  }
0xc1: {  	v29 =	vld [tilespmem:s15+$0xFFFFFF10];
	v15 =	vadd.f32 v7, v1;
	v4 =	vadd.f32 v4, v9  }
0xc2: {  	v30 =	vld [tilespmem:s15+$0xFFFFFF20];
	v6 =	vmul.f32 $2.000000030e-01, v5;
	v3 =	vmax.f32 v3, v11;
	v2 =	vmax.f32 v2, v12  }
0xc3: {  	v31 =	vld [tilespmem:s15+$0xFFFFFF30];
	v9 =	vadd.f32 v9, v1;
	v2 =	vsub.f32 v3, v2;
	v3 =	vmul.f32 $2.000000030e-01, v13  }
0xc4: {  	v35 =	vld [tilespmem:s15+$0xFFFFFF40];
	v11 =	vadd.f32 v8, v7;
	v5 =	vmax.f32 v5, v6;
	v6 =	vmul.f32 $2.000000030e-01, v4  }
0xc5: {  	v44 =	vld [tilespmem:s15+$0xFFFFFF50];
	v7 =	vmul.f32 $2.000000030e-01, v9;
	v2 =	vmul.f32 $1.442695020e+00, v2;
	v3 =	vmax.f32 v13, v3  }
0xc6: {  	v18 =	vld [tilespmem:s15+$0xFFFFFFD0];
	v12 =	vmul.f32 $2.000000030e-01, v11;
	v4 =	vmax.f32 v4, v6;
	v3 =	vsub.f32 v5, v3  }
0xc7: {  	v20 =	vld [tilespmem:s15+$0xFFFFFFE0];
	v7 =	vmax.f32 v9, v7;
	v5 =	vmul.f32 $2.000000030e-01, v15;
	(erf) = vpow2.f32 v2  }
0xc8: {  	v19 =	vld [tilespmem:s15+$0x0];
	v2 =	vsub.f32 v4, v7;
	v3 =	vmul.f32 $1.442695020e+00, v3  }
0xc9: {  	v21 =	vld [tilespmem:s15+$0x10];
	v4 =	vmax.f32 v11, v12;
	v5 =	vmax.f32 v15, v5  }
0xca: {  	v22 =	vld [tilespmem:s15+$0x20];
	v2 =	vmul.f32 $1.442695020e+00, v2;
	v4 =	vsub.f32 v4, v5;
	(erf) = vpow2.f32 v3  }
0xcb: {  	v24 =	vld [tilespmem:s15+$0x30]  }
0xcc: {  	v23 =	vld [tilespmem:s15+$0x40];
	(erf) = vpow2.f32 v2;
	v2 =	vmul.f32 $1.442695020e+00, v4  }
0xcd: {  	v25 =	vld [tilespmem:s15+$0x50]  }
0xce: {  	v12 =	vld [tilespmem:s15+$0x100];
	(erf) = vpow2.f32 v2  }
0xcf: {  	v27 =	vld [tilespmem:s15+$0x60]  }
0xd0: {  	v26 =	vld [tilespmem:s15+$0x70];
	v13 =	vpop (erf)  }
0xd1: {  	v28 =	vld [tilespmem:s15+$0x90];
	v2 =	vbroadcast v13, $0x3  }
0xd2: {  	v8 =	vld [tilespmem:s15+$0xFFFFFF90];
	v5 =	vbroadcast v13, $0x0;
	v4 =	vbroadcast v13, $0x1  }
0xd3: {  	v6 =	vld [tilespmem:s15+$0xFFFFFF70];
	v3 =	vbroadcast v13, $0x2;
	v12 =	vmul.f32 v12, v2;
	v16 =	vpop (erf)  }
0xd4: {  	v9 =	vld [tilespmem:s15+$0xFFFFFFB0];
	v39 =	vbroadcast v16, $0x0;
	v37 =	vbroadcast v16, $0x1  }
0xd5: {  	v7 =	vld [tilespmem:s15+$0xFFFFFF80];
	v32 =	vpop (erf);
	v42 =	vbroadcast v16, $0x2;
	v41 =	vbroadcast v16, $0x3  }
0xd6: {  	v11 =	vld [tilespmem:s15+$0xFFFFFFA0];
	v13 =	vnsel vm0, $0x0, v13;
	v34 =	vbroadcast v32, $0x0;
	v45 =	vbroadcast v32, $0x1  }
0xd7: {  	v15 =	vld [tilespmem:s15+$0xFFFFFFC0];
	[tilespmem:s15+$0x110] =	vst v13;
	v46 =	vbroadcast v32, $0x2;
	v47 =	vbroadcast v32, $0x3;
	v43 =	vpop (erf)  }
0xd8: {  	v13 =	vnsel vm0, $0x0, v16;
	[tilespmem:s15+$0x100] =	vst v12;
	v12 =	vld [tilespmem:s15+$0xA0];
	v40 =	vbroadcast v43, $0x0;
	v38 =	vbroadcast v43, $0x1  }
0xd9: {  	v16 =	vnsel vm0, $0x0, v32;
	[tilespmem:s15+$0xFFFFFFF0] =	vst v13;
	v13 =	vld [tilespmem:s15+$0xB0];
	v36 =	vbroadcast v43, $0x2;
	v33 =	vbroadcast v43, $0x3  }
0xda: {  	[tilespmem:s15+$0xFFFFFF60] =	vst v16;
	v16 =	vld [tilespmem:s15+$0xC0];
	v63 =	vnsel vm0, $0x0, v43;
	v48 =	vmul.f32 v34, v10;
	v49 =	vmul.f32 v34, v14  }
0xdb: {  	v43 =	vmul.f32 v45, v17;
	v32 =	vmul.f32 v29, v45;
	v10 =	vld [tilespmem:s15+$0xD0];
	[tilespmem:s15+$0x80] =	vst v63  }
0xdc: {  	v34 =	vmul.f32 v30, v46;
	v30 =	vmul.f32 v31, v46;
	v14 =	vld [tilespmem:s15+$0xE0];
	[tilespmem:s15+$0xFFFFFEE0] =	vst v48  }
0xdd: {  	s3 =	simm.s32 $0x4E0;
	s17 =	simm.s32 $0x0;
	s25 =	simm.s32 $0x3120;
	v31 =	vmul.f32 v35, v47;
	v29 =	vmul.f32 v44, v47;
	v17 =	vld [tilespmem:s15+$0xF0];
	[tilespmem:s15+$0xFFFFFEF0] =	vst v49  }
.LBB2_5:
0xde: {  	v35 =	vld [tilespmem:s25+$0x10];
	[tilespmem:s15+$0xFFFFFF00] =	vst v43;
	v6 =	vmul.f32 v39, v6;
	v7 =	vmul.f32 v39, v7;
	s3 =	sadd.s32 $0x240, s3  }
0xdf: {  	s17 =	sadd.s32 $0x4, s17;
	v8 =	vmul.f32 v37, v8;
	v11 =	vmul.f32 v11, v37;
	v39 =	vld [tilespmem:s3+$0x110];
	[tilespmem:s15+$0xFFFFFF10] =	vst v32  }
0xe0: {  	v9 =	vmul.f32 v9, v42;
	v15 =	vmul.f32 v15, v42;
	p1 =	slt.u32 s17, $0x4C;
	v37 =	vld [tilespmem:s3+$0xFFFFFF60];
	[tilespmem:s15+$0xFFFFFF20] =	vst v34  }
0xe1: {  	v18 =	vmul.f32 v18, v41;
	v20 =	vmul.f32 v20, v41;
	v32 =	vld [tilespmem:s25+$0xFFFFFFF0];
	[tilespmem:s15+$0xFFFFFF30] =	vst v30  }
0xe2: {  	v19 =	vmul.f32 v40, v19;
	v21 =	vmul.f32 v40, v21;
	v34 =	vld [tilespmem:s3+$0xFFFFFFF0];
	[tilespmem:s15+$0xFFFFFF40] =	vst v31  }
0xe3: {  	v22 =	vmul.f32 v38, v22;
	v24 =	vmul.f32 v24, v38;
	v40 =	vld [tilespmem:s25+$0x0];
	[tilespmem:s15+$0xFFFFFF50] =	vst v29  }
0xe4: {  	v23 =	vmul.f32 v23, v36;
	v38 =	vld [tilespmem:s3+$0x80];
	v39 =	vadd.f32 v39, v35;
	v35 =	vadd.f32 v35, v1;
	[tilespmem:s15+$0xFFFFFF70] =	vst v6  }
0xe5: {  	v25 =	vmul.f32 v25, v36;
	v27 =	vmul.f32 v27, v33;
	v6 =	vld [tilespmem:s25+$0xFFFFFFE0];
	[tilespmem:s15+$0xFFFFFF80] =	vst v7  }
0xe6: {  	v29 =	vld [tilespmem:s3+$0xFFFFFEE0];
	v7 =	vadd.f32 v32, v1;
	v36 =	vmul.f32 $2.000000030e-01, v39;
	v41 =	vmul.f32 $2.000000030e-01, v35;
	[tilespmem:s15+$0xFFFFFF90] =	vst v8  }
0xe7: {  	v26 =	vmul.f32 v26, v33;
	v28 =	vmul.f32 v5, v28;
	v30 =	vld [tilespmem:s3+$0xFFFFFEF0];
	v8 =	vadd.f32 v34, v32;
	[tilespmem:s15+$0xFFFFFFA0] =	vst v11  }
0xe8: {  	v31 =	vld [tilespmem:s3+$0xFFFFFF00];
	v11 =	vadd.f32 v40, v1;
	v33 =	vmax.f32 v39, v36;
	v34 =	vmax.f32 v35, v41;
	[tilespmem:s15+$0xFFFFFFB0] =	vst v9  }
0xe9: {  	v32 =	vld [tilespmem:s3+$0xFFFFFF10];
	v9 =	vmul.f32 $2.000000030e-01, v8;
	v36 =	vadd.f32 v38, v40;
	v33 =	vsub.f32 v33, v34;
	[tilespmem:s15+$0xFFFFFFC0] =	vst v15  }
0xea: {  	v15 =	vadd.f32 v37, v6;
	v6 =	vadd.f32 v6, v1;
	v34 =	vld [tilespmem:s3+$0xFFFFFF20];
	v37 =	vmul.f32 $2.000000030e-01, v7;
	[tilespmem:s15+$0xFFFFFFD0] =	vst v18  }
0xeb: {  	v35 =	vld [tilespmem:s3+$0xFFFFFF30];
	v8 =	vmax.f32 v8, v9;
	v9 =	vmul.f32 $2.000000030e-01, v36;
	v18 =	vmul.f32 $1.442695020e+00, v33;
	[tilespmem:s15+$0xFFFFFFE0] =	vst v20  }
0xec: {  	v20 =	vmul.f32 $2.000000030e-01, v15;
	v33 =	vmul.f32 $2.000000030e-01, v6;
	v44 =	vld [tilespmem:s3+$0xFFFFFF40];
	v7 =	vmax.f32 v7, v37;
	[tilespmem:s15+$0x0] =	vst v19  }
0xed: {  	v19 =	vmul.f32 $2.000000030e-01, v11;
	v45 =	vld [tilespmem:s3+$0xFFFFFF50];
	v9 =	vmax.f32 v36, v9;
	(erf) = vpow2.f32 v18;
	[tilespmem:s15+$0x10] =	vst v21  }
0xee: {  	v8 =	vsub.f32 v8, v7;
	v15 =	vmax.f32 v15, v20;
	v18 =	vmax.f32 v6, v33;
	v6 =	vld [tilespmem:s3+$0xFFFFFF70];
	[tilespmem:s15+$0x20] =	vst v22  }
0xef: {  	v5 =	vmul.f32 v5, v12;
	v11 =	vmax.f32 v11, v19;
	v15 =	vsub.f32 v15, v18;
	v7 =	vld [tilespmem:s3+$0xFFFFFF80];
	[tilespmem:s15+$0x30] =	vst v24  }
0xf0: {  	v13 =	vmul.f32 v4, v13;
	v12 =	vmul.f32 $1.442695020e+00, v8;
	v18 =	vsub.f32 v9, v11;
	v8 =	vld [tilespmem:s3+$0xFFFFFF90];
	[tilespmem:s15+$0x40] =	vst v23  }
0xf1: {  	v4 =	vmul.f32 v16, v4;
	v19 =	vmul.f32 $1.442695020e+00, v15;
	v11 =	vld [tilespmem:s3+$0xFFFFFFA0];
	[tilespmem:s15+$0x50] =	vst v25  }
0xf2: {  	v16 =	vmul.f32 $1.442695020e+00, v18;
	v9 =	vld [tilespmem:s3+$0xFFFFFFB0];
	(erf) = vpow2.f32 v12;
	[tilespmem:s15+$0x60] =	vst v27  }
0xf3: {  	v10 =	vmul.f32 v10, v3;
	v15 =	vld [tilespmem:s3+$0xFFFFFFC0];
	(erf) = vpow2.f32 v19;
	[tilespmem:s15+$0x70] =	vst v26  }
0xf4: {  	v14 =	vmul.f32 v14, v3;
	v12 =	vld [tilespmem:s3+$0x100];
	(erf) = vpow2.f32 v16;
	[tilespmem:s15+$0x90] =	vst v28  }
0xf5: {  	v16 =	vmul.f32 v17, v2;
	v18 =	vld [tilespmem:s3+$0xFFFFFFD0];
	[tilespmem:s15+$0xA0] =	vst v5  }
0xf6: {  	v20 =	vld [tilespmem:s3+$0xFFFFFFE0];
	v3 =	vpop (erf);
	[tilespmem:s15+$0xB0] =	vst v13  }
0xf7: {  	v19 =	vld [tilespmem:s3+$0x0];
	v13 =	vnsel vm0, $0x0, v3;
	v5 =	vbroadcast v3, $0x0;
	v2 =	vbroadcast v3, $0x3;
	[tilespmem:s15+$0xC0] =	vst v4  }
0xf8: {  	v4 =	vbroadcast v3, $0x1;
	v3 =	vbroadcast v3, $0x2;
	v21 =	vld [tilespmem:s3+$0x10];
	[tilespmem:s15+$0xD0] =	vst v10  }
0xf9: {  	v22 =	vld [tilespmem:s3+$0x20];
	v12 =	vmul.f32 v12, v2;
	[tilespmem:s15+$0xE0] =	vst v14  }
0xfa: {  	v24 =	vld [tilespmem:s3+$0x30];
	[tilespmem:s15+$0xF0] =	vst v16;
	s15 =	smov.u32 s3  }
0xfb: {  	v23 =	vld [tilespmem:s3+$0x40];
	[tilespmem:s3+$0x100] =	vst v12;
	v10 =	vpop (erf)  }
0xfc: {  	v12 =	vnsel vm0, $0x0, v10;
	v39 =	vbroadcast v10, $0x0;
	v37 =	vbroadcast v10, $0x1;
	v25 =	vld [tilespmem:s3+$0x50];
	[tilespmem:s3+$0x110] =	vst v13;
	v13 =	vpop (erf)  }
0xfd: {  	v14 =	vnsel vm0, $0x0, v13;
	v16 =	vbroadcast v13, $0x0;
	v17 =	vbroadcast v13, $0x1;
	[tilespmem:s3+$0xFFFFFFF0] =	vst v12;
	v27 =	vld [tilespmem:s3+$0x60];
	v33 =	vpop (erf)  }
0xfe: {  	v46 =	vbroadcast v13, $0x3;
	[tilespmem:s3+$0xFFFFFF60] =	vst v14;
	v14 =	vbroadcast v13, $0x2;
	v12 =	vnsel vm0, $0x0, v33;
	v26 =	vld [tilespmem:s3+$0x70]  }
0xff: {  	v42 =	vbroadcast v10, $0x2;
	v41 =	vbroadcast v10, $0x3;
	[tilespmem:s3+$0x80] =	vst v12;
	v28 =	vld [tilespmem:s3+$0x90]  }
0x100: {  	v40 =	vbroadcast v33, $0x0;
	v38 =	vbroadcast v33, $0x1;
	v12 =	vld [tilespmem:s3+$0xA0]  }
.Ltmp3:
0x101: {  	v36 =	vbroadcast v33, $0x2;
	v33 =	vbroadcast v33, $0x3;
	v13 =	vld [tilespmem:s3+$0xB0];
	(pc) =	sbr.rel @p1 .LBB2_5-.Ltmp3, $4  }
0x102: {  	v29 =	vmul.f32 v16, v29;
	v47 =	vmul.f32 v16, v30;
	v16 =	vld [tilespmem:s3+$0xC0]  }
0x103: {  	v43 =	vmul.f32 v17, v31;
	v32 =	vmul.f32 v32, v17;
	v10 =	vld [tilespmem:s3+$0xD0]  }
0x104: {  	v34 =	vmul.f32 v34, v14;
	v30 =	vmul.f32 v35, v14;
	[tilespmem:s3+$0xFFFFFEE0] =	vst v29;
	v14 =	vld [tilespmem:s3+$0xE0]  }
0x105: {  	s25 =	sadd.s32 $0x40, s25;
	v31 =	vmul.f32 v44, v46;
	v29 =	vmul.f32 v45, v46;
	[tilespmem:s3+$0xFFFFFEF0] =	vst v47;
	v17 =	vld [tilespmem:s3+$0xF0]  }
0x106: {  	[tilespmem:s15+$0xFFFFFF00] =	vst v43  }
0x107: {  	[tilespmem:s15+$0xFFFFFF10] =	vst v32  }
0x108: {  	[tilespmem:s15+$0xFFFFFF20] =	vst v34  }
0x109: {  	[tilespmem:s15+$0xFFFFFF30] =	vst v30  }
0x10a: {  	v6 =	vmul.f32 v39, v6;
	[tilespmem:s15+$0xFFFFFF40] =	vst v31  }
0x10b: {  	v7 =	vmul.f32 v39, v7;
	[tilespmem:s15+$0xFFFFFF50] =	vst v29  }
0x10c: {  	v8 =	vmul.f32 v37, v8;
	[tilespmem:s15+$0xFFFFFF70] =	vst v6  }
0x10d: {  	v6 =	vmul.f32 v11, v37;
	[tilespmem:s15+$0xFFFFFF80] =	vst v7  }
0x10e: {  	v7 =	vmul.f32 v9, v42;
	[tilespmem:s15+$0xFFFFFF90] =	vst v8  }
0x10f: {  	v8 =	vmul.f32 v15, v42;
	[tilespmem:s15+$0xFFFFFFA0] =	vst v6  }
0x110: {  	v6 =	vmul.f32 v18, v41;
	[tilespmem:s15+$0xFFFFFFB0] =	vst v7  }
0x111: {  	v7 =	vmul.f32 v20, v41;
	[tilespmem:s15+$0xFFFFFFC0] =	vst v8  }
0x112: {  	v8 =	vmul.f32 v40, v19;
	[tilespmem:s15+$0xFFFFFFD0] =	vst v6  }
0x113: {  	v2 =	vmul.f32 v17, v2;
	[tilespmem:s15+$0xFFFFFFE0] =	vst v7  }
0x114: {  	v6 =	vmul.f32 v40, v21;
	[tilespmem:s15+$0x0] =	vst v8  }
0x115: {  	v7 =	vmul.f32 v38, v22;
	[tilespmem:s15+$0xF0] =	vst v2  }
0x116: {  	v8 =	vmul.f32 v24, v38;
	[tilespmem:s15+$0x10] =	vst v6  }
0x117: {  	v6 =	vmul.f32 v23, v36;
	[tilespmem:s15+$0x20] =	vst v7  }
0x118: {  	v7 =	vmul.f32 v25, v36;
	[tilespmem:s15+$0x30] =	vst v8  }
0x119: {  	v8 =	vmul.f32 v27, v33;
	[tilespmem:s15+$0x40] =	vst v6  }
0x11a: {  	v6 =	vmul.f32 v26, v33;
	[tilespmem:s15+$0x50] =	vst v7  }
0x11b: {  	v7 =	vmul.f32 v5, v28;
	[tilespmem:s15+$0x60] =	vst v8  }
0x11c: {  	v5 =	vmul.f32 v5, v12;
	[tilespmem:s15+$0x70] =	vst v6  }
0x11d: {  	v6 =	vmul.f32 v4, v13;
	[tilespmem:s15+$0x90] =	vst v7  }
0x11e: {  	v4 =	vmul.f32 v16, v4;
	[tilespmem:s15+$0xA0] =	vst v5  }
0x11f: {  	v5 =	vmul.f32 v10, v3;
	[tilespmem:s15+$0xB0] =	vst v6  }
0x120: {  	v3 =	vmul.f32 v14, v3;
	[tilespmem:s15+$0xC0] =	vst v4  }
0x121: {  	[tilespmem:s15+$0xD0] =	vst v5  }
0x122: {  	s25 =	simm.s32 $0x1E0;
	s3 =	simm.s32 @!p0 $0x9;
	[tilespmem:s15+$0xE0] =	vst v3  }
0x123: {  	[spmem:s2] =	stream.indirect.scatter.add.f32 [tilespmem:s19], [sflag:$0x7], $0x90, s25, s14, $0xb8;
	[tilespmem:$0x1FD50] =	vst v63  }
0x124: {  	_ =	swait.ge @!p0 [sflag:s3], $0x2D00  }
0x125: {  	[sflag:s3] =	ssyncset.done @!p0 $0x0  }
0x126: {  	[sflag:s3] =	ssyncadd.s32 @!p0 $0xFFFFD300  }
0x127: {  	_ =	swait.ge [sflag:s29], $0x50  }
0x128: {  	[sflag:s29] =	ssyncset.done $0x0  }
0x129: {  	[sflag:s29] =	ssyncadd.s32 $0xFFFFFFB0  }
0x12a: {  	_ =	swait.ge [sflag:s29], $0x50  }
0x12b: {  	[sflag:s29] =	ssyncset.done $0x0  }
0x12c: {  	s17 =	simm.s32 $0xA0;
	[sflag:s29] =	ssyncadd.s32 $0xFFFFFFB0  }
0x12d: {  	[tilespmem:s30], [sflag:$0x5] =	stream.indirect.gather [hbm4b:s6+s14], $0x90, s17, s14, $0xb8;
	[tilespmem:$0x1FD50] =	vst v63  }
0x12e: {  	s15 =	simm.s32 $0x280;
	s17 =	simm.s32 $0x94C0  }
0x12f: {  	[tilespmem:s17], [sflag:$0x6] =	stream.indirect.gather [hbm4b:s7+s14], $0x10, s15, s14, $0xb8;
	[tilespmem:$0x1FD50] =	vst v63  }
0x130: {  	s15 =	sadd.s32 $0x500, s13;
	s17 =	simm.s32 $0x140  }
0x131: {  	[tilespmem:s17], [sflag:$0xE] =	stream.linear.gather [hbm4b:s15+s4], $0x50, $0x38;
	[tilespmem:$0x1FD50] =	vst v63  }
0x132: {  	s13 =	sadd.s32 $0xA140, s13;
	s15 =	simm.s32 $0x320  }
0x133: {  	[tilespmem:s15], [sflag:$0xE] =	stream.linear.gather [hbm4b:s13+s4], $0x50, $0x38;
	[tilespmem:$0x1FD50] =	vst v63  }
0x134: {  	_ =	swait.ge [sflag:s9], $0x2D00  }
0x135: {  	[sflag:s9] =	ssyncset.done $0x0  }
0x136: {  	[sflag:s9] =	ssyncadd.s32 $0xFFFFD300  }
0x137: {  	_ =	swait.ge [sflag:s10], $0x500  }
0x138: {  	[sflag:s10] =	ssyncset.done $0x0  }
0x139: {  	s17 =	simm.s32 $0x62E0;
	[sflag:s10] =	ssyncadd.s32 $0xFFFFFB00  }
0x13a: {  	s13 =	simm.s32 $0x36E0;
	v2 =	vld [tilespmem:s17+$0x10]  }
0x13b: {  	v3 =	vld [tilespmem:s13+$0x110]  }
0x13c: {  	v4 =	vld [tilespmem:s13+$0xFFFFFF60]  }
0x13d: {  	v5 =	vld [tilespmem:s17+$0xFFFFFFF0]  }
0x13e: {  	v6 =	vld [tilespmem:s13+$0xFFFFFFF0]  }
0x13f: {  	v7 =	vld [tilespmem:s17+$0x0]  }
0x140: {  	v9 =	vld [tilespmem:s17+$0xFFFFFFE0]  }
0x141: {  	v8 =	vld [tilespmem:s13+$0x80]  }
0x142: {  	v10 =	vld [tilespmem:s13+$0xFFFFFEE0];
	v3 =	vadd.f32 v3, v2;
	v2 =	vadd.f32 v2, v1  }
0x143: {  	v14 =	vld [tilespmem:s13+$0xFFFFFEF0];
	v13 =	vadd.f32 v5, v1  }
0x144: {  	v17 =	vld [tilespmem:s13+$0xFFFFFF00];
	v5 =	vadd.f32 v6, v5;
	v11 =	vmul.f32 $2.000000030e-01, v3;
	v12 =	vmul.f32 $2.000000030e-01, v2  }
0x145: {  	v29 =	vld [tilespmem:s13+$0xFFFFFF10];
	v15 =	vadd.f32 v7, v1;
	v4 =	vadd.f32 v4, v9  }
0x146: {  	v30 =	vld [tilespmem:s13+$0xFFFFFF20];
	v6 =	vmul.f32 $2.000000030e-01, v5;
	v3 =	vmax.f32 v3, v11;
	v2 =	vmax.f32 v2, v12  }
0x147: {  	v31 =	vld [tilespmem:s13+$0xFFFFFF30];
	v9 =	vadd.f32 v9, v1;
	v2 =	vsub.f32 v3, v2;
	v3 =	vmul.f32 $2.000000030e-01, v13  }
0x148: {  	v35 =	vld [tilespmem:s13+$0xFFFFFF40];
	v11 =	vadd.f32 v8, v7;
	v5 =	vmax.f32 v5, v6;
	v6 =	vmul.f32 $2.000000030e-01, v4  }
0x149: {  	v44 =	vld [tilespmem:s13+$0xFFFFFF50];
	v7 =	vmul.f32 $2.000000030e-01, v9;
	v2 =	vmul.f32 $1.442695020e+00, v2;
	v3 =	vmax.f32 v13, v3  }
0x14a: {  	v18 =	vld [tilespmem:s13+$0xFFFFFFD0];
	v12 =	vmul.f32 $2.000000030e-01, v11;
	v4 =	vmax.f32 v4, v6;
	v3 =	vsub.f32 v5, v3  }
0x14b: {  	v20 =	vld [tilespmem:s13+$0xFFFFFFE0];
	v7 =	vmax.f32 v9, v7;
	v5 =	vmul.f32 $2.000000030e-01, v15;
	(erf) = vpow2.f32 v2  }
0x14c: {  	v19 =	vld [tilespmem:s13+$0x0];
	v2 =	vsub.f32 v4, v7;
	v3 =	vmul.f32 $1.442695020e+00, v3  }
0x14d: {  	v21 =	vld [tilespmem:s13+$0x10];
	v4 =	vmax.f32 v11, v12;
	v5 =	vmax.f32 v15, v5  }
0x14e: {  	v22 =	vld [tilespmem:s13+$0x20];
	v2 =	vmul.f32 $1.442695020e+00, v2;
	v4 =	vsub.f32 v4, v5;
	(erf) = vpow2.f32 v3  }
0x14f: {  	v24 =	vld [tilespmem:s13+$0x30]  }
0x150: {  	v23 =	vld [tilespmem:s13+$0x40];
	(erf) = vpow2.f32 v2;
	v2 =	vmul.f32 $1.442695020e+00, v4  }
0x151: {  	v25 =	vld [tilespmem:s13+$0x50]  }
0x152: {  	v12 =	vld [tilespmem:s13+$0x100];
	(erf) = vpow2.f32 v2  }
0x153: {  	v27 =	vld [tilespmem:s13+$0x60]  }
0x154: {  	v26 =	vld [tilespmem:s13+$0x70];
	v13 =	vpop (erf)  }
0x155: {  	v28 =	vld [tilespmem:s13+$0x90];
	v2 =	vbroadcast v13, $0x3  }
0x156: {  	v8 =	vld [tilespmem:s13+$0xFFFFFF90];
	v5 =	vbroadcast v13, $0x0;
	v4 =	vbroadcast v13, $0x1  }
0x157: {  	v6 =	vld [tilespmem:s13+$0xFFFFFF70];
	v3 =	vbroadcast v13, $0x2;
	v12 =	vmul.f32 v12, v2;
	v16 =	vpop (erf)  }
0x158: {  	v9 =	vld [tilespmem:s13+$0xFFFFFFB0];
	v39 =	vbroadcast v16, $0x0;
	v37 =	vbroadcast v16, $0x1  }
0x159: {  	v7 =	vld [tilespmem:s13+$0xFFFFFF80];
	v60 =	vpop (erf);
	v42 =	vbroadcast v16, $0x2;
	v41 =	vbroadcast v16, $0x3  }
0x15a: {  	v11 =	vld [tilespmem:s13+$0xFFFFFFA0];
	v13 =	vnsel vm0, $0x0, v13;
	v61 =	vbroadcast v60, $0x0;
	v45 =	vbroadcast v60, $0x1  }
0x15b: {  	v15 =	vld [tilespmem:s13+$0xFFFFFFC0];
	[tilespmem:s13+$0x110] =	vst v13;
	v46 =	vbroadcast v60, $0x2;
	v47 =	vbroadcast v60, $0x3;
	v62 =	vpop (erf)  }
0x15c: {  	v13 =	vnsel vm0, $0x0, v16;
	[tilespmem:s13+$0x100] =	vst v12;
	v12 =	vld [tilespmem:s13+$0xA0];
	v40 =	vbroadcast v62, $0x0;
	v38 =	vbroadcast v62, $0x1  }
0x15d: {  	v16 =	vnsel vm0, $0x0, v60;
	[tilespmem:s13+$0xFFFFFFF0] =	vst v13;
	v13 =	vld [tilespmem:s13+$0xB0];
	v36 =	vbroadcast v62, $0x2;
	v33 =	vbroadcast v62, $0x3  }
0x15e: {  	[tilespmem:s13+$0xFFFFFF60] =	vst v16;
	v16 =	vld [tilespmem:s13+$0xC0];
	v63 =	vnsel vm0, $0x0, v62;
	v48 =	vmul.f32 v61, v10;
	v49 =	vmul.f32 v61, v14  }
0x15f: {  	v43 =	vmul.f32 v45, v17;
	v32 =	vmul.f32 v29, v45;
	v10 =	vld [tilespmem:s13+$0xD0];
	[tilespmem:s13+$0x80] =	vst v63  }
0x160: {  	v34 =	vmul.f32 v30, v46;
	v30 =	vmul.f32 v31, v46;
	v14 =	vld [tilespmem:s13+$0xE0];
	[tilespmem:s13+$0xFFFFFEE0] =	vst v48  }
0x161: {  	s3 =	simm.s32 $0x36E0;
	s15 =	simm.s32 $0x0;
	s17 =	simm.s32 $0x6320;
	v31 =	vmul.f32 v35, v47;
	v29 =	vmul.f32 v44, v47;
	v17 =	vld [tilespmem:s13+$0xF0];
	[tilespmem:s13+$0xFFFFFEF0] =	vst v49  }
.LBB2_7:
0x162: {  	v35 =	vld [tilespmem:s17+$0x10];
	[tilespmem:s13+$0xFFFFFF00] =	vst v43;
	v6 =	vmul.f32 v39, v6;
	v7 =	vmul.f32 v39, v7;
	s3 =	sadd.s32 $0x240, s3  }
0x163: {  	s15 =	sadd.s32 $0x4, s15;
	v8 =	vmul.f32 v37, v8;
	v11 =	vmul.f32 v11, v37;
	v39 =	vld [tilespmem:s3+$0x110];
	[tilespmem:s13+$0xFFFFFF10] =	vst v32  }
0x164: {  	v9 =	vmul.f32 v9, v42;
	v15 =	vmul.f32 v15, v42;
	p0 =	slt.u32 s15, $0x4C;
	v37 =	vld [tilespmem:s3+$0xFFFFFF60];
	[tilespmem:s13+$0xFFFFFF20] =	vst v34  }
0x165: {  	v18 =	vmul.f32 v18, v41;
	v20 =	vmul.f32 v20, v41;
	v32 =	vld [tilespmem:s17+$0xFFFFFFF0];
	[tilespmem:s13+$0xFFFFFF30] =	vst v30  }
0x166: {  	v19 =	vmul.f32 v40, v19;
	v21 =	vmul.f32 v40, v21;
	v34 =	vld [tilespmem:s3+$0xFFFFFFF0];
	[tilespmem:s13+$0xFFFFFF40] =	vst v31  }
0x167: {  	v22 =	vmul.f32 v38, v22;
	v24 =	vmul.f32 v24, v38;
	v40 =	vld [tilespmem:s17+$0x0];
	[tilespmem:s13+$0xFFFFFF50] =	vst v29  }
0x168: {  	v23 =	vmul.f32 v23, v36;
	v38 =	vld [tilespmem:s3+$0x80];
	v39 =	vadd.f32 v39, v35;
	v35 =	vadd.f32 v35, v1;
	[tilespmem:s13+$0xFFFFFF70] =	vst v6  }
0x169: {  	v25 =	vmul.f32 v25, v36;
	v27 =	vmul.f32 v27, v33;
	v6 =	vld [tilespmem:s17+$0xFFFFFFE0];
	[tilespmem:s13+$0xFFFFFF80] =	vst v7  }
0x16a: {  	v29 =	vld [tilespmem:s3+$0xFFFFFEE0];
	v7 =	vadd.f32 v32, v1;
	v36 =	vmul.f32 $2.000000030e-01, v39;
	v41 =	vmul.f32 $2.000000030e-01, v35;
	[tilespmem:s13+$0xFFFFFF90] =	vst v8  }
0x16b: {  	v26 =	vmul.f32 v26, v33;
	v28 =	vmul.f32 v5, v28;
	v30 =	vld [tilespmem:s3+$0xFFFFFEF0];
	v8 =	vadd.f32 v34, v32;
	[tilespmem:s13+$0xFFFFFFA0] =	vst v11  }
0x16c: {  	v31 =	vld [tilespmem:s3+$0xFFFFFF00];
	v11 =	vadd.f32 v40, v1;
	v33 =	vmax.f32 v39, v36;
	v34 =	vmax.f32 v35, v41;
	[tilespmem:s13+$0xFFFFFFB0] =	vst v9  }
0x16d: {  	v32 =	vld [tilespmem:s3+$0xFFFFFF10];
	v9 =	vmul.f32 $2.000000030e-01, v8;
	v36 =	vadd.f32 v38, v40;
	v33 =	vsub.f32 v33, v34;
	[tilespmem:s13+$0xFFFFFFC0] =	vst v15  }
0x16e: {  	v15 =	vadd.f32 v37, v6;
	v6 =	vadd.f32 v6, v1;
	v34 =	vld [tilespmem:s3+$0xFFFFFF20];
	v37 =	vmul.f32 $2.000000030e-01, v7;
	[tilespmem:s13+$0xFFFFFFD0] =	vst v18  }
0x16f: {  	v35 =	vld [tilespmem:s3+$0xFFFFFF30];
	v8 =	vmax.f32 v8, v9;
	v9 =	vmul.f32 $2.000000030e-01, v36;
	v18 =	vmul.f32 $1.442695020e+00, v33;
	[tilespmem:s13+$0xFFFFFFE0] =	vst v20  }
0x170: {  	v20 =	vmul.f32 $2.000000030e-01, v15;
	v33 =	vmul.f32 $2.000000030e-01, v6;
	v44 =	vld [tilespmem:s3+$0xFFFFFF40];
	v7 =	vmax.f32 v7, v37;
	[tilespmem:s13+$0x0] =	vst v19  }
0x171: {  	v19 =	vmul.f32 $2.000000030e-01, v11;
	v45 =	vld [tilespmem:s3+$0xFFFFFF50];
	v9 =	vmax.f32 v36, v9;
	(erf) = vpow2.f32 v18;
	[tilespmem:s13+$0x10] =	vst v21  }
0x172: {  	v8 =	vsub.f32 v8, v7;
	v15 =	vmax.f32 v15, v20;
	v18 =	vmax.f32 v6, v33;
	v6 =	vld [tilespmem:s3+$0xFFFFFF70];
	[tilespmem:s13+$0x20] =	vst v22  }
0x173: {  	v5 =	vmul.f32 v5, v12;
	v11 =	vmax.f32 v11, v19;
	v15 =	vsub.f32 v15, v18;
	v7 =	vld [tilespmem:s3+$0xFFFFFF80];
	[tilespmem:s13+$0x30] =	vst v24  }
0x174: {  	v13 =	vmul.f32 v4, v13;
	v12 =	vmul.f32 $1.442695020e+00, v8;
	v18 =	vsub.f32 v9, v11;
	v8 =	vld [tilespmem:s3+$0xFFFFFF90];
	[tilespmem:s13+$0x40] =	vst v23  }
0x175: {  	v4 =	vmul.f32 v16, v4;
	v19 =	vmul.f32 $1.442695020e+00, v15;
	v11 =	vld [tilespmem:s3+$0xFFFFFFA0];
	[tilespmem:s13+$0x50] =	vst v25  }
0x176: {  	v16 =	vmul.f32 $1.442695020e+00, v18;
	v9 =	vld [tilespmem:s3+$0xFFFFFFB0];
	(erf) = vpow2.f32 v12;
	[tilespmem:s13+$0x60] =	vst v27  }
0x177: {  	v10 =	vmul.f32 v10, v3;
	v15 =	vld [tilespmem:s3+$0xFFFFFFC0];
	(erf) = vpow2.f32 v19;
	[tilespmem:s13+$0x70] =	vst v26  }
0x178: {  	v14 =	vmul.f32 v14, v3;
	v12 =	vld [tilespmem:s3+$0x100];
	(erf) = vpow2.f32 v16;
	[tilespmem:s13+$0x90] =	vst v28  }
0x179: {  	v16 =	vmul.f32 v17, v2;
	v18 =	vld [tilespmem:s3+$0xFFFFFFD0];
	[tilespmem:s13+$0xA0] =	vst v5  }
0x17a: {  	v20 =	vld [tilespmem:s3+$0xFFFFFFE0];
	v3 =	vpop (erf);
	[tilespmem:s13+$0xB0] =	vst v13  }
0x17b: {  	v19 =	vld [tilespmem:s3+$0x0];
	v13 =	vnsel vm0, $0x0, v3;
	v5 =	vbroadcast v3, $0x0;
	v2 =	vbroadcast v3, $0x3;
	[tilespmem:s13+$0xC0] =	vst v4  }
0x17c: {  	v4 =	vbroadcast v3, $0x1;
	v3 =	vbroadcast v3, $0x2;
	v21 =	vld [tilespmem:s3+$0x10];
	[tilespmem:s13+$0xD0] =	vst v10  }
0x17d: {  	v22 =	vld [tilespmem:s3+$0x20];
	v12 =	vmul.f32 v12, v2;
	[tilespmem:s13+$0xE0] =	vst v14  }
0x17e: {  	v24 =	vld [tilespmem:s3+$0x30];
	[tilespmem:s13+$0xF0] =	vst v16;
	s13 =	smov.u32 s3  }
0x17f: {  	v23 =	vld [tilespmem:s3+$0x40];
	[tilespmem:s3+$0x100] =	vst v12;
	v10 =	vpop (erf)  }
0x180: {  	v12 =	vnsel vm0, $0x0, v10;
	v39 =	vbroadcast v10, $0x0;
	v37 =	vbroadcast v10, $0x1;
	v25 =	vld [tilespmem:s3+$0x50];
	[tilespmem:s3+$0x110] =	vst v13;
	v13 =	vpop (erf)  }
0x181: {  	v14 =	vnsel vm0, $0x0, v13;
	v16 =	vbroadcast v13, $0x0;
	v17 =	vbroadcast v13, $0x1;
	[tilespmem:s3+$0xFFFFFFF0] =	vst v12;
	v27 =	vld [tilespmem:s3+$0x60];
	v33 =	vpop (erf)  }
0x182: {  	v46 =	vbroadcast v13, $0x3;
	[tilespmem:s3+$0xFFFFFF60] =	vst v14;
	v14 =	vbroadcast v13, $0x2;
	v12 =	vnsel vm0, $0x0, v33;
	v26 =	vld [tilespmem:s3+$0x70]  }
0x183: {  	v42 =	vbroadcast v10, $0x2;
	v41 =	vbroadcast v10, $0x3;
	[tilespmem:s3+$0x80] =	vst v12;
	v28 =	vld [tilespmem:s3+$0x90]  }
0x184: {  	v40 =	vbroadcast v33, $0x0;
	v38 =	vbroadcast v33, $0x1;
	v12 =	vld [tilespmem:s3+$0xA0]  }
.Ltmp4:
0x185: {  	v36 =	vbroadcast v33, $0x2;
	v33 =	vbroadcast v33, $0x3;
	v13 =	vld [tilespmem:s3+$0xB0];
	(pc) =	sbr.rel @p0 .LBB2_7-.Ltmp4, $4  }
0x186: {  	v29 =	vmul.f32 v16, v29;
	v47 =	vmul.f32 v16, v30;
	v16 =	vld [tilespmem:s3+$0xC0]  }
0x187: {  	v43 =	vmul.f32 v17, v31;
	v32 =	vmul.f32 v32, v17;
	v10 =	vld [tilespmem:s3+$0xD0]  }
0x188: {  	v34 =	vmul.f32 v34, v14;
	v30 =	vmul.f32 v35, v14;
	[tilespmem:s3+$0xFFFFFEE0] =	vst v29;
	v14 =	vld [tilespmem:s3+$0xE0]  }
0x189: {  	s17 =	sadd.s32 $0x40, s17;
	v31 =	vmul.f32 v44, v46;
	v29 =	vmul.f32 v45, v46;
	[tilespmem:s3+$0xFFFFFEF0] =	vst v47;
	v17 =	vld [tilespmem:s3+$0xF0]  }
0x18a: {  	[tilespmem:s13+$0xFFFFFF00] =	vst v43  }
0x18b: {  	[tilespmem:s13+$0xFFFFFF10] =	vst v32  }
0x18c: {  	[tilespmem:s13+$0xFFFFFF20] =	vst v34  }
0x18d: {  	[tilespmem:s13+$0xFFFFFF30] =	vst v30  }
0x18e: {  	v6 =	vmul.f32 v39, v6;
	[tilespmem:s13+$0xFFFFFF40] =	vst v31  }
0x18f: {  	v7 =	vmul.f32 v39, v7;
	[tilespmem:s13+$0xFFFFFF50] =	vst v29  }
0x190: {  	v8 =	vmul.f32 v37, v8;
	[tilespmem:s13+$0xFFFFFF70] =	vst v6  }
0x191: {  	v6 =	vmul.f32 v11, v37;
	[tilespmem:s13+$0xFFFFFF80] =	vst v7  }
0x192: {  	v7 =	vmul.f32 v9, v42;
	[tilespmem:s13+$0xFFFFFF90] =	vst v8  }
0x193: {  	v8 =	vmul.f32 v15, v42;
	[tilespmem:s13+$0xFFFFFFA0] =	vst v6  }
0x194: {  	v6 =	vmul.f32 v18, v41;
	[tilespmem:s13+$0xFFFFFFB0] =	vst v7  }
0x195: {  	v7 =	vmul.f32 v20, v41;
	[tilespmem:s13+$0xFFFFFFC0] =	vst v8  }
0x196: {  	v8 =	vmul.f32 v40, v19;
	[tilespmem:s13+$0xFFFFFFD0] =	vst v6  }
0x197: {  	v2 =	vmul.f32 v17, v2;
	[tilespmem:s13+$0xFFFFFFE0] =	vst v7  }
0x198: {  	v6 =	vmul.f32 v40, v21;
	[tilespmem:s13+$0x0] =	vst v8  }
0x199: {  	v7 =	vmul.f32 v38, v22;
	[tilespmem:s13+$0xF0] =	vst v2  }
0x19a: {  	v8 =	vmul.f32 v24, v38;
	[tilespmem:s13+$0x10] =	vst v6  }
0x19b: {  	v6 =	vmul.f32 v23, v36;
	[tilespmem:s13+$0x20] =	vst v7  }
0x19c: {  	v7 =	vmul.f32 v25, v36;
	[tilespmem:s13+$0x30] =	vst v8  }
0x19d: {  	v8 =	vmul.f32 v27, v33;
	[tilespmem:s13+$0x40] =	vst v6  }
0x19e: {  	v6 =	vmul.f32 v26, v33;
	[tilespmem:s13+$0x50] =	vst v7  }
0x19f: {  	v7 =	vmul.f32 v5, v28;
	[tilespmem:s13+$0x60] =	vst v8  }
0x1a0: {  	v5 =	vmul.f32 v5, v12;
	[tilespmem:s13+$0x70] =	vst v6  }
0x1a1: {  	v6 =	vmul.f32 v4, v13;
	[tilespmem:s13+$0x90] =	vst v7  }
0x1a2: {  	v4 =	vmul.f32 v16, v4;
	[tilespmem:s13+$0xA0] =	vst v5  }
0x1a3: {  	v5 =	vmul.f32 v10, v3;
	[tilespmem:s13+$0xB0] =	vst v6  }
0x1a4: {  	v3 =	vmul.f32 v14, v3;
	[tilespmem:s13+$0xC0] =	vst v4  }
0x1a5: {  	[tilespmem:s13+$0xD0] =	vst v5  }
0x1a6: {  	s3 =	simm.s32 $0x230;
	[tilespmem:s13+$0xE0] =	vst v3  }
0x1a7: {  	[spmem:s2] =	stream.indirect.scatter.add.f32 [tilespmem:s21], [sflag:$0x8], $0x90, s3, s14, $0xb8;
	[tilespmem:$0x1FD50] =	vst v63  }
0x1a8: {  	_ =	swait.ge [sflag:s12], $0x2D00  }
0x1a9: {  	[sflag:s12] =	ssyncset.done $0x0  }
0x1aa: {  	[sflag:s12] =	ssyncadd.s32 $0xFFFFD300  }
0x1ab: {  	p0 =	seq.s32 s24, $0x14;
	_ =	swait.ge [sflag:s31], $0x50  }
0x1ac: {  	s3 =	sadd.s32 @!p0 s5, s0;
	[sflag:s31] =	ssyncset.done $0x0  }
0x1ad: {  	s3 =	smul.u32 @!p0 $0x50, s3;
	[sflag:s31] =	ssyncadd.s32 $0xFFFFFFB0  }
0x1ae: {  	_ =	swait.ge [sflag:s31], $0x50  }
0x1af: {  	s3 =	sadd.s32 @!p0 $0x1400, s3;
	[sflag:s31] =	ssyncset.done $0x0  }
0x1b0: {  	s15 =	simm.s32 $0xF0;
	s3 =	sshrl.u32 @!p0 s3, $0x3;
	[sflag:s31] =	ssyncadd.s32 $0xFFFFFFB0  }
0x1b1: {  	[tilespmem:s19], [sflag:$0x1] =	stream.indirect.gather [hbm4b:s6+s14], $0x90, s15, s14, $0xb8;
	[tilespmem:$0x1FD50] =	vst v63  }
0x1b2: {  	s17 =	simm.s32 $0x30C0;
	s3 =	sadd.s32 @!p0 s1, s3;
	s15 =	simm.s32 $0x2D0  }
0x1b3: {  	[tilespmem:s17], [sflag:$0x2] =	stream.indirect.gather [hbm4b:s7+s14], $0x10, s15, s14, $0xb8;
	[tilespmem:$0x1FD50] =	vst v63  }
0x1b4: {  	s13 =	sadd.s32 @!p0 $0x3C0, s3;
	s15 =	simm.s32 @!p0 $0x0;
	s17 =	simm.s32 @!p0 $0x190  }
0x1b5: {  	[tilespmem:s17], [sflag:$0xF] =	stream.linear.gather @!p0 [hbm4b:s13+s15], $0x50, $0x38;
	[tilespmem:$0x1FD50] =	vst v63  }
0x1b6: {  	s3 =	sadd.s32 @!p0 $0xA000, s3;
	s13 =	simm.s32 @!p0 $0x370  }
0x1b7: {  	[tilespmem:s13], [sflag:$0xF] =	stream.linear.gather @!p0 [hbm4b:s3+s15], $0x50, $0x38;
	[tilespmem:$0x1FD50] =	vst v63  }
0x1b8: {  	_ =	swait.ge [sflag:s11], $0x2D00  }
0x1b9: {  	[sflag:s11] =	ssyncset.done $0x0  }
0x1ba: {  	[sflag:s11] =	ssyncadd.s32 $0xFFFFD300  }
0x1bb: {  	_ =	swait.ge [sflag:s8], $0x500  }
0x1bc: {  	[sflag:s8] =	ssyncset.done $0x0  }
0x1bd: {  	s17 =	simm.s32 $0x94E0;
	[sflag:s8] =	ssyncadd.s32 $0xFFFFFB00  }
0x1be: {  	s13 =	simm.s32 $0x68E0;
	v2 =	vld [tilespmem:s17+$0x10]  }
0x1bf: {  	v3 =	vld [tilespmem:s13+$0x110]  }
0x1c0: {  	v4 =	vld [tilespmem:s13+$0xFFFFFF60]  }
0x1c1: {  	v5 =	vld [tilespmem:s17+$0xFFFFFFF0]  }
0x1c2: {  	v6 =	vld [tilespmem:s13+$0xFFFFFFF0]  }
0x1c3: {  	v7 =	vld [tilespmem:s17+$0x0]  }
0x1c4: {  	v9 =	vld [tilespmem:s17+$0xFFFFFFE0]  }
0x1c5: {  	v8 =	vld [tilespmem:s13+$0x80]  }
0x1c6: {  	v10 =	vld [tilespmem:s13+$0xFFFFFEE0];
	v3 =	vadd.f32 v3, v2;
	v2 =	vadd.f32 v2, v1  }
0x1c7: {  	v14 =	vld [tilespmem:s13+$0xFFFFFEF0];
	v13 =	vadd.f32 v5, v1  }
0x1c8: {  	v17 =	vld [tilespmem:s13+$0xFFFFFF00];
	v5 =	vadd.f32 v6, v5;
	v11 =	vmul.f32 $2.000000030e-01, v3;
	v12 =	vmul.f32 $2.000000030e-01, v2  }
0x1c9: {  	v29 =	vld [tilespmem:s13+$0xFFFFFF10];
	v15 =	vadd.f32 v7, v1;
	v4 =	vadd.f32 v4, v9  }
0x1ca: {  	v30 =	vld [tilespmem:s13+$0xFFFFFF20];
	v6 =	vmul.f32 $2.000000030e-01, v5;
	v3 =	vmax.f32 v3, v11;
	v2 =	vmax.f32 v2, v12  }
0x1cb: {  	v31 =	vld [tilespmem:s13+$0xFFFFFF30];
	v9 =	vadd.f32 v9, v1;
	v2 =	vsub.f32 v3, v2;
	v3 =	vmul.f32 $2.000000030e-01, v13  }
0x1cc: {  	v35 =	vld [tilespmem:s13+$0xFFFFFF40];
	v11 =	vadd.f32 v8, v7;
	v5 =	vmax.f32 v5, v6;
	v6 =	vmul.f32 $2.000000030e-01, v4  }
0x1cd: {  	v44 =	vld [tilespmem:s13+$0xFFFFFF50];
	v7 =	vmul.f32 $2.000000030e-01, v9;
	v2 =	vmul.f32 $1.442695020e+00, v2;
	v3 =	vmax.f32 v13, v3  }
0x1ce: {  	v18 =	vld [tilespmem:s13+$0xFFFFFFD0];
	v12 =	vmul.f32 $2.000000030e-01, v11;
	v4 =	vmax.f32 v4, v6;
	v3 =	vsub.f32 v5, v3  }
0x1cf: {  	v20 =	vld [tilespmem:s13+$0xFFFFFFE0];
	v7 =	vmax.f32 v9, v7;
	v5 =	vmul.f32 $2.000000030e-01, v15;
	(erf) = vpow2.f32 v2  }
0x1d0: {  	v19 =	vld [tilespmem:s13+$0x0];
	v2 =	vsub.f32 v4, v7;
	v3 =	vmul.f32 $1.442695020e+00, v3  }
0x1d1: {  	v21 =	vld [tilespmem:s13+$0x10];
	v4 =	vmax.f32 v11, v12;
	v5 =	vmax.f32 v15, v5  }
0x1d2: {  	v22 =	vld [tilespmem:s13+$0x20];
	v2 =	vmul.f32 $1.442695020e+00, v2;
	v4 =	vsub.f32 v4, v5;
	(erf) = vpow2.f32 v3  }
0x1d3: {  	v24 =	vld [tilespmem:s13+$0x30]  }
0x1d4: {  	v23 =	vld [tilespmem:s13+$0x40];
	(erf) = vpow2.f32 v2;
	v2 =	vmul.f32 $1.442695020e+00, v4  }
0x1d5: {  	v25 =	vld [tilespmem:s13+$0x50]  }
0x1d6: {  	v12 =	vld [tilespmem:s13+$0x100];
	(erf) = vpow2.f32 v2  }
0x1d7: {  	v27 =	vld [tilespmem:s13+$0x60]  }
0x1d8: {  	v26 =	vld [tilespmem:s13+$0x70];
	v13 =	vpop (erf)  }
0x1d9: {  	v28 =	vld [tilespmem:s13+$0x90];
	v2 =	vbroadcast v13, $0x3  }
0x1da: {  	v8 =	vld [tilespmem:s13+$0xFFFFFF90];
	v5 =	vbroadcast v13, $0x0;
	v4 =	vbroadcast v13, $0x1  }
0x1db: {  	v6 =	vld [tilespmem:s13+$0xFFFFFF70];
	v3 =	vbroadcast v13, $0x2;
	v12 =	vmul.f32 v12, v2;
	v16 =	vpop (erf)  }
0x1dc: {  	v9 =	vld [tilespmem:s13+$0xFFFFFFB0];
	v39 =	vbroadcast v16, $0x0;
	v37 =	vbroadcast v16, $0x1  }
0x1dd: {  	v7 =	vld [tilespmem:s13+$0xFFFFFF80];
	v60 =	vpop (erf);
	v42 =	vbroadcast v16, $0x2;
	v41 =	vbroadcast v16, $0x3  }
0x1de: {  	v11 =	vld [tilespmem:s13+$0xFFFFFFA0];
	v13 =	vnsel vm0, $0x0, v13;
	v61 =	vbroadcast v60, $0x0;
	v45 =	vbroadcast v60, $0x1  }
0x1df: {  	v15 =	vld [tilespmem:s13+$0xFFFFFFC0];
	[tilespmem:s13+$0x110] =	vst v13;
	v46 =	vbroadcast v60, $0x2;
	v47 =	vbroadcast v60, $0x3;
	v62 =	vpop (erf)  }
0x1e0: {  	v13 =	vnsel vm0, $0x0, v16;
	[tilespmem:s13+$0x100] =	vst v12;
	v12 =	vld [tilespmem:s13+$0xA0];
	v40 =	vbroadcast v62, $0x0;
	v38 =	vbroadcast v62, $0x1  }
0x1e1: {  	v16 =	vnsel vm0, $0x0, v60;
	[tilespmem:s13+$0xFFFFFFF0] =	vst v13;
	v13 =	vld [tilespmem:s13+$0xB0];
	v36 =	vbroadcast v62, $0x2;
	v33 =	vbroadcast v62, $0x3  }
0x1e2: {  	[tilespmem:s13+$0xFFFFFF60] =	vst v16;
	v16 =	vld [tilespmem:s13+$0xC0];
	v63 =	vnsel vm0, $0x0, v62;
	v48 =	vmul.f32 v61, v10;
	v49 =	vmul.f32 v61, v14  }
0x1e3: {  	v43 =	vmul.f32 v45, v17;
	v32 =	vmul.f32 v29, v45;
	v10 =	vld [tilespmem:s13+$0xD0];
	[tilespmem:s13+$0x80] =	vst v63  }
0x1e4: {  	v34 =	vmul.f32 v30, v46;
	v30 =	vmul.f32 v31, v46;
	v14 =	vld [tilespmem:s13+$0xE0];
	[tilespmem:s13+$0xFFFFFEE0] =	vst v48  }
0x1e5: {  	s15 =	simm.s32 $0x0;
	s3 =	simm.s32 $0x68E0;
	s17 =	simm.s32 $0x9520;
	v31 =	vmul.f32 v35, v47;
	v29 =	vmul.f32 v44, v47;
	v17 =	vld [tilespmem:s13+$0xF0];
	[tilespmem:s13+$0xFFFFFEF0] =	vst v49  }
.LBB2_9:
0x1e6: {  	v35 =	vld [tilespmem:s17+$0x10];
	[tilespmem:s13+$0xFFFFFF00] =	vst v43;
	v6 =	vmul.f32 v39, v6;
	v7 =	vmul.f32 v39, v7;
	s3 =	sadd.s32 $0x240, s3  }
0x1e7: {  	s15 =	sadd.s32 $0x4, s15;
	v8 =	vmul.f32 v37, v8;
	v11 =	vmul.f32 v11, v37;
	v39 =	vld [tilespmem:s3+$0x110];
	[tilespmem:s13+$0xFFFFFF10] =	vst v32  }
0x1e8: {  	v9 =	vmul.f32 v9, v42;
	v15 =	vmul.f32 v15, v42;
	p1 =	slt.u32 s15, $0x4C;
	v37 =	vld [tilespmem:s3+$0xFFFFFF60];
	[tilespmem:s13+$0xFFFFFF20] =	vst v34  }
0x1e9: {  	v18 =	vmul.f32 v18, v41;
	v20 =	vmul.f32 v20, v41;
	v32 =	vld [tilespmem:s17+$0xFFFFFFF0];
	[tilespmem:s13+$0xFFFFFF30] =	vst v30  }
0x1ea: {  	v19 =	vmul.f32 v40, v19;
	v21 =	vmul.f32 v40, v21;
	v34 =	vld [tilespmem:s3+$0xFFFFFFF0];
	[tilespmem:s13+$0xFFFFFF40] =	vst v31  }
0x1eb: {  	v22 =	vmul.f32 v38, v22;
	v24 =	vmul.f32 v24, v38;
	v40 =	vld [tilespmem:s17+$0x0];
	[tilespmem:s13+$0xFFFFFF50] =	vst v29  }
0x1ec: {  	v23 =	vmul.f32 v23, v36;
	v38 =	vld [tilespmem:s3+$0x80];
	v39 =	vadd.f32 v39, v35;
	v35 =	vadd.f32 v35, v1;
	[tilespmem:s13+$0xFFFFFF70] =	vst v6  }
0x1ed: {  	v25 =	vmul.f32 v25, v36;
	v27 =	vmul.f32 v27, v33;
	v6 =	vld [tilespmem:s17+$0xFFFFFFE0];
	[tilespmem:s13+$0xFFFFFF80] =	vst v7  }
0x1ee: {  	v29 =	vld [tilespmem:s3+$0xFFFFFEE0];
	v7 =	vadd.f32 v32, v1;
	v36 =	vmul.f32 $2.000000030e-01, v39;
	v41 =	vmul.f32 $2.000000030e-01, v35;
	[tilespmem:s13+$0xFFFFFF90] =	vst v8  }
0x1ef: {  	v26 =	vmul.f32 v26, v33;
	v28 =	vmul.f32 v5, v28;
	v30 =	vld [tilespmem:s3+$0xFFFFFEF0];
	v8 =	vadd.f32 v34, v32;
	[tilespmem:s13+$0xFFFFFFA0] =	vst v11  }
0x1f0: {  	v31 =	vld [tilespmem:s3+$0xFFFFFF00];
	v11 =	vadd.f32 v40, v1;
	v33 =	vmax.f32 v39, v36;
	v34 =	vmax.f32 v35, v41;
	[tilespmem:s13+$0xFFFFFFB0] =	vst v9  }
0x1f1: {  	v32 =	vld [tilespmem:s3+$0xFFFFFF10];
	v9 =	vmul.f32 $2.000000030e-01, v8;
	v36 =	vadd.f32 v38, v40;
	v33 =	vsub.f32 v33, v34;
	[tilespmem:s13+$0xFFFFFFC0] =	vst v15  }
0x1f2: {  	v15 =	vadd.f32 v37, v6;
	v6 =	vadd.f32 v6, v1;
	v34 =	vld [tilespmem:s3+$0xFFFFFF20];
	v37 =	vmul.f32 $2.000000030e-01, v7;
	[tilespmem:s13+$0xFFFFFFD0] =	vst v18  }
0x1f3: {  	v35 =	vld [tilespmem:s3+$0xFFFFFF30];
	v8 =	vmax.f32 v8, v9;
	v9 =	vmul.f32 $2.000000030e-01, v36;
	v18 =	vmul.f32 $1.442695020e+00, v33;
	[tilespmem:s13+$0xFFFFFFE0] =	vst v20  }
0x1f4: {  	v20 =	vmul.f32 $2.000000030e-01, v15;
	v33 =	vmul.f32 $2.000000030e-01, v6;
	v44 =	vld [tilespmem:s3+$0xFFFFFF40];
	v7 =	vmax.f32 v7, v37;
	[tilespmem:s13+$0x0] =	vst v19  }
0x1f5: {  	v19 =	vmul.f32 $2.000000030e-01, v11;
	v45 =	vld [tilespmem:s3+$0xFFFFFF50];
	v9 =	vmax.f32 v36, v9;
	(erf) = vpow2.f32 v18;
	[tilespmem:s13+$0x10] =	vst v21  }
0x1f6: {  	v8 =	vsub.f32 v8, v7;
	v15 =	vmax.f32 v15, v20;
	v18 =	vmax.f32 v6, v33;
	v6 =	vld [tilespmem:s3+$0xFFFFFF70];
	[tilespmem:s13+$0x20] =	vst v22  }
0x1f7: {  	v5 =	vmul.f32 v5, v12;
	v11 =	vmax.f32 v11, v19;
	v15 =	vsub.f32 v15, v18;
	v7 =	vld [tilespmem:s3+$0xFFFFFF80];
	[tilespmem:s13+$0x30] =	vst v24  }
0x1f8: {  	v13 =	vmul.f32 v4, v13;
	v12 =	vmul.f32 $1.442695020e+00, v8;
	v18 =	vsub.f32 v9, v11;
	v8 =	vld [tilespmem:s3+$0xFFFFFF90];
	[tilespmem:s13+$0x40] =	vst v23  }
0x1f9: {  	v4 =	vmul.f32 v16, v4;
	v19 =	vmul.f32 $1.442695020e+00, v15;
	v11 =	vld [tilespmem:s3+$0xFFFFFFA0];
	[tilespmem:s13+$0x50] =	vst v25  }
0x1fa: {  	v16 =	vmul.f32 $1.442695020e+00, v18;
	v9 =	vld [tilespmem:s3+$0xFFFFFFB0];
	(erf) = vpow2.f32 v12;
	[tilespmem:s13+$0x60] =	vst v27  }
0x1fb: {  	v10 =	vmul.f32 v10, v3;
	v15 =	vld [tilespmem:s3+$0xFFFFFFC0];
	(erf) = vpow2.f32 v19;
	[tilespmem:s13+$0x70] =	vst v26  }
0x1fc: {  	v14 =	vmul.f32 v14, v3;
	v12 =	vld [tilespmem:s3+$0x100];
	(erf) = vpow2.f32 v16;
	[tilespmem:s13+$0x90] =	vst v28  }
0x1fd: {  	v16 =	vmul.f32 v17, v2;
	v18 =	vld [tilespmem:s3+$0xFFFFFFD0];
	[tilespmem:s13+$0xA0] =	vst v5  }
0x1fe: {  	v20 =	vld [tilespmem:s3+$0xFFFFFFE0];
	v3 =	vpop (erf);
	[tilespmem:s13+$0xB0] =	vst v13  }
0x1ff: {  	v19 =	vld [tilespmem:s3+$0x0];
	v13 =	vnsel vm0, $0x0, v3;
	v5 =	vbroadcast v3, $0x0;
	v2 =	vbroadcast v3, $0x3;
	[tilespmem:s13+$0xC0] =	vst v4  }
0x200: {  	v4 =	vbroadcast v3, $0x1;
	v3 =	vbroadcast v3, $0x2;
	v21 =	vld [tilespmem:s3+$0x10];
	[tilespmem:s13+$0xD0] =	vst v10  }
0x201: {  	v22 =	vld [tilespmem:s3+$0x20];
	v12 =	vmul.f32 v12, v2;
	[tilespmem:s13+$0xE0] =	vst v14  }
0x202: {  	v24 =	vld [tilespmem:s3+$0x30];
	[tilespmem:s13+$0xF0] =	vst v16;
	s13 =	smov.u32 s3  }
0x203: {  	v23 =	vld [tilespmem:s3+$0x40];
	[tilespmem:s3+$0x100] =	vst v12;
	v10 =	vpop (erf)  }
0x204: {  	v12 =	vnsel vm0, $0x0, v10;
	v39 =	vbroadcast v10, $0x0;
	v37 =	vbroadcast v10, $0x1;
	v25 =	vld [tilespmem:s3+$0x50];
	[tilespmem:s3+$0x110] =	vst v13;
	v13 =	vpop (erf)  }
0x205: {  	v14 =	vnsel vm0, $0x0, v13;
	v16 =	vbroadcast v13, $0x0;
	v17 =	vbroadcast v13, $0x1;
	[tilespmem:s3+$0xFFFFFFF0] =	vst v12;
	v27 =	vld [tilespmem:s3+$0x60];
	v33 =	vpop (erf)  }
0x206: {  	v46 =	vbroadcast v13, $0x3;
	[tilespmem:s3+$0xFFFFFF60] =	vst v14;
	v14 =	vbroadcast v13, $0x2;
	v12 =	vnsel vm0, $0x0, v33;
	v26 =	vld [tilespmem:s3+$0x70]  }
0x207: {  	v42 =	vbroadcast v10, $0x2;
	v41 =	vbroadcast v10, $0x3;
	[tilespmem:s3+$0x80] =	vst v12;
	v28 =	vld [tilespmem:s3+$0x90]  }
0x208: {  	v40 =	vbroadcast v33, $0x0;
	v38 =	vbroadcast v33, $0x1;
	v12 =	vld [tilespmem:s3+$0xA0]  }
.Ltmp5:
0x209: {  	v36 =	vbroadcast v33, $0x2;
	v33 =	vbroadcast v33, $0x3;
	v13 =	vld [tilespmem:s3+$0xB0];
	(pc) =	sbr.rel @p1 .LBB2_9-.Ltmp5, $4  }
0x20a: {  	v29 =	vmul.f32 v16, v29;
	v47 =	vmul.f32 v16, v30;
	v16 =	vld [tilespmem:s3+$0xC0]  }
0x20b: {  	v43 =	vmul.f32 v17, v31;
	v32 =	vmul.f32 v32, v17;
	v10 =	vld [tilespmem:s3+$0xD0]  }
0x20c: {  	v34 =	vmul.f32 v34, v14;
	v30 =	vmul.f32 v35, v14;
	[tilespmem:s3+$0xFFFFFEE0] =	vst v29;
	v14 =	vld [tilespmem:s3+$0xE0]  }
0x20d: {  	s17 =	sadd.s32 $0x40, s17;
	v31 =	vmul.f32 v44, v46;
	v29 =	vmul.f32 v45, v46;
	[tilespmem:s3+$0xFFFFFEF0] =	vst v47;
	v17 =	vld [tilespmem:s3+$0xF0]  }
0x20e: {  	[tilespmem:s13+$0xFFFFFF00] =	vst v43  }
0x20f: {  	[tilespmem:s13+$0xFFFFFF10] =	vst v32  }
0x210: {  	[tilespmem:s13+$0xFFFFFF20] =	vst v34  }
0x211: {  	[tilespmem:s13+$0xFFFFFF30] =	vst v30  }
0x212: {  	v6 =	vmul.f32 v39, v6;
	[tilespmem:s13+$0xFFFFFF40] =	vst v31  }
0x213: {  	v7 =	vmul.f32 v39, v7;
	[tilespmem:s13+$0xFFFFFF50] =	vst v29  }
0x214: {  	v8 =	vmul.f32 v37, v8;
	[tilespmem:s13+$0xFFFFFF70] =	vst v6  }
0x215: {  	v6 =	vmul.f32 v11, v37;
	[tilespmem:s13+$0xFFFFFF80] =	vst v7  }
0x216: {  	v7 =	vmul.f32 v9, v42;
	[tilespmem:s13+$0xFFFFFF90] =	vst v8  }
0x217: {  	v8 =	vmul.f32 v15, v42;
	[tilespmem:s13+$0xFFFFFFA0] =	vst v6  }
0x218: {  	v6 =	vmul.f32 v18, v41;
	[tilespmem:s13+$0xFFFFFFB0] =	vst v7  }
0x219: {  	v7 =	vmul.f32 v20, v41;
	[tilespmem:s13+$0xFFFFFFC0] =	vst v8  }
0x21a: {  	v8 =	vmul.f32 v40, v19;
	[tilespmem:s13+$0xFFFFFFD0] =	vst v6  }
0x21b: {  	v2 =	vmul.f32 v17, v2;
	[tilespmem:s13+$0xFFFFFFE0] =	vst v7  }
0x21c: {  	v6 =	vmul.f32 v40, v21;
	[tilespmem:s13+$0x0] =	vst v8  }
0x21d: {  	v7 =	vmul.f32 v38, v22;
	[tilespmem:s13+$0xF0] =	vst v2  }
0x21e: {  	v8 =	vmul.f32 v24, v38;
	[tilespmem:s13+$0x10] =	vst v6  }
0x21f: {  	v6 =	vmul.f32 v23, v36;
	[tilespmem:s13+$0x20] =	vst v7  }
0x220: {  	v7 =	vmul.f32 v25, v36;
	[tilespmem:s13+$0x30] =	vst v8  }
0x221: {  	v8 =	vmul.f32 v27, v33;
	[tilespmem:s13+$0x40] =	vst v6  }
0x222: {  	v6 =	vmul.f32 v26, v33;
	[tilespmem:s13+$0x50] =	vst v7  }
0x223: {  	v7 =	vmul.f32 v5, v28;
	[tilespmem:s13+$0x60] =	vst v8  }
0x224: {  	v5 =	vmul.f32 v5, v12;
	[tilespmem:s13+$0x70] =	vst v6  }
0x225: {  	v6 =	vmul.f32 v4, v13;
	[tilespmem:s13+$0x90] =	vst v7  }
0x226: {  	v4 =	vmul.f32 v16, v4;
	[tilespmem:s13+$0xA0] =	vst v5  }
0x227: {  	v5 =	vmul.f32 v10, v3;
	[tilespmem:s13+$0xB0] =	vst v6  }
0x228: {  	v3 =	vmul.f32 v14, v3;
	[tilespmem:s13+$0xC0] =	vst v4  }
0x229: {  	[tilespmem:s13+$0xD0] =	vst v5  }
0x22a: {  	s3 =	simm.s32 $0x280;
	[tilespmem:s13+$0xE0] =	vst v3  }
0x22b: {  	[spmem:s2] =	stream.indirect.scatter.add.f32 [tilespmem:s30], [sflag:$0x9], $0x90, s3, s14, $0xb8;
	[tilespmem:$0x1FD50] =	vst v63  }
0x22c: {  	_ =	swait.ge [sflag:s16], $0x2D00  }
0x22d: {  	[sflag:s16] =	ssyncset.done $0x0  }
0x22e: {  	[sflag:s16] =	ssyncadd.s32 $0xFFFFD300  }
0x22f: {  	_ =	swait.ge [sflag:s20], $0x50  }
0x230: {  	[sflag:s20] =	ssyncset.done $0x0  }
0x231: {  	[sflag:s20] =	ssyncadd.s32 $0xFFFFFFB0  }
0x232: {  	_ =	swait.ge [sflag:s20], $0x50  }
0x233: {  	[sflag:s20] =	ssyncset.done $0x0;
	s3 =	rddreg [dreg:$0x1d]  }
0x234: {  	s15 =	simm.s32 $0x140;
	[sflag:s20] =	ssyncadd.s32 $0xFFFFFFB0;
	s3 =	sadd.s32 @!p0 s3, s0  }
0x235: {  	[tilespmem:s21], [sflag:$0x3] =	stream.indirect.gather [hbm4b:s6+s14], $0x90, s15, s14, $0xb8;
	[tilespmem:$0x1FD50] =	vst v63  }
0x236: {  	s17 =	simm.s32 $0x62C0;
	s3 =	smul.u32 @!p0 $0x50, s3;
	s15 =	simm.s32 $0x320  }
0x237: {  	[tilespmem:s17], [sflag:$0x4] =	stream.indirect.gather [hbm4b:s7+s14], $0x10, s15, s14, $0xb8;
	[tilespmem:$0x1FD50] =	vst v63  }
0x238: {  	s3 =	sshrl.u32 @!p0 s3, $0x3  }
0x239: {  	s3 =	sadd.s32 @!p0 s1, s3  }
0x23a: {  	s15 =	simm.s32 @!p0 $0x0;
	s13 =	sadd.s32 @!p0 $0x3C0, s3  }
0x23b: {  	[tilespmem:s15], [sflag:$0xA] =	stream.linear.gather @!p0 [hbm4b:s13+s15], $0x50, $0x38;
	[tilespmem:$0x1FD50] =	vst v63  }
0x23c: {  	s3 =	sadd.s32 @!p0 $0xA000, s3;
	s13 =	simm.s32 @!p0 $0x1E0  }
0x23d: {  	[tilespmem:s13], [sflag:$0xA] =	stream.linear.gather @!p0 [hbm4b:s3+s15], $0x50, $0x38;
	[tilespmem:$0x1FD50] =	vst v63  }
0x23e: {  	_ =	swait.ge [sflag:s26], $0x2D00  }
0x23f: {  	[sflag:s26] =	ssyncset.done $0x0  }
0x240: {  	[sflag:s26] =	ssyncadd.s32 $0xFFFFD300  }
0x241: {  	_ =	swait.ge [sflag:s28], $0x500  }
0x242: {  	[sflag:s28] =	ssyncset.done $0x0  }
0x243: {  	s17 =	simm.s32 $0x30E0;
	[sflag:s28] =	ssyncadd.s32 $0xFFFFFB00  }
0x244: {  	s13 =	simm.s32 $0x4E0;
	v2 =	vld [tilespmem:s17+$0x10]  }
0x245: {  	v3 =	vld [tilespmem:s13+$0x110]  }
0x246: {  	v4 =	vld [tilespmem:s13+$0xFFFFFF60]  }
0x247: {  	v5 =	vld [tilespmem:s17+$0xFFFFFFF0]  }
0x248: {  	v6 =	vld [tilespmem:s13+$0xFFFFFFF0]  }
0x249: {  	v7 =	vld [tilespmem:s17+$0x0]  }
0x24a: {  	v9 =	vld [tilespmem:s17+$0xFFFFFFE0]  }
0x24b: {  	v8 =	vld [tilespmem:s13+$0x80]  }
0x24c: {  	v10 =	vld [tilespmem:s13+$0xFFFFFEE0];
	v3 =	vadd.f32 v3, v2;
	v2 =	vadd.f32 v2, v1  }
0x24d: {  	v14 =	vld [tilespmem:s13+$0xFFFFFEF0];
	v13 =	vadd.f32 v5, v1  }
0x24e: {  	v17 =	vld [tilespmem:s13+$0xFFFFFF00];
	v5 =	vadd.f32 v6, v5;
	v11 =	vmul.f32 $2.000000030e-01, v3;
	v12 =	vmul.f32 $2.000000030e-01, v2  }
0x24f: {  	v29 =	vld [tilespmem:s13+$0xFFFFFF10];
	v15 =	vadd.f32 v7, v1;
	v4 =	vadd.f32 v4, v9  }
0x250: {  	v30 =	vld [tilespmem:s13+$0xFFFFFF20];
	v6 =	vmul.f32 $2.000000030e-01, v5;
	v3 =	vmax.f32 v3, v11;
	v2 =	vmax.f32 v2, v12  }
0x251: {  	v31 =	vld [tilespmem:s13+$0xFFFFFF30];
	v9 =	vadd.f32 v9, v1;
	v2 =	vsub.f32 v3, v2;
	v3 =	vmul.f32 $2.000000030e-01, v13  }
0x252: {  	v35 =	vld [tilespmem:s13+$0xFFFFFF40];
	v11 =	vadd.f32 v8, v7;
	v5 =	vmax.f32 v5, v6;
	v6 =	vmul.f32 $2.000000030e-01, v4  }
0x253: {  	v44 =	vld [tilespmem:s13+$0xFFFFFF50];
	v7 =	vmul.f32 $2.000000030e-01, v9;
	v2 =	vmul.f32 $1.442695020e+00, v2;
	v3 =	vmax.f32 v13, v3  }
0x254: {  	v18 =	vld [tilespmem:s13+$0xFFFFFFD0];
	v12 =	vmul.f32 $2.000000030e-01, v11;
	v4 =	vmax.f32 v4, v6;
	v3 =	vsub.f32 v5, v3  }
0x255: {  	v20 =	vld [tilespmem:s13+$0xFFFFFFE0];
	v7 =	vmax.f32 v9, v7;
	v5 =	vmul.f32 $2.000000030e-01, v15;
	(erf) = vpow2.f32 v2  }
0x256: {  	v19 =	vld [tilespmem:s13+$0x0];
	v2 =	vsub.f32 v4, v7;
	v3 =	vmul.f32 $1.442695020e+00, v3  }
0x257: {  	v21 =	vld [tilespmem:s13+$0x10];
	v4 =	vmax.f32 v11, v12;
	v5 =	vmax.f32 v15, v5  }
0x258: {  	v22 =	vld [tilespmem:s13+$0x20];
	v2 =	vmul.f32 $1.442695020e+00, v2;
	v4 =	vsub.f32 v4, v5;
	(erf) = vpow2.f32 v3  }
0x259: {  	v24 =	vld [tilespmem:s13+$0x30]  }
0x25a: {  	v23 =	vld [tilespmem:s13+$0x40];
	(erf) = vpow2.f32 v2;
	v2 =	vmul.f32 $1.442695020e+00, v4  }
0x25b: {  	v25 =	vld [tilespmem:s13+$0x50]  }
0x25c: {  	v12 =	vld [tilespmem:s13+$0x100];
	(erf) = vpow2.f32 v2  }
0x25d: {  	v27 =	vld [tilespmem:s13+$0x60]  }
0x25e: {  	v26 =	vld [tilespmem:s13+$0x70];
	v13 =	vpop (erf)  }
0x25f: {  	v28 =	vld [tilespmem:s13+$0x90];
	v2 =	vbroadcast v13, $0x3  }
0x260: {  	v8 =	vld [tilespmem:s13+$0xFFFFFF90];
	v5 =	vbroadcast v13, $0x0;
	v4 =	vbroadcast v13, $0x1  }
0x261: {  	v6 =	vld [tilespmem:s13+$0xFFFFFF70];
	v3 =	vbroadcast v13, $0x2;
	v12 =	vmul.f32 v12, v2;
	v16 =	vpop (erf)  }
0x262: {  	v9 =	vld [tilespmem:s13+$0xFFFFFFB0];
	v39 =	vbroadcast v16, $0x0;
	v37 =	vbroadcast v16, $0x1  }
0x263: {  	v7 =	vld [tilespmem:s13+$0xFFFFFF80];
	v60 =	vpop (erf);
	v42 =	vbroadcast v16, $0x2;
	v41 =	vbroadcast v16, $0x3  }
0x264: {  	v11 =	vld [tilespmem:s13+$0xFFFFFFA0];
	v13 =	vnsel vm0, $0x0, v13;
	v61 =	vbroadcast v60, $0x0;
	v45 =	vbroadcast v60, $0x1  }
0x265: {  	v15 =	vld [tilespmem:s13+$0xFFFFFFC0];
	[tilespmem:s13+$0x110] =	vst v13;
	v46 =	vbroadcast v60, $0x2;
	v47 =	vbroadcast v60, $0x3;
	v62 =	vpop (erf)  }
0x266: {  	v13 =	vnsel vm0, $0x0, v16;
	[tilespmem:s13+$0x100] =	vst v12;
	v12 =	vld [tilespmem:s13+$0xA0];
	v40 =	vbroadcast v62, $0x0;
	v38 =	vbroadcast v62, $0x1  }
0x267: {  	v16 =	vnsel vm0, $0x0, v60;
	[tilespmem:s13+$0xFFFFFFF0] =	vst v13;
	v13 =	vld [tilespmem:s13+$0xB0];
	v36 =	vbroadcast v62, $0x2;
	v33 =	vbroadcast v62, $0x3  }
0x268: {  	[tilespmem:s13+$0xFFFFFF60] =	vst v16;
	v16 =	vld [tilespmem:s13+$0xC0];
	v63 =	vnsel vm0, $0x0, v62;
	v48 =	vmul.f32 v61, v10;
	v49 =	vmul.f32 v61, v14  }
0x269: {  	v43 =	vmul.f32 v45, v17;
	v32 =	vmul.f32 v29, v45;
	v10 =	vld [tilespmem:s13+$0xD0];
	[tilespmem:s13+$0x80] =	vst v63  }
0x26a: {  	v34 =	vmul.f32 v30, v46;
	v30 =	vmul.f32 v31, v46;
	v14 =	vld [tilespmem:s13+$0xE0];
	[tilespmem:s13+$0xFFFFFEE0] =	vst v48  }
0x26b: {  	s15 =	simm.s32 $0x0;
	s3 =	simm.s32 $0x4E0;
	s17 =	simm.s32 $0x3120;
	v31 =	vmul.f32 v35, v47;
	v29 =	vmul.f32 v44, v47;
	v17 =	vld [tilespmem:s13+$0xF0];
	[tilespmem:s13+$0xFFFFFEF0] =	vst v49  }
.LBB2_11:
0x26c: {  	v35 =	vld [tilespmem:s17+$0x10];
	[tilespmem:s13+$0xFFFFFF00] =	vst v43;
	v6 =	vmul.f32 v39, v6;
	v7 =	vmul.f32 v39, v7;
	s3 =	sadd.s32 $0x240, s3  }
0x26d: {  	s15 =	sadd.s32 $0x4, s15;
	v8 =	vmul.f32 v37, v8;
	v11 =	vmul.f32 v11, v37;
	v39 =	vld [tilespmem:s3+$0x110];
	[tilespmem:s13+$0xFFFFFF10] =	vst v32  }
0x26e: {  	v9 =	vmul.f32 v9, v42;
	v15 =	vmul.f32 v15, v42;
	p1 =	slt.u32 s15, $0x4C;
	v37 =	vld [tilespmem:s3+$0xFFFFFF60];
	[tilespmem:s13+$0xFFFFFF20] =	vst v34  }
0x26f: {  	v18 =	vmul.f32 v18, v41;
	v20 =	vmul.f32 v20, v41;
	v32 =	vld [tilespmem:s17+$0xFFFFFFF0];
	[tilespmem:s13+$0xFFFFFF30] =	vst v30  }
0x270: {  	v19 =	vmul.f32 v40, v19;
	v21 =	vmul.f32 v40, v21;
	v34 =	vld [tilespmem:s3+$0xFFFFFFF0];
	[tilespmem:s13+$0xFFFFFF40] =	vst v31  }
0x271: {  	v22 =	vmul.f32 v38, v22;
	v24 =	vmul.f32 v24, v38;
	v40 =	vld [tilespmem:s17+$0x0];
	[tilespmem:s13+$0xFFFFFF50] =	vst v29  }
0x272: {  	v23 =	vmul.f32 v23, v36;
	v38 =	vld [tilespmem:s3+$0x80];
	v39 =	vadd.f32 v39, v35;
	v35 =	vadd.f32 v35, v1;
	[tilespmem:s13+$0xFFFFFF70] =	vst v6  }
0x273: {  	v25 =	vmul.f32 v25, v36;
	v27 =	vmul.f32 v27, v33;
	v6 =	vld [tilespmem:s17+$0xFFFFFFE0];
	[tilespmem:s13+$0xFFFFFF80] =	vst v7  }
0x274: {  	v29 =	vld [tilespmem:s3+$0xFFFFFEE0];
	v7 =	vadd.f32 v32, v1;
	v36 =	vmul.f32 $2.000000030e-01, v39;
	v41 =	vmul.f32 $2.000000030e-01, v35;
	[tilespmem:s13+$0xFFFFFF90] =	vst v8  }
0x275: {  	v26 =	vmul.f32 v26, v33;
	v28 =	vmul.f32 v5, v28;
	v30 =	vld [tilespmem:s3+$0xFFFFFEF0];
	v8 =	vadd.f32 v34, v32;
	[tilespmem:s13+$0xFFFFFFA0] =	vst v11  }
0x276: {  	v31 =	vld [tilespmem:s3+$0xFFFFFF00];
	v11 =	vadd.f32 v40, v1;
	v33 =	vmax.f32 v39, v36;
	v34 =	vmax.f32 v35, v41;
	[tilespmem:s13+$0xFFFFFFB0] =	vst v9  }
0x277: {  	v32 =	vld [tilespmem:s3+$0xFFFFFF10];
	v9 =	vmul.f32 $2.000000030e-01, v8;
	v36 =	vadd.f32 v38, v40;
	v33 =	vsub.f32 v33, v34;
	[tilespmem:s13+$0xFFFFFFC0] =	vst v15  }
0x278: {  	v15 =	vadd.f32 v37, v6;
	v6 =	vadd.f32 v6, v1;
	v34 =	vld [tilespmem:s3+$0xFFFFFF20];
	v37 =	vmul.f32 $2.000000030e-01, v7;
	[tilespmem:s13+$0xFFFFFFD0] =	vst v18  }
0x279: {  	v35 =	vld [tilespmem:s3+$0xFFFFFF30];
	v8 =	vmax.f32 v8, v9;
	v9 =	vmul.f32 $2.000000030e-01, v36;
	v18 =	vmul.f32 $1.442695020e+00, v33;
	[tilespmem:s13+$0xFFFFFFE0] =	vst v20  }
0x27a: {  	v20 =	vmul.f32 $2.000000030e-01, v15;
	v33 =	vmul.f32 $2.000000030e-01, v6;
	v44 =	vld [tilespmem:s3+$0xFFFFFF40];
	v7 =	vmax.f32 v7, v37;
	[tilespmem:s13+$0x0] =	vst v19  }
0x27b: {  	v19 =	vmul.f32 $2.000000030e-01, v11;
	v45 =	vld [tilespmem:s3+$0xFFFFFF50];
	v9 =	vmax.f32 v36, v9;
	(erf) = vpow2.f32 v18;
	[tilespmem:s13+$0x10] =	vst v21  }
0x27c: {  	v8 =	vsub.f32 v8, v7;
	v15 =	vmax.f32 v15, v20;
	v18 =	vmax.f32 v6, v33;
	v6 =	vld [tilespmem:s3+$0xFFFFFF70];
	[tilespmem:s13+$0x20] =	vst v22  }
0x27d: {  	v5 =	vmul.f32 v5, v12;
	v11 =	vmax.f32 v11, v19;
	v15 =	vsub.f32 v15, v18;
	v7 =	vld [tilespmem:s3+$0xFFFFFF80];
	[tilespmem:s13+$0x30] =	vst v24  }
0x27e: {  	v13 =	vmul.f32 v4, v13;
	v12 =	vmul.f32 $1.442695020e+00, v8;
	v18 =	vsub.f32 v9, v11;
	v8 =	vld [tilespmem:s3+$0xFFFFFF90];
	[tilespmem:s13+$0x40] =	vst v23  }
0x27f: {  	v4 =	vmul.f32 v16, v4;
	v19 =	vmul.f32 $1.442695020e+00, v15;
	v11 =	vld [tilespmem:s3+$0xFFFFFFA0];
	[tilespmem:s13+$0x50] =	vst v25  }
0x280: {  	v16 =	vmul.f32 $1.442695020e+00, v18;
	v9 =	vld [tilespmem:s3+$0xFFFFFFB0];
	(erf) = vpow2.f32 v12;
	[tilespmem:s13+$0x60] =	vst v27  }
0x281: {  	v10 =	vmul.f32 v10, v3;
	v15 =	vld [tilespmem:s3+$0xFFFFFFC0];
	(erf) = vpow2.f32 v19;
	[tilespmem:s13+$0x70] =	vst v26  }
0x282: {  	v14 =	vmul.f32 v14, v3;
	v12 =	vld [tilespmem:s3+$0x100];
	(erf) = vpow2.f32 v16;
	[tilespmem:s13+$0x90] =	vst v28  }
0x283: {  	v16 =	vmul.f32 v17, v2;
	v18 =	vld [tilespmem:s3+$0xFFFFFFD0];
	[tilespmem:s13+$0xA0] =	vst v5  }
0x284: {  	v20 =	vld [tilespmem:s3+$0xFFFFFFE0];
	v3 =	vpop (erf);
	[tilespmem:s13+$0xB0] =	vst v13  }
0x285: {  	v19 =	vld [tilespmem:s3+$0x0];
	v13 =	vnsel vm0, $0x0, v3;
	v5 =	vbroadcast v3, $0x0;
	v2 =	vbroadcast v3, $0x3;
	[tilespmem:s13+$0xC0] =	vst v4  }
0x286: {  	v4 =	vbroadcast v3, $0x1;
	v3 =	vbroadcast v3, $0x2;
	v21 =	vld [tilespmem:s3+$0x10];
	[tilespmem:s13+$0xD0] =	vst v10  }
0x287: {  	v22 =	vld [tilespmem:s3+$0x20];
	v12 =	vmul.f32 v12, v2;
	[tilespmem:s13+$0xE0] =	vst v14  }
0x288: {  	v24 =	vld [tilespmem:s3+$0x30];
	[tilespmem:s13+$0xF0] =	vst v16;
	s13 =	smov.u32 s3  }
0x289: {  	v23 =	vld [tilespmem:s3+$0x40];
	[tilespmem:s3+$0x100] =	vst v12;
	v10 =	vpop (erf)  }
0x28a: {  	v12 =	vnsel vm0, $0x0, v10;
	v39 =	vbroadcast v10, $0x0;
	v37 =	vbroadcast v10, $0x1;
	v25 =	vld [tilespmem:s3+$0x50];
	[tilespmem:s3+$0x110] =	vst v13;
	v13 =	vpop (erf)  }
0x28b: {  	v14 =	vnsel vm0, $0x0, v13;
	v16 =	vbroadcast v13, $0x0;
	v17 =	vbroadcast v13, $0x1;
	[tilespmem:s3+$0xFFFFFFF0] =	vst v12;
	v27 =	vld [tilespmem:s3+$0x60];
	v33 =	vpop (erf)  }
0x28c: {  	v46 =	vbroadcast v13, $0x3;
	[tilespmem:s3+$0xFFFFFF60] =	vst v14;
	v14 =	vbroadcast v13, $0x2;
	v12 =	vnsel vm0, $0x0, v33;
	v26 =	vld [tilespmem:s3+$0x70]  }
0x28d: {  	v42 =	vbroadcast v10, $0x2;
	v41 =	vbroadcast v10, $0x3;
	[tilespmem:s3+$0x80] =	vst v12;
	v28 =	vld [tilespmem:s3+$0x90]  }
0x28e: {  	v40 =	vbroadcast v33, $0x0;
	v38 =	vbroadcast v33, $0x1;
	v12 =	vld [tilespmem:s3+$0xA0]  }
.Ltmp6:
0x28f: {  	v36 =	vbroadcast v33, $0x2;
	v33 =	vbroadcast v33, $0x3;
	v13 =	vld [tilespmem:s3+$0xB0];
	(pc) =	sbr.rel @p1 .LBB2_11-.Ltmp6, $4  }
0x290: {  	v29 =	vmul.f32 v16, v29;
	v47 =	vmul.f32 v16, v30;
	v16 =	vld [tilespmem:s3+$0xC0]  }
0x291: {  	v43 =	vmul.f32 v17, v31;
	v32 =	vmul.f32 v32, v17;
	v10 =	vld [tilespmem:s3+$0xD0]  }
0x292: {  	v34 =	vmul.f32 v34, v14;
	v30 =	vmul.f32 v35, v14;
	[tilespmem:s3+$0xFFFFFEE0] =	vst v29;
	v14 =	vld [tilespmem:s3+$0xE0]  }
0x293: {  	s17 =	sadd.s32 $0x40, s17;
	v31 =	vmul.f32 v44, v46;
	v29 =	vmul.f32 v45, v46;
	[tilespmem:s3+$0xFFFFFEF0] =	vst v47;
	v17 =	vld [tilespmem:s3+$0xF0]  }
0x294: {  	[tilespmem:s13+$0xFFFFFF00] =	vst v43  }
0x295: {  	[tilespmem:s13+$0xFFFFFF10] =	vst v32  }
0x296: {  	[tilespmem:s13+$0xFFFFFF20] =	vst v34  }
0x297: {  	[tilespmem:s13+$0xFFFFFF30] =	vst v30  }
0x298: {  	v6 =	vmul.f32 v39, v6;
	[tilespmem:s13+$0xFFFFFF40] =	vst v31  }
0x299: {  	v7 =	vmul.f32 v39, v7;
	[tilespmem:s13+$0xFFFFFF50] =	vst v29  }
0x29a: {  	v8 =	vmul.f32 v37, v8;
	[tilespmem:s13+$0xFFFFFF70] =	vst v6  }
0x29b: {  	v46 =	vmul.f32 v11, v37;
	[tilespmem:s13+$0xFFFFFF80] =	vst v7  }
0x29c: {  	v47 =	vmul.f32 v9, v42;
	[tilespmem:s13+$0xFFFFFF90] =	vst v8  }
0x29d: {  	v48 =	vmul.f32 v15, v42;
	[tilespmem:s13+$0xFFFFFFA0] =	vst v46  }
0x29e: {  	v49 =	vmul.f32 v18, v41;
	[tilespmem:s13+$0xFFFFFFB0] =	vst v47  }
0x29f: {  	v50 =	vmul.f32 v20, v41;
	[tilespmem:s13+$0xFFFFFFC0] =	vst v48  }
0x2a0: {  	v51 =	vmul.f32 v40, v19;
	[tilespmem:s13+$0xFFFFFFD0] =	vst v49  }
0x2a1: {  	v52 =	vmul.f32 v40, v21;
	[tilespmem:s13+$0xFFFFFFE0] =	vst v50  }
0x2a2: {  	v53 =	vmul.f32 v38, v22;
	[tilespmem:s13+$0x0] =	vst v51  }
0x2a3: {  	v54 =	vmul.f32 v24, v38;
	[tilespmem:s13+$0x10] =	vst v52  }
0x2a4: {  	v55 =	vmul.f32 v23, v36;
	[tilespmem:s13+$0x20] =	vst v53  }
0x2a5: {  	v56 =	vmul.f32 v25, v36;
	[tilespmem:s13+$0x30] =	vst v54  }
0x2a6: {  	v57 =	vmul.f32 v27, v33;
	[tilespmem:s13+$0x40] =	vst v55  }
0x2a7: {  	v58 =	vmul.f32 v26, v33;
	[tilespmem:s13+$0x50] =	vst v56  }
0x2a8: {  	v59 =	vmul.f32 v5, v28;
	[tilespmem:s13+$0x60] =	vst v57  }
0x2a9: {  	v60 =	vmul.f32 v5, v12;
	[tilespmem:s13+$0x70] =	vst v58  }
0x2aa: {  	v61 =	vmul.f32 v4, v13;
	[tilespmem:s13+$0x90] =	vst v59  }
0x2ab: {  	v62 =	vmul.f32 v16, v4;
	[tilespmem:s13+$0xA0] =	vst v60  }
0x2ac: {  	p1 =	sgt.u32 s24, $0x13;
	v63 =	vmul.f32 v10, v3;
	[tilespmem:s13+$0xB0] =	vst v61  }
.Ltmp7:
0x2ad: {  	v3 =	vmul.f32 v14, v3;
	[tilespmem:s13+$0xC0] =	vst v62;
	(pc) =	sbr.rel @p1 .LBB2_14-.Ltmp7, $4  }
0x2ae: {  	v2 =	vmul.f32 v17, v2;
	[tilespmem:s13+$0xD0] =	vst v63  }
0x2af: {  	[tilespmem:s13+$0xE0] =	vst v3  }
0x2b0: {  	s3 =	simm.s32 $0x2D0;
	[tilespmem:s13+$0xF0] =	vst v2  }
0x2b1: {  	[spmem:s2] =	stream.indirect.scatter.add.f32 [tilespmem:s19], [sflag:$0x7], $0x90, s3, s14, $0xb8;
	[tilespmem:$0x1FD50] =	vst v63  }
0x2b2: {  	s3 =	simm.s32 $0x9  }
0x2b3: {  	_ =	swait.ge [sflag:s3], $0x2D00  }
0x2b4: {  	[sflag:s3] =	ssyncset.done $0x0  }
0x2b5: {  	[sflag:s3] =	ssyncadd.s32 $0xFFFFD300  }
0x2b6: {  	_ =	swait.ge [sflag:s23], $0x50  }
0x2b7: {  	[sflag:s23] =	ssyncset.done $0x0  }
0x2b8: {  	[sflag:s23] =	ssyncadd.s32 $0xFFFFFFB0  }
0x2b9: {  	_ =	swait.ge [sflag:s23], $0x50  }
.Ltmp8:
0x2ba: {  	[sflag:s23] =	ssyncset.done $0x0;
	(pc) =	sbr.rel .LBB2_15-.Ltmp8, $4  }
0x2bb: {  	s15 =	simm.s32 $0x190;
	[sflag:s23] =	ssyncadd.s32 $0xFFFFFFB0  }
0x2bc: {  	[tilespmem:s30], [sflag:$0x5] =	stream.indirect.gather [hbm4b:s6+s14], $0x90, s15, s14, $0xb8;
	[tilespmem:$0x1FD50] =	vst v63  }
0x2bd: {  	s17 =	simm.s32 $0x94C0;
	s13 =	simm.s32 $0x370  }
0x2be: {  	[tilespmem:s17], [sflag:$0x6] =	stream.indirect.gather [hbm4b:s7+s14], $0x10, s13, s14, $0xb8;
	[tilespmem:$0x1FD50] =	vst v63  }
.LBB2_14:
.Ltmp9:
0x2bf: {  	(pc) =	sbr.rel @p0 .LBB2_16-.Ltmp9, $1  }
0x2c0: {  	_ =	sdelay $0x3  }
.LBB2_15:
0x2c1: {  	s3 =	sadd.s32 s5, s0  }
0x2c2: {  	s3 =	sadd.s32 $0x80, s3  }
0x2c3: {  	s3 =	smul.u32 $0x50, s3;
	_ =	sdelay $0x1  }
0x2c4: {  	s3 =	sshrl.u32 s3, $0x3  }
0x2c5: {  	s3 =	sadd.s32 s1, s3  }
0x2c6: {  	s13 =	sadd.s32 $0x3C0, s3  }
0x2c7: {  	[tilespmem:s14], [sflag:$0xB] =	stream.linear.gather [hbm4b:s13+s4], $0x50, $0x38;
	[tilespmem:$0x1FD50] =	vst v63  }
0x2c8: {  	s17 =	simm.s32 $0x230;
	s3 =	sadd.s32 $0xA000, s3  }
0x2c9: {  	[tilespmem:s17], [sflag:$0xB] =	stream.linear.gather [hbm4b:s3+s4], $0x50, $0x38;
	[tilespmem:$0x1FD50] =	vst v63  }
.LBB2_16:
0x2ca: {  	_ =	swait.ge [sflag:s9], $0x2D00  }
0x2cb: {  	[sflag:s9] =	ssyncset.done $0x0  }
0x2cc: {  	[sflag:s9] =	ssyncadd.s32 $0xFFFFD300  }
0x2cd: {  	_ =	swait.ge [sflag:s10], $0x500  }
0x2ce: {  	[sflag:s10] =	ssyncset.done $0x0  }
0x2cf: {  	s3 =	simm.s32 $0x62E0;
	[sflag:s10] =	ssyncadd.s32 $0xFFFFFB00  }
0x2d0: {  	s13 =	simm.s32 $0x36E0;
	v2 =	vld [tilespmem:s3+$0x10]  }
0x2d1: {  	v3 =	vld [tilespmem:s13+$0x110]  }
0x2d2: {  	v4 =	vld [tilespmem:s13+$0xFFFFFF60]  }
0x2d3: {  	v5 =	vld [tilespmem:s3+$0xFFFFFFF0]  }
0x2d4: {  	v6 =	vld [tilespmem:s13+$0xFFFFFFF0]  }
0x2d5: {  	v7 =	vld [tilespmem:s3+$0x0]  }
0x2d6: {  	v9 =	vld [tilespmem:s3+$0xFFFFFFE0]  }
0x2d7: {  	v8 =	vld [tilespmem:s13+$0x80]  }
0x2d8: {  	v10 =	vld [tilespmem:s13+$0xFFFFFEE0];
	v3 =	vadd.f32 v3, v2;
	v2 =	vadd.f32 v2, v1  }
0x2d9: {  	v14 =	vld [tilespmem:s13+$0xFFFFFEF0];
	v13 =	vadd.f32 v5, v1  }
0x2da: {  	v17 =	vld [tilespmem:s13+$0xFFFFFF00];
	v5 =	vadd.f32 v6, v5;
	v11 =	vmul.f32 $2.000000030e-01, v3;
	v12 =	vmul.f32 $2.000000030e-01, v2  }
0x2db: {  	v29 =	vld [tilespmem:s13+$0xFFFFFF10];
	v15 =	vadd.f32 v7, v1;
	v4 =	vadd.f32 v4, v9  }
0x2dc: {  	v30 =	vld [tilespmem:s13+$0xFFFFFF20];
	v6 =	vmul.f32 $2.000000030e-01, v5;
	v3 =	vmax.f32 v3, v11;
	v2 =	vmax.f32 v2, v12  }
0x2dd: {  	v31 =	vld [tilespmem:s13+$0xFFFFFF30];
	v9 =	vadd.f32 v9, v1;
	v2 =	vsub.f32 v3, v2;
	v3 =	vmul.f32 $2.000000030e-01, v13  }
0x2de: {  	v35 =	vld [tilespmem:s13+$0xFFFFFF40];
	v11 =	vadd.f32 v8, v7;
	v5 =	vmax.f32 v5, v6;
	v6 =	vmul.f32 $2.000000030e-01, v4  }
0x2df: {  	v44 =	vld [tilespmem:s13+$0xFFFFFF50];
	v7 =	vmul.f32 $2.000000030e-01, v9;
	v2 =	vmul.f32 $1.442695020e+00, v2;
	v3 =	vmax.f32 v13, v3  }
0x2e0: {  	v18 =	vld [tilespmem:s13+$0xFFFFFFD0];
	v12 =	vmul.f32 $2.000000030e-01, v11;
	v4 =	vmax.f32 v4, v6;
	v3 =	vsub.f32 v5, v3  }
0x2e1: {  	v20 =	vld [tilespmem:s13+$0xFFFFFFE0];
	v7 =	vmax.f32 v9, v7;
	v5 =	vmul.f32 $2.000000030e-01, v15;
	(erf) = vpow2.f32 v2  }
0x2e2: {  	v19 =	vld [tilespmem:s13+$0x0];
	v2 =	vsub.f32 v4, v7;
	v3 =	vmul.f32 $1.442695020e+00, v3  }
0x2e3: {  	v21 =	vld [tilespmem:s13+$0x10];
	v4 =	vmax.f32 v11, v12;
	v5 =	vmax.f32 v15, v5  }
0x2e4: {  	v22 =	vld [tilespmem:s13+$0x20];
	v2 =	vmul.f32 $1.442695020e+00, v2;
	v4 =	vsub.f32 v4, v5;
	(erf) = vpow2.f32 v3  }
0x2e5: {  	v24 =	vld [tilespmem:s13+$0x30]  }
0x2e6: {  	v23 =	vld [tilespmem:s13+$0x40];
	(erf) = vpow2.f32 v2;
	v2 =	vmul.f32 $1.442695020e+00, v4  }
0x2e7: {  	v25 =	vld [tilespmem:s13+$0x50]  }
0x2e8: {  	v12 =	vld [tilespmem:s13+$0x100];
	(erf) = vpow2.f32 v2  }
0x2e9: {  	v27 =	vld [tilespmem:s13+$0x60]  }
0x2ea: {  	v26 =	vld [tilespmem:s13+$0x70];
	v13 =	vpop (erf)  }
0x2eb: {  	v28 =	vld [tilespmem:s13+$0x90];
	v2 =	vbroadcast v13, $0x3  }
0x2ec: {  	v8 =	vld [tilespmem:s13+$0xFFFFFF90];
	v5 =	vbroadcast v13, $0x0;
	v4 =	vbroadcast v13, $0x1  }
0x2ed: {  	v6 =	vld [tilespmem:s13+$0xFFFFFF70];
	v3 =	vbroadcast v13, $0x2;
	v12 =	vmul.f32 v12, v2;
	v16 =	vpop (erf)  }
0x2ee: {  	v9 =	vld [tilespmem:s13+$0xFFFFFFB0];
	v39 =	vbroadcast v16, $0x0;
	v37 =	vbroadcast v16, $0x1  }
0x2ef: {  	v7 =	vld [tilespmem:s13+$0xFFFFFF80];
	v32 =	vpop (erf);
	v42 =	vbroadcast v16, $0x2;
	v41 =	vbroadcast v16, $0x3  }
0x2f0: {  	v11 =	vld [tilespmem:s13+$0xFFFFFFA0];
	v13 =	vnsel vm0, $0x0, v13;
	v34 =	vbroadcast v32, $0x0;
	v45 =	vbroadcast v32, $0x1  }
0x2f1: {  	v15 =	vld [tilespmem:s13+$0xFFFFFFC0];
	[tilespmem:s13+$0x110] =	vst v13;
	v46 =	vbroadcast v32, $0x2;
	v47 =	vbroadcast v32, $0x3;
	v43 =	vpop (erf)  }
0x2f2: {  	v13 =	vnsel vm0, $0x0, v16;
	[tilespmem:s13+$0x100] =	vst v12;
	v12 =	vld [tilespmem:s13+$0xA0];
	v40 =	vbroadcast v43, $0x0;
	v38 =	vbroadcast v43, $0x1  }
0x2f3: {  	v16 =	vnsel vm0, $0x0, v32;
	[tilespmem:s13+$0xFFFFFFF0] =	vst v13;
	v13 =	vld [tilespmem:s13+$0xB0];
	v36 =	vbroadcast v43, $0x2;
	v33 =	vbroadcast v43, $0x3  }
0x2f4: {  	[tilespmem:s13+$0xFFFFFF60] =	vst v16;
	v16 =	vld [tilespmem:s13+$0xC0];
	v63 =	vnsel vm0, $0x0, v43;
	v48 =	vmul.f32 v34, v10;
	v49 =	vmul.f32 v34, v14  }
0x2f5: {  	v43 =	vmul.f32 v45, v17;
	v32 =	vmul.f32 v29, v45;
	v10 =	vld [tilespmem:s13+$0xD0];
	[tilespmem:s13+$0x80] =	vst v63  }
0x2f6: {  	v34 =	vmul.f32 v30, v46;
	v30 =	vmul.f32 v31, v46;
	v14 =	vld [tilespmem:s13+$0xE0];
	[tilespmem:s13+$0xFFFFFEE0] =	vst v48  }
0x2f7: {  	s15 =	simm.s32 $0x0;
	s17 =	simm.s32 $0x6320;
	s3 =	simm.s32 $0x36E0;
	v31 =	vmul.f32 v35, v47;
	v29 =	vmul.f32 v44, v47;
	v17 =	vld [tilespmem:s13+$0xF0];
	[tilespmem:s13+$0xFFFFFEF0] =	vst v49  }
.LBB2_17:
0x2f8: {  	v35 =	vld [tilespmem:s17+$0x10];
	[tilespmem:s13+$0xFFFFFF00] =	vst v43;
	v6 =	vmul.f32 v39, v6;
	v7 =	vmul.f32 v39, v7;
	s3 =	sadd.s32 $0x240, s3  }
0x2f9: {  	s15 =	sadd.s32 $0x4, s15;
	v8 =	vmul.f32 v37, v8;
	v11 =	vmul.f32 v11, v37;
	v39 =	vld [tilespmem:s3+$0x110];
	[tilespmem:s13+$0xFFFFFF10] =	vst v32  }
0x2fa: {  	v9 =	vmul.f32 v9, v42;
	v15 =	vmul.f32 v15, v42;
	p1 =	slt.u32 s15, $0x4C;
	v37 =	vld [tilespmem:s3+$0xFFFFFF60];
	[tilespmem:s13+$0xFFFFFF20] =	vst v34  }
0x2fb: {  	v18 =	vmul.f32 v18, v41;
	v20 =	vmul.f32 v20, v41;
	v32 =	vld [tilespmem:s17+$0xFFFFFFF0];
	[tilespmem:s13+$0xFFFFFF30] =	vst v30  }
0x2fc: {  	v19 =	vmul.f32 v40, v19;
	v21 =	vmul.f32 v40, v21;
	v34 =	vld [tilespmem:s3+$0xFFFFFFF0];
	[tilespmem:s13+$0xFFFFFF40] =	vst v31  }
0x2fd: {  	v22 =	vmul.f32 v38, v22;
	v24 =	vmul.f32 v24, v38;
	v40 =	vld [tilespmem:s17+$0x0];
	[tilespmem:s13+$0xFFFFFF50] =	vst v29  }
0x2fe: {  	v23 =	vmul.f32 v23, v36;
	v38 =	vld [tilespmem:s3+$0x80];
	v39 =	vadd.f32 v39, v35;
	v35 =	vadd.f32 v35, v1;
	[tilespmem:s13+$0xFFFFFF70] =	vst v6  }
0x2ff: {  	v25 =	vmul.f32 v25, v36;
	v27 =	vmul.f32 v27, v33;
	v6 =	vld [tilespmem:s17+$0xFFFFFFE0];
	[tilespmem:s13+$0xFFFFFF80] =	vst v7  }
0x300: {  	v29 =	vld [tilespmem:s3+$0xFFFFFEE0];
	v7 =	vadd.f32 v32, v1;
	v36 =	vmul.f32 $2.000000030e-01, v39;
	v41 =	vmul.f32 $2.000000030e-01, v35;
	[tilespmem:s13+$0xFFFFFF90] =	vst v8  }
0x301: {  	v26 =	vmul.f32 v26, v33;
	v28 =	vmul.f32 v5, v28;
	v30 =	vld [tilespmem:s3+$0xFFFFFEF0];
	v8 =	vadd.f32 v34, v32;
	[tilespmem:s13+$0xFFFFFFA0] =	vst v11  }
0x302: {  	v31 =	vld [tilespmem:s3+$0xFFFFFF00];
	v11 =	vadd.f32 v40, v1;
	v33 =	vmax.f32 v39, v36;
	v34 =	vmax.f32 v35, v41;
	[tilespmem:s13+$0xFFFFFFB0] =	vst v9  }
0x303: {  	v32 =	vld [tilespmem:s3+$0xFFFFFF10];
	v9 =	vmul.f32 $2.000000030e-01, v8;
	v36 =	vadd.f32 v38, v40;
	v33 =	vsub.f32 v33, v34;
	[tilespmem:s13+$0xFFFFFFC0] =	vst v15  }
0x304: {  	v15 =	vadd.f32 v37, v6;
	v6 =	vadd.f32 v6, v1;
	v34 =	vld [tilespmem:s3+$0xFFFFFF20];
	v37 =	vmul.f32 $2.000000030e-01, v7;
	[tilespmem:s13+$0xFFFFFFD0] =	vst v18  }
0x305: {  	v35 =	vld [tilespmem:s3+$0xFFFFFF30];
	v8 =	vmax.f32 v8, v9;
	v9 =	vmul.f32 $2.000000030e-01, v36;
	v18 =	vmul.f32 $1.442695020e+00, v33;
	[tilespmem:s13+$0xFFFFFFE0] =	vst v20  }
0x306: {  	v20 =	vmul.f32 $2.000000030e-01, v15;
	v33 =	vmul.f32 $2.000000030e-01, v6;
	v44 =	vld [tilespmem:s3+$0xFFFFFF40];
	v7 =	vmax.f32 v7, v37;
	[tilespmem:s13+$0x0] =	vst v19  }
0x307: {  	v19 =	vmul.f32 $2.000000030e-01, v11;
	v45 =	vld [tilespmem:s3+$0xFFFFFF50];
	v9 =	vmax.f32 v36, v9;
	(erf) = vpow2.f32 v18;
	[tilespmem:s13+$0x10] =	vst v21  }
0x308: {  	v8 =	vsub.f32 v8, v7;
	v15 =	vmax.f32 v15, v20;
	v18 =	vmax.f32 v6, v33;
	v6 =	vld [tilespmem:s3+$0xFFFFFF70];
	[tilespmem:s13+$0x20] =	vst v22  }
0x309: {  	v5 =	vmul.f32 v5, v12;
	v11 =	vmax.f32 v11, v19;
	v15 =	vsub.f32 v15, v18;
	v7 =	vld [tilespmem:s3+$0xFFFFFF80];
	[tilespmem:s13+$0x30] =	vst v24  }
0x30a: {  	v13 =	vmul.f32 v4, v13;
	v12 =	vmul.f32 $1.442695020e+00, v8;
	v18 =	vsub.f32 v9, v11;
	v8 =	vld [tilespmem:s3+$0xFFFFFF90];
	[tilespmem:s13+$0x40] =	vst v23  }
0x30b: {  	v4 =	vmul.f32 v16, v4;
	v19 =	vmul.f32 $1.442695020e+00, v15;
	v11 =	vld [tilespmem:s3+$0xFFFFFFA0];
	[tilespmem:s13+$0x50] =	vst v25  }
0x30c: {  	v16 =	vmul.f32 $1.442695020e+00, v18;
	v9 =	vld [tilespmem:s3+$0xFFFFFFB0];
	(erf) = vpow2.f32 v12;
	[tilespmem:s13+$0x60] =	vst v27  }
0x30d: {  	v10 =	vmul.f32 v10, v3;
	v15 =	vld [tilespmem:s3+$0xFFFFFFC0];
	(erf) = vpow2.f32 v19;
	[tilespmem:s13+$0x70] =	vst v26  }
0x30e: {  	v14 =	vmul.f32 v14, v3;
	v12 =	vld [tilespmem:s3+$0x100];
	(erf) = vpow2.f32 v16;
	[tilespmem:s13+$0x90] =	vst v28  }
0x30f: {  	v16 =	vmul.f32 v17, v2;
	v18 =	vld [tilespmem:s3+$0xFFFFFFD0];
	[tilespmem:s13+$0xA0] =	vst v5  }
0x310: {  	v20 =	vld [tilespmem:s3+$0xFFFFFFE0];
	v3 =	vpop (erf);
	[tilespmem:s13+$0xB0] =	vst v13  }
0x311: {  	v19 =	vld [tilespmem:s3+$0x0];
	v13 =	vnsel vm0, $0x0, v3;
	v5 =	vbroadcast v3, $0x0;
	v2 =	vbroadcast v3, $0x3;
	[tilespmem:s13+$0xC0] =	vst v4  }
0x312: {  	v4 =	vbroadcast v3, $0x1;
	v3 =	vbroadcast v3, $0x2;
	v21 =	vld [tilespmem:s3+$0x10];
	[tilespmem:s13+$0xD0] =	vst v10  }
0x313: {  	v22 =	vld [tilespmem:s3+$0x20];
	v12 =	vmul.f32 v12, v2;
	[tilespmem:s13+$0xE0] =	vst v14  }
0x314: {  	v24 =	vld [tilespmem:s3+$0x30];
	[tilespmem:s13+$0xF0] =	vst v16;
	s13 =	smov.u32 s3  }
0x315: {  	v23 =	vld [tilespmem:s3+$0x40];
	[tilespmem:s3+$0x100] =	vst v12;
	v10 =	vpop (erf)  }
0x316: {  	v12 =	vnsel vm0, $0x0, v10;
	v39 =	vbroadcast v10, $0x0;
	v37 =	vbroadcast v10, $0x1;
	v25 =	vld [tilespmem:s3+$0x50];
	[tilespmem:s3+$0x110] =	vst v13;
	v13 =	vpop (erf)  }
0x317: {  	v14 =	vnsel vm0, $0x0, v13;
	v16 =	vbroadcast v13, $0x0;
	v17 =	vbroadcast v13, $0x1;
	[tilespmem:s3+$0xFFFFFFF0] =	vst v12;
	v27 =	vld [tilespmem:s3+$0x60];
	v33 =	vpop (erf)  }
0x318: {  	v46 =	vbroadcast v13, $0x3;
	[tilespmem:s3+$0xFFFFFF60] =	vst v14;
	v14 =	vbroadcast v13, $0x2;
	v12 =	vnsel vm0, $0x0, v33;
	v26 =	vld [tilespmem:s3+$0x70]  }
0x319: {  	v42 =	vbroadcast v10, $0x2;
	v41 =	vbroadcast v10, $0x3;
	[tilespmem:s3+$0x80] =	vst v12;
	v28 =	vld [tilespmem:s3+$0x90]  }
0x31a: {  	v40 =	vbroadcast v33, $0x0;
	v38 =	vbroadcast v33, $0x1;
	v12 =	vld [tilespmem:s3+$0xA0]  }
.Ltmp10:
0x31b: {  	v36 =	vbroadcast v33, $0x2;
	v33 =	vbroadcast v33, $0x3;
	v13 =	vld [tilespmem:s3+$0xB0];
	(pc) =	sbr.rel @p1 .LBB2_17-.Ltmp10, $4  }
0x31c: {  	v29 =	vmul.f32 v16, v29;
	v47 =	vmul.f32 v16, v30;
	v16 =	vld [tilespmem:s3+$0xC0]  }
0x31d: {  	v43 =	vmul.f32 v17, v31;
	v32 =	vmul.f32 v32, v17;
	v10 =	vld [tilespmem:s3+$0xD0]  }
0x31e: {  	v34 =	vmul.f32 v34, v14;
	v30 =	vmul.f32 v35, v14;
	[tilespmem:s3+$0xFFFFFEE0] =	vst v29;
	v14 =	vld [tilespmem:s3+$0xE0]  }
0x31f: {  	s17 =	sadd.s32 $0x40, s17;
	v31 =	vmul.f32 v44, v46;
	v29 =	vmul.f32 v45, v46;
	[tilespmem:s3+$0xFFFFFEF0] =	vst v47;
	v17 =	vld [tilespmem:s3+$0xF0]  }
0x320: {  	[tilespmem:s13+$0xFFFFFF00] =	vst v43  }
0x321: {  	[tilespmem:s13+$0xFFFFFF10] =	vst v32  }
0x322: {  	[tilespmem:s13+$0xFFFFFF20] =	vst v34  }
0x323: {  	[tilespmem:s13+$0xFFFFFF30] =	vst v30  }
0x324: {  	v6 =	vmul.f32 v39, v6;
	[tilespmem:s13+$0xFFFFFF40] =	vst v31  }
0x325: {  	v7 =	vmul.f32 v39, v7;
	[tilespmem:s13+$0xFFFFFF50] =	vst v29  }
0x326: {  	v8 =	vmul.f32 v37, v8;
	[tilespmem:s13+$0xFFFFFF70] =	vst v6  }
0x327: {  	v46 =	vmul.f32 v11, v37;
	[tilespmem:s13+$0xFFFFFF80] =	vst v7  }
0x328: {  	v47 =	vmul.f32 v9, v42;
	[tilespmem:s13+$0xFFFFFF90] =	vst v8  }
0x329: {  	v48 =	vmul.f32 v15, v42;
	[tilespmem:s13+$0xFFFFFFA0] =	vst v46  }
0x32a: {  	v49 =	vmul.f32 v18, v41;
	[tilespmem:s13+$0xFFFFFFB0] =	vst v47  }
0x32b: {  	v50 =	vmul.f32 v20, v41;
	[tilespmem:s13+$0xFFFFFFC0] =	vst v48  }
0x32c: {  	v51 =	vmul.f32 v40, v19;
	[tilespmem:s13+$0xFFFFFFD0] =	vst v49  }
0x32d: {  	v52 =	vmul.f32 v40, v21;
	[tilespmem:s13+$0xFFFFFFE0] =	vst v50  }
0x32e: {  	v53 =	vmul.f32 v38, v22;
	[tilespmem:s13+$0x0] =	vst v51  }
0x32f: {  	v54 =	vmul.f32 v24, v38;
	[tilespmem:s13+$0x10] =	vst v52  }
0x330: {  	v55 =	vmul.f32 v23, v36;
	[tilespmem:s13+$0x20] =	vst v53  }
0x331: {  	v56 =	vmul.f32 v25, v36;
	[tilespmem:s13+$0x30] =	vst v54  }
0x332: {  	v57 =	vmul.f32 v27, v33;
	[tilespmem:s13+$0x40] =	vst v55  }
0x333: {  	v58 =	vmul.f32 v26, v33;
	[tilespmem:s13+$0x50] =	vst v56  }
0x334: {  	v59 =	vmul.f32 v5, v28;
	[tilespmem:s13+$0x60] =	vst v57  }
0x335: {  	v60 =	vmul.f32 v5, v12;
	[tilespmem:s13+$0x70] =	vst v58  }
0x336: {  	v61 =	vmul.f32 v4, v13;
	[tilespmem:s13+$0x90] =	vst v59  }
0x337: {  	v62 =	vmul.f32 v16, v4;
	[tilespmem:s13+$0xA0] =	vst v60  }
0x338: {  	v63 =	vmul.f32 v10, v3;
	[tilespmem:s13+$0xB0] =	vst v61  }
.Ltmp11:
0x339: {  	v3 =	vmul.f32 v14, v3;
	[tilespmem:s13+$0xC0] =	vst v62;
	(pc) =	sbr.rel @p0 .LBB2_22-.Ltmp11, $4  }
0x33a: {  	v2 =	vmul.f32 v17, v2;
	[tilespmem:s13+$0xD0] =	vst v63  }
0x33b: {  	[tilespmem:s13+$0xE0] =	vst v3  }
0x33c: {  	s3 =	simm.s32 $0x320;
	[tilespmem:s13+$0xF0] =	vst v2  }
0x33d: {  	[spmem:s2] =	stream.indirect.scatter.add.f32 [tilespmem:s21], [sflag:$0x8], $0x90, s3, s14, $0xb8;
	[tilespmem:$0x1FD50] =	vst v63  }
0x33e: {  	_ =	swait.ge [sflag:s12], $0x2D00  }
0x33f: {  	[sflag:s12] =	ssyncset.done $0x0  }
0x340: {  	[sflag:s12] =	ssyncadd.s32 $0xFFFFD300  }
0x341: {  	_ =	swait.ge [sflag:s18], $0x50  }
0x342: {  	[sflag:s18] =	ssyncset.done $0x0  }
0x343: {  	[sflag:s18] =	ssyncadd.s32 $0xFFFFFFB0  }
0x344: {  	_ =	swait.ge [sflag:s18], $0x50  }
0x345: {  	[sflag:s18] =	ssyncset.done $0x0;
	s3 =	rddreg [dreg:$0x1e]  }
0x346: {  	s0 =	sadd.s32 s3, s0;
	[sflag:s18] =	ssyncadd.s32 $0xFFFFFFB0  }
0x347: {  	[tilespmem:s19], [sflag:$0x1] =	stream.indirect.gather [hbm4b:s6+s14], $0x90, s4, s14, $0xb8;
	[tilespmem:$0x1FD50] =	vst v63  }
0x348: {  	s13 =	simm.s32 $0x30C0;
	s0 =	smul.u32 $0x50, s0  }
0x349: {  	[tilespmem:s13], [sflag:$0x2] =	stream.indirect.gather [hbm4b:s7+s14], $0x10, s25, s14, $0xb8;
	[tilespmem:$0x1FD50] =	vst v63  }
0x34a: {  	s0 =	sshrl.u32 s0, $0x3  }
0x34b: {  	s0 =	sadd.s32 s1, s0  }
0x34c: {  	s13 =	simm.s32 $0xA0;
	s15 =	sadd.s32 $0x3C0, s0  }
0x34d: {  	[tilespmem:s13], [sflag:$0xC] =	stream.linear.gather [hbm4b:s15+s4], $0x50, $0x38;
	[tilespmem:$0x1FD50] =	vst v63  }
0x34e: {  	s17 =	simm.s32 $0x280;
	s0 =	sadd.s32 $0xA000, s0  }
0x34f: {  	[tilespmem:s17], [sflag:$0xC] =	stream.linear.gather [hbm4b:s0+s4], $0x50, $0x38;
	[tilespmem:$0x1FD50] =	vst v63  }
0x350: {  	_ =	swait.ge [sflag:s11], $0x2D00  }
0x351: {  	[sflag:s11] =	ssyncset.done $0x0  }
0x352: {  	[sflag:s11] =	ssyncadd.s32 $0xFFFFD300  }
0x353: {  	_ =	swait.ge [sflag:s8], $0x500  }
0x354: {  	[sflag:s8] =	ssyncset.done $0x0  }
0x355: {  	s25 =	simm.s32 $0x94E0;
	[sflag:s8] =	ssyncadd.s32 $0xFFFFFB00  }
0x356: {  	s0 =	simm.s32 $0x68E0;
	v2 =	vld [tilespmem:s25+$0x10]  }
0x357: {  	v3 =	vld [tilespmem:s0+$0x110]  }
0x358: {  	v4 =	vld [tilespmem:s0+$0xFFFFFF60]  }
0x359: {  	v5 =	vld [tilespmem:s25+$0xFFFFFFF0]  }
0x35a: {  	v6 =	vld [tilespmem:s0+$0xFFFFFFF0]  }
0x35b: {  	v7 =	vld [tilespmem:s25+$0x0]  }
0x35c: {  	v9 =	vld [tilespmem:s25+$0xFFFFFFE0]  }
0x35d: {  	v8 =	vld [tilespmem:s0+$0x80]  }
0x35e: {  	v10 =	vld [tilespmem:s0+$0xFFFFFEE0];
	v3 =	vadd.f32 v3, v2;
	v2 =	vadd.f32 v2, v1  }
0x35f: {  	v14 =	vld [tilespmem:s0+$0xFFFFFEF0];
	v13 =	vadd.f32 v5, v1  }
0x360: {  	v17 =	vld [tilespmem:s0+$0xFFFFFF00];
	v5 =	vadd.f32 v6, v5;
	v11 =	vmul.f32 $2.000000030e-01, v3;
	v12 =	vmul.f32 $2.000000030e-01, v2  }
0x361: {  	v29 =	vld [tilespmem:s0+$0xFFFFFF10];
	v15 =	vadd.f32 v7, v1;
	v4 =	vadd.f32 v4, v9  }
0x362: {  	v30 =	vld [tilespmem:s0+$0xFFFFFF20];
	v6 =	vmul.f32 $2.000000030e-01, v5;
	v3 =	vmax.f32 v3, v11;
	v2 =	vmax.f32 v2, v12  }
0x363: {  	v31 =	vld [tilespmem:s0+$0xFFFFFF30];
	v9 =	vadd.f32 v9, v1;
	v2 =	vsub.f32 v3, v2;
	v3 =	vmul.f32 $2.000000030e-01, v13  }
0x364: {  	v35 =	vld [tilespmem:s0+$0xFFFFFF40];
	v11 =	vadd.f32 v8, v7;
	v5 =	vmax.f32 v5, v6;
	v6 =	vmul.f32 $2.000000030e-01, v4  }
0x365: {  	v44 =	vld [tilespmem:s0+$0xFFFFFF50];
	v7 =	vmul.f32 $2.000000030e-01, v9;
	v2 =	vmul.f32 $1.442695020e+00, v2;
	v3 =	vmax.f32 v13, v3  }
0x366: {  	v18 =	vld [tilespmem:s0+$0xFFFFFFD0];
	v12 =	vmul.f32 $2.000000030e-01, v11;
	v4 =	vmax.f32 v4, v6;
	v3 =	vsub.f32 v5, v3  }
0x367: {  	v20 =	vld [tilespmem:s0+$0xFFFFFFE0];
	v7 =	vmax.f32 v9, v7;
	v5 =	vmul.f32 $2.000000030e-01, v15;
	(erf) = vpow2.f32 v2  }
0x368: {  	v19 =	vld [tilespmem:s0+$0x0];
	v2 =	vsub.f32 v4, v7;
	v3 =	vmul.f32 $1.442695020e+00, v3  }
0x369: {  	v21 =	vld [tilespmem:s0+$0x10];
	v4 =	vmax.f32 v11, v12;
	v5 =	vmax.f32 v15, v5  }
0x36a: {  	v22 =	vld [tilespmem:s0+$0x20];
	v2 =	vmul.f32 $1.442695020e+00, v2;
	v4 =	vsub.f32 v4, v5;
	(erf) = vpow2.f32 v3  }
0x36b: {  	v24 =	vld [tilespmem:s0+$0x30]  }
0x36c: {  	v23 =	vld [tilespmem:s0+$0x40];
	(erf) = vpow2.f32 v2;
	v2 =	vmul.f32 $1.442695020e+00, v4  }
0x36d: {  	v25 =	vld [tilespmem:s0+$0x50]  }
0x36e: {  	v12 =	vld [tilespmem:s0+$0x100];
	(erf) = vpow2.f32 v2  }
0x36f: {  	v27 =	vld [tilespmem:s0+$0x60]  }
0x370: {  	v26 =	vld [tilespmem:s0+$0x70];
	v13 =	vpop (erf)  }
0x371: {  	v28 =	vld [tilespmem:s0+$0x90];
	v2 =	vbroadcast v13, $0x3  }
0x372: {  	v8 =	vld [tilespmem:s0+$0xFFFFFF90];
	v5 =	vbroadcast v13, $0x0;
	v4 =	vbroadcast v13, $0x1  }
0x373: {  	v6 =	vld [tilespmem:s0+$0xFFFFFF70];
	v3 =	vbroadcast v13, $0x2;
	v12 =	vmul.f32 v12, v2;
	v16 =	vpop (erf)  }
0x374: {  	v9 =	vld [tilespmem:s0+$0xFFFFFFB0];
	v39 =	vbroadcast v16, $0x0;
	v37 =	vbroadcast v16, $0x1  }
0x375: {  	v7 =	vld [tilespmem:s0+$0xFFFFFF80];
	v32 =	vpop (erf);
	v42 =	vbroadcast v16, $0x2;
	v41 =	vbroadcast v16, $0x3  }
0x376: {  	v11 =	vld [tilespmem:s0+$0xFFFFFFA0];
	v13 =	vnsel vm0, $0x0, v13;
	v34 =	vbroadcast v32, $0x0;
	v45 =	vbroadcast v32, $0x1  }
0x377: {  	v15 =	vld [tilespmem:s0+$0xFFFFFFC0];
	[tilespmem:s0+$0x110] =	vst v13;
	v46 =	vbroadcast v32, $0x2;
	v47 =	vbroadcast v32, $0x3;
	v43 =	vpop (erf)  }
0x378: {  	v13 =	vnsel vm0, $0x0, v16;
	[tilespmem:s0+$0x100] =	vst v12;
	v12 =	vld [tilespmem:s0+$0xA0];
	v40 =	vbroadcast v43, $0x0;
	v38 =	vbroadcast v43, $0x1  }
0x379: {  	v16 =	vnsel vm0, $0x0, v32;
	[tilespmem:s0+$0xFFFFFFF0] =	vst v13;
	v13 =	vld [tilespmem:s0+$0xB0];
	v36 =	vbroadcast v43, $0x2;
	v33 =	vbroadcast v43, $0x3  }
0x37a: {  	[tilespmem:s0+$0xFFFFFF60] =	vst v16;
	v16 =	vld [tilespmem:s0+$0xC0];
	v63 =	vnsel vm0, $0x0, v43;
	v48 =	vmul.f32 v34, v10;
	v49 =	vmul.f32 v34, v14  }
0x37b: {  	v43 =	vmul.f32 v45, v17;
	v32 =	vmul.f32 v29, v45;
	v10 =	vld [tilespmem:s0+$0xD0];
	[tilespmem:s0+$0x80] =	vst v63  }
0x37c: {  	v34 =	vmul.f32 v30, v46;
	v30 =	vmul.f32 v31, v46;
	v14 =	vld [tilespmem:s0+$0xE0];
	[tilespmem:s0+$0xFFFFFEE0] =	vst v48  }
0x37d: {  	s3 =	simm.s32 $0x68E0;
	s13 =	simm.s32 $0x0;
	s15 =	simm.s32 $0x9520;
	v31 =	vmul.f32 v35, v47;
	v29 =	vmul.f32 v44, v47;
	v17 =	vld [tilespmem:s0+$0xF0];
	[tilespmem:s0+$0xFFFFFEF0] =	vst v49  }
.LBB2_20:
0x37e: {  	v35 =	vld [tilespmem:s15+$0x10];
	[tilespmem:s0+$0xFFFFFF00] =	vst v43;
	v6 =	vmul.f32 v39, v6;
	v7 =	vmul.f32 v39, v7;
	s3 =	sadd.s32 $0x240, s3  }
0x37f: {  	s13 =	sadd.s32 $0x4, s13;
	v8 =	vmul.f32 v37, v8;
	v11 =	vmul.f32 v11, v37;
	v39 =	vld [tilespmem:s3+$0x110];
	[tilespmem:s0+$0xFFFFFF10] =	vst v32  }
0x380: {  	v9 =	vmul.f32 v9, v42;
	v15 =	vmul.f32 v15, v42;
	p0 =	slt.u32 s13, $0x4C;
	v37 =	vld [tilespmem:s3+$0xFFFFFF60];
	[tilespmem:s0+$0xFFFFFF20] =	vst v34  }
0x381: {  	v18 =	vmul.f32 v18, v41;
	v20 =	vmul.f32 v20, v41;
	v32 =	vld [tilespmem:s15+$0xFFFFFFF0];
	[tilespmem:s0+$0xFFFFFF30] =	vst v30  }
0x382: {  	v19 =	vmul.f32 v40, v19;
	v21 =	vmul.f32 v40, v21;
	v34 =	vld [tilespmem:s3+$0xFFFFFFF0];
	[tilespmem:s0+$0xFFFFFF40] =	vst v31  }
0x383: {  	v22 =	vmul.f32 v38, v22;
	v24 =	vmul.f32 v24, v38;
	v40 =	vld [tilespmem:s15+$0x0];
	[tilespmem:s0+$0xFFFFFF50] =	vst v29  }
0x384: {  	v23 =	vmul.f32 v23, v36;
	v38 =	vld [tilespmem:s3+$0x80];
	v39 =	vadd.f32 v39, v35;
	v35 =	vadd.f32 v35, v1;
	[tilespmem:s0+$0xFFFFFF70] =	vst v6  }
0x385: {  	v25 =	vmul.f32 v25, v36;
	v27 =	vmul.f32 v27, v33;
	v6 =	vld [tilespmem:s15+$0xFFFFFFE0];
	[tilespmem:s0+$0xFFFFFF80] =	vst v7  }
0x386: {  	v29 =	vld [tilespmem:s3+$0xFFFFFEE0];
	v7 =	vadd.f32 v32, v1;
	v36 =	vmul.f32 $2.000000030e-01, v39;
	v41 =	vmul.f32 $2.000000030e-01, v35;
	[tilespmem:s0+$0xFFFFFF90] =	vst v8  }
0x387: {  	v26 =	vmul.f32 v26, v33;
	v28 =	vmul.f32 v5, v28;
	v30 =	vld [tilespmem:s3+$0xFFFFFEF0];
	v8 =	vadd.f32 v34, v32;
	[tilespmem:s0+$0xFFFFFFA0] =	vst v11  }
0x388: {  	v31 =	vld [tilespmem:s3+$0xFFFFFF00];
	v11 =	vadd.f32 v40, v1;
	v33 =	vmax.f32 v39, v36;
	v34 =	vmax.f32 v35, v41;
	[tilespmem:s0+$0xFFFFFFB0] =	vst v9  }
0x389: {  	v32 =	vld [tilespmem:s3+$0xFFFFFF10];
	v9 =	vmul.f32 $2.000000030e-01, v8;
	v36 =	vadd.f32 v38, v40;
	v33 =	vsub.f32 v33, v34;
	[tilespmem:s0+$0xFFFFFFC0] =	vst v15  }
0x38a: {  	v15 =	vadd.f32 v37, v6;
	v6 =	vadd.f32 v6, v1;
	v34 =	vld [tilespmem:s3+$0xFFFFFF20];
	v37 =	vmul.f32 $2.000000030e-01, v7;
	[tilespmem:s0+$0xFFFFFFD0] =	vst v18  }
0x38b: {  	v35 =	vld [tilespmem:s3+$0xFFFFFF30];
	v8 =	vmax.f32 v8, v9;
	v9 =	vmul.f32 $2.000000030e-01, v36;
	v18 =	vmul.f32 $1.442695020e+00, v33;
	[tilespmem:s0+$0xFFFFFFE0] =	vst v20  }
0x38c: {  	v20 =	vmul.f32 $2.000000030e-01, v15;
	v33 =	vmul.f32 $2.000000030e-01, v6;
	v44 =	vld [tilespmem:s3+$0xFFFFFF40];
	v7 =	vmax.f32 v7, v37;
	[tilespmem:s0+$0x0] =	vst v19  }
0x38d: {  	v19 =	vmul.f32 $2.000000030e-01, v11;
	v45 =	vld [tilespmem:s3+$0xFFFFFF50];
	v9 =	vmax.f32 v36, v9;
	(erf) = vpow2.f32 v18;
	[tilespmem:s0+$0x10] =	vst v21  }
0x38e: {  	v8 =	vsub.f32 v8, v7;
	v15 =	vmax.f32 v15, v20;
	v18 =	vmax.f32 v6, v33;
	v6 =	vld [tilespmem:s3+$0xFFFFFF70];
	[tilespmem:s0+$0x20] =	vst v22  }
0x38f: {  	v5 =	vmul.f32 v5, v12;
	v11 =	vmax.f32 v11, v19;
	v15 =	vsub.f32 v15, v18;
	v7 =	vld [tilespmem:s3+$0xFFFFFF80];
	[tilespmem:s0+$0x30] =	vst v24  }
0x390: {  	v13 =	vmul.f32 v4, v13;
	v12 =	vmul.f32 $1.442695020e+00, v8;
	v18 =	vsub.f32 v9, v11;
	v8 =	vld [tilespmem:s3+$0xFFFFFF90];
	[tilespmem:s0+$0x40] =	vst v23  }
0x391: {  	v4 =	vmul.f32 v16, v4;
	v19 =	vmul.f32 $1.442695020e+00, v15;
	v11 =	vld [tilespmem:s3+$0xFFFFFFA0];
	[tilespmem:s0+$0x50] =	vst v25  }
0x392: {  	v16 =	vmul.f32 $1.442695020e+00, v18;
	v9 =	vld [tilespmem:s3+$0xFFFFFFB0];
	(erf) = vpow2.f32 v12;
	[tilespmem:s0+$0x60] =	vst v27  }
0x393: {  	v10 =	vmul.f32 v10, v3;
	v15 =	vld [tilespmem:s3+$0xFFFFFFC0];
	(erf) = vpow2.f32 v19;
	[tilespmem:s0+$0x70] =	vst v26  }
0x394: {  	v14 =	vmul.f32 v14, v3;
	v12 =	vld [tilespmem:s3+$0x100];
	(erf) = vpow2.f32 v16;
	[tilespmem:s0+$0x90] =	vst v28  }
0x395: {  	v16 =	vmul.f32 v17, v2;
	v18 =	vld [tilespmem:s3+$0xFFFFFFD0];
	[tilespmem:s0+$0xA0] =	vst v5  }
0x396: {  	v20 =	vld [tilespmem:s3+$0xFFFFFFE0];
	v3 =	vpop (erf);
	[tilespmem:s0+$0xB0] =	vst v13  }
0x397: {  	v19 =	vld [tilespmem:s3+$0x0];
	v13 =	vnsel vm0, $0x0, v3;
	v5 =	vbroadcast v3, $0x0;
	v2 =	vbroadcast v3, $0x3;
	[tilespmem:s0+$0xC0] =	vst v4  }
0x398: {  	v4 =	vbroadcast v3, $0x1;
	v3 =	vbroadcast v3, $0x2;
	v21 =	vld [tilespmem:s3+$0x10];
	[tilespmem:s0+$0xD0] =	vst v10  }
0x399: {  	v22 =	vld [tilespmem:s3+$0x20];
	v12 =	vmul.f32 v12, v2;
	[tilespmem:s0+$0xE0] =	vst v14  }
0x39a: {  	v24 =	vld [tilespmem:s3+$0x30];
	[tilespmem:s0+$0xF0] =	vst v16;
	s0 =	smov.u32 s3  }
0x39b: {  	v23 =	vld [tilespmem:s3+$0x40];
	[tilespmem:s3+$0x100] =	vst v12;
	v10 =	vpop (erf)  }
0x39c: {  	v12 =	vnsel vm0, $0x0, v10;
	v39 =	vbroadcast v10, $0x0;
	v37 =	vbroadcast v10, $0x1;
	v25 =	vld [tilespmem:s3+$0x50];
	[tilespmem:s3+$0x110] =	vst v13;
	v13 =	vpop (erf)  }
0x39d: {  	v14 =	vnsel vm0, $0x0, v13;
	v16 =	vbroadcast v13, $0x0;
	v17 =	vbroadcast v13, $0x1;
	[tilespmem:s3+$0xFFFFFFF0] =	vst v12;
	v27 =	vld [tilespmem:s3+$0x60];
	v33 =	vpop (erf)  }
0x39e: {  	v46 =	vbroadcast v13, $0x3;
	[tilespmem:s3+$0xFFFFFF60] =	vst v14;
	v14 =	vbroadcast v13, $0x2;
	v12 =	vnsel vm0, $0x0, v33;
	v26 =	vld [tilespmem:s3+$0x70]  }
0x39f: {  	v42 =	vbroadcast v10, $0x2;
	v41 =	vbroadcast v10, $0x3;
	[tilespmem:s3+$0x80] =	vst v12;
	v28 =	vld [tilespmem:s3+$0x90]  }
0x3a0: {  	v40 =	vbroadcast v33, $0x0;
	v38 =	vbroadcast v33, $0x1;
	v12 =	vld [tilespmem:s3+$0xA0]  }
.Ltmp12:
0x3a1: {  	v36 =	vbroadcast v33, $0x2;
	v33 =	vbroadcast v33, $0x3;
	v13 =	vld [tilespmem:s3+$0xB0];
	(pc) =	sbr.rel @p0 .LBB2_20-.Ltmp12, $4  }
0x3a2: {  	v29 =	vmul.f32 v16, v29;
	v47 =	vmul.f32 v16, v30;
	v16 =	vld [tilespmem:s3+$0xC0]  }
0x3a3: {  	v43 =	vmul.f32 v17, v31;
	v32 =	vmul.f32 v32, v17;
	v10 =	vld [tilespmem:s3+$0xD0]  }
0x3a4: {  	v34 =	vmul.f32 v34, v14;
	v30 =	vmul.f32 v35, v14;
	[tilespmem:s3+$0xFFFFFEE0] =	vst v29;
	v14 =	vld [tilespmem:s3+$0xE0]  }
0x3a5: {  	s15 =	sadd.s32 $0x40, s15;
	v31 =	vmul.f32 v44, v46;
	v29 =	vmul.f32 v45, v46;
	[tilespmem:s3+$0xFFFFFEF0] =	vst v47;
	v17 =	vld [tilespmem:s3+$0xF0]  }
0x3a6: {  	[tilespmem:s0+$0xFFFFFF00] =	vst v43  }
0x3a7: {  	[tilespmem:s0+$0xFFFFFF10] =	vst v32  }
0x3a8: {  	[tilespmem:s0+$0xFFFFFF20] =	vst v34  }
0x3a9: {  	[tilespmem:s0+$0xFFFFFF30] =	vst v30  }
0x3aa: {  	v6 =	vmul.f32 v39, v6;
	[tilespmem:s0+$0xFFFFFF40] =	vst v31  }
0x3ab: {  	v7 =	vmul.f32 v39, v7;
	[tilespmem:s0+$0xFFFFFF50] =	vst v29  }
0x3ac: {  	v8 =	vmul.f32 v37, v8;
	[tilespmem:s0+$0xFFFFFF70] =	vst v6  }
0x3ad: {  	v46 =	vmul.f32 v11, v37;
	[tilespmem:s0+$0xFFFFFF80] =	vst v7  }
0x3ae: {  	v47 =	vmul.f32 v9, v42;
	[tilespmem:s0+$0xFFFFFF90] =	vst v8  }
0x3af: {  	v48 =	vmul.f32 v15, v42;
	[tilespmem:s0+$0xFFFFFFA0] =	vst v46  }
0x3b0: {  	v49 =	vmul.f32 v18, v41;
	[tilespmem:s0+$0xFFFFFFB0] =	vst v47  }
0x3b1: {  	v50 =	vmul.f32 v20, v41;
	[tilespmem:s0+$0xFFFFFFC0] =	vst v48  }
0x3b2: {  	v51 =	vmul.f32 v40, v19;
	[tilespmem:s0+$0xFFFFFFD0] =	vst v49  }
0x3b3: {  	v52 =	vmul.f32 v40, v21;
	[tilespmem:s0+$0xFFFFFFE0] =	vst v50  }
0x3b4: {  	v53 =	vmul.f32 v38, v22;
	[tilespmem:s0+$0x0] =	vst v51  }
0x3b5: {  	v54 =	vmul.f32 v24, v38;
	[tilespmem:s0+$0x10] =	vst v52  }
0x3b6: {  	v55 =	vmul.f32 v23, v36;
	[tilespmem:s0+$0x20] =	vst v53  }
0x3b7: {  	v56 =	vmul.f32 v25, v36;
	[tilespmem:s0+$0x30] =	vst v54  }
0x3b8: {  	v57 =	vmul.f32 v27, v33;
	[tilespmem:s0+$0x40] =	vst v55  }
0x3b9: {  	v58 =	vmul.f32 v26, v33;
	[tilespmem:s0+$0x50] =	vst v56  }
0x3ba: {  	v59 =	vmul.f32 v5, v28;
	[tilespmem:s0+$0x60] =	vst v57  }
0x3bb: {  	v60 =	vmul.f32 v5, v12;
	[tilespmem:s0+$0x70] =	vst v58  }
0x3bc: {  	v61 =	vmul.f32 v4, v13;
	[tilespmem:s0+$0x90] =	vst v59  }
0x3bd: {  	v62 =	vmul.f32 v16, v4;
	[tilespmem:s0+$0xA0] =	vst v60  }
0x3be: {  	v63 =	vmul.f32 v10, v3;
	[tilespmem:s0+$0xB0] =	vst v61  }
.Ltmp13:
0x3bf: {  	v3 =	vmul.f32 v14, v3;
	[tilespmem:s0+$0xC0] =	vst v62;
	(pc) =	sbr.rel .LBB2_4-.Ltmp13, $4  }
0x3c0: {  	v2 =	vmul.f32 v17, v2;
	[tilespmem:s0+$0xD0] =	vst v63  }
0x3c1: {  	[tilespmem:s0+$0xE0] =	vst v3  }
0x3c2: {  	s25 =	simm.s32 $0x370;
	s24 =	sadd.s32 $0x1, s24;
	[tilespmem:s0+$0xF0] =	vst v2  }
0x3c3: {  	[spmem:s2] =	stream.indirect.scatter.add.f32 [tilespmem:s30], [sflag:$0x9], $0x90, s25, s14, $0xb8;
	[tilespmem:$0x1FD50] =	vst v63  }
.LBB2_23:
0x3c4: {  	_ =	sfence.sel $0x180000  }
0x3c5: {  	[bflag:$0x0] =	sbarrier.arrive $0xFFFF  }
0x3c6: {  	_ =	strace $0x90000047  }
0x3c7: {  	s0 =	stileid.u32;
	[bflag:$0x2] =	sbarrier.arrive $0xFFFF  }
0x3c8: {  	p0 =	sne.s32 s0, $0x0;
	s0 =	rddreg [dreg:$0x3]  }
0x3c9: {  	s0 =	sadd.s32 @!p0 $0x100000, s0  }
0x3ca: {  	[sflag:s0] =	ssyncadd.tile.s32 @!p0 $0x1;
	_ =	shalt  }
.Lfunc_end2:
_tile_overlayer_lowered:
.L_overlay_start_2:
0x3cb: {  	(tag) =	ssettag $0x2  }
0x3cc: {  	s0 =	rddreg [dreg:$0x0];
	s2 =	stileid.u32  }
0x3cd: {  	s1 =	rddreg [dreg:$0x1];
	p0 =	sne.s32 s2, $0x0  }
0x3ce: {  	s3 =	rddreg [dreg:$0x2];
	[bflag:$0x3] =	sbarrier.arrive $0xFFFF;
	s2 =	simm.s32 @!p0 $0x1C10  }
0x3cf: {  	[timem:s3], [sflag:s2] =	dma.local @!p0 [hbm:s0], s1  }
0x3d0: {  	s0 =	simm.s32 @!p0 $0x10  }
0x3d1: {  	_ =	swait.ge @!p0 [sflag:s0], s1  }
0x3d2: {  	s1 =	ssub.s32 @!p0 $0x0, s1;
	[sflag:s0] =	ssyncset.done @!p0 $0x0  }
0x3d3: {  	[sflag:s0] =	ssyncadd.s32 @!p0 s1  }
0x3d4: {  	[bflag:$0x3] =	sbarrier.arrive $0xFFFF  }
0x3d5: {  	_ =	shalt  }

</sc_bundles>
